<compile_context>
chip_gen: v7x
topology: tpu7x:2x2x1
jax: 0.10.2.dev20260603
libtpu: 0.0.44.dev20260713+nightly
codegen_flags: <defaults>
</compile_context>

<pallas_src>
import functools

import jax
import jax.numpy as jnp
from jax import lax
from jax.experimental import pallas as pl
from jax.experimental.pallas import tpu as pltpu
from jax.experimental.pallas import tpu_sc as plsc

N = 10000
E = 160000
D = 128
NPAD = 10240
NC = 2
NS = 16
CH = 128
EPAD = 163840
CPW = EPAD // (NC * NS * CH)
NACC = NPAD
ROWS_PER_TILE = NACC // NS
BUFR = 32
BN = 1024
F32 = jnp.float32
I32 = jnp.int32

_mesh = plsc.VectorSubcoreMesh(core_axis_name="c", subcore_axis_name="s")


def _zero_buf(buf, nrow):
    @pl.loop(0, nrow)
    def _(i):
        for v in range(D // 16):
            buf[i, pl.ds(v * 16, 16)] = jnp.zeros((16,), F32)


def _sc_body(with_deg, h, s0, d0, s1, d1, s2, d2, *rest):
    if with_deg:
        (agg_out, deg_out, sidx, didx, r0, r1, buf, zdeg, ones1,
         acc, deg_sp, ma0, mb0) = rest
    else:
        (agg_out, sidx, didx, r0, r1, buf, acc, ma0, mb0) = rest
    rows = (r0, r1)
    sems = (ma0, mb0)

    def start_gather(slot, k):
        pltpu.async_copy(h.at[sidx.at[k]], rows[slot], sems[slot])

    def wait_gather(slot, k):
        pltpu.make_async_copy(h.at[sidx.at[k]], rows[slot],
                              sems[slot]).wait()
    c = lax.axis_index("c")
    s = lax.axis_index("s")
    wid = c * NS + s
    b0 = s * ROWS_PER_TILE
    b0d = s * (NPAD // NS)
    cb = wid * CPW

    if with_deg:
        for v in range(D // 16):
            zdeg[pl.ds(v * 16, 16)] = jnp.zeros((16,), F32)
        for v in range(CH // 16):
            ones1[pl.ds(v * 16, 16)] = jnp.ones((16,), F32)

    for r, (srcs, dsts) in enumerate(((s0, d0), (s1, d1), (s2, d2))):
        pltpu.sync_copy(srcs.at[pl.ds(cb, CPW)], sidx)
        pltpu.sync_copy(dsts.at[pl.ds(cb, CPW)], didx)

        _zero_buf(buf, BUFR)

        @pl.loop(0, ROWS_PER_TILE // BUFR)
        def _(k):
            pltpu.async_copy(buf, acc.at[pl.ds(b0 + k * BUFR, BUFR)],
                             sems[0])

        @pl.loop(0, ROWS_PER_TILE // BUFR)
        def _(k):
            pltpu.make_async_copy(buf, acc.at[pl.ds(b0, BUFR)],
                                  sems[0]).wait()

        if with_deg:
            @pl.loop(0, NPAD // NS // D)
            def _(k):
                pltpu.sync_copy(zdeg, deg_sp.at[pl.ds(b0d + k * D, D)])

        start_gather(0, 0)
        start_gather(1, 1)
        plsc.subcore_barrier()

        @pl.loop(0, CPW, step=2)
        def _(j):
            wait_gather(0, j)
            pltpu.sync_copy(rows[0], acc.at[didx.at[j]], add=True)
            if with_deg:
                pltpu.sync_copy(ones1, deg_sp.at[didx.at[j]], add=True)

            @pl.when(j + 2 < CPW)
            def _():
                start_gather(0, j + 2)

            wait_gather(1, j + 1)
            pltpu.sync_copy(rows[1], acc.at[didx.at[j + 1]], add=True)
            if with_deg:
                pltpu.sync_copy(ones1, deg_sp.at[didx.at[j + 1]], add=True)

            @pl.when(j + 3 < CPW)
            def _():
                start_gather(1, j + 3)

        plsc.subcore_barrier()

        pltpu.sync_copy(acc.at[pl.ds(b0, ROWS_PER_TILE)],
                        agg_out.at[c, r, pl.ds(b0, ROWS_PER_TILE)])
        if with_deg:
            pltpu.sync_copy(
                deg_sp.at[pl.ds(b0d, NPAD // NS)],
                deg_out.at[pl.ds((c * 3 + r) * NPAD + b0d, NPAD // NS)])


def _make_sc_kernel(with_deg):
    out_type = [jax.ShapeDtypeStruct((NC, 3, NPAD, D), F32)]
    scratch = [
        pltpu.VMEM((CPW, CH), I32),
        pltpu.VMEM((CPW, CH), I32),
        pltpu.VMEM((CH, D), F32),
        pltpu.VMEM((CH, D), F32),
        pltpu.VMEM((BUFR, D), F32),
    ]
    if with_deg:
        out_type.append(jax.ShapeDtypeStruct((NC * 3 * NPAD,), F32))
        scratch += [
            pltpu.VMEM((D,), F32),
            pltpu.VMEM((CH,), F32),
        ]
    scratch += [
        pltpu.VMEM_SHARED((NACC, D), F32),
    ]
    if with_deg:
        scratch.append(pltpu.VMEM_SHARED((NPAD,), F32))
    scratch += [pltpu.SemaphoreType.DMA] * 2
    return pl.kernel(
        functools.partial(_sc_body, with_deg),
        out_type=out_type,
        mesh=_mesh,
        scratch_types=scratch,
    )


_sc_agg_deg = _make_sc_kernel(True)
_sc_agg = _make_sc_kernel(False)


def _tc_body(with_skip, bn, *refs):
    if with_skip:
        agg_ref, deg_ref, w_ref, b_ref, h_ref, wsl_ref, bsl_ref, o_ref = refs
    else:
        agg_ref, deg_ref, w_ref, b_ref, o_ref = refs
    a = agg_ref[...]
    dg = deg_ref[...]
    acc = jnp.zeros((bn, D), F32)
    for r in range(3):
        inv = 1.0 / jnp.clip(dg[0, r] + dg[1, r], 1.0, None)
        ar = (a[0, r] + a[1, r]) * inv
        acc = acc + jnp.dot(ar, w_ref[r], preferred_element_type=F32) + b_ref[r]
    if with_skip:
        acc = acc + jnp.dot(h_ref[...], wsl_ref[...],
                            preferred_element_type=F32) + bsl_ref[...]
        o_ref[...] = acc
    else:
        o_ref[...] = jnp.maximum(acc, 0.0)


def _make_tc_kernel(with_skip):
    bn, nout = (1000, N) if with_skip else (BN, NPAD)
    in_specs = [
        pl.BlockSpec((NC, 3, bn, D), lambda i: (0, 0, i, 0)),
        pl.BlockSpec((NC, 3, bn, 1), lambda i: (0, 0, i, 0)),
        pl.BlockSpec((3, D, D), lambda i: (0, 0, 0)),
        pl.BlockSpec((3, 1, D), lambda i: (0, 0, 0)),
    ]
    if with_skip:
        in_specs += [
            pl.BlockSpec((bn, D), lambda i: (i, 0)),
            pl.BlockSpec((D, D), lambda i: (0, 0)),
            pl.BlockSpec((1, D), lambda i: (0, 0)),
        ]
    return pl.pallas_call(
        functools.partial(_tc_body, with_skip, bn),
        grid=(nout // bn,),
        in_specs=in_specs,
        out_specs=pl.BlockSpec((bn, D), lambda i: (i, 0)),
        out_shape=jax.ShapeDtypeStruct((nout, D), F32),
    )


_tc_layer = _make_tc_kernel(False)
_tc_layer_skip = _make_tc_kernel(True)


def _pad_edges(ei):
    npad = EPAD - E
    pad_src = jnp.arange(npad, dtype=I32) % N
    pad_dst = N + (jnp.arange(npad, dtype=I32) % (NACC - N))
    s = jnp.concatenate([ei[0], pad_src]).reshape(EPAD // CH, CH)
    d = jnp.concatenate([ei[1], pad_dst]).reshape(EPAD // CH, CH)
    return s, d


def kernel(x, edge_index_r0, edge_index_r1, edge_index_r2,
           W0_0, b0_0, W0_1, b0_1, W0_2, b0_2,
           W1_0, b1_0, W1_1, b1_1, W1_2, b1_2,
           W2_0, b2_0, W2_1, b2_1, W2_2, b2_2,
           W_sl, b_sl):
    s0, d0 = _pad_edges(edge_index_r0)
    s1, d1 = _pad_edges(edge_index_r1)
    s2, d2 = _pad_edges(edge_index_r2)
    Ws = [jnp.stack([W0_0, W0_1, W0_2]),
          jnp.stack([W1_0, W1_1, W1_2]),
          jnp.stack([W2_0, W2_1, W2_2])]
    bs = [jnp.stack([b0_0, b0_1, b0_2]).reshape(3, 1, D),
          jnp.stack([b1_0, b1_1, b1_2]).reshape(3, 1, D),
          jnp.stack([b2_0, b2_1, b2_2]).reshape(3, 1, D)]

    agg, deg = _sc_agg_deg(x, s0, d0, s1, d1, s2, d2)
    deg4 = deg.reshape(NC, 3, NPAD, 1)
    h = _tc_layer(agg, deg4, Ws[0], bs[0])
    (agg,) = _sc_agg(h, s0, d0, s1, d1, s2, d2)
    h2 = _tc_layer(agg, deg4, Ws[1], bs[1])
    (agg,) = _sc_agg(h2, s0, d0, s1, d1, s2, d2)
    return _tc_layer_skip(agg, deg4, Ws[2], bs[2], h2, W_sl,
                          b_sl.reshape(1, D))

# --- scband reference (transcript-rebuilt; emitter-appended) ---
"""Pipeline reference for scband-rgcn-73254962201301 (READ-ONLY COPY).

The authoritative reference and input builder live on the scoring server;
editing this copy changes nothing except your own understanding.
"""

import jax, jax.numpy as jnp
import numpy as np

N = 10000
E = 160000
D = 128
R = 3
L = 3

def setup_inputs(seed: int = 0):
    key = jax.random.key(seed)
    ks = jax.random.split(key, 64)
    inp = {}
    inp["x"] = jax.random.normal(ks[0], (N, D), dtype=jnp.float32)
    for r in range(R):
        inp["edge_index_r%d" % r] = jax.random.randint(ks[1 + r], (2, E), 0, N, dtype=jnp.int32)
    i = 4
    for l in range(L):
        for r in range(R):
            inp["W%d_%d" % (l, r)] = jax.random.normal(ks[i], (D, D), dtype=jnp.float32) / np.sqrt(D)
            i += 1
            inp["b%d_%d" % (l, r)] = jnp.zeros((D,), dtype=jnp.float32)
    inp["W_sl"] = jax.random.normal(ks[i], (D, D), dtype=jnp.float32) / np.sqrt(D)
    inp["b_sl"] = jnp.zeros((D,), dtype=jnp.float32)
    return inp

def _graph_conv(h, ei, W, b):
    # dgl GraphConv with norm='right': sum incoming messages, divide by in-degree, then linear
    src = ei[0]
    dst = ei[1]
    agg = jax.ops.segment_sum(h[src], dst, num_segments=N)
    deg = jax.ops.segment_sum(jnp.ones((ei.shape[1],), dtype=h.dtype), dst, num_segments=N)
    out = agg / jnp.clip(deg, 1.0, None)[:, None]
    return out @ W + b

def reference(x, edge_index_r0, edge_index_r1, edge_index_r2,
              W0_0, b0_0, W0_1, b0_1, W0_2, b0_2,
              W1_0, b1_0, W1_1, b1_1, W1_2, b1_2,
              W2_0, b2_0, W2_1, b2_1, W2_2, b2_2,
              W_sl, b_sl):
    eis = [edge_index_r0, edge_index_r1, edge_index_r2]
    Ws = [[W0_0, W0_1, W0_2], [W1_0, W1_1, W1_2], [W2_0, W2_1, W2_2]]
    bs = [[b0_0, b0_1, b0_2], [b1_0, b1_1, b1_2], [b2_0, b2_1, b2_2]]
    h = x
    input_dst = h
    for l in range(L):
        input_dst = h  # input to this layer restricted to dst nodes (full graph blocks)
        h = sum(_graph_conv(h, eis[r], Ws[l][r], bs[l][r]) for r in range(R))  # HeteroGraphConv aggregate='sum'
        if l != L - 1:
            h = jax.nn.relu(h)  # dropout is identity in eval mode
    return h + input_dst @ W_sl + b_sl

if __name__ == "__main__":
    import jax
    _d = setup_inputs()
    print(jax.jit(kernel)(*tuple(_d.values())))

</pallas_src>

<mosaic_0001>
#map = affine_map<(d0, d1) -> (0, 0)>
#map1 = affine_map<(d0, d1) -> (0, 0, 0, 0)>
#map2 = affine_map<(d0, d1) -> (0)>
module attributes {stable_mosaic.version = 14 : i64} {
  func.func @_sc_body(%arg0: i32, %arg1: i32, %arg2: memref<10000x128xf32, #tpu.memory_space<hbm>>, %arg3: memref<1280x128xi32, #tpu.memory_space<hbm>>, %arg4: memref<1280x128xi32, #tpu.memory_space<hbm>>, %arg5: memref<1280x128xi32, #tpu.memory_space<hbm>>, %arg6: memref<1280x128xi32, #tpu.memory_space<hbm>>, %arg7: memref<1280x128xi32, #tpu.memory_space<hbm>>, %arg8: memref<1280x128xi32, #tpu.memory_space<hbm>>, %arg9: memref<2x3x10240x128xf32, #tpu.memory_space<hbm>>, %arg10: memref<61440xf32, #tpu.memory_space<hbm>>, %arg11: memref<40x128xi32, #tpu.memory_space<vmem>>, %arg12: memref<40x128xi32, #tpu.memory_space<vmem>>, %arg13: memref<128x128xf32, #tpu.memory_space<vmem>>, %arg14: memref<128x128xf32, #tpu.memory_space<vmem>>, %arg15: memref<32x128xf32, #tpu.memory_space<vmem>>, %arg16: memref<128xf32, #tpu.memory_space<vmem>>, %arg17: memref<128xf32, #tpu.memory_space<vmem>>, %arg18: memref<10240x128xf32, #tpu.memory_space<vmem_shared>>, %arg19: memref<10240xf32, #tpu.memory_space<vmem_shared>>, %arg20: memref<!tpu.dma_semaphore, #tpu.memory_space<semaphore_mem>>, %arg21: memref<!tpu.dma_semaphore, #tpu.memory_space<semaphore_mem>>) attributes {dimension_semantics = [#tpu.dimension_semantics<core_parallel>, #tpu.dimension_semantics<subcore_parallel>], iteration_bounds = array<i64: 2, 16>, scalar_prefetch = 0 : i64, scratch_operands = 11 : i64, tpu.core_type = #tpu.core_type<sc_vector_subcore>, window_params = [{transform_indices = #map}, {transform_indices = #map}, {transform_indices = #map}, {transform_indices = #map}, {transform_indices = #map}, {transform_indices = #map}, {transform_indices = #map}, {transform_indices = #map1}, {transform_indices = #map2}]} {
    %mul3A = arith.constant 16 : i32
    %mul3A_0 = arith.muli %arg0, %mul3A : i32
    %add3A = arith.addi %mul3A_0, %arg1 : i32
    %mul3A_1 = arith.constant 640 : i32
    %mul3A_2 = arith.muli %arg1, %mul3A_1 : i32
    %mul3A_3 = arith.constant 640 : i32
    %mul3A_4 = arith.muli %arg1, %mul3A_3 : i32
    %mul3A_5 = arith.constant 40 : i32
    %mul3A_6 = arith.muli %add3A, %mul3A_5 : i32
    %broadcast_in_dim3A = arith.constant 0.000000e+00 : f32
    %broadcast_in_dim3A_7 = vector.broadcast %broadcast_in_dim3A : f32 to vector<16xf32>
    %swap3A = arith.constant 0 : index
    %swap3A_8 = tpu.vector_load %arg16[%swap3A] {strides = array<i32>} : memref<128xf32, #tpu.memory_space<vmem>>, vector<16xf32>,
    %swap3A_9 = vector.shape_cast %swap3A_8 : vector<16xf32> to vector<16xf32>
    %swap3A_10 = vector.shape_cast %broadcast_in_dim3A_7 : vector<16xf32> to vector<16xf32>
    tpu.vector_store %arg16[%swap3A], %swap3A_10 {strides = array<i32>} : memref<128xf32, #tpu.memory_space<vmem>>, vector<16xf32>,
    %broadcast_in_dim3A_11 = arith.constant 0.000000e+00 : f32
    %broadcast_in_dim3A_12 = vector.broadcast %broadcast_in_dim3A_11 : f32 to vector<16xf32>
    %swap3A_13 = arith.constant 16 : index
    %swap3A_14 = tpu.vector_load %arg16[%swap3A_13] {strides = array<i32>} : memref<128xf32, #tpu.memory_space<vmem>>, vector<16xf32>,
    %swap3A_15 = vector.shape_cast %swap3A_14 : vector<16xf32> to vector<16xf32>
    %swap3A_16 = vector.shape_cast %broadcast_in_dim3A_12 : vector<16xf32> to vector<16xf32>
    tpu.vector_store %arg16[%swap3A_13], %swap3A_16 {strides = array<i32>} : memref<128xf32, #tpu.memory_space<vmem>>, vector<16xf32>,
    %broadcast_in_dim3A_17 = arith.constant 0.000000e+00 : f32
    %broadcast_in_dim3A_18 = vector.broadcast %broadcast_in_dim3A_17 : f32 to vector<16xf32>
    %swap3A_19 = arith.constant 32 : index
    %swap3A_20 = tpu.vector_load %arg16[%swap3A_19] {strides = array<i32>} : memref<128xf32, #tpu.memory_space<vmem>>, vector<16xf32>,
    %swap3A_21 = vector.shape_cast %swap3A_20 : vector<16xf32> to vector<16xf32>
    %swap3A_22 = vector.shape_cast %broadcast_in_dim3A_18 : vector<16xf32> to vector<16xf32>
    tpu.vector_store %arg16[%swap3A_19], %swap3A_22 {strides = array<i32>} : memref<128xf32, #tpu.memory_space<vmem>>, vector<16xf32>,
    %broadcast_in_dim3A_23 = arith.constant 0.000000e+00 : f32
    %broadcast_in_dim3A_24 = vector.broadcast %broadcast_in_dim3A_23 : f32 to vector<16xf32>
    %swap3A_25 = arith.constant 48 : index
    %swap3A_26 = tpu.vector_load %arg16[%swap3A_25] {strides = array<i32>} : memref<128xf32, #tpu.memory_space<vmem>>, vector<16xf32>,
    %swap3A_27 = vector.shape_cast %swap3A_26 : vector<16xf32> to vector<16xf32>
    %swap3A_28 = vector.shape_cast %broadcast_in_dim3A_24 : vector<16xf32> to vector<16xf32>
    tpu.vector_store %arg16[%swap3A_25], %swap3A_28 {strides = array<i32>} : memref<128xf32, #tpu.memory_space<vmem>>, vector<16xf32>,
    %broadcast_in_dim3A_29 = arith.constant 0.000000e+00 : f32
    %broadcast_in_dim3A_30 = vector.broadcast %broadcast_in_dim3A_29 : f32 to vector<16xf32>
    %swap3A_31 = arith.constant 64 : index
    %swap3A_32 = tpu.vector_load %arg16[%swap3A_31] {strides = array<i32>} : memref<128xf32, #tpu.memory_space<vmem>>, vector<16xf32>,
    %swap3A_33 = vector.shape_cast %swap3A_32 : vector<16xf32> to vector<16xf32>
    %swap3A_34 = vector.shape_cast %broadcast_in_dim3A_30 : vector<16xf32> to vector<16xf32>
    tpu.vector_store %arg16[%swap3A_31], %swap3A_34 {strides = array<i32>} : memref<128xf32, #tpu.memory_space<vmem>>, vector<16xf32>,
    %broadcast_in_dim3A_35 = arith.constant 0.000000e+00 : f32
    %broadcast_in_dim3A_36 = vector.broadcast %broadcast_in_dim3A_35 : f32 to vector<16xf32>
    %swap3A_37 = arith.constant 80 : index
    %swap3A_38 = tpu.vector_load %arg16[%swap3A_37] {strides = array<i32>} : memref<128xf32, #tpu.memory_space<vmem>>, vector<16xf32>,
    %swap3A_39 = vector.shape_cast %swap3A_38 : vector<16xf32> to vector<16xf32>
    %swap3A_40 = vector.shape_cast %broadcast_in_dim3A_36 : vector<16xf32> to vector<16xf32>
    tpu.vector_store %arg16[%swap3A_37], %swap3A_40 {strides = array<i32>} : memref<128xf32, #tpu.memory_space<vmem>>, vector<16xf32>,
    %broadcast_in_dim3A_41 = arith.constant 0.000000e+00 : f32
    %broadcast_in_dim3A_42 = vector.broadcast %broadcast_in_dim3A_41 : f32 to vector<16xf32>
    %swap3A_43 = arith.constant 96 : index
    %swap3A_44 = tpu.vector_load %arg16[%swap3A_43] {strides = array<i32>} : memref<128xf32, #tpu.memory_space<vmem>>, vector<16xf32>,
    %swap3A_45 = vector.shape_cast %swap3A_44 : vector<16xf32> to vector<16xf32>
    %swap3A_46 = vector.shape_cast %broadcast_in_dim3A_42 : vector<16xf32> to vector<16xf32>
    tpu.vector_store %arg16[%swap3A_43], %swap3A_46 {strides = array<i32>} : memref<128xf32, #tpu.memory_space<vmem>>, vector<16xf32>,
    %broadcast_in_dim3A_47 = arith.constant 0.000000e+00 : f32
    %broadcast_in_dim3A_48 = vector.broadcast %broadcast_in_dim3A_47 : f32 to vector<16xf32>
    %swap3A_49 = arith.constant 112 : index
    %swap3A_50 = tpu.vector_load %arg16[%swap3A_49] {strides = array<i32>} : memref<128xf32, #tpu.memory_space<vmem>>, vector<16xf32>,
    %swap3A_51 = vector.shape_cast %swap3A_50 : vector<16xf32> to vector<16xf32>
    %swap3A_52 = vector.shape_cast %broadcast_in_dim3A_48 : vector<16xf32> to vector<16xf32>
    tpu.vector_store %arg16[%swap3A_49], %swap3A_52 {strides = array<i32>} : memref<128xf32, #tpu.memory_space<vmem>>, vector<16xf32>,
    %broadcast_in_dim3A_53 = arith.constant 1.000000e+00 : f32
    %broadcast_in_dim3A_54 = vector.broadcast %broadcast_in_dim3A_53 : f32 to vector<16xf32>
    %swap3A_55 = arith.constant 0 : index
    %swap3A_56 = tpu.vector_load %arg17[%swap3A_55] {strides = array<i32>} : memref<128xf32, #tpu.memory_space<vmem>>, vector<16xf32>,
    %swap3A_57 = vector.shape_cast %swap3A_56 : vector<16xf32> to vector<16xf32>
    %swap3A_58 = vector.shape_cast %broadcast_in_dim3A_54 : vector<16xf32> to vector<16xf32>
    tpu.vector_store %arg17[%swap3A_55], %swap3A_58 {strides = array<i32>} : memref<128xf32, #tpu.memory_space<vmem>>, vector<16xf32>,
    %broadcast_in_dim3A_59 = arith.constant 1.000000e+00 : f32
    %broadcast_in_dim3A_60 = vector.broadcast %broadcast_in_dim3A_59 : f32 to vector<16xf32>
    %swap3A_61 = arith.constant 16 : index
    %swap3A_62 = tpu.vector_load %arg17[%swap3A_61] {strides = array<i32>} : memref<128xf32, #tpu.memory_space<vmem>>, vector<16xf32>,
    %swap3A_63 = vector.shape_cast %swap3A_62 : vector<16xf32> to vector<16xf32>
    %swap3A_64 = vector.shape_cast %broadcast_in_dim3A_60 : vector<16xf32> to vector<16xf32>
    tpu.vector_store %arg17[%swap3A_61], %swap3A_64 {strides = array<i32>} : memref<128xf32, #tpu.memory_space<vmem>>, vector<16xf32>,
    %broadcast_in_dim3A_65 = arith.constant 1.000000e+00 : f32
    %broadcast_in_dim3A_66 = vector.broadcast %broadcast_in_dim3A_65 : f32 to vector<16xf32>
    %swap3A_67 = arith.constant 32 : index
    %swap3A_68 = tpu.vector_load %arg17[%swap3A_67] {strides = array<i32>} : memref<128xf32, #tpu.memory_space<vmem>>, vector<16xf32>,
    %swap3A_69 = vector.shape_cast %swap3A_68 : vector<16xf32> to vector<16xf32>
    %swap3A_70 = vector.shape_cast %broadcast_in_dim3A_66 : vector<16xf32> to vector<16xf32>
    tpu.vector_store %arg17[%swap3A_67], %swap3A_70 {strides = array<i32>} : memref<128xf32, #tpu.memory_space<vmem>>, vector<16xf32>,
    %broadcast_in_dim3A_71 = arith.constant 1.000000e+00 : f32
    %broadcast_in_dim3A_72 = vector.broadcast %broadcast_in_dim3A_71 : f32 to vector<16xf32>
    %swap3A_73 = arith.constant 48 : index
    %swap3A_74 = tpu.vector_load %arg17[%swap3A_73] {strides = array<i32>} : memref<128xf32, #tpu.memory_space<vmem>>, vector<16xf32>,
    %swap3A_75 = vector.shape_cast %swap3A_74 : vector<16xf32> to vector<16xf32>
    %swap3A_76 = vector.shape_cast %broadcast_in_dim3A_72 : vector<16xf32> to vector<16xf32>
    tpu.vector_store %arg17[%swap3A_73], %swap3A_76 {strides = array<i32>} : memref<128xf32, #tpu.memory_space<vmem>>, vector<16xf32>,
    %broadcast_in_dim3A_77 = arith.constant 1.000000e+00 : f32
    %broadcast_in_dim3A_78 = vector.broadcast %broadcast_in_dim3A_77 : f32 to vector<16xf32>
    %swap3A_79 = arith.constant 64 : index
    %swap3A_80 = tpu.vector_load %arg17[%swap3A_79] {strides = array<i32>} : memref<128xf32, #tpu.memory_space<vmem>>, vector<16xf32>,
    %swap3A_81 = vector.shape_cast %swap3A_80 : vector<16xf32> to vector<16xf32>
    %swap3A_82 = vector.shape_cast %broadcast_in_dim3A_78 : vector<16xf32> to vector<16xf32>
    tpu.vector_store %arg17[%swap3A_79], %swap3A_82 {strides = array<i32>} : memref<128xf32, #tpu.memory_space<vmem>>, vector<16xf32>,
    %broadcast_in_dim3A_83 = arith.constant 1.000000e+00 : f32
    %broadcast_in_dim3A_84 = vector.broadcast %broadcast_in_dim3A_83 : f32 to vector<16xf32>
    %swap3A_85 = arith.constant 80 : index
    %swap3A_86 = tpu.vector_load %arg17[%swap3A_85] {strides = array<i32>} : memref<128xf32, #tpu.memory_space<vmem>>, vector<16xf32>,
    %swap3A_87 = vector.shape_cast %swap3A_86 : vector<16xf32> to vector<16xf32>
    %swap3A_88 = vector.shape_cast %broadcast_in_dim3A_84 : vector<16xf32> to vector<16xf32>
    tpu.vector_store %arg17[%swap3A_85], %swap3A_88 {strides = array<i32>} : memref<128xf32, #tpu.memory_space<vmem>>, vector<16xf32>,
    %broadcast_in_dim3A_89 = arith.constant 1.000000e+00 : f32
    %broadcast_in_dim3A_90 = vector.broadcast %broadcast_in_dim3A_89 : f32 to vector<16xf32>
    %swap3A_91 = arith.constant 96 : index
    %swap3A_92 = tpu.vector_load %arg17[%swap3A_91] {strides = array<i32>} : memref<128xf32, #tpu.memory_space<vmem>>, vector<16xf32>,
    %swap3A_93 = vector.shape_cast %swap3A_92 : vector<16xf32> to vector<16xf32>
    %swap3A_94 = vector.shape_cast %broadcast_in_dim3A_90 : vector<16xf32> to vector<16xf32>
    tpu.vector_store %arg17[%swap3A_91], %swap3A_94 {strides = array<i32>} : memref<128xf32, #tpu.memory_space<vmem>>, vector<16xf32>,
    %broadcast_in_dim3A_95 = arith.constant 1.000000e+00 : f32
    %broadcast_in_dim3A_96 = vector.broadcast %broadcast_in_dim3A_95 : f32 to vector<16xf32>
    %swap3A_97 = arith.constant 112 : index
    %swap3A_98 = tpu.vector_load %arg17[%swap3A_97] {strides = array<i32>} : memref<128xf32, #tpu.memory_space<vmem>>, vector<16xf32>,
    %swap3A_99 = vector.shape_cast %swap3A_98 : vector<16xf32> to vector<16xf32>
    %swap3A_100 = vector.shape_cast %broadcast_in_dim3A_96 : vector<16xf32> to vector<16xf32>
    tpu.vector_store %arg17[%swap3A_97], %swap3A_100 {strides = array<i32>} : memref<128xf32, #tpu.memory_space<vmem>>, vector<16xf32>,
    "tpu.region"() ({
      %run_scoped3A_244 = tpu.sem_alloc : memref<!tpu.dma_semaphore, #tpu.memory_space<semaphore_mem>>
      %dma_start3A_245 = arith.constant 0 : i32
      %dma_start3A_246 = tpu.memref_slice %arg3[%mul3A_6, %dma_start3A_245] : memref<1280x128xi32, #tpu.memory_space<hbm>> -> memref<40x128xi32, #tpu.memory_space<hbm>>
      %dma_start3A_247 = arith.constant 0 : i32
      %dma_start3A_248 = tpu.memref_slice %arg3[%mul3A_6, %dma_start3A_247] : memref<1280x128xi32, #tpu.memory_space<hbm>> -> memref<40x128xi32, #tpu.memory_space<hbm>>
      tpu.enqueue_dma source(%dma_start3A_248 : memref<40x128xi32, #tpu.memory_space<hbm>>) target(%arg11 : memref<40x128xi32, #tpu.memory_space<vmem>>) target_semaphore(%run_scoped3A_244 : memref<!tpu.dma_semaphore, #tpu.memory_space<semaphore_mem>>)
      %dma_wait3A = arith.constant 0 : i32
      %dma_wait3A_249 = tpu.memref_slice %arg3[%mul3A_6, %dma_wait3A] : memref<1280x128xi32, #tpu.memory_space<hbm>> -> memref<40x128xi32, #tpu.memory_space<hbm>>
      %dma_wait3A_250 = arith.constant 0 : i32
      %dma_wait3A_251 = tpu.memref_slice %arg3[%mul3A_6, %dma_wait3A_250] : memref<1280x128xi32, #tpu.memory_space<hbm>> -> memref<40x128xi32, #tpu.memory_space<hbm>>
      tpu.wait_dma2 semaphore(%run_scoped3A_244 : memref<!tpu.dma_semaphore, #tpu.memory_space<semaphore_mem>>) src(%dma_wait3A_251 : memref<40x128xi32, #tpu.memory_space<hbm>>) dst(%arg11 : memref<40x128xi32, #tpu.memory_space<vmem>>)
      tpu.yield
    }) : () -> ()
    "tpu.region"() ({
      %run_scoped3A_244 = tpu.sem_alloc : memref<!tpu.dma_semaphore, #tpu.memory_space<semaphore_mem>>
      %dma_start3A_245 = arith.constant 0 : i32
      %dma_start3A_246 = tpu.memref_slice %arg4[%mul3A_6, %dma_start3A_245] : memref<1280x128xi32, #tpu.memory_space<hbm>> -> memref<40x128xi32, #tpu.memory_space<hbm>>
      %dma_start3A_247 = arith.constant 0 : i32
      %dma_start3A_248 = tpu.memref_slice %arg4[%mul3A_6, %dma_start3A_247] : memref<1280x128xi32, #tpu.memory_space<hbm>> -> memref<40x128xi32, #tpu.memory_space<hbm>>
      tpu.enqueue_dma source(%dma_start3A_248 : memref<40x128xi32, #tpu.memory_space<hbm>>) target(%arg12 : memref<40x128xi32, #tpu.memory_space<vmem>>) target_semaphore(%run_scoped3A_244 : memref<!tpu.dma_semaphore, #tpu.memory_space<semaphore_mem>>)
      %dma_wait3A = arith.constant 0 : i32
      %dma_wait3A_249 = tpu.memref_slice %arg4[%mul3A_6, %dma_wait3A] : memref<1280x128xi32, #tpu.memory_space<hbm>> -> memref<40x128xi32, #tpu.memory_space<hbm>>
      %dma_wait3A_250 = arith.constant 0 : i32
      %dma_wait3A_251 = tpu.memref_slice %arg4[%mul3A_6, %dma_wait3A_250] : memref<1280x128xi32, #tpu.memory_space<hbm>> -> memref<40x128xi32, #tpu.memory_space<hbm>>
      tpu.wait_dma2 semaphore(%run_scoped3A_244 : memref<!tpu.dma_semaphore, #tpu.memory_space<semaphore_mem>>) src(%dma_wait3A_251 : memref<40x128xi32, #tpu.memory_space<hbm>>) dst(%arg12 : memref<40x128xi32, #tpu.memory_space<vmem>>)
      tpu.yield
    }) : () -> ()
    %scan3A = arith.constant 0 : i32
    %scan3A_101 = arith.constant 32 : i32
    %scan3A_102 = arith.addi %scan3A, %scan3A_101 : i32
    %scan3A_103 = arith.constant 1 : i32
    scf.for %scan3A_244 = %scan3A to %scan3A_102 step %scan3A_103  : i32 {
      %mul3A_245 = arith.constant 1 : i32
      %mul3A_246 = arith.muli %scan3A_244, %mul3A_245 : i32
      %add3A_247 = arith.constant 0 : i32
      %add3A_248 = arith.addi %add3A_247, %mul3A_246 : i32
      %broadcast_in_dim3A_249 = arith.constant 0.000000e+00 : f32
      %broadcast_in_dim3A_250 = vector.broadcast %broadcast_in_dim3A_249 : f32 to vector<16xf32>
      %swap3A_251 = arith.index_cast %add3A_248 : i32 to index
      %swap3A_252 = arith.constant 0 : index
      %swap3A_253 = tpu.vector_load %arg15[%swap3A_251, %swap3A_252] {strides = array<i32>} : memref<32x128xf32, #tpu.memory_space<vmem>>, vector<1x16xf32>,
      %swap3A_254 = vector.shape_cast %swap3A_253 : vector<1x16xf32> to vector<16xf32>
      %swap3A_255 = vector.shape_cast %broadcast_in_dim3A_250 : vector<16xf32> to vector<1x16xf32>
      tpu.vector_store %arg15[%swap3A_251, %swap3A_252], %swap3A_255 {strides = array<i32>} : memref<32x128xf32, #tpu.memory_space<vmem>>, vector<1x16xf32>,
      %broadcast_in_dim3A_256 = arith.constant 0.000000e+00 : f32
      %broadcast_in_dim3A_257 = vector.broadcast %broadcast_in_dim3A_256 : f32 to vector<16xf32>
      %swap3A_258 = arith.index_cast %add3A_248 : i32 to index
      %swap3A_259 = arith.constant 16 : index
      %swap3A_260 = tpu.vector_load %arg15[%swap3A_258, %swap3A_259] {strides = array<i32>} : memref<32x128xf32, #tpu.memory_space<vmem>>, vector<1x16xf32>,
      %swap3A_261 = vector.shape_cast %swap3A_260 : vector<1x16xf32> to vector<16xf32>
      %swap3A_262 = vector.shape_cast %broadcast_in_dim3A_257 : vector<16xf32> to vector<1x16xf32>
      tpu.vector_store %arg15[%swap3A_258, %swap3A_259], %swap3A_262 {strides = array<i32>} : memref<32x128xf32, #tpu.memory_space<vmem>>, vector<1x16xf32>,
      %broadcast_in_dim3A_263 = arith.constant 0.000000e+00 : f32
      %broadcast_in_dim3A_264 = vector.broadcast %broadcast_in_dim3A_263 : f32 to vector<16xf32>
      %swap3A_265 = arith.index_cast %add3A_248 : i32 to index
      %swap3A_266 = arith.constant 32 : index
      %swap3A_267 = tpu.vector_load %arg15[%swap3A_265, %swap3A_266] {strides = array<i32>} : memref<32x128xf32, #tpu.memory_space<vmem>>, vector<1x16xf32>,
      %swap3A_268 = vector.shape_cast %swap3A_267 : vector<1x16xf32> to vector<16xf32>
      %swap3A_269 = vector.shape_cast %broadcast_in_dim3A_264 : vector<16xf32> to vector<1x16xf32>
      tpu.vector_store %arg15[%swap3A_265, %swap3A_266], %swap3A_269 {strides = array<i32>} : memref<32x128xf32, #tpu.memory_space<vmem>>, vector<1x16xf32>,
      %broadcast_in_dim3A_270 = arith.constant 0.000000e+00 : f32
      %broadcast_in_dim3A_271 = vector.broadcast %broadcast_in_dim3A_270 : f32 to vector<16xf32>
      %swap3A_272 = arith.index_cast %add3A_248 : i32 to index
      %swap3A_273 = arith.constant 48 : index
      %swap3A_274 = tpu.vector_load %arg15[%swap3A_272, %swap3A_273] {strides = array<i32>} : memref<32x128xf32, #tpu.memory_space<vmem>>, vector<1x16xf32>,
      %swap3A_275 = vector.shape_cast %swap3A_274 : vector<1x16xf32> to vector<16xf32>
      %swap3A_276 = vector.shape_cast %broadcast_in_dim3A_271 : vector<16xf32> to vector<1x16xf32>
      tpu.vector_store %arg15[%swap3A_272, %swap3A_273], %swap3A_276 {strides = array<i32>} : memref<32x128xf32, #tpu.memory_space<vmem>>, vector<1x16xf32>,
      %broadcast_in_dim3A_277 = arith.constant 0.000000e+00 : f32
      %broadcast_in_dim3A_278 = vector.broadcast %broadcast_in_dim3A_277 : f32 to vector<16xf32>
      %swap3A_279 = arith.index_cast %add3A_248 : i32 to index
      %swap3A_280 = arith.constant 64 : index
      %swap3A_281 = tpu.vector_load %arg15[%swap3A_279, %swap3A_280] {strides = array<i32>} : memref<32x128xf32, #tpu.memory_space<vmem>>, vector<1x16xf32>,
      %swap3A_282 = vector.shape_cast %swap3A_281 : vector<1x16xf32> to vector<16xf32>
      %swap3A_283 = vector.shape_cast %broadcast_in_dim3A_278 : vector<16xf32> to vector<1x16xf32>
      tpu.vector_store %arg15[%swap3A_279, %swap3A_280], %swap3A_283 {strides = array<i32>} : memref<32x128xf32, #tpu.memory_space<vmem>>, vector<1x16xf32>,
      %broadcast_in_dim3A_284 = arith.constant 0.000000e+00 : f32
      %broadcast_in_dim3A_285 = vector.broadcast %broadcast_in_dim3A_284 : f32 to vector<16xf32>
      %swap3A_286 = arith.index_cast %add3A_248 : i32 to index
      %swap3A_287 = arith.constant 80 : index
      %swap3A_288 = tpu.vector_load %arg15[%swap3A_286, %swap3A_287] {strides = array<i32>} : memref<32x128xf32, #tpu.memory_space<vmem>>, vector<1x16xf32>,
      %swap3A_289 = vector.shape_cast %swap3A_288 : vector<1x16xf32> to vector<16xf32>
      %swap3A_290 = vector.shape_cast %broadcast_in_dim3A_285 : vector<16xf32> to vector<1x16xf32>
      tpu.vector_store %arg15[%swap3A_286, %swap3A_287], %swap3A_290 {strides = array<i32>} : memref<32x128xf32, #tpu.memory_space<vmem>>, vector<1x16xf32>,
      %broadcast_in_dim3A_291 = arith.constant 0.000000e+00 : f32
      %broadcast_in_dim3A_292 = vector.broadcast %broadcast_in_dim3A_291 : f32 to vector<16xf32>
      %swap3A_293 = arith.index_cast %add3A_248 : i32 to index
      %swap3A_294 = arith.constant 96 : index
      %swap3A_295 = tpu.vector_load %arg15[%swap3A_293, %swap3A_294] {strides = array<i32>} : memref<32x128xf32, #tpu.memory_space<vmem>>, vector<1x16xf32>,
      %swap3A_296 = vector.shape_cast %swap3A_295 : vector<1x16xf32> to vector<16xf32>
      %swap3A_297 = vector.shape_cast %broadcast_in_dim3A_292 : vector<16xf32> to vector<1x16xf32>
      tpu.vector_store %arg15[%swap3A_293, %swap3A_294], %swap3A_297 {strides = array<i32>} : memref<32x128xf32, #tpu.memory_space<vmem>>, vector<1x16xf32>,
      %broadcast_in_dim3A_298 = arith.constant 0.000000e+00 : f32
      %broadcast_in_dim3A_299 = vector.broadcast %broadcast_in_dim3A_298 : f32 to vector<16xf32>
      %swap3A_300 = arith.index_cast %add3A_248 : i32 to index
      %swap3A_301 = arith.constant 112 : index
      %swap3A_302 = tpu.vector_load %arg15[%swap3A_300, %swap3A_301] {strides = array<i32>} : memref<32x128xf32, #tpu.memory_space<vmem>>, vector<1x16xf32>,
      %swap3A_303 = vector.shape_cast %swap3A_302 : vector<1x16xf32> to vector<16xf32>
      %swap3A_304 = vector.shape_cast %broadcast_in_dim3A_299 : vector<16xf32> to vector<1x16xf32>
      tpu.vector_store %arg15[%swap3A_300, %swap3A_301], %swap3A_304 {strides = array<i32>} : memref<32x128xf32, #tpu.memory_space<vmem>>, vector<1x16xf32>,
    }
    %scan3A_104 = arith.constant 32 : i32
    %scan3A_105 = arith.constant 0 : i32
    %scan3A_106 = arith.constant 20 : i32
    %scan3A_107 = arith.addi %scan3A_105, %scan3A_106 : i32
    %scan3A_108 = arith.constant 1 : i32
    scf.for %scan3A_244 = %scan3A_105 to %scan3A_107 step %scan3A_108  : i32 {
      %mul3A_245 = arith.constant 1 : i32
      %mul3A_246 = arith.muli %scan3A_244, %mul3A_245 : i32
      %add3A_247 = arith.constant 0 : i32
      %add3A_248 = arith.addi %add3A_247, %mul3A_246 : i32
      %mul3A_249 = arith.constant 32 : i32
      %mul3A_250 = arith.muli %add3A_248, %mul3A_249 : i32
      %add3A_251 = arith.addi %mul3A_2, %mul3A_250 : i32
      %dma_start3A_252 = arith.constant 0 : i32
      %dma_start3A_253 = tpu.memref_slice %arg18[%add3A_251, %dma_start3A_252] : memref<10240x128xf32, #tpu.memory_space<vmem_shared>> -> memref<32x128xf32, #tpu.memory_space<vmem_shared>>
      %dma_start3A_254 = arith.constant 0 : i32
      %dma_start3A_255 = tpu.memref_slice %arg18[%add3A_251, %dma_start3A_254] : memref<10240x128xf32, #tpu.memory_space<vmem_shared>> -> memref<32x128xf32, #tpu.memory_space<vmem_shared>>
      tpu.enqueue_dma source(%arg15 : memref<32x128xf32, #tpu.memory_space<vmem>>) target(%dma_start3A_255 : memref<32x128xf32, #tpu.memory_space<vmem_shared>>) target_semaphore(%arg20 : memref<!tpu.dma_semaphore, #tpu.memory_space<semaphore_mem>>)
    }
    %scan3A_109 = arith.constant 20 : i32
    %scan3A_110 = arith.constant 0 : i32
    %scan3A_111 = arith.constant 20 : i32
    %scan3A_112 = arith.addi %scan3A_110, %scan3A_111 : i32
    %scan3A_113 = arith.constant 1 : i32
    scf.for %scan3A_244 = %scan3A_110 to %scan3A_112 step %scan3A_113  : i32 {
      %mul3A_245 = arith.constant 1 : i32
      %mul3A_246 = arith.muli %scan3A_244, %mul3A_245 : i32
      %add3A_247 = arith.constant 0 : i32
      %add3A_248 = arith.addi %add3A_247, %mul3A_246 : i32
      %dma_wait3A = arith.constant 0 : i32
      %dma_wait3A_249 = tpu.memref_slice %arg18[%mul3A_2, %dma_wait3A] : memref<10240x128xf32, #tpu.memory_space<vmem_shared>> -> memref<32x128xf32, #tpu.memory_space<vmem_shared>>
      %dma_wait3A_250 = arith.constant 0 : i32
      %dma_wait3A_251 = tpu.memref_slice %arg18[%mul3A_2, %dma_wait3A_250] : memref<10240x128xf32, #tpu.memory_space<vmem_shared>> -> memref<32x128xf32, #tpu.memory_space<vmem_shared>>
      tpu.wait_dma2 semaphore(%arg20 : memref<!tpu.dma_semaphore, #tpu.memory_space<semaphore_mem>>) src(%arg15 : memref<32x128xf32, #tpu.memory_space<vmem>>) dst(%dma_wait3A_251 : memref<32x128xf32, #tpu.memory_space<vmem_shared>>)
    }
    %scan3A_114 = arith.constant 20 : i32
    %scan3A_115 = arith.constant 0 : i32
    %scan3A_116 = arith.constant 5 : i32
    %scan3A_117 = arith.addi %scan3A_115, %scan3A_116 : i32
    %scan3A_118 = arith.constant 1 : i32
    scf.for %scan3A_244 = %scan3A_115 to %scan3A_117 step %scan3A_118  : i32 {
      %mul3A_245 = arith.constant 1 : i32
      %mul3A_246 = arith.muli %scan3A_244, %mul3A_245 : i32
      %add3A_247 = arith.constant 0 : i32
      %add3A_248 = arith.addi %add3A_247, %mul3A_246 : i32
      %mul3A_249 = arith.constant 128 : i32
      %mul3A_250 = arith.muli %add3A_248, %mul3A_249 : i32
      %add3A_251 = arith.addi %mul3A_4, %mul3A_250 : i32
      "tpu.region"() ({
        %run_scoped3A_252 = tpu.sem_alloc : memref<!tpu.dma_semaphore, #tpu.memory_space<semaphore_mem>>
        %dma_start3A_253 = tpu.memref_slice %arg19[%add3A_251] : memref<10240xf32, #tpu.memory_space<vmem_shared>> -> memref<128xf32, #tpu.memory_space<vmem_shared>>
        %dma_start3A_254 = tpu.memref_slice %arg19[%add3A_251] : memref<10240xf32, #tpu.memory_space<vmem_shared>> -> memref<128xf32, #tpu.memory_space<vmem_shared>>
        tpu.enqueue_dma source(%arg16 : memref<128xf32, #tpu.memory_space<vmem>>) target(%dma_start3A_254 : memref<128xf32, #tpu.memory_space<vmem_shared>>) target_semaphore(%run_scoped3A_252 : memref<!tpu.dma_semaphore, #tpu.memory_space<semaphore_mem>>)
        %dma_wait3A = tpu.memref_slice %arg19[%add3A_251] : memref<10240xf32, #tpu.memory_space<vmem_shared>> -> memref<128xf32, #tpu.memory_space<vmem_shared>>
        %dma_wait3A_255 = tpu.memref_slice %arg19[%add3A_251] : memref<10240xf32, #tpu.memory_space<vmem_shared>> -> memref<128xf32, #tpu.memory_space<vmem_shared>>
        tpu.wait_dma2 semaphore(%run_scoped3A_252 : memref<!tpu.dma_semaphore, #tpu.memory_space<semaphore_mem>>) src(%arg16 : memref<128xf32, #tpu.memory_space<vmem>>) dst(%dma_wait3A_255 : memref<128xf32, #tpu.memory_space<vmem_shared>>)
        tpu.yield
      }) : () -> ()
    }
    %scan3A_119 = arith.constant 5 : i32
    %dma_start3A = arith.constant 0 : i32
    %dma_start3A_120 = arith.constant 0 : i32
    %dma_start3A_121 = tpu.memref_slice %arg11[%dma_start3A, %dma_start3A_120] : memref<40x128xi32, #tpu.memory_space<vmem>> -> memref<1x128xi32, #tpu.memory_space<vmem>>
    %dma_start3A_122 = tpu.memref_squeeze %dma_start3A_121 : memref<1x128xi32, #tpu.memory_space<vmem>> -> memref<128xi32, #tpu.memory_space<vmem>>
    %dma_start3A_123 = arith.constant 0 : i32
    %dma_start3A_124 = arith.constant 0 : i32
    %dma_start3A_125 = tpu.memref_slice %arg2[%dma_start3A_123, %dma_start3A_124] : memref<10000x128xf32, #tpu.memory_space<hbm>> -> memref<10000x128xf32, #tpu.memory_space<hbm>>
    tpu.enqueue_indirect_dma source(%dma_start3A_125 : memref<10000x128xf32, #tpu.memory_space<hbm>>) target(%arg13 : memref<128x128xf32, #tpu.memory_space<vmem>>) offsets(%dma_start3A_122 : memref<128xi32, #tpu.memory_space<vmem>>) semaphore(%arg20 : memref<!tpu.dma_semaphore, #tpu.memory_space<semaphore_mem>>)
    %dma_start3A_126 = arith.constant 1 : i32
    %dma_start3A_127 = arith.constant 0 : i32
    %dma_start3A_128 = tpu.memref_slice %arg11[%dma_start3A_126, %dma_start3A_127] : memref<40x128xi32, #tpu.memory_space<vmem>> -> memref<1x128xi32, #tpu.memory_space<vmem>>
    %dma_start3A_129 = tpu.memref_squeeze %dma_start3A_128 : memref<1x128xi32, #tpu.memory_space<vmem>> -> memref<128xi32, #tpu.memory_space<vmem>>
    %dma_start3A_130 = arith.constant 0 : i32
    %dma_start3A_131 = arith.constant 0 : i32
    %dma_start3A_132 = tpu.memref_slice %arg2[%dma_start3A_130, %dma_start3A_131] : memref<10000x128xf32, #tpu.memory_space<hbm>> -> memref<10000x128xf32, #tpu.memory_space<hbm>>
    tpu.enqueue_indirect_dma source(%dma_start3A_132 : memref<10000x128xf32, #tpu.memory_space<hbm>>) target(%arg14 : memref<128x128xf32, #tpu.memory_space<vmem>>) offsets(%dma_start3A_129 : memref<128xi32, #tpu.memory_space<vmem>>) semaphore(%arg21 : memref<!tpu.dma_semaphore, #tpu.memory_space<semaphore_mem>>)
    %barrier3A = arith.constant 0 : index
    tpu.barrier barrier_id(%barrier3A)
    %scan3A_133 = arith.constant 0 : i32
    %scan3A_134 = arith.constant 20 : i32
    %scan3A_135 = arith.addi %scan3A_133, %scan3A_134 : i32
    %scan3A_136 = arith.constant 1 : i32
    scf.for %scan3A_244 = %scan3A_133 to %scan3A_135 step %scan3A_136  : i32 {
      %mul3A_245 = arith.constant 2 : i32
      %mul3A_246 = arith.muli %scan3A_244, %mul3A_245 : i32
      %add3A_247 = arith.constant 0 : i32
      %add3A_248 = arith.addi %add3A_247, %mul3A_246 : i32
      %dma_wait3A = arith.constant 0 : i32
      %dma_wait3A_249 = tpu.memref_slice %arg11[%add3A_248, %dma_wait3A] : memref<40x128xi32, #tpu.memory_space<vmem>> -> memref<1x128xi32, #tpu.memory_space<vmem>>
      %dma_wait3A_250 = tpu.memref_squeeze %dma_wait3A_249 : memref<1x128xi32, #tpu.memory_space<vmem>> -> memref<128xi32, #tpu.memory_space<vmem>>
      %dma_wait3A_251 = arith.constant 0 : i32
      %dma_wait3A_252 = arith.constant 0 : i32
      %dma_wait3A_253 = tpu.memref_slice %arg2[%dma_wait3A_251, %dma_wait3A_252] : memref<10000x128xf32, #tpu.memory_space<hbm>> -> memref<10000x128xf32, #tpu.memory_space<hbm>>
      tpu.wait_indirect_dma semaphore(%arg20 : memref<!tpu.dma_semaphore, #tpu.memory_space<semaphore_mem>>) src(%dma_wait3A_253 : memref<10000x128xf32, #tpu.memory_space<hbm>>) dst(%arg13 : memref<128x128xf32, #tpu.memory_space<vmem>>)
      "tpu.region"() ({
        %run_scoped3A_277 = tpu.sem_alloc : memref<!tpu.dma_semaphore, #tpu.memory_space<semaphore_mem>>
        %dma_start3A_278 = arith.constant 0 : i32
        %dma_start3A_279 = tpu.memref_slice %arg12[%add3A_248, %dma_start3A_278] : memref<40x128xi32, #tpu.memory_space<vmem>> -> memref<1x128xi32, #tpu.memory_space<vmem>>
        %dma_start3A_280 = tpu.memref_squeeze %dma_start3A_279 : memref<1x128xi32, #tpu.memory_space<vmem>> -> memref<128xi32, #tpu.memory_space<vmem>>
        %dma_start3A_281 = arith.constant 0 : i32
        %dma_start3A_282 = arith.constant 0 : i32
        %dma_start3A_283 = tpu.memref_slice %arg18[%dma_start3A_281, %dma_start3A_282] : memref<10240x128xf32, #tpu.memory_space<vmem_shared>> -> memref<10240x128xf32, #tpu.memory_space<vmem_shared>>
        tpu.enqueue_indirect_dma source(%arg13 : memref<128x128xf32, #tpu.memory_space<vmem>>) target(%dma_start3A_283 : memref<10240x128xf32, #tpu.memory_space<vmem_shared>>) offsets(%dma_start3A_280 : memref<128xi32, #tpu.memory_space<vmem>>) semaphore(%run_scoped3A_277 : memref<!tpu.dma_semaphore, #tpu.memory_space<semaphore_mem>>) {add = true}
        %dma_wait3A_284 = arith.constant 0 : i32
        %dma_wait3A_285 = tpu.memref_slice %arg12[%add3A_248, %dma_wait3A_284] : memref<40x128xi32, #tpu.memory_space<vmem>> -> memref<1x128xi32, #tpu.memory_space<vmem>>
        %dma_wait3A_286 = tpu.memref_squeeze %dma_wait3A_285 : memref<1x128xi32, #tpu.memory_space<vmem>> -> memref<128xi32, #tpu.memory_space<vmem>>
        %dma_wait3A_287 = arith.constant 0 : i32
        %dma_wait3A_288 = arith.constant 0 : i32
        %dma_wait3A_289 = tpu.memref_slice %arg18[%dma_wait3A_287, %dma_wait3A_288] : memref<10240x128xf32, #tpu.memory_space<vmem_shared>> -> memref<10240x128xf32, #tpu.memory_space<vmem_shared>>
        tpu.wait_indirect_dma semaphore(%run_scoped3A_277 : memref<!tpu.dma_semaphore, #tpu.memory_space<semaphore_mem>>) src(%arg13 : memref<128x128xf32, #tpu.memory_space<vmem>>) dst(%dma_wait3A_289 : memref<10240x128xf32, #tpu.memory_space<vmem_shared>>)
        tpu.yield
      }) : () -> ()
      "tpu.region"() ({
        %run_scoped3A_277 = tpu.sem_alloc : memref<!tpu.dma_semaphore, #tpu.memory_space<semaphore_mem>>
        %dma_start3A_278 = arith.constant 0 : i32
        %dma_start3A_279 = tpu.memref_slice %arg12[%add3A_248, %dma_start3A_278] : memref<40x128xi32, #tpu.memory_space<vmem>> -> memref<1x128xi32, #tpu.memory_space<vmem>>
        %dma_start3A_280 = tpu.memref_squeeze %dma_start3A_279 : memref<1x128xi32, #tpu.memory_space<vmem>> -> memref<128xi32, #tpu.memory_space<vmem>>
        %dma_start3A_281 = arith.constant 0 : i32
        %dma_start3A_282 = tpu.memref_slice %arg19[%dma_start3A_281] : memref<10240xf32, #tpu.memory_space<vmem_shared>> -> memref<10240xf32, #tpu.memory_space<vmem_shared>>
        tpu.enqueue_indirect_dma source(%arg17 : memref<128xf32, #tpu.memory_space<vmem>>) target(%dma_start3A_282 : memref<10240xf32, #tpu.memory_space<vmem_shared>>) offsets(%dma_start3A_280 : memref<128xi32, #tpu.memory_space<vmem>>) semaphore(%run_scoped3A_277 : memref<!tpu.dma_semaphore, #tpu.memory_space<semaphore_mem>>) {add = true}
        %dma_wait3A_283 = arith.constant 0 : i32
        %dma_wait3A_284 = tpu.memref_slice %arg12[%add3A_248, %dma_wait3A_283] : memref<40x128xi32, #tpu.memory_space<vmem>> -> memref<1x128xi32, #tpu.memory_space<vmem>>
        %dma_wait3A_285 = tpu.memref_squeeze %dma_wait3A_284 : memref<1x128xi32, #tpu.memory_space<vmem>> -> memref<128xi32, #tpu.memory_space<vmem>>
        %dma_wait3A_286 = arith.constant 0 : i32
        %dma_wait3A_287 = tpu.memref_slice %arg19[%dma_wait3A_286] : memref<10240xf32, #tpu.memory_space<vmem_shared>> -> memref<10240xf32, #tpu.memory_space<vmem_shared>>
        tpu.wait_indirect_dma semaphore(%run_scoped3A_277 : memref<!tpu.dma_semaphore, #tpu.memory_space<semaphore_mem>>) src(%arg17 : memref<128xf32, #tpu.memory_space<vmem>>) dst(%dma_wait3A_287 : memref<10240xf32, #tpu.memory_space<vmem_shared>>)
        tpu.yield
      }) : () -> ()
      %add3A_254 = arith.constant 2 : i32
      %add3A_255 = arith.addi %add3A_248, %add3A_254 : i32
      %lt3A = arith.constant 40 : i32
      %lt3A_256 = arith.cmpi slt, %add3A_255, %lt3A : i32
      %convert_element_type3A = arith.extui %lt3A_256 : i1 to i32
      %cond3A = arith.constant 0 : i32
      %cond3A_257 = arith.cmpi ne, %convert_element_type3A, %cond3A : i32
      scf.if %cond3A_257 {
        %add3A_277 = arith.constant 2 : i32
        %add3A_278 = arith.addi %add3A_248, %add3A_277 : i32
        %dma_start3A_279 = arith.constant 0 : i32
        %dma_start3A_280 = tpu.memref_slice %arg11[%add3A_278, %dma_start3A_279] : memref<40x128xi32, #tpu.memory_space<vmem>> -> memref<1x128xi32, #tpu.memory_space<vmem>>
        %dma_start3A_281 = tpu.memref_squeeze %dma_start3A_280 : memref<1x128xi32, #tpu.memory_space<vmem>> -> memref<128xi32, #tpu.memory_space<vmem>>
        %dma_start3A_282 = arith.constant 0 : i32
        %dma_start3A_283 = arith.constant 0 : i32
        %dma_start3A_284 = tpu.memref_slice %arg2[%dma_start3A_282, %dma_start3A_283] : memref<10000x128xf32, #tpu.memory_space<hbm>> -> memref<10000x128xf32, #tpu.memory_space<hbm>>
        tpu.enqueue_indirect_dma source(%dma_start3A_284 : memref<10000x128xf32, #tpu.memory_space<hbm>>) target(%arg13 : memref<128x128xf32, #tpu.memory_space<vmem>>) offsets(%dma_start3A_281 : memref<128xi32, #tpu.memory_space<vmem>>) semaphore(%arg20 : memref<!tpu.dma_semaphore, #tpu.memory_space<semaphore_mem>>)
      } else {
      }
      %add3A_258 = arith.constant 1 : i32
      %add3A_259 = arith.addi %add3A_248, %add3A_258 : i32
      %dma_wait3A_260 = arith.constant 0 : i32
      %dma_wait3A_261 = tpu.memref_slice %arg11[%add3A_259, %dma_wait3A_260] : memref<40x128xi32, #tpu.memory_space<vmem>> -> memref<1x128xi32, #tpu.memory_space<vmem>>
      %dma_wait3A_262 = tpu.memref_squeeze %dma_wait3A_261 : memref<1x128xi32, #tpu.memory_space<vmem>> -> memref<128xi32, #tpu.memory_space<vmem>>
      %dma_wait3A_263 = arith.constant 0 : i32
      %dma_wait3A_264 = arith.constant 0 : i32
      %dma_wait3A_265 = tpu.memref_slice %arg2[%dma_wait3A_263, %dma_wait3A_264] : memref<10000x128xf32, #tpu.memory_space<hbm>> -> memref<10000x128xf32, #tpu.memory_space<hbm>>
      tpu.wait_indirect_dma semaphore(%arg21 : memref<!tpu.dma_semaphore, #tpu.memory_space<semaphore_mem>>) src(%dma_wait3A_265 : memref<10000x128xf32, #tpu.memory_space<hbm>>) dst(%arg14 : memref<128x128xf32, #tpu.memory_space<vmem>>)
      %add3A_266 = arith.constant 1 : i32
      %add3A_267 = arith.addi %add3A_248, %add3A_266 : i32
      "tpu.region"() ({
        %run_scoped3A_277 = tpu.sem_alloc : memref<!tpu.dma_semaphore, #tpu.memory_space<semaphore_mem>>
        %dma_start3A_278 = arith.constant 0 : i32
        %dma_start3A_279 = tpu.memref_slice %arg12[%add3A_267, %dma_start3A_278] : memref<40x128xi32, #tpu.memory_space<vmem>> -> memref<1x128xi32, #tpu.memory_space<vmem>>
        %dma_start3A_280 = tpu.memref_squeeze %dma_start3A_279 : memref<1x128xi32, #tpu.memory_space<vmem>> -> memref<128xi32, #tpu.memory_space<vmem>>
        %dma_start3A_281 = arith.constant 0 : i32
        %dma_start3A_282 = arith.constant 0 : i32
        %dma_start3A_283 = tpu.memref_slice %arg18[%dma_start3A_281, %dma_start3A_282] : memref<10240x128xf32, #tpu.memory_space<vmem_shared>> -> memref<10240x128xf32, #tpu.memory_space<vmem_shared>>
        tpu.enqueue_indirect_dma source(%arg14 : memref<128x128xf32, #tpu.memory_space<vmem>>) target(%dma_start3A_283 : memref<10240x128xf32, #tpu.memory_space<vmem_shared>>) offsets(%dma_start3A_280 : memref<128xi32, #tpu.memory_space<vmem>>) semaphore(%run_scoped3A_277 : memref<!tpu.dma_semaphore, #tpu.memory_space<semaphore_mem>>) {add = true}
        %dma_wait3A_284 = arith.constant 0 : i32
        %dma_wait3A_285 = tpu.memref_slice %arg12[%add3A_267, %dma_wait3A_284] : memref<40x128xi32, #tpu.memory_space<vmem>> -> memref<1x128xi32, #tpu.memory_space<vmem>>
        %dma_wait3A_286 = tpu.memref_squeeze %dma_wait3A_285 : memref<1x128xi32, #tpu.memory_space<vmem>> -> memref<128xi32, #tpu.memory_space<vmem>>
        %dma_wait3A_287 = arith.constant 0 : i32
        %dma_wait3A_288 = arith.constant 0 : i32
        %dma_wait3A_289 = tpu.memref_slice %arg18[%dma_wait3A_287, %dma_wait3A_288] : memref<10240x128xf32, #tpu.memory_space<vmem_shared>> -> memref<10240x128xf32, #tpu.memory_space<vmem_shared>>
        tpu.wait_indirect_dma semaphore(%run_scoped3A_277 : memref<!tpu.dma_semaphore, #tpu.memory_space<semaphore_mem>>) src(%arg14 : memref<128x128xf32, #tpu.memory_space<vmem>>) dst(%dma_wait3A_289 : memref<10240x128xf32, #tpu.memory_space<vmem_shared>>)
        tpu.yield
      }) : () -> ()
      %add3A_268 = arith.constant 1 : i32
      %add3A_269 = arith.addi %add3A_248, %add3A_268 : i32
      "tpu.region"() ({
        %run_scoped3A_277 = tpu.sem_alloc : memref<!tpu.dma_semaphore, #tpu.memory_space<semaphore_mem>>
        %dma_start3A_278 = arith.constant 0 : i32
        %dma_start3A_279 = tpu.memref_slice %arg12[%add3A_269, %dma_start3A_278] : memref<40x128xi32, #tpu.memory_space<vmem>> -> memref<1x128xi32, #tpu.memory_space<vmem>>
        %dma_start3A_280 = tpu.memref_squeeze %dma_start3A_279 : memref<1x128xi32, #tpu.memory_space<vmem>> -> memref<128xi32, #tpu.memory_space<vmem>>
        %dma_start3A_281 = arith.constant 0 : i32
        %dma_start3A_282 = tpu.memref_slice %arg19[%dma_start3A_281] : memref<10240xf32, #tpu.memory_space<vmem_shared>> -> memref<10240xf32, #tpu.memory_space<vmem_shared>>
        tpu.enqueue_indirect_dma source(%arg17 : memref<128xf32, #tpu.memory_space<vmem>>) target(%dma_start3A_282 : memref<10240xf32, #tpu.memory_space<vmem_shared>>) offsets(%dma_start3A_280 : memref<128xi32, #tpu.memory_space<vmem>>) semaphore(%run_scoped3A_277 : memref<!tpu.dma_semaphore, #tpu.memory_space<semaphore_mem>>) {add = true}
        %dma_wait3A_283 = arith.constant 0 : i32
        %dma_wait3A_284 = tpu.memref_slice %arg12[%add3A_269, %dma_wait3A_283] : memref<40x128xi32, #tpu.memory_space<vmem>> -> memref<1x128xi32, #tpu.memory_space<vmem>>
        %dma_wait3A_285 = tpu.memref_squeeze %dma_wait3A_284 : memref<1x128xi32, #tpu.memory_space<vmem>> -> memref<128xi32, #tpu.memory_space<vmem>>
        %dma_wait3A_286 = arith.constant 0 : i32
        %dma_wait3A_287 = tpu.memref_slice %arg19[%dma_wait3A_286] : memref<10240xf32, #tpu.memory_space<vmem_shared>> -> memref<10240xf32, #tpu.memory_space<vmem_shared>>
        tpu.wait_indirect_dma semaphore(%run_scoped3A_277 : memref<!tpu.dma_semaphore, #tpu.memory_space<semaphore_mem>>) src(%arg17 : memref<128xf32, #tpu.memory_space<vmem>>) dst(%dma_wait3A_287 : memref<10240xf32, #tpu.memory_space<vmem_shared>>)
        tpu.yield
      }) : () -> ()
      %add3A_270 = arith.constant 3 : i32
      %add3A_271 = arith.addi %add3A_248, %add3A_270 : i32
      %lt3A_272 = arith.constant 40 : i32
      %lt3A_273 = arith.cmpi slt, %add3A_271, %lt3A_272 : i32
      %convert_element_type3A_274 = arith.extui %lt3A_273 : i1 to i32
      %cond3A_275 = arith.constant 0 : i32
      %cond3A_276 = arith.cmpi ne, %convert_element_type3A_274, %cond3A_275 : i32
      scf.if %cond3A_276 {
        %add3A_277 = arith.constant 3 : i32
        %add3A_278 = arith.addi %add3A_248, %add3A_277 : i32
        %dma_start3A_279 = arith.constant 0 : i32
        %dma_start3A_280 = tpu.memref_slice %arg11[%add3A_278, %dma_start3A_279] : memref<40x128xi32, #tpu.memory_space<vmem>> -> memref<1x128xi32, #tpu.memory_space<vmem>>
        %dma_start3A_281 = tpu.memref_squeeze %dma_start3A_280 : memref<1x128xi32, #tpu.memory_space<vmem>> -> memref<128xi32, #tpu.memory_space<vmem>>
        %dma_start3A_282 = arith.constant 0 : i32
        %dma_start3A_283 = arith.constant 0 : i32
        %dma_start3A_284 = tpu.memref_slice %arg2[%dma_start3A_282, %dma_start3A_283] : memref<10000x128xf32, #tpu.memory_space<hbm>> -> memref<10000x128xf32, #tpu.memory_space<hbm>>
        tpu.enqueue_indirect_dma source(%dma_start3A_284 : memref<10000x128xf32, #tpu.memory_space<hbm>>) target(%arg14 : memref<128x128xf32, #tpu.memory_space<vmem>>) offsets(%dma_start3A_281 : memref<128xi32, #tpu.memory_space<vmem>>) semaphore(%arg21 : memref<!tpu.dma_semaphore, #tpu.memory_space<semaphore_mem>>)
      } else {
      }
    }
    %scan3A_137 = arith.constant 20 : i32
    %barrier3A_138 = arith.constant 0 : index
    tpu.barrier barrier_id(%barrier3A_138)
    %run_scoped3A = arith.constant 0 : i32
    "tpu.region"() ({
      %run_scoped3A_244 = tpu.sem_alloc : memref<!tpu.dma_semaphore, #tpu.memory_space<semaphore_mem>>
      %dma_start3A_245 = arith.constant 0 : i32
      %dma_start3A_246 = tpu.memref_slice %arg9[%arg0, %run_scoped3A, %mul3A_2, %dma_start3A_245] : memref<2x3x10240x128xf32, #tpu.memory_space<hbm>> -> memref<1x1x640x128xf32, #tpu.memory_space<hbm>>
      %dma_start3A_247 = tpu.memref_squeeze %dma_start3A_246 : memref<1x1x640x128xf32, #tpu.memory_space<hbm>> -> memref<640x128xf32, #tpu.memory_space<hbm>>
      %dma_start3A_248 = arith.constant 0 : i32
      %dma_start3A_249 = tpu.memref_slice %arg18[%mul3A_2, %dma_start3A_248] : memref<10240x128xf32, #tpu.memory_space<vmem_shared>> -> memref<640x128xf32, #tpu.memory_space<vmem_shared>>
      tpu.enqueue_dma source(%dma_start3A_249 : memref<640x128xf32, #tpu.memory_space<vmem_shared>>) target(%dma_start3A_247 : memref<640x128xf32, #tpu.memory_space<hbm>>) target_semaphore(%run_scoped3A_244 : memref<!tpu.dma_semaphore, #tpu.memory_space<semaphore_mem>>)
      %dma_wait3A = arith.constant 0 : i32
      %dma_wait3A_250 = tpu.memref_slice %arg9[%arg0, %run_scoped3A, %mul3A_2, %dma_wait3A] : memref<2x3x10240x128xf32, #tpu.memory_space<hbm>> -> memref<1x1x640x128xf32, #tpu.memory_space<hbm>>
      %dma_wait3A_251 = tpu.memref_squeeze %dma_wait3A_250 : memref<1x1x640x128xf32, #tpu.memory_space<hbm>> -> memref<640x128xf32, #tpu.memory_space<hbm>>
      %dma_wait3A_252 = arith.constant 0 : i32
      %dma_wait3A_253 = tpu.memref_slice %arg18[%mul3A_2, %dma_wait3A_252] : memref<10240x128xf32, #tpu.memory_space<vmem_shared>> -> memref<640x128xf32, #tpu.memory_space<vmem_shared>>
      tpu.wait_dma2 semaphore(%run_scoped3A_244 : memref<!tpu.dma_semaphore, #tpu.memory_space<semaphore_mem>>) src(%dma_wait3A_253 : memref<640x128xf32, #tpu.memory_space<vmem_shared>>) dst(%dma_wait3A_251 : memref<640x128xf32, #tpu.memory_space<hbm>>)
      tpu.yield
    }) : () -> ()
    %mul3A_139 = arith.constant 3 : i32
    %mul3A_140 = arith.muli %arg0, %mul3A_139 : i32
    %add3A_141 = arith.constant 0 : i32
    %add3A_142 = arith.addi %mul3A_140, %add3A_141 : i32
    %mul3A_143 = arith.constant 10240 : i32
    %mul3A_144 = arith.muli %add3A_142, %mul3A_143 : i32
    %add3A_145 = arith.addi %mul3A_144, %mul3A_4 : i32
    "tpu.region"() ({
      %run_scoped3A_244 = tpu.sem_alloc : memref<!tpu.dma_semaphore, #tpu.memory_space<semaphore_mem>>
      %dma_start3A_245 = tpu.memref_slice %arg10[%add3A_145] : memref<61440xf32, #tpu.memory_space<hbm>> -> memref<640xf32, #tpu.memory_space<hbm>>
      %dma_start3A_246 = tpu.memref_slice %arg19[%mul3A_4] : memref<10240xf32, #tpu.memory_space<vmem_shared>> -> memref<640xf32, #tpu.memory_space<vmem_shared>>
      tpu.enqueue_dma source(%dma_start3A_246 : memref<640xf32, #tpu.memory_space<vmem_shared>>) target(%dma_start3A_245 : memref<640xf32, #tpu.memory_space<hbm>>) target_semaphore(%run_scoped3A_244 : memref<!tpu.dma_semaphore, #tpu.memory_space<semaphore_mem>>)
      %dma_wait3A = tpu.memref_slice %arg10[%add3A_145] : memref<61440xf32, #tpu.memory_space<hbm>> -> memref<640xf32, #tpu.memory_space<hbm>>
      %dma_wait3A_247 = tpu.memref_slice %arg19[%mul3A_4] : memref<10240xf32, #tpu.memory_space<vmem_shared>> -> memref<640xf32, #tpu.memory_space<vmem_shared>>
      tpu.wait_dma2 semaphore(%run_scoped3A_244 : memref<!tpu.dma_semaphore, #tpu.memory_space<semaphore_mem>>) src(%dma_wait3A_247 : memref<640xf32, #tpu.memory_space<vmem_shared>>) dst(%dma_wait3A : memref<640xf32, #tpu.memory_space<hbm>>)
      tpu.yield
    }) : () -> ()
    "tpu.region"() ({
      %run_scoped3A_244 = tpu.sem_alloc : memref<!tpu.dma_semaphore, #tpu.memory_space<semaphore_mem>>
      %dma_start3A_245 = arith.constant 0 : i32
      %dma_start3A_246 = tpu.memref_slice %arg5[%mul3A_6, %dma_start3A_245] : memref<1280x128xi32, #tpu.memory_space<hbm>> -> memref<40x128xi32, #tpu.memory_space<hbm>>
      %dma_start3A_247 = arith.constant 0 : i32
      %dma_start3A_248 = tpu.memref_slice %arg5[%mul3A_6, %dma_start3A_247] : memref<1280x128xi32, #tpu.memory_space<hbm>> -> memref<40x128xi32, #tpu.memory_space<hbm>>
      tpu.enqueue_dma source(%dma_start3A_248 : memref<40x128xi32, #tpu.memory_space<hbm>>) target(%arg11 : memref<40x128xi32, #tpu.memory_space<vmem>>) target_semaphore(%run_scoped3A_244 : memref<!tpu.dma_semaphore, #tpu.memory_space<semaphore_mem>>)
      %dma_wait3A = arith.constant 0 : i32
      %dma_wait3A_249 = tpu.memref_slice %arg5[%mul3A_6, %dma_wait3A] : memref<1280x128xi32, #tpu.memory_space<hbm>> -> memref<40x128xi32, #tpu.memory_space<hbm>>
      %dma_wait3A_250 = arith.constant 0 : i32
      %dma_wait3A_251 = tpu.memref_slice %arg5[%mul3A_6, %dma_wait3A_250] : memref<1280x128xi32, #tpu.memory_space<hbm>> -> memref<40x128xi32, #tpu.memory_space<hbm>>
      tpu.wait_dma2 semaphore(%run_scoped3A_244 : memref<!tpu.dma_semaphore, #tpu.memory_space<semaphore_mem>>) src(%dma_wait3A_251 : memref<40x128xi32, #tpu.memory_space<hbm>>) dst(%arg11 : memref<40x128xi32, #tpu.memory_space<vmem>>)
      tpu.yield
    }) : () -> ()
    "tpu.region"() ({
      %run_scoped3A_244 = tpu.sem_alloc : memref<!tpu.dma_semaphore, #tpu.memory_space<semaphore_mem>>
      %dma_start3A_245 = arith.constant 0 : i32
      %dma_start3A_246 = tpu.memref_slice %arg6[%mul3A_6, %dma_start3A_245] : memref<1280x128xi32, #tpu.memory_space<hbm>> -> memref<40x128xi32, #tpu.memory_space<hbm>>
      %dma_start3A_247 = arith.constant 0 : i32
      %dma_start3A_248 = tpu.memref_slice %arg6[%mul3A_6, %dma_start3A_247] : memref<1280x128xi32, #tpu.memory_space<hbm>> -> memref<40x128xi32, #tpu.memory_space<hbm>>
      tpu.enqueue_dma source(%dma_start3A_248 : memref<40x128xi32, #tpu.memory_space<hbm>>) target(%arg12 : memref<40x128xi32, #tpu.memory_space<vmem>>) target_semaphore(%run_scoped3A_244 : memref<!tpu.dma_semaphore, #tpu.memory_space<semaphore_mem>>)
      %dma_wait3A = arith.constant 0 : i32
      %dma_wait3A_249 = tpu.memref_slice %arg6[%mul3A_6, %dma_wait3A] : memref<1280x128xi32, #tpu.memory_space<hbm>> -> memref<40x128xi32, #tpu.memory_space<hbm>>
      %dma_wait3A_250 = arith.constant 0 : i32
      %dma_wait3A_251 = tpu.memref_slice %arg6[%mul3A_6, %dma_wait3A_250] : memref<1280x128xi32, #tpu.memory_space<hbm>> -> memref<40x128xi32, #tpu.memory_space<hbm>>
      tpu.wait_dma2 semaphore(%run_scoped3A_244 : memref<!tpu.dma_semaphore, #tpu.memory_space<semaphore_mem>>) src(%dma_wait3A_251 : memref<40x128xi32, #tpu.memory_space<hbm>>) dst(%arg12 : memref<40x128xi32, #tpu.memory_space<vmem>>)
      tpu.yield
    }) : () -> ()
    %scan3A_146 = arith.constant 0 : i32
    %scan3A_147 = arith.constant 32 : i32
    %scan3A_148 = arith.addi %scan3A_146, %scan3A_147 : i32
    %scan3A_149 = arith.constant 1 : i32
    scf.for %scan3A_244 = %scan3A_146 to %scan3A_148 step %scan3A_149  : i32 {
      %mul3A_245 = arith.constant 1 : i32
      %mul3A_246 = arith.muli %scan3A_244, %mul3A_245 : i32
      %add3A_247 = arith.constant 0 : i32
      %add3A_248 = arith.addi %add3A_247, %mul3A_246 : i32
      %broadcast_in_dim3A_249 = arith.constant 0.000000e+00 : f32
      %broadcast_in_dim3A_250 = vector.broadcast %broadcast_in_dim3A_249 : f32 to vector<16xf32>
      %swap3A_251 = arith.index_cast %add3A_248 : i32 to index
      %swap3A_252 = arith.constant 0 : index
      %swap3A_253 = tpu.vector_load %arg15[%swap3A_251, %swap3A_252] {strides = array<i32>} : memref<32x128xf32, #tpu.memory_space<vmem>>, vector<1x16xf32>,
      %swap3A_254 = vector.shape_cast %swap3A_253 : vector<1x16xf32> to vector<16xf32>
      %swap3A_255 = vector.shape_cast %broadcast_in_dim3A_250 : vector<16xf32> to vector<1x16xf32>
      tpu.vector_store %arg15[%swap3A_251, %swap3A_252], %swap3A_255 {strides = array<i32>} : memref<32x128xf32, #tpu.memory_space<vmem>>, vector<1x16xf32>,
      %broadcast_in_dim3A_256 = arith.constant 0.000000e+00 : f32
      %broadcast_in_dim3A_257 = vector.broadcast %broadcast_in_dim3A_256 : f32 to vector<16xf32>
      %swap3A_258 = arith.index_cast %add3A_248 : i32 to index
      %swap3A_259 = arith.constant 16 : index
      %swap3A_260 = tpu.vector_load %arg15[%swap3A_258, %swap3A_259] {strides = array<i32>} : memref<32x128xf32, #tpu.memory_space<vmem>>, vector<1x16xf32>,
      %swap3A_261 = vector.shape_cast %swap3A_260 : vector<1x16xf32> to vector<16xf32>
      %swap3A_262 = vector.shape_cast %broadcast_in_dim3A_257 : vector<16xf32> to vector<1x16xf32>
      tpu.vector_store %arg15[%swap3A_258, %swap3A_259], %swap3A_262 {strides = array<i32>} : memref<32x128xf32, #tpu.memory_space<vmem>>, vector<1x16xf32>,
      %broadcast_in_dim3A_263 = arith.constant 0.000000e+00 : f32
      %broadcast_in_dim3A_264 = vector.broadcast %broadcast_in_dim3A_263 : f32 to vector<16xf32>
      %swap3A_265 = arith.index_cast %add3A_248 : i32 to index
      %swap3A_266 = arith.constant 32 : index
      %swap3A_267 = tpu.vector_load %arg15[%swap3A_265, %swap3A_266] {strides = array<i32>} : memref<32x128xf32, #tpu.memory_space<vmem>>, vector<1x16xf32>,
      %swap3A_268 = vector.shape_cast %swap3A_267 : vector<1x16xf32> to vector<16xf32>
      %swap3A_269 = vector.shape_cast %broadcast_in_dim3A_264 : vector<16xf32> to vector<1x16xf32>
      tpu.vector_store %arg15[%swap3A_265, %swap3A_266], %swap3A_269 {strides = array<i32>} : memref<32x128xf32, #tpu.memory_space<vmem>>, vector<1x16xf32>,
      %broadcast_in_dim3A_270 = arith.constant 0.000000e+00 : f32
      %broadcast_in_dim3A_271 = vector.broadcast %broadcast_in_dim3A_270 : f32 to vector<16xf32>
      %swap3A_272 = arith.index_cast %add3A_248 : i32 to index
      %swap3A_273 = arith.constant 48 : index
      %swap3A_274 = tpu.vector_load %arg15[%swap3A_272, %swap3A_273] {strides = array<i32>} : memref<32x128xf32, #tpu.memory_space<vmem>>, vector<1x16xf32>,
      %swap3A_275 = vector.shape_cast %swap3A_274 : vector<1x16xf32> to vector<16xf32>
      %swap3A_276 = vector.shape_cast %broadcast_in_dim3A_271 : vector<16xf32> to vector<1x16xf32>
      tpu.vector_store %arg15[%swap3A_272, %swap3A_273], %swap3A_276 {strides = array<i32>} : memref<32x128xf32, #tpu.memory_space<vmem>>, vector<1x16xf32>,
      %broadcast_in_dim3A_277 = arith.constant 0.000000e+00 : f32
      %broadcast_in_dim3A_278 = vector.broadcast %broadcast_in_dim3A_277 : f32 to vector<16xf32>
      %swap3A_279 = arith.index_cast %add3A_248 : i32 to index
      %swap3A_280 = arith.constant 64 : index
      %swap3A_281 = tpu.vector_load %arg15[%swap3A_279, %swap3A_280] {strides = array<i32>} : memref<32x128xf32, #tpu.memory_space<vmem>>, vector<1x16xf32>,
      %swap3A_282 = vector.shape_cast %swap3A_281 : vector<1x16xf32> to vector<16xf32>
      %swap3A_283 = vector.shape_cast %broadcast_in_dim3A_278 : vector<16xf32> to vector<1x16xf32>
      tpu.vector_store %arg15[%swap3A_279, %swap3A_280], %swap3A_283 {strides = array<i32>} : memref<32x128xf32, #tpu.memory_space<vmem>>, vector<1x16xf32>,
      %broadcast_in_dim3A_284 = arith.constant 0.000000e+00 : f32
      %broadcast_in_dim3A_285 = vector.broadcast %broadcast_in_dim3A_284 : f32 to vector<16xf32>
      %swap3A_286 = arith.index_cast %add3A_248 : i32 to index
      %swap3A_287 = arith.constant 80 : index
      %swap3A_288 = tpu.vector_load %arg15[%swap3A_286, %swap3A_287] {strides = array<i32>} : memref<32x128xf32, #tpu.memory_space<vmem>>, vector<1x16xf32>,
      %swap3A_289 = vector.shape_cast %swap3A_288 : vector<1x16xf32> to vector<16xf32>
      %swap3A_290 = vector.shape_cast %broadcast_in_dim3A_285 : vector<16xf32> to vector<1x16xf32>
      tpu.vector_store %arg15[%swap3A_286, %swap3A_287], %swap3A_290 {strides = array<i32>} : memref<32x128xf32, #tpu.memory_space<vmem>>, vector<1x16xf32>,
      %broadcast_in_dim3A_291 = arith.constant 0.000000e+00 : f32
      %broadcast_in_dim3A_292 = vector.broadcast %broadcast_in_dim3A_291 : f32 to vector<16xf32>
      %swap3A_293 = arith.index_cast %add3A_248 : i32 to index
      %swap3A_294 = arith.constant 96 : index
      %swap3A_295 = tpu.vector_load %arg15[%swap3A_293, %swap3A_294] {strides = array<i32>} : memref<32x128xf32, #tpu.memory_space<vmem>>, vector<1x16xf32>,
      %swap3A_296 = vector.shape_cast %swap3A_295 : vector<1x16xf32> to vector<16xf32>
      %swap3A_297 = vector.shape_cast %broadcast_in_dim3A_292 : vector<16xf32> to vector<1x16xf32>
      tpu.vector_store %arg15[%swap3A_293, %swap3A_294], %swap3A_297 {strides = array<i32>} : memref<32x128xf32, #tpu.memory_space<vmem>>, vector<1x16xf32>,
      %broadcast_in_dim3A_298 = arith.constant 0.000000e+00 : f32
      %broadcast_in_dim3A_299 = vector.broadcast %broadcast_in_dim3A_298 : f32 to vector<16xf32>
      %swap3A_300 = arith.index_cast %add3A_248 : i32 to index
      %swap3A_301 = arith.constant 112 : index
      %swap3A_302 = tpu.vector_load %arg15[%swap3A_300, %swap3A_301] {strides = array<i32>} : memref<32x128xf32, #tpu.memory_space<vmem>>, vector<1x16xf32>,
      %swap3A_303 = vector.shape_cast %swap3A_302 : vector<1x16xf32> to vector<16xf32>
      %swap3A_304 = vector.shape_cast %broadcast_in_dim3A_299 : vector<16xf32> to vector<1x16xf32>
      tpu.vector_store %arg15[%swap3A_300, %swap3A_301], %swap3A_304 {strides = array<i32>} : memref<32x128xf32, #tpu.memory_space<vmem>>, vector<1x16xf32>,
    }
    %scan3A_150 = arith.constant 32 : i32
    %scan3A_151 = arith.constant 0 : i32
    %scan3A_152 = arith.constant 20 : i32
    %scan3A_153 = arith.addi %scan3A_151, %scan3A_152 : i32
    %scan3A_154 = arith.constant 1 : i32
    scf.for %scan3A_244 = %scan3A_151 to %scan3A_153 step %scan3A_154  : i32 {
      %mul3A_245 = arith.constant 1 : i32
      %mul3A_246 = arith.muli %scan3A_244, %mul3A_245 : i32
      %add3A_247 = arith.constant 0 : i32
      %add3A_248 = arith.addi %add3A_247, %mul3A_246 : i32
      %mul3A_249 = arith.constant 32 : i32
      %mul3A_250 = arith.muli %add3A_248, %mul3A_249 : i32
      %add3A_251 = arith.addi %mul3A_2, %mul3A_250 : i32
      %dma_start3A_252 = arith.constant 0 : i32
      %dma_start3A_253 = tpu.memref_slice %arg18[%add3A_251, %dma_start3A_252] : memref<10240x128xf32, #tpu.memory_space<vmem_shared>> -> memref<32x128xf32, #tpu.memory_space<vmem_shared>>
      %dma_start3A_254 = arith.constant 0 : i32
      %dma_start3A_255 = tpu.memref_slice %arg18[%add3A_251, %dma_start3A_254] : memref<10240x128xf32, #tpu.memory_space<vmem_shared>> -> memref<32x128xf32, #tpu.memory_space<vmem_shared>>
      tpu.enqueue_dma source(%arg15 : memref<32x128xf32, #tpu.memory_space<vmem>>) target(%dma_start3A_255 : memref<32x128xf32, #tpu.memory_space<vmem_shared>>) target_semaphore(%arg20 : memref<!tpu.dma_semaphore, #tpu.memory_space<semaphore_mem>>)
    }
    %scan3A_155 = arith.constant 20 : i32
    %scan3A_156 = arith.constant 0 : i32
    %scan3A_157 = arith.constant 20 : i32
    %scan3A_158 = arith.addi %scan3A_156, %scan3A_157 : i32
    %scan3A_159 = arith.constant 1 : i32
    scf.for %scan3A_244 = %scan3A_156 to %scan3A_158 step %scan3A_159  : i32 {
      %mul3A_245 = arith.constant 1 : i32
      %mul3A_246 = arith.muli %scan3A_244, %mul3A_245 : i32
      %add3A_247 = arith.constant 0 : i32
      %add3A_248 = arith.addi %add3A_247, %mul3A_246 : i32
      %dma_wait3A = arith.constant 0 : i32
      %dma_wait3A_249 = tpu.memref_slice %arg18[%mul3A_2, %dma_wait3A] : memref<10240x128xf32, #tpu.memory_space<vmem_shared>> -> memref<32x128xf32, #tpu.memory_space<vmem_shared>>
      %dma_wait3A_250 = arith.constant 0 : i32
      %dma_wait3A_251 = tpu.memref_slice %arg18[%mul3A_2, %dma_wait3A_250] : memref<10240x128xf32, #tpu.memory_space<vmem_shared>> -> memref<32x128xf32, #tpu.memory_space<vmem_shared>>
      tpu.wait_dma2 semaphore(%arg20 : memref<!tpu.dma_semaphore, #tpu.memory_space<semaphore_mem>>) src(%arg15 : memref<32x128xf32, #tpu.memory_space<vmem>>) dst(%dma_wait3A_251 : memref<32x128xf32, #tpu.memory_space<vmem_shared>>)
    }
    %scan3A_160 = arith.constant 20 : i32
    %scan3A_161 = arith.constant 0 : i32
    %scan3A_162 = arith.constant 5 : i32
    %scan3A_163 = arith.addi %scan3A_161, %scan3A_162 : i32
    %scan3A_164 = arith.constant 1 : i32
    scf.for %scan3A_244 = %scan3A_161 to %scan3A_163 step %scan3A_164  : i32 {
      %mul3A_245 = arith.constant 1 : i32
      %mul3A_246 = arith.muli %scan3A_244, %mul3A_245 : i32
      %add3A_247 = arith.constant 0 : i32
      %add3A_248 = arith.addi %add3A_247, %mul3A_246 : i32
      %mul3A_249 = arith.constant 128 : i32
      %mul3A_250 = arith.muli %add3A_248, %mul3A_249 : i32
      %add3A_251 = arith.addi %mul3A_4, %mul3A_250 : i32
      "tpu.region"() ({
        %run_scoped3A_252 = tpu.sem_alloc : memref<!tpu.dma_semaphore, #tpu.memory_space<semaphore_mem>>
        %dma_start3A_253 = tpu.memref_slice %arg19[%add3A_251] : memref<10240xf32, #tpu.memory_space<vmem_shared>> -> memref<128xf32, #tpu.memory_space<vmem_shared>>
        %dma_start3A_254 = tpu.memref_slice %arg19[%add3A_251] : memref<10240xf32, #tpu.memory_space<vmem_shared>> -> memref<128xf32, #tpu.memory_space<vmem_shared>>
        tpu.enqueue_dma source(%arg16 : memref<128xf32, #tpu.memory_space<vmem>>) target(%dma_start3A_254 : memref<128xf32, #tpu.memory_space<vmem_shared>>) target_semaphore(%run_scoped3A_252 : memref<!tpu.dma_semaphore, #tpu.memory_space<semaphore_mem>>)
        %dma_wait3A = tpu.memref_slice %arg19[%add3A_251] : memref<10240xf32, #tpu.memory_space<vmem_shared>> -> memref<128xf32, #tpu.memory_space<vmem_shared>>
        %dma_wait3A_255 = tpu.memref_slice %arg19[%add3A_251] : memref<10240xf32, #tpu.memory_space<vmem_shared>> -> memref<128xf32, #tpu.memory_space<vmem_shared>>
        tpu.wait_dma2 semaphore(%run_scoped3A_252 : memref<!tpu.dma_semaphore, #tpu.memory_space<semaphore_mem>>) src(%arg16 : memref<128xf32, #tpu.memory_space<vmem>>) dst(%dma_wait3A_255 : memref<128xf32, #tpu.memory_space<vmem_shared>>)
        tpu.yield
      }) : () -> ()
    }
    %scan3A_165 = arith.constant 5 : i32
    %dma_start3A_166 = arith.constant 0 : i32
    %dma_start3A_167 = arith.constant 0 : i32
    %dma_start3A_168 = tpu.memref_slice %arg11[%dma_start3A_166, %dma_start3A_167] : memref<40x128xi32, #tpu.memory_space<vmem>> -> memref<1x128xi32, #tpu.memory_space<vmem>>
    %dma_start3A_169 = tpu.memref_squeeze %dma_start3A_168 : memref<1x128xi32, #tpu.memory_space<vmem>> -> memref<128xi32, #tpu.memory_space<vmem>>
    %dma_start3A_170 = arith.constant 0 : i32
    %dma_start3A_171 = arith.constant 0 : i32
    %dma_start3A_172 = tpu.memref_slice %arg2[%dma_start3A_170, %dma_start3A_171] : memref<10000x128xf32, #tpu.memory_space<hbm>> -> memref<10000x128xf32, #tpu.memory_space<hbm>>
    tpu.enqueue_indirect_dma source(%dma_start3A_172 : memref<10000x128xf32, #tpu.memory_space<hbm>>) target(%arg13 : memref<128x128xf32, #tpu.memory_space<vmem>>) offsets(%dma_start3A_169 : memref<128xi32, #tpu.memory_space<vmem>>) semaphore(%arg20 : memref<!tpu.dma_semaphore, #tpu.memory_space<semaphore_mem>>)
    %dma_start3A_173 = arith.constant 1 : i32
    %dma_start3A_174 = arith.constant 0 : i32
    %dma_start3A_175 = tpu.memref_slice %arg11[%dma_start3A_173, %dma_start3A_174] : memref<40x128xi32, #tpu.memory_space<vmem>> -> memref<1x128xi32, #tpu.memory_space<vmem>>
    %dma_start3A_176 = tpu.memref_squeeze %dma_start3A_175 : memref<1x128xi32, #tpu.memory_space<vmem>> -> memref<128xi32, #tpu.memory_space<vmem>>
    %dma_start3A_177 = arith.constant 0 : i32
    %dma_start3A_178 = arith.constant 0 : i32
    %dma_start3A_179 = tpu.memref_slice %arg2[%dma_start3A_177, %dma_start3A_178] : memref<10000x128xf32, #tpu.memory_space<hbm>> -> memref<10000x128xf32, #tpu.memory_space<hbm>>
    tpu.enqueue_indirect_dma source(%dma_start3A_179 : memref<10000x128xf32, #tpu.memory_space<hbm>>) target(%arg14 : memref<128x128xf32, #tpu.memory_space<vmem>>) offsets(%dma_start3A_176 : memref<128xi32, #tpu.memory_space<vmem>>) semaphore(%arg21 : memref<!tpu.dma_semaphore, #tpu.memory_space<semaphore_mem>>)
    %barrier3A_180 = arith.constant 0 : index
    tpu.barrier barrier_id(%barrier3A_180)
    %scan3A_181 = arith.constant 0 : i32
    %scan3A_182 = arith.constant 20 : i32
    %scan3A_183 = arith.addi %scan3A_181, %scan3A_182 : i32
    %scan3A_184 = arith.constant 1 : i32
    scf.for %scan3A_244 = %scan3A_181 to %scan3A_183 step %scan3A_184  : i32 {
      %mul3A_245 = arith.constant 2 : i32
      %mul3A_246 = arith.muli %scan3A_244, %mul3A_245 : i32
      %add3A_247 = arith.constant 0 : i32
      %add3A_248 = arith.addi %add3A_247, %mul3A_246 : i32
      %dma_wait3A = arith.constant 0 : i32
      %dma_wait3A_249 = tpu.memref_slice %arg11[%add3A_248, %dma_wait3A] : memref<40x128xi32, #tpu.memory_space<vmem>> -> memref<1x128xi32, #tpu.memory_space<vmem>>
      %dma_wait3A_250 = tpu.memref_squeeze %dma_wait3A_249 : memref<1x128xi32, #tpu.memory_space<vmem>> -> memref<128xi32, #tpu.memory_space<vmem>>
      %dma_wait3A_251 = arith.constant 0 : i32
      %dma_wait3A_252 = arith.constant 0 : i32
      %dma_wait3A_253 = tpu.memref_slice %arg2[%dma_wait3A_251, %dma_wait3A_252] : memref<10000x128xf32, #tpu.memory_space<hbm>> -> memref<10000x128xf32, #tpu.memory_space<hbm>>
      tpu.wait_indirect_dma semaphore(%arg20 : memref<!tpu.dma_semaphore, #tpu.memory_space<semaphore_mem>>) src(%dma_wait3A_253 : memref<10000x128xf32, #tpu.memory_space<hbm>>) dst(%arg13 : memref<128x128xf32, #tpu.memory_space<vmem>>)
      "tpu.region"() ({
        %run_scoped3A_277 = tpu.sem_alloc : memref<!tpu.dma_semaphore, #tpu.memory_space<semaphore_mem>>
        %dma_start3A_278 = arith.constant 0 : i32
        %dma_start3A_279 = tpu.memref_slice %arg12[%add3A_248, %dma_start3A_278] : memref<40x128xi32, #tpu.memory_space<vmem>> -> memref<1x128xi32, #tpu.memory_space<vmem>>
        %dma_start3A_280 = tpu.memref_squeeze %dma_start3A_279 : memref<1x128xi32, #tpu.memory_space<vmem>> -> memref<128xi32, #tpu.memory_space<vmem>>
        %dma_start3A_281 = arith.constant 0 : i32
        %dma_start3A_282 = arith.constant 0 : i32
        %dma_start3A_283 = tpu.memref_slice %arg18[%dma_start3A_281, %dma_start3A_282] : memref<10240x128xf32, #tpu.memory_space<vmem_shared>> -> memref<10240x128xf32, #tpu.memory_space<vmem_shared>>
        tpu.enqueue_indirect_dma source(%arg13 : memref<128x128xf32, #tpu.memory_space<vmem>>) target(%dma_start3A_283 : memref<10240x128xf32, #tpu.memory_space<vmem_shared>>) offsets(%dma_start3A_280 : memref<128xi32, #tpu.memory_space<vmem>>) semaphore(%run_scoped3A_277 : memref<!tpu.dma_semaphore, #tpu.memory_space<semaphore_mem>>) {add = true}
        %dma_wait3A_284 = arith.constant 0 : i32
        %dma_wait3A_285 = tpu.memref_slice %arg12[%add3A_248, %dma_wait3A_284] : memref<40x128xi32, #tpu.memory_space<vmem>> -> memref<1x128xi32, #tpu.memory_space<vmem>>
        %dma_wait3A_286 = tpu.memref_squeeze %dma_wait3A_285 : memref<1x128xi32, #tpu.memory_space<vmem>> -> memref<128xi32, #tpu.memory_space<vmem>>
        %dma_wait3A_287 = arith.constant 0 : i32
        %dma_wait3A_288 = arith.constant 0 : i32
        %dma_wait3A_289 = tpu.memref_slice %arg18[%dma_wait3A_287, %dma_wait3A_288] : memref<10240x128xf32, #tpu.memory_space<vmem_shared>> -> memref<10240x128xf32, #tpu.memory_space<vmem_shared>>
        tpu.wait_indirect_dma semaphore(%run_scoped3A_277 : memref<!tpu.dma_semaphore, #tpu.memory_space<semaphore_mem>>) src(%arg13 : memref<128x128xf32, #tpu.memory_space<vmem>>) dst(%dma_wait3A_289 : memref<10240x128xf32, #tpu.memory_space<vmem_shared>>)
        tpu.yield
      }) : () -> ()
      "tpu.region"() ({
        %run_scoped3A_277 = tpu.sem_alloc : memref<!tpu.dma_semaphore, #tpu.memory_space<semaphore_mem>>
        %dma_start3A_278 = arith.constant 0 : i32
        %dma_start3A_279 = tpu.memref_slice %arg12[%add3A_248, %dma_start3A_278] : memref<40x128xi32, #tpu.memory_space<vmem>> -> memref<1x128xi32, #tpu.memory_space<vmem>>
        %dma_start3A_280 = tpu.memref_squeeze %dma_start3A_279 : memref<1x128xi32, #tpu.memory_space<vmem>> -> memref<128xi32, #tpu.memory_space<vmem>>
        %dma_start3A_281 = arith.constant 0 : i32
        %dma_start3A_282 = tpu.memref_slice %arg19[%dma_start3A_281] : memref<10240xf32, #tpu.memory_space<vmem_shared>> -> memref<10240xf32, #tpu.memory_space<vmem_shared>>
        tpu.enqueue_indirect_dma source(%arg17 : memref<128xf32, #tpu.memory_space<vmem>>) target(%dma_start3A_282 : memref<10240xf32, #tpu.memory_space<vmem_shared>>) offsets(%dma_start3A_280 : memref<128xi32, #tpu.memory_space<vmem>>) semaphore(%run_scoped3A_277 : memref<!tpu.dma_semaphore, #tpu.memory_space<semaphore_mem>>) {add = true}
        %dma_wait3A_283 = arith.constant 0 : i32
        %dma_wait3A_284 = tpu.memref_slice %arg12[%add3A_248, %dma_wait3A_283] : memref<40x128xi32, #tpu.memory_space<vmem>> -> memref<1x128xi32, #tpu.memory_space<vmem>>
        %dma_wait3A_285 = tpu.memref_squeeze %dma_wait3A_284 : memref<1x128xi32, #tpu.memory_space<vmem>> -> memref<128xi32, #tpu.memory_space<vmem>>
        %dma_wait3A_286 = arith.constant 0 : i32
        %dma_wait3A_287 = tpu.memref_slice %arg19[%dma_wait3A_286] : memref<10240xf32, #tpu.memory_space<vmem_shared>> -> memref<10240xf32, #tpu.memory_space<vmem_shared>>
        tpu.wait_indirect_dma semaphore(%run_scoped3A_277 : memref<!tpu.dma_semaphore, #tpu.memory_space<semaphore_mem>>) src(%arg17 : memref<128xf32, #tpu.memory_space<vmem>>) dst(%dma_wait3A_287 : memref<10240xf32, #tpu.memory_space<vmem_shared>>)
        tpu.yield
      }) : () -> ()
      %add3A_254 = arith.constant 2 : i32
      %add3A_255 = arith.addi %add3A_248, %add3A_254 : i32
      %lt3A = arith.constant 40 : i32
      %lt3A_256 = arith.cmpi slt, %add3A_255, %lt3A : i32
      %convert_element_type3A = arith.extui %lt3A_256 : i1 to i32
      %cond3A = arith.constant 0 : i32
      %cond3A_257 = arith.cmpi ne, %convert_element_type3A, %cond3A : i32
      scf.if %cond3A_257 {
        %add3A_277 = arith.constant 2 : i32
        %add3A_278 = arith.addi %add3A_248, %add3A_277 : i32
        %dma_start3A_279 = arith.constant 0 : i32
        %dma_start3A_280 = tpu.memref_slice %arg11[%add3A_278, %dma_start3A_279] : memref<40x128xi32, #tpu.memory_space<vmem>> -> memref<1x128xi32, #tpu.memory_space<vmem>>
        %dma_start3A_281 = tpu.memref_squeeze %dma_start3A_280 : memref<1x128xi32, #tpu.memory_space<vmem>> -> memref<128xi32, #tpu.memory_space<vmem>>
        %dma_start3A_282 = arith.constant 0 : i32
        %dma_start3A_283 = arith.constant 0 : i32
        %dma_start3A_284 = tpu.memref_slice %arg2[%dma_start3A_282, %dma_start3A_283] : memref<10000x128xf32, #tpu.memory_space<hbm>> -> memref<10000x128xf32, #tpu.memory_space<hbm>>
        tpu.enqueue_indirect_dma source(%dma_start3A_284 : memref<10000x128xf32, #tpu.memory_space<hbm>>) target(%arg13 : memref<128x128xf32, #tpu.memory_space<vmem>>) offsets(%dma_start3A_281 : memref<128xi32, #tpu.memory_space<vmem>>) semaphore(%arg20 : memref<!tpu.dma_semaphore, #tpu.memory_space<semaphore_mem>>)
      } else {
      }
      %add3A_258 = arith.constant 1 : i32
      %add3A_259 = arith.addi %add3A_248, %add3A_258 : i32
      %dma_wait3A_260 = arith.constant 0 : i32
      %dma_wait3A_261 = tpu.memref_slice %arg11[%add3A_259, %dma_wait3A_260] : memref<40x128xi32, #tpu.memory_space<vmem>> -> memref<1x128xi32, #tpu.memory_space<vmem>>
      %dma_wait3A_262 = tpu.memref_squeeze %dma_wait3A_261 : memref<1x128xi32, #tpu.memory_space<vmem>> -> memref<128xi32, #tpu.memory_space<vmem>>
      %dma_wait3A_263 = arith.constant 0 : i32
      %dma_wait3A_264 = arith.constant 0 : i32
      %dma_wait3A_265 = tpu.memref_slice %arg2[%dma_wait3A_263, %dma_wait3A_264] : memref<10000x128xf32, #tpu.memory_space<hbm>> -> memref<10000x128xf32, #tpu.memory_space<hbm>>
      tpu.wait_indirect_dma semaphore(%arg21 : memref<!tpu.dma_semaphore, #tpu.memory_space<semaphore_mem>>) src(%dma_wait3A_265 : memref<10000x128xf32, #tpu.memory_space<hbm>>) dst(%arg14 : memref<128x128xf32, #tpu.memory_space<vmem>>)
      %add3A_266 = arith.constant 1 : i32
      %add3A_267 = arith.addi %add3A_248, %add3A_266 : i32
      "tpu.region"() ({
        %run_scoped3A_277 = tpu.sem_alloc : memref<!tpu.dma_semaphore, #tpu.memory_space<semaphore_mem>>
        %dma_start3A_278 = arith.constant 0 : i32
        %dma_start3A_279 = tpu.memref_slice %arg12[%add3A_267, %dma_start3A_278] : memref<40x128xi32, #tpu.memory_space<vmem>> -> memref<1x128xi32, #tpu.memory_space<vmem>>
        %dma_start3A_280 = tpu.memref_squeeze %dma_start3A_279 : memref<1x128xi32, #tpu.memory_space<vmem>> -> memref<128xi32, #tpu.memory_space<vmem>>
        %dma_start3A_281 = arith.constant 0 : i32
        %dma_start3A_282 = arith.constant 0 : i32
        %dma_start3A_283 = tpu.memref_slice %arg18[%dma_start3A_281, %dma_start3A_282] : memref<10240x128xf32, #tpu.memory_space<vmem_shared>> -> memref<10240x128xf32, #tpu.memory_space<vmem_shared>>
        tpu.enqueue_indirect_dma source(%arg14 : memref<128x128xf32, #tpu.memory_space<vmem>>) target(%dma_start3A_283 : memref<10240x128xf32, #tpu.memory_space<vmem_shared>>) offsets(%dma_start3A_280 : memref<128xi32, #tpu.memory_space<vmem>>) semaphore(%run_scoped3A_277 : memref<!tpu.dma_semaphore, #tpu.memory_space<semaphore_mem>>) {add = true}
        %dma_wait3A_284 = arith.constant 0 : i32
        %dma_wait3A_285 = tpu.memref_slice %arg12[%add3A_267, %dma_wait3A_284] : memref<40x128xi32, #tpu.memory_space<vmem>> -> memref<1x128xi32, #tpu.memory_space<vmem>>
        %dma_wait3A_286 = tpu.memref_squeeze %dma_wait3A_285 : memref<1x128xi32, #tpu.memory_space<vmem>> -> memref<128xi32, #tpu.memory_space<vmem>>
        %dma_wait3A_287 = arith.constant 0 : i32
        %dma_wait3A_288 = arith.constant 0 : i32
        %dma_wait3A_289 = tpu.memref_slice %arg18[%dma_wait3A_287, %dma_wait3A_288] : memref<10240x128xf32, #tpu.memory_space<vmem_shared>> -> memref<10240x128xf32, #tpu.memory_space<vmem_shared>>
        tpu.wait_indirect_dma semaphore(%run_scoped3A_277 : memref<!tpu.dma_semaphore, #tpu.memory_space<semaphore_mem>>) src(%arg14 : memref<128x128xf32, #tpu.memory_space<vmem>>) dst(%dma_wait3A_289 : memref<10240x128xf32, #tpu.memory_space<vmem_shared>>)
        tpu.yield
      }) : () -> ()
      %add3A_268 = arith.constant 1 : i32
      %add3A_269 = arith.addi %add3A_248, %add3A_268 : i32
      "tpu.region"() ({
        %run_scoped3A_277 = tpu.sem_alloc : memref<!tpu.dma_semaphore, #tpu.memory_space<semaphore_mem>>
        %dma_start3A_278 = arith.constant 0 : i32
        %dma_start3A_279 = tpu.memref_slice %arg12[%add3A_269, %dma_start3A_278] : memref<40x128xi32, #tpu.memory_space<vmem>> -> memref<1x128xi32, #tpu.memory_space<vmem>>
        %dma_start3A_280 = tpu.memref_squeeze %dma_start3A_279 : memref<1x128xi32, #tpu.memory_space<vmem>> -> memref<128xi32, #tpu.memory_space<vmem>>
        %dma_start3A_281 = arith.constant 0 : i32
        %dma_start3A_282 = tpu.memref_slice %arg19[%dma_start3A_281] : memref<10240xf32, #tpu.memory_space<vmem_shared>> -> memref<10240xf32, #tpu.memory_space<vmem_shared>>
        tpu.enqueue_indirect_dma source(%arg17 : memref<128xf32, #tpu.memory_space<vmem>>) target(%dma_start3A_282 : memref<10240xf32, #tpu.memory_space<vmem_shared>>) offsets(%dma_start3A_280 : memref<128xi32, #tpu.memory_space<vmem>>) semaphore(%run_scoped3A_277 : memref<!tpu.dma_semaphore, #tpu.memory_space<semaphore_mem>>) {add = true}
        %dma_wait3A_283 = arith.constant 0 : i32
        %dma_wait3A_284 = tpu.memref_slice %arg12[%add3A_269, %dma_wait3A_283] : memref<40x128xi32, #tpu.memory_space<vmem>> -> memref<1x128xi32, #tpu.memory_space<vmem>>
        %dma_wait3A_285 = tpu.memref_squeeze %dma_wait3A_284 : memref<1x128xi32, #tpu.memory_space<vmem>> -> memref<128xi32, #tpu.memory_space<vmem>>
        %dma_wait3A_286 = arith.constant 0 : i32
        %dma_wait3A_287 = tpu.memref_slice %arg19[%dma_wait3A_286] : memref<10240xf32, #tpu.memory_space<vmem_shared>> -> memref<10240xf32, #tpu.memory_space<vmem_shared>>
        tpu.wait_indirect_dma semaphore(%run_scoped3A_277 : memref<!tpu.dma_semaphore, #tpu.memory_space<semaphore_mem>>) src(%arg17 : memref<128xf32, #tpu.memory_space<vmem>>) dst(%dma_wait3A_287 : memref<10240xf32, #tpu.memory_space<vmem_shared>>)
        tpu.yield
      }) : () -> ()
      %add3A_270 = arith.constant 3 : i32
      %add3A_271 = arith.addi %add3A_248, %add3A_270 : i32
      %lt3A_272 = arith.constant 40 : i32
      %lt3A_273 = arith.cmpi slt, %add3A_271, %lt3A_272 : i32
      %convert_element_type3A_274 = arith.extui %lt3A_273 : i1 to i32
      %cond3A_275 = arith.constant 0 : i32
      %cond3A_276 = arith.cmpi ne, %convert_element_type3A_274, %cond3A_275 : i32
      scf.if %cond3A_276 {
        %add3A_277 = arith.constant 3 : i32
        %add3A_278 = arith.addi %add3A_248, %add3A_277 : i32
        %dma_start3A_279 = arith.constant 0 : i32
        %dma_start3A_280 = tpu.memref_slice %arg11[%add3A_278, %dma_start3A_279] : memref<40x128xi32, #tpu.memory_space<vmem>> -> memref<1x128xi32, #tpu.memory_space<vmem>>
        %dma_start3A_281 = tpu.memref_squeeze %dma_start3A_280 : memref<1x128xi32, #tpu.memory_space<vmem>> -> memref<128xi32, #tpu.memory_space<vmem>>
        %dma_start3A_282 = arith.constant 0 : i32
        %dma_start3A_283 = arith.constant 0 : i32
        %dma_start3A_284 = tpu.memref_slice %arg2[%dma_start3A_282, %dma_start3A_283] : memref<10000x128xf32, #tpu.memory_space<hbm>> -> memref<10000x128xf32, #tpu.memory_space<hbm>>
        tpu.enqueue_indirect_dma source(%dma_start3A_284 : memref<10000x128xf32, #tpu.memory_space<hbm>>) target(%arg14 : memref<128x128xf32, #tpu.memory_space<vmem>>) offsets(%dma_start3A_281 : memref<128xi32, #tpu.memory_space<vmem>>) semaphore(%arg21 : memref<!tpu.dma_semaphore, #tpu.memory_space<semaphore_mem>>)
      } else {
      }
    }
    %scan3A_185 = arith.constant 20 : i32
    %barrier3A_186 = arith.constant 0 : index
    tpu.barrier barrier_id(%barrier3A_186)
    %run_scoped3A_187 = arith.constant 1 : i32
    "tpu.region"() ({
      %run_scoped3A_244 = tpu.sem_alloc : memref<!tpu.dma_semaphore, #tpu.memory_space<semaphore_mem>>
      %dma_start3A_245 = arith.constant 0 : i32
      %dma_start3A_246 = tpu.memref_slice %arg9[%arg0, %run_scoped3A_187, %mul3A_2, %dma_start3A_245] : memref<2x3x10240x128xf32, #tpu.memory_space<hbm>> -> memref<1x1x640x128xf32, #tpu.memory_space<hbm>>
      %dma_start3A_247 = tpu.memref_squeeze %dma_start3A_246 : memref<1x1x640x128xf32, #tpu.memory_space<hbm>> -> memref<640x128xf32, #tpu.memory_space<hbm>>
      %dma_start3A_248 = arith.constant 0 : i32
      %dma_start3A_249 = tpu.memref_slice %arg18[%mul3A_2, %dma_start3A_248] : memref<10240x128xf32, #tpu.memory_space<vmem_shared>> -> memref<640x128xf32, #tpu.memory_space<vmem_shared>>
      tpu.enqueue_dma source(%dma_start3A_249 : memref<640x128xf32, #tpu.memory_space<vmem_shared>>) target(%dma_start3A_247 : memref<640x128xf32, #tpu.memory_space<hbm>>) target_semaphore(%run_scoped3A_244 : memref<!tpu.dma_semaphore, #tpu.memory_space<semaphore_mem>>)
      %dma_wait3A = arith.constant 0 : i32
      %dma_wait3A_250 = tpu.memref_slice %arg9[%arg0, %run_scoped3A_187, %mul3A_2, %dma_wait3A] : memref<2x3x10240x128xf32, #tpu.memory_space<hbm>> -> memref<1x1x640x128xf32, #tpu.memory_space<hbm>>
      %dma_wait3A_251 = tpu.memref_squeeze %dma_wait3A_250 : memref<1x1x640x128xf32, #tpu.memory_space<hbm>> -> memref<640x128xf32, #tpu.memory_space<hbm>>
      %dma_wait3A_252 = arith.constant 0 : i32
      %dma_wait3A_253 = tpu.memref_slice %arg18[%mul3A_2, %dma_wait3A_252] : memref<10240x128xf32, #tpu.memory_space<vmem_shared>> -> memref<640x128xf32, #tpu.memory_space<vmem_shared>>
      tpu.wait_dma2 semaphore(%run_scoped3A_244 : memref<!tpu.dma_semaphore, #tpu.memory_space<semaphore_mem>>) src(%dma_wait3A_253 : memref<640x128xf32, #tpu.memory_space<vmem_shared>>) dst(%dma_wait3A_251 : memref<640x128xf32, #tpu.memory_space<hbm>>)
      tpu.yield
    }) : () -> ()
    %mul3A_188 = arith.constant 3 : i32
    %mul3A_189 = arith.muli %arg0, %mul3A_188 : i32
    %add3A_190 = arith.constant 1 : i32
    %add3A_191 = arith.addi %mul3A_189, %add3A_190 : i32
    %mul3A_192 = arith.constant 10240 : i32
    %mul3A_193 = arith.muli %add3A_191, %mul3A_192 : i32
    %add3A_194 = arith.addi %mul3A_193, %mul3A_4 : i32
    "tpu.region"() ({
      %run_scoped3A_244 = tpu.sem_alloc : memref<!tpu.dma_semaphore, #tpu.memory_space<semaphore_mem>>
      %dma_start3A_245 = tpu.memref_slice %arg10[%add3A_194] : memref<61440xf32, #tpu.memory_space<hbm>> -> memref<640xf32, #tpu.memory_space<hbm>>
      %dma_start3A_246 = tpu.memref_slice %arg19[%mul3A_4] : memref<10240xf32, #tpu.memory_space<vmem_shared>> -> memref<640xf32, #tpu.memory_space<vmem_shared>>
      tpu.enqueue_dma source(%dma_start3A_246 : memref<640xf32, #tpu.memory_space<vmem_shared>>) target(%dma_start3A_245 : memref<640xf32, #tpu.memory_space<hbm>>) target_semaphore(%run_scoped3A_244 : memref<!tpu.dma_semaphore, #tpu.memory_space<semaphore_mem>>)
      %dma_wait3A = tpu.memref_slice %arg10[%add3A_194] : memref<61440xf32, #tpu.memory_space<hbm>> -> memref<640xf32, #tpu.memory_space<hbm>>
      %dma_wait3A_247 = tpu.memref_slice %arg19[%mul3A_4] : memref<10240xf32, #tpu.memory_space<vmem_shared>> -> memref<640xf32, #tpu.memory_space<vmem_shared>>
      tpu.wait_dma2 semaphore(%run_scoped3A_244 : memref<!tpu.dma_semaphore, #tpu.memory_space<semaphore_mem>>) src(%dma_wait3A_247 : memref<640xf32, #tpu.memory_space<vmem_shared>>) dst(%dma_wait3A : memref<640xf32, #tpu.memory_space<hbm>>)
      tpu.yield
    }) : () -> ()
    "tpu.region"() ({
      %run_scoped3A_244 = tpu.sem_alloc : memref<!tpu.dma_semaphore, #tpu.memory_space<semaphore_mem>>
      %dma_start3A_245 = arith.constant 0 : i32
      %dma_start3A_246 = tpu.memref_slice %arg7[%mul3A_6, %dma_start3A_245] : memref<1280x128xi32, #tpu.memory_space<hbm>> -> memref<40x128xi32, #tpu.memory_space<hbm>>
      %dma_start3A_247 = arith.constant 0 : i32
      %dma_start3A_248 = tpu.memref_slice %arg7[%mul3A_6, %dma_start3A_247] : memref<1280x128xi32, #tpu.memory_space<hbm>> -> memref<40x128xi32, #tpu.memory_space<hbm>>
      tpu.enqueue_dma source(%dma_start3A_248 : memref<40x128xi32, #tpu.memory_space<hbm>>) target(%arg11 : memref<40x128xi32, #tpu.memory_space<vmem>>) target_semaphore(%run_scoped3A_244 : memref<!tpu.dma_semaphore, #tpu.memory_space<semaphore_mem>>)
      %dma_wait3A = arith.constant 0 : i32
      %dma_wait3A_249 = tpu.memref_slice %arg7[%mul3A_6, %dma_wait3A] : memref<1280x128xi32, #tpu.memory_space<hbm>> -> memref<40x128xi32, #tpu.memory_space<hbm>>
      %dma_wait3A_250 = arith.constant 0 : i32
      %dma_wait3A_251 = tpu.memref_slice %arg7[%mul3A_6, %dma_wait3A_250] : memref<1280x128xi32, #tpu.memory_space<hbm>> -> memref<40x128xi32, #tpu.memory_space<hbm>>
      tpu.wait_dma2 semaphore(%run_scoped3A_244 : memref<!tpu.dma_semaphore, #tpu.memory_space<semaphore_mem>>) src(%dma_wait3A_251 : memref<40x128xi32, #tpu.memory_space<hbm>>) dst(%arg11 : memref<40x128xi32, #tpu.memory_space<vmem>>)
      tpu.yield
    }) : () -> ()
    "tpu.region"() ({
      %run_scoped3A_244 = tpu.sem_alloc : memref<!tpu.dma_semaphore, #tpu.memory_space<semaphore_mem>>
      %dma_start3A_245 = arith.constant 0 : i32
      %dma_start3A_246 = tpu.memref_slice %arg8[%mul3A_6, %dma_start3A_245] : memref<1280x128xi32, #tpu.memory_space<hbm>> -> memref<40x128xi32, #tpu.memory_space<hbm>>
      %dma_start3A_247 = arith.constant 0 : i32
      %dma_start3A_248 = tpu.memref_slice %arg8[%mul3A_6, %dma_start3A_247] : memref<1280x128xi32, #tpu.memory_space<hbm>> -> memref<40x128xi32, #tpu.memory_space<hbm>>
      tpu.enqueue_dma source(%dma_start3A_248 : memref<40x128xi32, #tpu.memory_space<hbm>>) target(%arg12 : memref<40x128xi32, #tpu.memory_space<vmem>>) target_semaphore(%run_scoped3A_244 : memref<!tpu.dma_semaphore, #tpu.memory_space<semaphore_mem>>)
      %dma_wait3A = arith.constant 0 : i32
      %dma_wait3A_249 = tpu.memref_slice %arg8[%mul3A_6, %dma_wait3A] : memref<1280x128xi32, #tpu.memory_space<hbm>> -> memref<40x128xi32, #tpu.memory_space<hbm>>
      %dma_wait3A_250 = arith.constant 0 : i32
      %dma_wait3A_251 = tpu.memref_slice %arg8[%mul3A_6, %dma_wait3A_250] : memref<1280x128xi32, #tpu.memory_space<hbm>> -> memref<40x128xi32, #tpu.memory_space<hbm>>
      tpu.wait_dma2 semaphore(%run_scoped3A_244 : memref<!tpu.dma_semaphore, #tpu.memory_space<semaphore_mem>>) src(%dma_wait3A_251 : memref<40x128xi32, #tpu.memory_space<hbm>>) dst(%arg12 : memref<40x128xi32, #tpu.memory_space<vmem>>)
      tpu.yield
    }) : () -> ()
    %scan3A_195 = arith.constant 0 : i32
    %scan3A_196 = arith.constant 32 : i32
    %scan3A_197 = arith.addi %scan3A_195, %scan3A_196 : i32
    %scan3A_198 = arith.constant 1 : i32
    scf.for %scan3A_244 = %scan3A_195 to %scan3A_197 step %scan3A_198  : i32 {
      %mul3A_245 = arith.constant 1 : i32
      %mul3A_246 = arith.muli %scan3A_244, %mul3A_245 : i32
      %add3A_247 = arith.constant 0 : i32
      %add3A_248 = arith.addi %add3A_247, %mul3A_246 : i32
      %broadcast_in_dim3A_249 = arith.constant 0.000000e+00 : f32
      %broadcast_in_dim3A_250 = vector.broadcast %broadcast_in_dim3A_249 : f32 to vector<16xf32>
      %swap3A_251 = arith.index_cast %add3A_248 : i32 to index
      %swap3A_252 = arith.constant 0 : index
      %swap3A_253 = tpu.vector_load %arg15[%swap3A_251, %swap3A_252] {strides = array<i32>} : memref<32x128xf32, #tpu.memory_space<vmem>>, vector<1x16xf32>,
      %swap3A_254 = vector.shape_cast %swap3A_253 : vector<1x16xf32> to vector<16xf32>
      %swap3A_255 = vector.shape_cast %broadcast_in_dim3A_250 : vector<16xf32> to vector<1x16xf32>
      tpu.vector_store %arg15[%swap3A_251, %swap3A_252], %swap3A_255 {strides = array<i32>} : memref<32x128xf32, #tpu.memory_space<vmem>>, vector<1x16xf32>,
      %broadcast_in_dim3A_256 = arith.constant 0.000000e+00 : f32
      %broadcast_in_dim3A_257 = vector.broadcast %broadcast_in_dim3A_256 : f32 to vector<16xf32>
      %swap3A_258 = arith.index_cast %add3A_248 : i32 to index
      %swap3A_259 = arith.constant 16 : index
      %swap3A_260 = tpu.vector_load %arg15[%swap3A_258, %swap3A_259] {strides = array<i32>} : memref<32x128xf32, #tpu.memory_space<vmem>>, vector<1x16xf32>,
      %swap3A_261 = vector.shape_cast %swap3A_260 : vector<1x16xf32> to vector<16xf32>
      %swap3A_262 = vector.shape_cast %broadcast_in_dim3A_257 : vector<16xf32> to vector<1x16xf32>
      tpu.vector_store %arg15[%swap3A_258, %swap3A_259], %swap3A_262 {strides = array<i32>} : memref<32x128xf32, #tpu.memory_space<vmem>>, vector<1x16xf32>,
      %broadcast_in_dim3A_263 = arith.constant 0.000000e+00 : f32
      %broadcast_in_dim3A_264 = vector.broadcast %broadcast_in_dim3A_263 : f32 to vector<16xf32>
      %swap3A_265 = arith.index_cast %add3A_248 : i32 to index
      %swap3A_266 = arith.constant 32 : index
      %swap3A_267 = tpu.vector_load %arg15[%swap3A_265, %swap3A_266] {strides = array<i32>} : memref<32x128xf32, #tpu.memory_space<vmem>>, vector<1x16xf32>,
      %swap3A_268 = vector.shape_cast %swap3A_267 : vector<1x16xf32> to vector<16xf32>
      %swap3A_269 = vector.shape_cast %broadcast_in_dim3A_264 : vector<16xf32> to vector<1x16xf32>
      tpu.vector_store %arg15[%swap3A_265, %swap3A_266], %swap3A_269 {strides = array<i32>} : memref<32x128xf32, #tpu.memory_space<vmem>>, vector<1x16xf32>,
      %broadcast_in_dim3A_270 = arith.constant 0.000000e+00 : f32
      %broadcast_in_dim3A_271 = vector.broadcast %broadcast_in_dim3A_270 : f32 to vector<16xf32>
      %swap3A_272 = arith.index_cast %add3A_248 : i32 to index
      %swap3A_273 = arith.constant 48 : index
      %swap3A_274 = tpu.vector_load %arg15[%swap3A_272, %swap3A_273] {strides = array<i32>} : memref<32x128xf32, #tpu.memory_space<vmem>>, vector<1x16xf32>,
      %swap3A_275 = vector.shape_cast %swap3A_274 : vector<1x16xf32> to vector<16xf32>
      %swap3A_276 = vector.shape_cast %broadcast_in_dim3A_271 : vector<16xf32> to vector<1x16xf32>
      tpu.vector_store %arg15[%swap3A_272, %swap3A_273], %swap3A_276 {strides = array<i32>} : memref<32x128xf32, #tpu.memory_space<vmem>>, vector<1x16xf32>,
      %broadcast_in_dim3A_277 = arith.constant 0.000000e+00 : f32
      %broadcast_in_dim3A_278 = vector.broadcast %broadcast_in_dim3A_277 : f32 to vector<16xf32>
      %swap3A_279 = arith.index_cast %add3A_248 : i32 to index
      %swap3A_280 = arith.constant 64 : index
      %swap3A_281 = tpu.vector_load %arg15[%swap3A_279, %swap3A_280] {strides = array<i32>} : memref<32x128xf32, #tpu.memory_space<vmem>>, vector<1x16xf32>,
      %swap3A_282 = vector.shape_cast %swap3A_281 : vector<1x16xf32> to vector<16xf32>
      %swap3A_283 = vector.shape_cast %broadcast_in_dim3A_278 : vector<16xf32> to vector<1x16xf32>
      tpu.vector_store %arg15[%swap3A_279, %swap3A_280], %swap3A_283 {strides = array<i32>} : memref<32x128xf32, #tpu.memory_space<vmem>>, vector<1x16xf32>,
      %broadcast_in_dim3A_284 = arith.constant 0.000000e+00 : f32
      %broadcast_in_dim3A_285 = vector.broadcast %broadcast_in_dim3A_284 : f32 to vector<16xf32>
      %swap3A_286 = arith.index_cast %add3A_248 : i32 to index
      %swap3A_287 = arith.constant 80 : index
      %swap3A_288 = tpu.vector_load %arg15[%swap3A_286, %swap3A_287] {strides = array<i32>} : memref<32x128xf32, #tpu.memory_space<vmem>>, vector<1x16xf32>,
      %swap3A_289 = vector.shape_cast %swap3A_288 : vector<1x16xf32> to vector<16xf32>
      %swap3A_290 = vector.shape_cast %broadcast_in_dim3A_285 : vector<16xf32> to vector<1x16xf32>
      tpu.vector_store %arg15[%swap3A_286, %swap3A_287], %swap3A_290 {strides = array<i32>} : memref<32x128xf32, #tpu.memory_space<vmem>>, vector<1x16xf32>,
      %broadcast_in_dim3A_291 = arith.constant 0.000000e+00 : f32
      %broadcast_in_dim3A_292 = vector.broadcast %broadcast_in_dim3A_291 : f32 to vector<16xf32>
      %swap3A_293 = arith.index_cast %add3A_248 : i32 to index
      %swap3A_294 = arith.constant 96 : index
      %swap3A_295 = tpu.vector_load %arg15[%swap3A_293, %swap3A_294] {strides = array<i32>} : memref<32x128xf32, #tpu.memory_space<vmem>>, vector<1x16xf32>,
      %swap3A_296 = vector.shape_cast %swap3A_295 : vector<1x16xf32> to vector<16xf32>
      %swap3A_297 = vector.shape_cast %broadcast_in_dim3A_292 : vector<16xf32> to vector<1x16xf32>
      tpu.vector_store %arg15[%swap3A_293, %swap3A_294], %swap3A_297 {strides = array<i32>} : memref<32x128xf32, #tpu.memory_space<vmem>>, vector<1x16xf32>,
      %broadcast_in_dim3A_298 = arith.constant 0.000000e+00 : f32
      %broadcast_in_dim3A_299 = vector.broadcast %broadcast_in_dim3A_298 : f32 to vector<16xf32>
      %swap3A_300 = arith.index_cast %add3A_248 : i32 to index
      %swap3A_301 = arith.constant 112 : index
      %swap3A_302 = tpu.vector_load %arg15[%swap3A_300, %swap3A_301] {strides = array<i32>} : memref<32x128xf32, #tpu.memory_space<vmem>>, vector<1x16xf32>,
      %swap3A_303 = vector.shape_cast %swap3A_302 : vector<1x16xf32> to vector<16xf32>
      %swap3A_304 = vector.shape_cast %broadcast_in_dim3A_299 : vector<16xf32> to vector<1x16xf32>
      tpu.vector_store %arg15[%swap3A_300, %swap3A_301], %swap3A_304 {strides = array<i32>} : memref<32x128xf32, #tpu.memory_space<vmem>>, vector<1x16xf32>,
    }
    %scan3A_199 = arith.constant 32 : i32
    %scan3A_200 = arith.constant 0 : i32
    %scan3A_201 = arith.constant 20 : i32
    %scan3A_202 = arith.addi %scan3A_200, %scan3A_201 : i32
    %scan3A_203 = arith.constant 1 : i32
    scf.for %scan3A_244 = %scan3A_200 to %scan3A_202 step %scan3A_203  : i32 {
      %mul3A_245 = arith.constant 1 : i32
      %mul3A_246 = arith.muli %scan3A_244, %mul3A_245 : i32
      %add3A_247 = arith.constant 0 : i32
      %add3A_248 = arith.addi %add3A_247, %mul3A_246 : i32
      %mul3A_249 = arith.constant 32 : i32
      %mul3A_250 = arith.muli %add3A_248, %mul3A_249 : i32
      %add3A_251 = arith.addi %mul3A_2, %mul3A_250 : i32
      %dma_start3A_252 = arith.constant 0 : i32
      %dma_start3A_253 = tpu.memref_slice %arg18[%add3A_251, %dma_start3A_252] : memref<10240x128xf32, #tpu.memory_space<vmem_shared>> -> memref<32x128xf32, #tpu.memory_space<vmem_shared>>
      %dma_start3A_254 = arith.constant 0 : i32
      %dma_start3A_255 = tpu.memref_slice %arg18[%add3A_251, %dma_start3A_254] : memref<10240x128xf32, #tpu.memory_space<vmem_shared>> -> memref<32x128xf32, #tpu.memory_space<vmem_shared>>
      tpu.enqueue_dma source(%arg15 : memref<32x128xf32, #tpu.memory_space<vmem>>) target(%dma_start3A_255 : memref<32x128xf32, #tpu.memory_space<vmem_shared>>) target_semaphore(%arg20 : memref<!tpu.dma_semaphore, #tpu.memory_space<semaphore_mem>>)
    }
    %scan3A_204 = arith.constant 20 : i32
    %scan3A_205 = arith.constant 0 : i32
    %scan3A_206 = arith.constant 20 : i32
    %scan3A_207 = arith.addi %scan3A_205, %scan3A_206 : i32
    %scan3A_208 = arith.constant 1 : i32
    scf.for %scan3A_244 = %scan3A_205 to %scan3A_207 step %scan3A_208  : i32 {
      %mul3A_245 = arith.constant 1 : i32
      %mul3A_246 = arith.muli %scan3A_244, %mul3A_245 : i32
      %add3A_247 = arith.constant 0 : i32
      %add3A_248 = arith.addi %add3A_247, %mul3A_246 : i32
      %dma_wait3A = arith.constant 0 : i32
      %dma_wait3A_249 = tpu.memref_slice %arg18[%mul3A_2, %dma_wait3A] : memref<10240x128xf32, #tpu.memory_space<vmem_shared>> -> memref<32x128xf32, #tpu.memory_space<vmem_shared>>
      %dma_wait3A_250 = arith.constant 0 : i32
      %dma_wait3A_251 = tpu.memref_slice %arg18[%mul3A_2, %dma_wait3A_250] : memref<10240x128xf32, #tpu.memory_space<vmem_shared>> -> memref<32x128xf32, #tpu.memory_space<vmem_shared>>
      tpu.wait_dma2 semaphore(%arg20 : memref<!tpu.dma_semaphore, #tpu.memory_space<semaphore_mem>>) src(%arg15 : memref<32x128xf32, #tpu.memory_space<vmem>>) dst(%dma_wait3A_251 : memref<32x128xf32, #tpu.memory_space<vmem_shared>>)
    }
    %scan3A_209 = arith.constant 20 : i32
    %scan3A_210 = arith.constant 0 : i32
    %scan3A_211 = arith.constant 5 : i32
    %scan3A_212 = arith.addi %scan3A_210, %scan3A_211 : i32
    %scan3A_213 = arith.constant 1 : i32
    scf.for %scan3A_244 = %scan3A_210 to %scan3A_212 step %scan3A_213  : i32 {
      %mul3A_245 = arith.constant 1 : i32
      %mul3A_246 = arith.muli %scan3A_244, %mul3A_245 : i32
      %add3A_247 = arith.constant 0 : i32
      %add3A_248 = arith.addi %add3A_247, %mul3A_246 : i32
      %mul3A_249 = arith.constant 128 : i32
      %mul3A_250 = arith.muli %add3A_248, %mul3A_249 : i32
      %add3A_251 = arith.addi %mul3A_4, %mul3A_250 : i32
      "tpu.region"() ({
        %run_scoped3A_252 = tpu.sem_alloc : memref<!tpu.dma_semaphore, #tpu.memory_space<semaphore_mem>>
        %dma_start3A_253 = tpu.memref_slice %arg19[%add3A_251] : memref<10240xf32, #tpu.memory_space<vmem_shared>> -> memref<128xf32, #tpu.memory_space<vmem_shared>>
        %dma_start3A_254 = tpu.memref_slice %arg19[%add3A_251] : memref<10240xf32, #tpu.memory_space<vmem_shared>> -> memref<128xf32, #tpu.memory_space<vmem_shared>>
        tpu.enqueue_dma source(%arg16 : memref<128xf32, #tpu.memory_space<vmem>>) target(%dma_start3A_254 : memref<128xf32, #tpu.memory_space<vmem_shared>>) target_semaphore(%run_scoped3A_252 : memref<!tpu.dma_semaphore, #tpu.memory_space<semaphore_mem>>)
        %dma_wait3A = tpu.memref_slice %arg19[%add3A_251] : memref<10240xf32, #tpu.memory_space<vmem_shared>> -> memref<128xf32, #tpu.memory_space<vmem_shared>>
        %dma_wait3A_255 = tpu.memref_slice %arg19[%add3A_251] : memref<10240xf32, #tpu.memory_space<vmem_shared>> -> memref<128xf32, #tpu.memory_space<vmem_shared>>
        tpu.wait_dma2 semaphore(%run_scoped3A_252 : memref<!tpu.dma_semaphore, #tpu.memory_space<semaphore_mem>>) src(%arg16 : memref<128xf32, #tpu.memory_space<vmem>>) dst(%dma_wait3A_255 : memref<128xf32, #tpu.memory_space<vmem_shared>>)
        tpu.yield
      }) : () -> ()
    }
    %scan3A_214 = arith.constant 5 : i32
    %dma_start3A_215 = arith.constant 0 : i32
    %dma_start3A_216 = arith.constant 0 : i32
    %dma_start3A_217 = tpu.memref_slice %arg11[%dma_start3A_215, %dma_start3A_216] : memref<40x128xi32, #tpu.memory_space<vmem>> -> memref<1x128xi32, #tpu.memory_space<vmem>>
    %dma_start3A_218 = tpu.memref_squeeze %dma_start3A_217 : memref<1x128xi32, #tpu.memory_space<vmem>> -> memref<128xi32, #tpu.memory_space<vmem>>
    %dma_start3A_219 = arith.constant 0 : i32
    %dma_start3A_220 = arith.constant 0 : i32
    %dma_start3A_221 = tpu.memref_slice %arg2[%dma_start3A_219, %dma_start3A_220] : memref<10000x128xf32, #tpu.memory_space<hbm>> -> memref<10000x128xf32, #tpu.memory_space<hbm>>
    tpu.enqueue_indirect_dma source(%dma_start3A_221 : memref<10000x128xf32, #tpu.memory_space<hbm>>) target(%arg13 : memref<128x128xf32, #tpu.memory_space<vmem>>) offsets(%dma_start3A_218 : memref<128xi32, #tpu.memory_space<vmem>>) semaphore(%arg20 : memref<!tpu.dma_semaphore, #tpu.memory_space<semaphore_mem>>)
    %dma_start3A_222 = arith.constant 1 : i32
    %dma_start3A_223 = arith.constant 0 : i32
    %dma_start3A_224 = tpu.memref_slice %arg11[%dma_start3A_222, %dma_start3A_223] : memref<40x128xi32, #tpu.memory_space<vmem>> -> memref<1x128xi32, #tpu.memory_space<vmem>>
    %dma_start3A_225 = tpu.memref_squeeze %dma_start3A_224 : memref<1x128xi32, #tpu.memory_space<vmem>> -> memref<128xi32, #tpu.memory_space<vmem>>
    %dma_start3A_226 = arith.constant 0 : i32
    %dma_start3A_227 = arith.constant 0 : i32
    %dma_start3A_228 = tpu.memref_slice %arg2[%dma_start3A_226, %dma_start3A_227] : memref<10000x128xf32, #tpu.memory_space<hbm>> -> memref<10000x128xf32, #tpu.memory_space<hbm>>
    tpu.enqueue_indirect_dma source(%dma_start3A_228 : memref<10000x128xf32, #tpu.memory_space<hbm>>) target(%arg14 : memref<128x128xf32, #tpu.memory_space<vmem>>) offsets(%dma_start3A_225 : memref<128xi32, #tpu.memory_space<vmem>>) semaphore(%arg21 : memref<!tpu.dma_semaphore, #tpu.memory_space<semaphore_mem>>)
    %barrier3A_229 = arith.constant 0 : index
    tpu.barrier barrier_id(%barrier3A_229)
    %scan3A_230 = arith.constant 0 : i32
    %scan3A_231 = arith.constant 20 : i32
    %scan3A_232 = arith.addi %scan3A_230, %scan3A_231 : i32
    %scan3A_233 = arith.constant 1 : i32
    scf.for %scan3A_244 = %scan3A_230 to %scan3A_232 step %scan3A_233  : i32 {
      %mul3A_245 = arith.constant 2 : i32
      %mul3A_246 = arith.muli %scan3A_244, %mul3A_245 : i32
      %add3A_247 = arith.constant 0 : i32
      %add3A_248 = arith.addi %add3A_247, %mul3A_246 : i32
      %dma_wait3A = arith.constant 0 : i32
      %dma_wait3A_249 = tpu.memref_slice %arg11[%add3A_248, %dma_wait3A] : memref<40x128xi32, #tpu.memory_space<vmem>> -> memref<1x128xi32, #tpu.memory_space<vmem>>
      %dma_wait3A_250 = tpu.memref_squeeze %dma_wait3A_249 : memref<1x128xi32, #tpu.memory_space<vmem>> -> memref<128xi32, #tpu.memory_space<vmem>>
      %dma_wait3A_251 = arith.constant 0 : i32
      %dma_wait3A_252 = arith.constant 0 : i32
      %dma_wait3A_253 = tpu.memref_slice %arg2[%dma_wait3A_251, %dma_wait3A_252] : memref<10000x128xf32, #tpu.memory_space<hbm>> -> memref<10000x128xf32, #tpu.memory_space<hbm>>
      tpu.wait_indirect_dma semaphore(%arg20 : memref<!tpu.dma_semaphore, #tpu.memory_space<semaphore_mem>>) src(%dma_wait3A_253 : memref<10000x128xf32, #tpu.memory_space<hbm>>) dst(%arg13 : memref<128x128xf32, #tpu.memory_space<vmem>>)
      "tpu.region"() ({
        %run_scoped3A_277 = tpu.sem_alloc : memref<!tpu.dma_semaphore, #tpu.memory_space<semaphore_mem>>
        %dma_start3A_278 = arith.constant 0 : i32
        %dma_start3A_279 = tpu.memref_slice %arg12[%add3A_248, %dma_start3A_278] : memref<40x128xi32, #tpu.memory_space<vmem>> -> memref<1x128xi32, #tpu.memory_space<vmem>>
        %dma_start3A_280 = tpu.memref_squeeze %dma_start3A_279 : memref<1x128xi32, #tpu.memory_space<vmem>> -> memref<128xi32, #tpu.memory_space<vmem>>
        %dma_start3A_281 = arith.constant 0 : i32
        %dma_start3A_282 = arith.constant 0 : i32
        %dma_start3A_283 = tpu.memref_slice %arg18[%dma_start3A_281, %dma_start3A_282] : memref<10240x128xf32, #tpu.memory_space<vmem_shared>> -> memref<10240x128xf32, #tpu.memory_space<vmem_shared>>
        tpu.enqueue_indirect_dma source(%arg13 : memref<128x128xf32, #tpu.memory_space<vmem>>) target(%dma_start3A_283 : memref<10240x128xf32, #tpu.memory_space<vmem_shared>>) offsets(%dma_start3A_280 : memref<128xi32, #tpu.memory_space<vmem>>) semaphore(%run_scoped3A_277 : memref<!tpu.dma_semaphore, #tpu.memory_space<semaphore_mem>>) {add = true}
        %dma_wait3A_284 = arith.constant 0 : i32
        %dma_wait3A_285 = tpu.memref_slice %arg12[%add3A_248, %dma_wait3A_284] : memref<40x128xi32, #tpu.memory_space<vmem>> -> memref<1x128xi32, #tpu.memory_space<vmem>>
        %dma_wait3A_286 = tpu.memref_squeeze %dma_wait3A_285 : memref<1x128xi32, #tpu.memory_space<vmem>> -> memref<128xi32, #tpu.memory_space<vmem>>
        %dma_wait3A_287 = arith.constant 0 : i32
        %dma_wait3A_288 = arith.constant 0 : i32
        %dma_wait3A_289 = tpu.memref_slice %arg18[%dma_wait3A_287, %dma_wait3A_288] : memref<10240x128xf32, #tpu.memory_space<vmem_shared>> -> memref<10240x128xf32, #tpu.memory_space<vmem_shared>>
        tpu.wait_indirect_dma semaphore(%run_scoped3A_277 : memref<!tpu.dma_semaphore, #tpu.memory_space<semaphore_mem>>) src(%arg13 : memref<128x128xf32, #tpu.memory_space<vmem>>) dst(%dma_wait3A_289 : memref<10240x128xf32, #tpu.memory_space<vmem_shared>>)
        tpu.yield
      }) : () -> ()
      "tpu.region"() ({
        %run_scoped3A_277 = tpu.sem_alloc : memref<!tpu.dma_semaphore, #tpu.memory_space<semaphore_mem>>
        %dma_start3A_278 = arith.constant 0 : i32
        %dma_start3A_279 = tpu.memref_slice %arg12[%add3A_248, %dma_start3A_278] : memref<40x128xi32, #tpu.memory_space<vmem>> -> memref<1x128xi32, #tpu.memory_space<vmem>>
        %dma_start3A_280 = tpu.memref_squeeze %dma_start3A_279 : memref<1x128xi32, #tpu.memory_space<vmem>> -> memref<128xi32, #tpu.memory_space<vmem>>
        %dma_start3A_281 = arith.constant 0 : i32
        %dma_start3A_282 = tpu.memref_slice %arg19[%dma_start3A_281] : memref<10240xf32, #tpu.memory_space<vmem_shared>> -> memref<10240xf32, #tpu.memory_space<vmem_shared>>
        tpu.enqueue_indirect_dma source(%arg17 : memref<128xf32, #tpu.memory_space<vmem>>) target(%dma_start3A_282 : memref<10240xf32, #tpu.memory_space<vmem_shared>>) offsets(%dma_start3A_280 : memref<128xi32, #tpu.memory_space<vmem>>) semaphore(%run_scoped3A_277 : memref<!tpu.dma_semaphore, #tpu.memory_space<semaphore_mem>>) {add = true}
        %dma_wait3A_283 = arith.constant 0 : i32
        %dma_wait3A_284 = tpu.memref_slice %arg12[%add3A_248, %dma_wait3A_283] : memref<40x128xi32, #tpu.memory_space<vmem>> -> memref<1x128xi32, #tpu.memory_space<vmem>>
        %dma_wait3A_285 = tpu.memref_squeeze %dma_wait3A_284 : memref<1x128xi32, #tpu.memory_space<vmem>> -> memref<128xi32, #tpu.memory_space<vmem>>
        %dma_wait3A_286 = arith.constant 0 : i32
        %dma_wait3A_287 = tpu.memref_slice %arg19[%dma_wait3A_286] : memref<10240xf32, #tpu.memory_space<vmem_shared>> -> memref<10240xf32, #tpu.memory_space<vmem_shared>>
        tpu.wait_indirect_dma semaphore(%run_scoped3A_277 : memref<!tpu.dma_semaphore, #tpu.memory_space<semaphore_mem>>) src(%arg17 : memref<128xf32, #tpu.memory_space<vmem>>) dst(%dma_wait3A_287 : memref<10240xf32, #tpu.memory_space<vmem_shared>>)
        tpu.yield
      }) : () -> ()
      %add3A_254 = arith.constant 2 : i32
      %add3A_255 = arith.addi %add3A_248, %add3A_254 : i32
      %lt3A = arith.constant 40 : i32
      %lt3A_256 = arith.cmpi slt, %add3A_255, %lt3A : i32
      %convert_element_type3A = arith.extui %lt3A_256 : i1 to i32
      %cond3A = arith.constant 0 : i32
      %cond3A_257 = arith.cmpi ne, %convert_element_type3A, %cond3A : i32
      scf.if %cond3A_257 {
        %add3A_277 = arith.constant 2 : i32
        %add3A_278 = arith.addi %add3A_248, %add3A_277 : i32
        %dma_start3A_279 = arith.constant 0 : i32
        %dma_start3A_280 = tpu.memref_slice %arg11[%add3A_278, %dma_start3A_279] : memref<40x128xi32, #tpu.memory_space<vmem>> -> memref<1x128xi32, #tpu.memory_space<vmem>>
        %dma_start3A_281 = tpu.memref_squeeze %dma_start3A_280 : memref<1x128xi32, #tpu.memory_space<vmem>> -> memref<128xi32, #tpu.memory_space<vmem>>
        %dma_start3A_282 = arith.constant 0 : i32
        %dma_start3A_283 = arith.constant 0 : i32
        %dma_start3A_284 = tpu.memref_slice %arg2[%dma_start3A_282, %dma_start3A_283] : memref<10000x128xf32, #tpu.memory_space<hbm>> -> memref<10000x128xf32, #tpu.memory_space<hbm>>
        tpu.enqueue_indirect_dma source(%dma_start3A_284 : memref<10000x128xf32, #tpu.memory_space<hbm>>) target(%arg13 : memref<128x128xf32, #tpu.memory_space<vmem>>) offsets(%dma_start3A_281 : memref<128xi32, #tpu.memory_space<vmem>>) semaphore(%arg20 : memref<!tpu.dma_semaphore, #tpu.memory_space<semaphore_mem>>)
      } else {
      }
      %add3A_258 = arith.constant 1 : i32
      %add3A_259 = arith.addi %add3A_248, %add3A_258 : i32
      %dma_wait3A_260 = arith.constant 0 : i32
      %dma_wait3A_261 = tpu.memref_slice %arg11[%add3A_259, %dma_wait3A_260] : memref<40x128xi32, #tpu.memory_space<vmem>> -> memref<1x128xi32, #tpu.memory_space<vmem>>
      %dma_wait3A_262 = tpu.memref_squeeze %dma_wait3A_261 : memref<1x128xi32, #tpu.memory_space<vmem>> -> memref<128xi32, #tpu.memory_space<vmem>>
      %dma_wait3A_263 = arith.constant 0 : i32
      %dma_wait3A_264 = arith.constant 0 : i32
      %dma_wait3A_265 = tpu.memref_slice %arg2[%dma_wait3A_263, %dma_wait3A_264] : memref<10000x128xf32, #tpu.memory_space<hbm>> -> memref<10000x128xf32, #tpu.memory_space<hbm>>
      tpu.wait_indirect_dma semaphore(%arg21 : memref<!tpu.dma_semaphore, #tpu.memory_space<semaphore_mem>>) src(%dma_wait3A_265 : memref<10000x128xf32, #tpu.memory_space<hbm>>) dst(%arg14 : memref<128x128xf32, #tpu.memory_space<vmem>>)
      %add3A_266 = arith.constant 1 : i32
      %add3A_267 = arith.addi %add3A_248, %add3A_266 : i32
      "tpu.region"() ({
        %run_scoped3A_277 = tpu.sem_alloc : memref<!tpu.dma_semaphore, #tpu.memory_space<semaphore_mem>>
        %dma_start3A_278 = arith.constant 0 : i32
        %dma_start3A_279 = tpu.memref_slice %arg12[%add3A_267, %dma_start3A_278] : memref<40x128xi32, #tpu.memory_space<vmem>> -> memref<1x128xi32, #tpu.memory_space<vmem>>
        %dma_start3A_280 = tpu.memref_squeeze %dma_start3A_279 : memref<1x128xi32, #tpu.memory_space<vmem>> -> memref<128xi32, #tpu.memory_space<vmem>>
        %dma_start3A_281 = arith.constant 0 : i32
        %dma_start3A_282 = arith.constant 0 : i32
        %dma_start3A_283 = tpu.memref_slice %arg18[%dma_start3A_281, %dma_start3A_282] : memref<10240x128xf32, #tpu.memory_space<vmem_shared>> -> memref<10240x128xf32, #tpu.memory_space<vmem_shared>>
        tpu.enqueue_indirect_dma source(%arg14 : memref<128x128xf32, #tpu.memory_space<vmem>>) target(%dma_start3A_283 : memref<10240x128xf32, #tpu.memory_space<vmem_shared>>) offsets(%dma_start3A_280 : memref<128xi32, #tpu.memory_space<vmem>>) semaphore(%run_scoped3A_277 : memref<!tpu.dma_semaphore, #tpu.memory_space<semaphore_mem>>) {add = true}
        %dma_wait3A_284 = arith.constant 0 : i32
        %dma_wait3A_285 = tpu.memref_slice %arg12[%add3A_267, %dma_wait3A_284] : memref<40x128xi32, #tpu.memory_space<vmem>> -> memref<1x128xi32, #tpu.memory_space<vmem>>
        %dma_wait3A_286 = tpu.memref_squeeze %dma_wait3A_285 : memref<1x128xi32, #tpu.memory_space<vmem>> -> memref<128xi32, #tpu.memory_space<vmem>>
        %dma_wait3A_287 = arith.constant 0 : i32
        %dma_wait3A_288 = arith.constant 0 : i32
        %dma_wait3A_289 = tpu.memref_slice %arg18[%dma_wait3A_287, %dma_wait3A_288] : memref<10240x128xf32, #tpu.memory_space<vmem_shared>> -> memref<10240x128xf32, #tpu.memory_space<vmem_shared>>
        tpu.wait_indirect_dma semaphore(%run_scoped3A_277 : memref<!tpu.dma_semaphore, #tpu.memory_space<semaphore_mem>>) src(%arg14 : memref<128x128xf32, #tpu.memory_space<vmem>>) dst(%dma_wait3A_289 : memref<10240x128xf32, #tpu.memory_space<vmem_shared>>)
        tpu.yield
      }) : () -> ()
      %add3A_268 = arith.constant 1 : i32
      %add3A_269 = arith.addi %add3A_248, %add3A_268 : i32
      "tpu.region"() ({
        %run_scoped3A_277 = tpu.sem_alloc : memref<!tpu.dma_semaphore, #tpu.memory_space<semaphore_mem>>
        %dma_start3A_278 = arith.constant 0 : i32
        %dma_start3A_279 = tpu.memref_slice %arg12[%add3A_269, %dma_start3A_278] : memref<40x128xi32, #tpu.memory_space<vmem>> -> memref<1x128xi32, #tpu.memory_space<vmem>>
        %dma_start3A_280 = tpu.memref_squeeze %dma_start3A_279 : memref<1x128xi32, #tpu.memory_space<vmem>> -> memref<128xi32, #tpu.memory_space<vmem>>
        %dma_start3A_281 = arith.constant 0 : i32
        %dma_start3A_282 = tpu.memref_slice %arg19[%dma_start3A_281] : memref<10240xf32, #tpu.memory_space<vmem_shared>> -> memref<10240xf32, #tpu.memory_space<vmem_shared>>
        tpu.enqueue_indirect_dma source(%arg17 : memref<128xf32, #tpu.memory_space<vmem>>) target(%dma_start3A_282 : memref<10240xf32, #tpu.memory_space<vmem_shared>>) offsets(%dma_start3A_280 : memref<128xi32, #tpu.memory_space<vmem>>) semaphore(%run_scoped3A_277 : memref<!tpu.dma_semaphore, #tpu.memory_space<semaphore_mem>>) {add = true}
        %dma_wait3A_283 = arith.constant 0 : i32
        %dma_wait3A_284 = tpu.memref_slice %arg12[%add3A_269, %dma_wait3A_283] : memref<40x128xi32, #tpu.memory_space<vmem>> -> memref<1x128xi32, #tpu.memory_space<vmem>>
        %dma_wait3A_285 = tpu.memref_squeeze %dma_wait3A_284 : memref<1x128xi32, #tpu.memory_space<vmem>> -> memref<128xi32, #tpu.memory_space<vmem>>
        %dma_wait3A_286 = arith.constant 0 : i32
        %dma_wait3A_287 = tpu.memref_slice %arg19[%dma_wait3A_286] : memref<10240xf32, #tpu.memory_space<vmem_shared>> -> memref<10240xf32, #tpu.memory_space<vmem_shared>>
        tpu.wait_indirect_dma semaphore(%run_scoped3A_277 : memref<!tpu.dma_semaphore, #tpu.memory_space<semaphore_mem>>) src(%arg17 : memref<128xf32, #tpu.memory_space<vmem>>) dst(%dma_wait3A_287 : memref<10240xf32, #tpu.memory_space<vmem_shared>>)
        tpu.yield
      }) : () -> ()
      %add3A_270 = arith.constant 3 : i32
      %add3A_271 = arith.addi %add3A_248, %add3A_270 : i32
      %lt3A_272 = arith.constant 40 : i32
      %lt3A_273 = arith.cmpi slt, %add3A_271, %lt3A_272 : i32
      %convert_element_type3A_274 = arith.extui %lt3A_273 : i1 to i32
      %cond3A_275 = arith.constant 0 : i32
      %cond3A_276 = arith.cmpi ne, %convert_element_type3A_274, %cond3A_275 : i32
      scf.if %cond3A_276 {
        %add3A_277 = arith.constant 3 : i32
        %add3A_278 = arith.addi %add3A_248, %add3A_277 : i32
        %dma_start3A_279 = arith.constant 0 : i32
        %dma_start3A_280 = tpu.memref_slice %arg11[%add3A_278, %dma_start3A_279] : memref<40x128xi32, #tpu.memory_space<vmem>> -> memref<1x128xi32, #tpu.memory_space<vmem>>
        %dma_start3A_281 = tpu.memref_squeeze %dma_start3A_280 : memref<1x128xi32, #tpu.memory_space<vmem>> -> memref<128xi32, #tpu.memory_space<vmem>>
        %dma_start3A_282 = arith.constant 0 : i32
        %dma_start3A_283 = arith.constant 0 : i32
        %dma_start3A_284 = tpu.memref_slice %arg2[%dma_start3A_282, %dma_start3A_283] : memref<10000x128xf32, #tpu.memory_space<hbm>> -> memref<10000x128xf32, #tpu.memory_space<hbm>>
        tpu.enqueue_indirect_dma source(%dma_start3A_284 : memref<10000x128xf32, #tpu.memory_space<hbm>>) target(%arg14 : memref<128x128xf32, #tpu.memory_space<vmem>>) offsets(%dma_start3A_281 : memref<128xi32, #tpu.memory_space<vmem>>) semaphore(%arg21 : memref<!tpu.dma_semaphore, #tpu.memory_space<semaphore_mem>>)
      } else {
      }
    }
    %scan3A_234 = arith.constant 20 : i32
    %barrier3A_235 = arith.constant 0 : index
    tpu.barrier barrier_id(%barrier3A_235)
    %run_scoped3A_236 = arith.constant 2 : i32
    "tpu.region"() ({
      %run_scoped3A_244 = tpu.sem_alloc : memref<!tpu.dma_semaphore, #tpu.memory_space<semaphore_mem>>
      %dma_start3A_245 = arith.constant 0 : i32
      %dma_start3A_246 = tpu.memref_slice %arg9[%arg0, %run_scoped3A_236, %mul3A_2, %dma_start3A_245] : memref<2x3x10240x128xf32, #tpu.memory_space<hbm>> -> memref<1x1x640x128xf32, #tpu.memory_space<hbm>>
      %dma_start3A_247 = tpu.memref_squeeze %dma_start3A_246 : memref<1x1x640x128xf32, #tpu.memory_space<hbm>> -> memref<640x128xf32, #tpu.memory_space<hbm>>
      %dma_start3A_248 = arith.constant 0 : i32
      %dma_start3A_249 = tpu.memref_slice %arg18[%mul3A_2, %dma_start3A_248] : memref<10240x128xf32, #tpu.memory_space<vmem_shared>> -> memref<640x128xf32, #tpu.memory_space<vmem_shared>>
      tpu.enqueue_dma source(%dma_start3A_249 : memref<640x128xf32, #tpu.memory_space<vmem_shared>>) target(%dma_start3A_247 : memref<640x128xf32, #tpu.memory_space<hbm>>) target_semaphore(%run_scoped3A_244 : memref<!tpu.dma_semaphore, #tpu.memory_space<semaphore_mem>>)
      %dma_wait3A = arith.constant 0 : i32
      %dma_wait3A_250 = tpu.memref_slice %arg9[%arg0, %run_scoped3A_236, %mul3A_2, %dma_wait3A] : memref<2x3x10240x128xf32, #tpu.memory_space<hbm>> -> memref<1x1x640x128xf32, #tpu.memory_space<hbm>>
      %dma_wait3A_251 = tpu.memref_squeeze %dma_wait3A_250 : memref<1x1x640x128xf32, #tpu.memory_space<hbm>> -> memref<640x128xf32, #tpu.memory_space<hbm>>
      %dma_wait3A_252 = arith.constant 0 : i32
      %dma_wait3A_253 = tpu.memref_slice %arg18[%mul3A_2, %dma_wait3A_252] : memref<10240x128xf32, #tpu.memory_space<vmem_shared>> -> memref<640x128xf32, #tpu.memory_space<vmem_shared>>
      tpu.wait_dma2 semaphore(%run_scoped3A_244 : memref<!tpu.dma_semaphore, #tpu.memory_space<semaphore_mem>>) src(%dma_wait3A_253 : memref<640x128xf32, #tpu.memory_space<vmem_shared>>) dst(%dma_wait3A_251 : memref<640x128xf32, #tpu.memory_space<hbm>>)
      tpu.yield
    }) : () -> ()
    %mul3A_237 = arith.constant 3 : i32
    %mul3A_238 = arith.muli %arg0, %mul3A_237 : i32
    %add3A_239 = arith.constant 2 : i32
    %add3A_240 = arith.addi %mul3A_238, %add3A_239 : i32
    %mul3A_241 = arith.constant 10240 : i32
    %mul3A_242 = arith.muli %add3A_240, %mul3A_241 : i32
    %add3A_243 = arith.addi %mul3A_242, %mul3A_4 : i32
    "tpu.region"() ({
      %run_scoped3A_244 = tpu.sem_alloc : memref<!tpu.dma_semaphore, #tpu.memory_space<semaphore_mem>>
      %dma_start3A_245 = tpu.memref_slice %arg10[%add3A_243] : memref<61440xf32, #tpu.memory_space<hbm>> -> memref<640xf32, #tpu.memory_space<hbm>>
      %dma_start3A_246 = tpu.memref_slice %arg19[%mul3A_4] : memref<10240xf32, #tpu.memory_space<vmem_shared>> -> memref<640xf32, #tpu.memory_space<vmem_shared>>
      tpu.enqueue_dma source(%dma_start3A_246 : memref<640xf32, #tpu.memory_space<vmem_shared>>) target(%dma_start3A_245 : memref<640xf32, #tpu.memory_space<hbm>>) target_semaphore(%run_scoped3A_244 : memref<!tpu.dma_semaphore, #tpu.memory_space<semaphore_mem>>)
      %dma_wait3A = tpu.memref_slice %arg10[%add3A_243] : memref<61440xf32, #tpu.memory_space<hbm>> -> memref<640xf32, #tpu.memory_space<hbm>>
      %dma_wait3A_247 = tpu.memref_slice %arg19[%mul3A_4] : memref<10240xf32, #tpu.memory_space<vmem_shared>> -> memref<640xf32, #tpu.memory_space<vmem_shared>>
      tpu.wait_dma2 semaphore(%run_scoped3A_244 : memref<!tpu.dma_semaphore, #tpu.memory_space<semaphore_mem>>) src(%dma_wait3A_247 : memref<640xf32, #tpu.memory_space<vmem_shared>>) dst(%dma_wait3A : memref<640xf32, #tpu.memory_space<hbm>>)
      tpu.yield
    }) : () -> ()
    return
  }
}

#map = affine_map<(d0, d1) -> (0, 0)>
#map1 = affine_map<(d0, d1) -> (0, 0, 0, 0)>
module attributes {stable_mosaic.version = 14 : i64} {
  func.func @_sc_body(%arg0: i32, %arg1: i32, %arg2: memref<10240x128xf32, #tpu.memory_space<hbm>>, %arg3: memref<1280x128xi32, #tpu.memory_space<hbm>>, %arg4: memref<1280x128xi32, #tpu.memory_space<hbm>>, %arg5: memref<1280x128xi32, #tpu.memory_space<hbm>>, %arg6: memref<1280x128xi32, #tpu.memory_space<hbm>>, %arg7: memref<1280x128xi32, #tpu.memory_space<hbm>>, %arg8: memref<1280x128xi32, #tpu.memory_space<hbm>>, %arg9: memref<2x3x10240x128xf32, #tpu.memory_space<hbm>>, %arg10: memref<40x128xi32, #tpu.memory_space<vmem>>, %arg11: memref<40x128xi32, #tpu.memory_space<vmem>>, %arg12: memref<128x128xf32, #tpu.memory_space<vmem>>, %arg13: memref<128x128xf32, #tpu.memory_space<vmem>>, %arg14: memref<32x128xf32, #tpu.memory_space<vmem>>, %arg15: memref<10240x128xf32, #tpu.memory_space<vmem_shared>>, %arg16: memref<!tpu.dma_semaphore, #tpu.memory_space<semaphore_mem>>, %arg17: memref<!tpu.dma_semaphore, #tpu.memory_space<semaphore_mem>>) attributes {dimension_semantics = [#tpu.dimension_semantics<core_parallel>, #tpu.dimension_semantics<subcore_parallel>], iteration_bounds = array<i64: 2, 16>, scalar_prefetch = 0 : i64, scratch_operands = 8 : i64, tpu.core_type = #tpu.core_type<sc_vector_subcore>, window_params = [{transform_indices = #map}, {transform_indices = #map}, {transform_indices = #map}, {transform_indices = #map}, {transform_indices = #map}, {transform_indices = #map}, {transform_indices = #map}, {transform_indices = #map1}]} {
    %mul3A = arith.constant 16 : i32
    %mul3A_0 = arith.muli %arg0, %mul3A : i32
    %add3A = arith.addi %mul3A_0, %arg1 : i32
    %mul3A_1 = arith.constant 640 : i32
    %mul3A_2 = arith.muli %arg1, %mul3A_1 : i32
    %mul3A_3 = arith.constant 640 : i32
    %mul3A_4 = arith.muli %arg1, %mul3A_3 : i32
    %mul3A_5 = arith.constant 40 : i32
    %mul3A_6 = arith.muli %add3A, %mul3A_5 : i32
    "tpu.region"() ({
      %run_scoped3A_114 = tpu.sem_alloc : memref<!tpu.dma_semaphore, #tpu.memory_space<semaphore_mem>>
      %dma_start3A_115 = arith.constant 0 : i32
      %dma_start3A_116 = tpu.memref_slice %arg3[%mul3A_6, %dma_start3A_115] : memref<1280x128xi32, #tpu.memory_space<hbm>> -> memref<40x128xi32, #tpu.memory_space<hbm>>
      %dma_start3A_117 = arith.constant 0 : i32
      %dma_start3A_118 = tpu.memref_slice %arg3[%mul3A_6, %dma_start3A_117] : memref<1280x128xi32, #tpu.memory_space<hbm>> -> memref<40x128xi32, #tpu.memory_space<hbm>>
      tpu.enqueue_dma source(%dma_start3A_118 : memref<40x128xi32, #tpu.memory_space<hbm>>) target(%arg10 : memref<40x128xi32, #tpu.memory_space<vmem>>) target_semaphore(%run_scoped3A_114 : memref<!tpu.dma_semaphore, #tpu.memory_space<semaphore_mem>>)
      %dma_wait3A = arith.constant 0 : i32
      %dma_wait3A_119 = tpu.memref_slice %arg3[%mul3A_6, %dma_wait3A] : memref<1280x128xi32, #tpu.memory_space<hbm>> -> memref<40x128xi32, #tpu.memory_space<hbm>>
      %dma_wait3A_120 = arith.constant 0 : i32
      %dma_wait3A_121 = tpu.memref_slice %arg3[%mul3A_6, %dma_wait3A_120] : memref<1280x128xi32, #tpu.memory_space<hbm>> -> memref<40x128xi32, #tpu.memory_space<hbm>>
      tpu.wait_dma2 semaphore(%run_scoped3A_114 : memref<!tpu.dma_semaphore, #tpu.memory_space<semaphore_mem>>) src(%dma_wait3A_121 : memref<40x128xi32, #tpu.memory_space<hbm>>) dst(%arg10 : memref<40x128xi32, #tpu.memory_space<vmem>>)
      tpu.yield
    }) : () -> ()
    "tpu.region"() ({
      %run_scoped3A_114 = tpu.sem_alloc : memref<!tpu.dma_semaphore, #tpu.memory_space<semaphore_mem>>
      %dma_start3A_115 = arith.constant 0 : i32
      %dma_start3A_116 = tpu.memref_slice %arg4[%mul3A_6, %dma_start3A_115] : memref<1280x128xi32, #tpu.memory_space<hbm>> -> memref<40x128xi32, #tpu.memory_space<hbm>>
      %dma_start3A_117 = arith.constant 0 : i32
      %dma_start3A_118 = tpu.memref_slice %arg4[%mul3A_6, %dma_start3A_117] : memref<1280x128xi32, #tpu.memory_space<hbm>> -> memref<40x128xi32, #tpu.memory_space<hbm>>
      tpu.enqueue_dma source(%dma_start3A_118 : memref<40x128xi32, #tpu.memory_space<hbm>>) target(%arg11 : memref<40x128xi32, #tpu.memory_space<vmem>>) target_semaphore(%run_scoped3A_114 : memref<!tpu.dma_semaphore, #tpu.memory_space<semaphore_mem>>)
      %dma_wait3A = arith.constant 0 : i32
      %dma_wait3A_119 = tpu.memref_slice %arg4[%mul3A_6, %dma_wait3A] : memref<1280x128xi32, #tpu.memory_space<hbm>> -> memref<40x128xi32, #tpu.memory_space<hbm>>
      %dma_wait3A_120 = arith.constant 0 : i32
      %dma_wait3A_121 = tpu.memref_slice %arg4[%mul3A_6, %dma_wait3A_120] : memref<1280x128xi32, #tpu.memory_space<hbm>> -> memref<40x128xi32, #tpu.memory_space<hbm>>
      tpu.wait_dma2 semaphore(%run_scoped3A_114 : memref<!tpu.dma_semaphore, #tpu.memory_space<semaphore_mem>>) src(%dma_wait3A_121 : memref<40x128xi32, #tpu.memory_space<hbm>>) dst(%arg11 : memref<40x128xi32, #tpu.memory_space<vmem>>)
      tpu.yield
    }) : () -> ()
    %scan3A = arith.constant 0 : i32
    %scan3A_7 = arith.constant 32 : i32
    %scan3A_8 = arith.addi %scan3A, %scan3A_7 : i32
    %scan3A_9 = arith.constant 1 : i32
    scf.for %scan3A_114 = %scan3A to %scan3A_8 step %scan3A_9  : i32 {
      %mul3A_115 = arith.constant 1 : i32
      %mul3A_116 = arith.muli %scan3A_114, %mul3A_115 : i32
      %add3A_117 = arith.constant 0 : i32
      %add3A_118 = arith.addi %add3A_117, %mul3A_116 : i32
      %broadcast_in_dim3A = arith.constant 0.000000e+00 : f32
      %broadcast_in_dim3A_119 = vector.broadcast %broadcast_in_dim3A : f32 to vector<16xf32>
      %swap3A = arith.index_cast %add3A_118 : i32 to index
      %swap3A_120 = arith.constant 0 : index
      %swap3A_121 = tpu.vector_load %arg14[%swap3A, %swap3A_120] {strides = array<i32>} : memref<32x128xf32, #tpu.memory_space<vmem>>, vector<1x16xf32>,
      %swap3A_122 = vector.shape_cast %swap3A_121 : vector<1x16xf32> to vector<16xf32>
      %swap3A_123 = vector.shape_cast %broadcast_in_dim3A_119 : vector<16xf32> to vector<1x16xf32>
      tpu.vector_store %arg14[%swap3A, %swap3A_120], %swap3A_123 {strides = array<i32>} : memref<32x128xf32, #tpu.memory_space<vmem>>, vector<1x16xf32>,
      %broadcast_in_dim3A_124 = arith.constant 0.000000e+00 : f32
      %broadcast_in_dim3A_125 = vector.broadcast %broadcast_in_dim3A_124 : f32 to vector<16xf32>
      %swap3A_126 = arith.index_cast %add3A_118 : i32 to index
      %swap3A_127 = arith.constant 16 : index
      %swap3A_128 = tpu.vector_load %arg14[%swap3A_126, %swap3A_127] {strides = array<i32>} : memref<32x128xf32, #tpu.memory_space<vmem>>, vector<1x16xf32>,
      %swap3A_129 = vector.shape_cast %swap3A_128 : vector<1x16xf32> to vector<16xf32>
      %swap3A_130 = vector.shape_cast %broadcast_in_dim3A_125 : vector<16xf32> to vector<1x16xf32>
      tpu.vector_store %arg14[%swap3A_126, %swap3A_127], %swap3A_130 {strides = array<i32>} : memref<32x128xf32, #tpu.memory_space<vmem>>, vector<1x16xf32>,
      %broadcast_in_dim3A_131 = arith.constant 0.000000e+00 : f32
      %broadcast_in_dim3A_132 = vector.broadcast %broadcast_in_dim3A_131 : f32 to vector<16xf32>
      %swap3A_133 = arith.index_cast %add3A_118 : i32 to index
      %swap3A_134 = arith.constant 32 : index
      %swap3A_135 = tpu.vector_load %arg14[%swap3A_133, %swap3A_134] {strides = array<i32>} : memref<32x128xf32, #tpu.memory_space<vmem>>, vector<1x16xf32>,
      %swap3A_136 = vector.shape_cast %swap3A_135 : vector<1x16xf32> to vector<16xf32>
      %swap3A_137 = vector.shape_cast %broadcast_in_dim3A_132 : vector<16xf32> to vector<1x16xf32>
      tpu.vector_store %arg14[%swap3A_133, %swap3A_134], %swap3A_137 {strides = array<i32>} : memref<32x128xf32, #tpu.memory_space<vmem>>, vector<1x16xf32>,
      %broadcast_in_dim3A_138 = arith.constant 0.000000e+00 : f32
      %broadcast_in_dim3A_139 = vector.broadcast %broadcast_in_dim3A_138 : f32 to vector<16xf32>
      %swap3A_140 = arith.index_cast %add3A_118 : i32 to index
      %swap3A_141 = arith.constant 48 : index
      %swap3A_142 = tpu.vector_load %arg14[%swap3A_140, %swap3A_141] {strides = array<i32>} : memref<32x128xf32, #tpu.memory_space<vmem>>, vector<1x16xf32>,
      %swap3A_143 = vector.shape_cast %swap3A_142 : vector<1x16xf32> to vector<16xf32>
      %swap3A_144 = vector.shape_cast %broadcast_in_dim3A_139 : vector<16xf32> to vector<1x16xf32>
      tpu.vector_store %arg14[%swap3A_140, %swap3A_141], %swap3A_144 {strides = array<i32>} : memref<32x128xf32, #tpu.memory_space<vmem>>, vector<1x16xf32>,
      %broadcast_in_dim3A_145 = arith.constant 0.000000e+00 : f32
      %broadcast_in_dim3A_146 = vector.broadcast %broadcast_in_dim3A_145 : f32 to vector<16xf32>
      %swap3A_147 = arith.index_cast %add3A_118 : i32 to index
      %swap3A_148 = arith.constant 64 : index
      %swap3A_149 = tpu.vector_load %arg14[%swap3A_147, %swap3A_148] {strides = array<i32>} : memref<32x128xf32, #tpu.memory_space<vmem>>, vector<1x16xf32>,
      %swap3A_150 = vector.shape_cast %swap3A_149 : vector<1x16xf32> to vector<16xf32>
      %swap3A_151 = vector.shape_cast %broadcast_in_dim3A_146 : vector<16xf32> to vector<1x16xf32>
      tpu.vector_store %arg14[%swap3A_147, %swap3A_148], %swap3A_151 {strides = array<i32>} : memref<32x128xf32, #tpu.memory_space<vmem>>, vector<1x16xf32>,
      %broadcast_in_dim3A_152 = arith.constant 0.000000e+00 : f32
      %broadcast_in_dim3A_153 = vector.broadcast %broadcast_in_dim3A_152 : f32 to vector<16xf32>
      %swap3A_154 = arith.index_cast %add3A_118 : i32 to index
      %swap3A_155 = arith.constant 80 : index
      %swap3A_156 = tpu.vector_load %arg14[%swap3A_154, %swap3A_155] {strides = array<i32>} : memref<32x128xf32, #tpu.memory_space<vmem>>, vector<1x16xf32>,
      %swap3A_157 = vector.shape_cast %swap3A_156 : vector<1x16xf32> to vector<16xf32>
      %swap3A_158 = vector.shape_cast %broadcast_in_dim3A_153 : vector<16xf32> to vector<1x16xf32>
      tpu.vector_store %arg14[%swap3A_154, %swap3A_155], %swap3A_158 {strides = array<i32>} : memref<32x128xf32, #tpu.memory_space<vmem>>, vector<1x16xf32>,
      %broadcast_in_dim3A_159 = arith.constant 0.000000e+00 : f32
      %broadcast_in_dim3A_160 = vector.broadcast %broadcast_in_dim3A_159 : f32 to vector<16xf32>
      %swap3A_161 = arith.index_cast %add3A_118 : i32 to index
      %swap3A_162 = arith.constant 96 : index
      %swap3A_163 = tpu.vector_load %arg14[%swap3A_161, %swap3A_162] {strides = array<i32>} : memref<32x128xf32, #tpu.memory_space<vmem>>, vector<1x16xf32>,
      %swap3A_164 = vector.shape_cast %swap3A_163 : vector<1x16xf32> to vector<16xf32>
      %swap3A_165 = vector.shape_cast %broadcast_in_dim3A_160 : vector<16xf32> to vector<1x16xf32>
      tpu.vector_store %arg14[%swap3A_161, %swap3A_162], %swap3A_165 {strides = array<i32>} : memref<32x128xf32, #tpu.memory_space<vmem>>, vector<1x16xf32>,
      %broadcast_in_dim3A_166 = arith.constant 0.000000e+00 : f32
      %broadcast_in_dim3A_167 = vector.broadcast %broadcast_in_dim3A_166 : f32 to vector<16xf32>
      %swap3A_168 = arith.index_cast %add3A_118 : i32 to index
      %swap3A_169 = arith.constant 112 : index
      %swap3A_170 = tpu.vector_load %arg14[%swap3A_168, %swap3A_169] {strides = array<i32>} : memref<32x128xf32, #tpu.memory_space<vmem>>, vector<1x16xf32>,
      %swap3A_171 = vector.shape_cast %swap3A_170 : vector<1x16xf32> to vector<16xf32>
      %swap3A_172 = vector.shape_cast %broadcast_in_dim3A_167 : vector<16xf32> to vector<1x16xf32>
      tpu.vector_store %arg14[%swap3A_168, %swap3A_169], %swap3A_172 {strides = array<i32>} : memref<32x128xf32, #tpu.memory_space<vmem>>, vector<1x16xf32>,
    }
    %scan3A_10 = arith.constant 32 : i32
    %scan3A_11 = arith.constant 0 : i32
    %scan3A_12 = arith.constant 20 : i32
    %scan3A_13 = arith.addi %scan3A_11, %scan3A_12 : i32
    %scan3A_14 = arith.constant 1 : i32
    scf.for %scan3A_114 = %scan3A_11 to %scan3A_13 step %scan3A_14  : i32 {
      %mul3A_115 = arith.constant 1 : i32
      %mul3A_116 = arith.muli %scan3A_114, %mul3A_115 : i32
      %add3A_117 = arith.constant 0 : i32
      %add3A_118 = arith.addi %add3A_117, %mul3A_116 : i32
      %mul3A_119 = arith.constant 32 : i32
      %mul3A_120 = arith.muli %add3A_118, %mul3A_119 : i32
      %add3A_121 = arith.addi %mul3A_2, %mul3A_120 : i32
      %dma_start3A_122 = arith.constant 0 : i32
      %dma_start3A_123 = tpu.memref_slice %arg15[%add3A_121, %dma_start3A_122] : memref<10240x128xf32, #tpu.memory_space<vmem_shared>> -> memref<32x128xf32, #tpu.memory_space<vmem_shared>>
      %dma_start3A_124 = arith.constant 0 : i32
      %dma_start3A_125 = tpu.memref_slice %arg15[%add3A_121, %dma_start3A_124] : memref<10240x128xf32, #tpu.memory_space<vmem_shared>> -> memref<32x128xf32, #tpu.memory_space<vmem_shared>>
      tpu.enqueue_dma source(%arg14 : memref<32x128xf32, #tpu.memory_space<vmem>>) target(%dma_start3A_125 : memref<32x128xf32, #tpu.memory_space<vmem_shared>>) target_semaphore(%arg16 : memref<!tpu.dma_semaphore, #tpu.memory_space<semaphore_mem>>)
    }
    %scan3A_15 = arith.constant 20 : i32
    %scan3A_16 = arith.constant 0 : i32
    %scan3A_17 = arith.constant 20 : i32
    %scan3A_18 = arith.addi %scan3A_16, %scan3A_17 : i32
    %scan3A_19 = arith.constant 1 : i32
    scf.for %scan3A_114 = %scan3A_16 to %scan3A_18 step %scan3A_19  : i32 {
      %mul3A_115 = arith.constant 1 : i32
      %mul3A_116 = arith.muli %scan3A_114, %mul3A_115 : i32
      %add3A_117 = arith.constant 0 : i32
      %add3A_118 = arith.addi %add3A_117, %mul3A_116 : i32
      %dma_wait3A = arith.constant 0 : i32
      %dma_wait3A_119 = tpu.memref_slice %arg15[%mul3A_2, %dma_wait3A] : memref<10240x128xf32, #tpu.memory_space<vmem_shared>> -> memref<32x128xf32, #tpu.memory_space<vmem_shared>>
      %dma_wait3A_120 = arith.constant 0 : i32
      %dma_wait3A_121 = tpu.memref_slice %arg15[%mul3A_2, %dma_wait3A_120] : memref<10240x128xf32, #tpu.memory_space<vmem_shared>> -> memref<32x128xf32, #tpu.memory_space<vmem_shared>>
      tpu.wait_dma2 semaphore(%arg16 : memref<!tpu.dma_semaphore, #tpu.memory_space<semaphore_mem>>) src(%arg14 : memref<32x128xf32, #tpu.memory_space<vmem>>) dst(%dma_wait3A_121 : memref<32x128xf32, #tpu.memory_space<vmem_shared>>)
    }
    %scan3A_20 = arith.constant 20 : i32
    %dma_start3A = arith.constant 0 : i32
    %dma_start3A_21 = arith.constant 0 : i32
    %dma_start3A_22 = tpu.memref_slice %arg10[%dma_start3A, %dma_start3A_21] : memref<40x128xi32, #tpu.memory_space<vmem>> -> memref<1x128xi32, #tpu.memory_space<vmem>>
    %dma_start3A_23 = tpu.memref_squeeze %dma_start3A_22 : memref<1x128xi32, #tpu.memory_space<vmem>> -> memref<128xi32, #tpu.memory_space<vmem>>
    %dma_start3A_24 = arith.constant 0 : i32
    %dma_start3A_25 = arith.constant 0 : i32
    %dma_start3A_26 = tpu.memref_slice %arg2[%dma_start3A_24, %dma_start3A_25] : memref<10240x128xf32, #tpu.memory_space<hbm>> -> memref<10240x128xf32, #tpu.memory_space<hbm>>
    tpu.enqueue_indirect_dma source(%dma_start3A_26 : memref<10240x128xf32, #tpu.memory_space<hbm>>) target(%arg12 : memref<128x128xf32, #tpu.memory_space<vmem>>) offsets(%dma_start3A_23 : memref<128xi32, #tpu.memory_space<vmem>>) semaphore(%arg16 : memref<!tpu.dma_semaphore, #tpu.memory_space<semaphore_mem>>)
    %dma_start3A_27 = arith.constant 1 : i32
    %dma_start3A_28 = arith.constant 0 : i32
    %dma_start3A_29 = tpu.memref_slice %arg10[%dma_start3A_27, %dma_start3A_28] : memref<40x128xi32, #tpu.memory_space<vmem>> -> memref<1x128xi32, #tpu.memory_space<vmem>>
    %dma_start3A_30 = tpu.memref_squeeze %dma_start3A_29 : memref<1x128xi32, #tpu.memory_space<vmem>> -> memref<128xi32, #tpu.memory_space<vmem>>
    %dma_start3A_31 = arith.constant 0 : i32
    %dma_start3A_32 = arith.constant 0 : i32
    %dma_start3A_33 = tpu.memref_slice %arg2[%dma_start3A_31, %dma_start3A_32] : memref<10240x128xf32, #tpu.memory_space<hbm>> -> memref<10240x128xf32, #tpu.memory_space<hbm>>
    tpu.enqueue_indirect_dma source(%dma_start3A_33 : memref<10240x128xf32, #tpu.memory_space<hbm>>) target(%arg13 : memref<128x128xf32, #tpu.memory_space<vmem>>) offsets(%dma_start3A_30 : memref<128xi32, #tpu.memory_space<vmem>>) semaphore(%arg17 : memref<!tpu.dma_semaphore, #tpu.memory_space<semaphore_mem>>)
    %barrier3A = arith.constant 0 : index
    tpu.barrier barrier_id(%barrier3A)
    %scan3A_34 = arith.constant 0 : i32
    %scan3A_35 = arith.constant 20 : i32
    %scan3A_36 = arith.addi %scan3A_34, %scan3A_35 : i32
    %scan3A_37 = arith.constant 1 : i32
    scf.for %scan3A_114 = %scan3A_34 to %scan3A_36 step %scan3A_37  : i32 {
      %mul3A_115 = arith.constant 2 : i32
      %mul3A_116 = arith.muli %scan3A_114, %mul3A_115 : i32
      %add3A_117 = arith.constant 0 : i32
      %add3A_118 = arith.addi %add3A_117, %mul3A_116 : i32
      %dma_wait3A = arith.constant 0 : i32
      %dma_wait3A_119 = tpu.memref_slice %arg10[%add3A_118, %dma_wait3A] : memref<40x128xi32, #tpu.memory_space<vmem>> -> memref<1x128xi32, #tpu.memory_space<vmem>>
      %dma_wait3A_120 = tpu.memref_squeeze %dma_wait3A_119 : memref<1x128xi32, #tpu.memory_space<vmem>> -> memref<128xi32, #tpu.memory_space<vmem>>
      %dma_wait3A_121 = arith.constant 0 : i32
      %dma_wait3A_122 = arith.constant 0 : i32
      %dma_wait3A_123 = tpu.memref_slice %arg2[%dma_wait3A_121, %dma_wait3A_122] : memref<10240x128xf32, #tpu.memory_space<hbm>> -> memref<10240x128xf32, #tpu.memory_space<hbm>>
      tpu.wait_indirect_dma semaphore(%arg16 : memref<!tpu.dma_semaphore, #tpu.memory_space<semaphore_mem>>) src(%dma_wait3A_123 : memref<10240x128xf32, #tpu.memory_space<hbm>>) dst(%arg12 : memref<128x128xf32, #tpu.memory_space<vmem>>)
      "tpu.region"() ({
        %run_scoped3A_145 = tpu.sem_alloc : memref<!tpu.dma_semaphore, #tpu.memory_space<semaphore_mem>>
        %dma_start3A_146 = arith.constant 0 : i32
        %dma_start3A_147 = tpu.memref_slice %arg11[%add3A_118, %dma_start3A_146] : memref<40x128xi32, #tpu.memory_space<vmem>> -> memref<1x128xi32, #tpu.memory_space<vmem>>
        %dma_start3A_148 = tpu.memref_squeeze %dma_start3A_147 : memref<1x128xi32, #tpu.memory_space<vmem>> -> memref<128xi32, #tpu.memory_space<vmem>>
        %dma_start3A_149 = arith.constant 0 : i32
        %dma_start3A_150 = arith.constant 0 : i32
        %dma_start3A_151 = tpu.memref_slice %arg15[%dma_start3A_149, %dma_start3A_150] : memref<10240x128xf32, #tpu.memory_space<vmem_shared>> -> memref<10240x128xf32, #tpu.memory_space<vmem_shared>>
        tpu.enqueue_indirect_dma source(%arg12 : memref<128x128xf32, #tpu.memory_space<vmem>>) target(%dma_start3A_151 : memref<10240x128xf32, #tpu.memory_space<vmem_shared>>) offsets(%dma_start3A_148 : memref<128xi32, #tpu.memory_space<vmem>>) semaphore(%run_scoped3A_145 : memref<!tpu.dma_semaphore, #tpu.memory_space<semaphore_mem>>) {add = true}
        %dma_wait3A_152 = arith.constant 0 : i32
        %dma_wait3A_153 = tpu.memref_slice %arg11[%add3A_118, %dma_wait3A_152] : memref<40x128xi32, #tpu.memory_space<vmem>> -> memref<1x128xi32, #tpu.memory_space<vmem>>
        %dma_wait3A_154 = tpu.memref_squeeze %dma_wait3A_153 : memref<1x128xi32, #tpu.memory_space<vmem>> -> memref<128xi32, #tpu.memory_space<vmem>>
        %dma_wait3A_155 = arith.constant 0 : i32
        %dma_wait3A_156 = arith.constant 0 : i32
        %dma_wait3A_157 = tpu.memref_slice %arg15[%dma_wait3A_155, %dma_wait3A_156] : memref<10240x128xf32, #tpu.memory_space<vmem_shared>> -> memref<10240x128xf32, #tpu.memory_space<vmem_shared>>
        tpu.wait_indirect_dma semaphore(%run_scoped3A_145 : memref<!tpu.dma_semaphore, #tpu.memory_space<semaphore_mem>>) src(%arg12 : memref<128x128xf32, #tpu.memory_space<vmem>>) dst(%dma_wait3A_157 : memref<10240x128xf32, #tpu.memory_space<vmem_shared>>)
        tpu.yield
      }) : () -> ()
      %add3A_124 = arith.constant 2 : i32
      %add3A_125 = arith.addi %add3A_118, %add3A_124 : i32
      %lt3A = arith.constant 40 : i32
      %lt3A_126 = arith.cmpi slt, %add3A_125, %lt3A : i32
      %convert_element_type3A = arith.extui %lt3A_126 : i1 to i32
      %cond3A = arith.constant 0 : i32
      %cond3A_127 = arith.cmpi ne, %convert_element_type3A, %cond3A : i32
      scf.if %cond3A_127 {
        %add3A_145 = arith.constant 2 : i32
        %add3A_146 = arith.addi %add3A_118, %add3A_145 : i32
        %dma_start3A_147 = arith.constant 0 : i32
        %dma_start3A_148 = tpu.memref_slice %arg10[%add3A_146, %dma_start3A_147] : memref<40x128xi32, #tpu.memory_space<vmem>> -> memref<1x128xi32, #tpu.memory_space<vmem>>
        %dma_start3A_149 = tpu.memref_squeeze %dma_start3A_148 : memref<1x128xi32, #tpu.memory_space<vmem>> -> memref<128xi32, #tpu.memory_space<vmem>>
        %dma_start3A_150 = arith.constant 0 : i32
        %dma_start3A_151 = arith.constant 0 : i32
        %dma_start3A_152 = tpu.memref_slice %arg2[%dma_start3A_150, %dma_start3A_151] : memref<10240x128xf32, #tpu.memory_space<hbm>> -> memref<10240x128xf32, #tpu.memory_space<hbm>>
        tpu.enqueue_indirect_dma source(%dma_start3A_152 : memref<10240x128xf32, #tpu.memory_space<hbm>>) target(%arg12 : memref<128x128xf32, #tpu.memory_space<vmem>>) offsets(%dma_start3A_149 : memref<128xi32, #tpu.memory_space<vmem>>) semaphore(%arg16 : memref<!tpu.dma_semaphore, #tpu.memory_space<semaphore_mem>>)
      } else {
      }
      %add3A_128 = arith.constant 1 : i32
      %add3A_129 = arith.addi %add3A_118, %add3A_128 : i32
      %dma_wait3A_130 = arith.constant 0 : i32
      %dma_wait3A_131 = tpu.memref_slice %arg10[%add3A_129, %dma_wait3A_130] : memref<40x128xi32, #tpu.memory_space<vmem>> -> memref<1x128xi32, #tpu.memory_space<vmem>>
      %dma_wait3A_132 = tpu.memref_squeeze %dma_wait3A_131 : memref<1x128xi32, #tpu.memory_space<vmem>> -> memref<128xi32, #tpu.memory_space<vmem>>
      %dma_wait3A_133 = arith.constant 0 : i32
      %dma_wait3A_134 = arith.constant 0 : i32
      %dma_wait3A_135 = tpu.memref_slice %arg2[%dma_wait3A_133, %dma_wait3A_134] : memref<10240x128xf32, #tpu.memory_space<hbm>> -> memref<10240x128xf32, #tpu.memory_space<hbm>>
      tpu.wait_indirect_dma semaphore(%arg17 : memref<!tpu.dma_semaphore, #tpu.memory_space<semaphore_mem>>) src(%dma_wait3A_135 : memref<10240x128xf32, #tpu.memory_space<hbm>>) dst(%arg13 : memref<128x128xf32, #tpu.memory_space<vmem>>)
      %add3A_136 = arith.constant 1 : i32
      %add3A_137 = arith.addi %add3A_118, %add3A_136 : i32
      "tpu.region"() ({
        %run_scoped3A_145 = tpu.sem_alloc : memref<!tpu.dma_semaphore, #tpu.memory_space<semaphore_mem>>
        %dma_start3A_146 = arith.constant 0 : i32
        %dma_start3A_147 = tpu.memref_slice %arg11[%add3A_137, %dma_start3A_146] : memref<40x128xi32, #tpu.memory_space<vmem>> -> memref<1x128xi32, #tpu.memory_space<vmem>>
        %dma_start3A_148 = tpu.memref_squeeze %dma_start3A_147 : memref<1x128xi32, #tpu.memory_space<vmem>> -> memref<128xi32, #tpu.memory_space<vmem>>
        %dma_start3A_149 = arith.constant 0 : i32
        %dma_start3A_150 = arith.constant 0 : i32
        %dma_start3A_151 = tpu.memref_slice %arg15[%dma_start3A_149, %dma_start3A_150] : memref<10240x128xf32, #tpu.memory_space<vmem_shared>> -> memref<10240x128xf32, #tpu.memory_space<vmem_shared>>
        tpu.enqueue_indirect_dma source(%arg13 : memref<128x128xf32, #tpu.memory_space<vmem>>) target(%dma_start3A_151 : memref<10240x128xf32, #tpu.memory_space<vmem_shared>>) offsets(%dma_start3A_148 : memref<128xi32, #tpu.memory_space<vmem>>) semaphore(%run_scoped3A_145 : memref<!tpu.dma_semaphore, #tpu.memory_space<semaphore_mem>>) {add = true}
        %dma_wait3A_152 = arith.constant 0 : i32
        %dma_wait3A_153 = tpu.memref_slice %arg11[%add3A_137, %dma_wait3A_152] : memref<40x128xi32, #tpu.memory_space<vmem>> -> memref<1x128xi32, #tpu.memory_space<vmem>>
        %dma_wait3A_154 = tpu.memref_squeeze %dma_wait3A_153 : memref<1x128xi32, #tpu.memory_space<vmem>> -> memref<128xi32, #tpu.memory_space<vmem>>
        %dma_wait3A_155 = arith.constant 0 : i32
        %dma_wait3A_156 = arith.constant 0 : i32
        %dma_wait3A_157 = tpu.memref_slice %arg15[%dma_wait3A_155, %dma_wait3A_156] : memref<10240x128xf32, #tpu.memory_space<vmem_shared>> -> memref<10240x128xf32, #tpu.memory_space<vmem_shared>>
        tpu.wait_indirect_dma semaphore(%run_scoped3A_145 : memref<!tpu.dma_semaphore, #tpu.memory_space<semaphore_mem>>) src(%arg13 : memref<128x128xf32, #tpu.memory_space<vmem>>) dst(%dma_wait3A_157 : memref<10240x128xf32, #tpu.memory_space<vmem_shared>>)
        tpu.yield
      }) : () -> ()
      %add3A_138 = arith.constant 3 : i32
      %add3A_139 = arith.addi %add3A_118, %add3A_138 : i32
      %lt3A_140 = arith.constant 40 : i32
      %lt3A_141 = arith.cmpi slt, %add3A_139, %lt3A_140 : i32
      %convert_element_type3A_142 = arith.extui %lt3A_141 : i1 to i32
      %cond3A_143 = arith.constant 0 : i32
      %cond3A_144 = arith.cmpi ne, %convert_element_type3A_142, %cond3A_143 : i32
      scf.if %cond3A_144 {
        %add3A_145 = arith.constant 3 : i32
        %add3A_146 = arith.addi %add3A_118, %add3A_145 : i32
        %dma_start3A_147 = arith.constant 0 : i32
        %dma_start3A_148 = tpu.memref_slice %arg10[%add3A_146, %dma_start3A_147] : memref<40x128xi32, #tpu.memory_space<vmem>> -> memref<1x128xi32, #tpu.memory_space<vmem>>
        %dma_start3A_149 = tpu.memref_squeeze %dma_start3A_148 : memref<1x128xi32, #tpu.memory_space<vmem>> -> memref<128xi32, #tpu.memory_space<vmem>>
        %dma_start3A_150 = arith.constant 0 : i32
        %dma_start3A_151 = arith.constant 0 : i32
        %dma_start3A_152 = tpu.memref_slice %arg2[%dma_start3A_150, %dma_start3A_151] : memref<10240x128xf32, #tpu.memory_space<hbm>> -> memref<10240x128xf32, #tpu.memory_space<hbm>>
        tpu.enqueue_indirect_dma source(%dma_start3A_152 : memref<10240x128xf32, #tpu.memory_space<hbm>>) target(%arg13 : memref<128x128xf32, #tpu.memory_space<vmem>>) offsets(%dma_start3A_149 : memref<128xi32, #tpu.memory_space<vmem>>) semaphore(%arg17 : memref<!tpu.dma_semaphore, #tpu.memory_space<semaphore_mem>>)
      } else {
      }
    }
    %scan3A_38 = arith.constant 20 : i32
    %barrier3A_39 = arith.constant 0 : index
    tpu.barrier barrier_id(%barrier3A_39)
    %run_scoped3A = arith.constant 0 : i32
    "tpu.region"() ({
      %run_scoped3A_114 = tpu.sem_alloc : memref<!tpu.dma_semaphore, #tpu.memory_space<semaphore_mem>>
      %dma_start3A_115 = arith.constant 0 : i32
      %dma_start3A_116 = tpu.memref_slice %arg9[%arg0, %run_scoped3A, %mul3A_2, %dma_start3A_115] : memref<2x3x10240x128xf32, #tpu.memory_space<hbm>> -> memref<1x1x640x128xf32, #tpu.memory_space<hbm>>
      %dma_start3A_117 = tpu.memref_squeeze %dma_start3A_116 : memref<1x1x640x128xf32, #tpu.memory_space<hbm>> -> memref<640x128xf32, #tpu.memory_space<hbm>>
      %dma_start3A_118 = arith.constant 0 : i32
      %dma_start3A_119 = tpu.memref_slice %arg15[%mul3A_2, %dma_start3A_118] : memref<10240x128xf32, #tpu.memory_space<vmem_shared>> -> memref<640x128xf32, #tpu.memory_space<vmem_shared>>
      tpu.enqueue_dma source(%dma_start3A_119 : memref<640x128xf32, #tpu.memory_space<vmem_shared>>) target(%dma_start3A_117 : memref<640x128xf32, #tpu.memory_space<hbm>>) target_semaphore(%run_scoped3A_114 : memref<!tpu.dma_semaphore, #tpu.memory_space<semaphore_mem>>)
      %dma_wait3A = arith.constant 0 : i32
      %dma_wait3A_120 = tpu.memref_slice %arg9[%arg0, %run_scoped3A, %mul3A_2, %dma_wait3A] : memref<2x3x10240x128xf32, #tpu.memory_space<hbm>> -> memref<1x1x640x128xf32, #tpu.memory_space<hbm>>
      %dma_wait3A_121 = tpu.memref_squeeze %dma_wait3A_120 : memref<1x1x640x128xf32, #tpu.memory_space<hbm>> -> memref<640x128xf32, #tpu.memory_space<hbm>>
      %dma_wait3A_122 = arith.constant 0 : i32
      %dma_wait3A_123 = tpu.memref_slice %arg15[%mul3A_2, %dma_wait3A_122] : memref<10240x128xf32, #tpu.memory_space<vmem_shared>> -> memref<640x128xf32, #tpu.memory_space<vmem_shared>>
      tpu.wait_dma2 semaphore(%run_scoped3A_114 : memref<!tpu.dma_semaphore, #tpu.memory_space<semaphore_mem>>) src(%dma_wait3A_123 : memref<640x128xf32, #tpu.memory_space<vmem_shared>>) dst(%dma_wait3A_121 : memref<640x128xf32, #tpu.memory_space<hbm>>)
      tpu.yield
    }) : () -> ()
    "tpu.region"() ({
      %run_scoped3A_114 = tpu.sem_alloc : memref<!tpu.dma_semaphore, #tpu.memory_space<semaphore_mem>>
      %dma_start3A_115 = arith.constant 0 : i32
      %dma_start3A_116 = tpu.memref_slice %arg5[%mul3A_6, %dma_start3A_115] : memref<1280x128xi32, #tpu.memory_space<hbm>> -> memref<40x128xi32, #tpu.memory_space<hbm>>
      %dma_start3A_117 = arith.constant 0 : i32
      %dma_start3A_118 = tpu.memref_slice %arg5[%mul3A_6, %dma_start3A_117] : memref<1280x128xi32, #tpu.memory_space<hbm>> -> memref<40x128xi32, #tpu.memory_space<hbm>>
      tpu.enqueue_dma source(%dma_start3A_118 : memref<40x128xi32, #tpu.memory_space<hbm>>) target(%arg10 : memref<40x128xi32, #tpu.memory_space<vmem>>) target_semaphore(%run_scoped3A_114 : memref<!tpu.dma_semaphore, #tpu.memory_space<semaphore_mem>>)
      %dma_wait3A = arith.constant 0 : i32
      %dma_wait3A_119 = tpu.memref_slice %arg5[%mul3A_6, %dma_wait3A] : memref<1280x128xi32, #tpu.memory_space<hbm>> -> memref<40x128xi32, #tpu.memory_space<hbm>>
      %dma_wait3A_120 = arith.constant 0 : i32
      %dma_wait3A_121 = tpu.memref_slice %arg5[%mul3A_6, %dma_wait3A_120] : memref<1280x128xi32, #tpu.memory_space<hbm>> -> memref<40x128xi32, #tpu.memory_space<hbm>>
      tpu.wait_dma2 semaphore(%run_scoped3A_114 : memref<!tpu.dma_semaphore, #tpu.memory_space<semaphore_mem>>) src(%dma_wait3A_121 : memref<40x128xi32, #tpu.memory_space<hbm>>) dst(%arg10 : memref<40x128xi32, #tpu.memory_space<vmem>>)
      tpu.yield
    }) : () -> ()
    "tpu.region"() ({
      %run_scoped3A_114 = tpu.sem_alloc : memref<!tpu.dma_semaphore, #tpu.memory_space<semaphore_mem>>
      %dma_start3A_115 = arith.constant 0 : i32
      %dma_start3A_116 = tpu.memref_slice %arg6[%mul3A_6, %dma_start3A_115] : memref<1280x128xi32, #tpu.memory_space<hbm>> -> memref<40x128xi32, #tpu.memory_space<hbm>>
      %dma_start3A_117 = arith.constant 0 : i32
      %dma_start3A_118 = tpu.memref_slice %arg6[%mul3A_6, %dma_start3A_117] : memref<1280x128xi32, #tpu.memory_space<hbm>> -> memref<40x128xi32, #tpu.memory_space<hbm>>
      tpu.enqueue_dma source(%dma_start3A_118 : memref<40x128xi32, #tpu.memory_space<hbm>>) target(%arg11 : memref<40x128xi32, #tpu.memory_space<vmem>>) target_semaphore(%run_scoped3A_114 : memref<!tpu.dma_semaphore, #tpu.memory_space<semaphore_mem>>)
      %dma_wait3A = arith.constant 0 : i32
      %dma_wait3A_119 = tpu.memref_slice %arg6[%mul3A_6, %dma_wait3A] : memref<1280x128xi32, #tpu.memory_space<hbm>> -> memref<40x128xi32, #tpu.memory_space<hbm>>
      %dma_wait3A_120 = arith.constant 0 : i32
      %dma_wait3A_121 = tpu.memref_slice %arg6[%mul3A_6, %dma_wait3A_120] : memref<1280x128xi32, #tpu.memory_space<hbm>> -> memref<40x128xi32, #tpu.memory_space<hbm>>
      tpu.wait_dma2 semaphore(%run_scoped3A_114 : memref<!tpu.dma_semaphore, #tpu.memory_space<semaphore_mem>>) src(%dma_wait3A_121 : memref<40x128xi32, #tpu.memory_space<hbm>>) dst(%arg11 : memref<40x128xi32, #tpu.memory_space<vmem>>)
      tpu.yield
    }) : () -> ()
    %scan3A_40 = arith.constant 0 : i32
    %scan3A_41 = arith.constant 32 : i32
    %scan3A_42 = arith.addi %scan3A_40, %scan3A_41 : i32
    %scan3A_43 = arith.constant 1 : i32
    scf.for %scan3A_114 = %scan3A_40 to %scan3A_42 step %scan3A_43  : i32 {
      %mul3A_115 = arith.constant 1 : i32
      %mul3A_116 = arith.muli %scan3A_114, %mul3A_115 : i32
      %add3A_117 = arith.constant 0 : i32
      %add3A_118 = arith.addi %add3A_117, %mul3A_116 : i32
      %broadcast_in_dim3A = arith.constant 0.000000e+00 : f32
      %broadcast_in_dim3A_119 = vector.broadcast %broadcast_in_dim3A : f32 to vector<16xf32>
      %swap3A = arith.index_cast %add3A_118 : i32 to index
      %swap3A_120 = arith.constant 0 : index
      %swap3A_121 = tpu.vector_load %arg14[%swap3A, %swap3A_120] {strides = array<i32>} : memref<32x128xf32, #tpu.memory_space<vmem>>, vector<1x16xf32>,
      %swap3A_122 = vector.shape_cast %swap3A_121 : vector<1x16xf32> to vector<16xf32>
      %swap3A_123 = vector.shape_cast %broadcast_in_dim3A_119 : vector<16xf32> to vector<1x16xf32>
      tpu.vector_store %arg14[%swap3A, %swap3A_120], %swap3A_123 {strides = array<i32>} : memref<32x128xf32, #tpu.memory_space<vmem>>, vector<1x16xf32>,
      %broadcast_in_dim3A_124 = arith.constant 0.000000e+00 : f32
      %broadcast_in_dim3A_125 = vector.broadcast %broadcast_in_dim3A_124 : f32 to vector<16xf32>
      %swap3A_126 = arith.index_cast %add3A_118 : i32 to index
      %swap3A_127 = arith.constant 16 : index
      %swap3A_128 = tpu.vector_load %arg14[%swap3A_126, %swap3A_127] {strides = array<i32>} : memref<32x128xf32, #tpu.memory_space<vmem>>, vector<1x16xf32>,
      %swap3A_129 = vector.shape_cast %swap3A_128 : vector<1x16xf32> to vector<16xf32>
      %swap3A_130 = vector.shape_cast %broadcast_in_dim3A_125 : vector<16xf32> to vector<1x16xf32>
      tpu.vector_store %arg14[%swap3A_126, %swap3A_127], %swap3A_130 {strides = array<i32>} : memref<32x128xf32, #tpu.memory_space<vmem>>, vector<1x16xf32>,
      %broadcast_in_dim3A_131 = arith.constant 0.000000e+00 : f32
      %broadcast_in_dim3A_132 = vector.broadcast %broadcast_in_dim3A_131 : f32 to vector<16xf32>
      %swap3A_133 = arith.index_cast %add3A_118 : i32 to index
      %swap3A_134 = arith.constant 32 : index
      %swap3A_135 = tpu.vector_load %arg14[%swap3A_133, %swap3A_134] {strides = array<i32>} : memref<32x128xf32, #tpu.memory_space<vmem>>, vector<1x16xf32>,
      %swap3A_136 = vector.shape_cast %swap3A_135 : vector<1x16xf32> to vector<16xf32>
      %swap3A_137 = vector.shape_cast %broadcast_in_dim3A_132 : vector<16xf32> to vector<1x16xf32>
      tpu.vector_store %arg14[%swap3A_133, %swap3A_134], %swap3A_137 {strides = array<i32>} : memref<32x128xf32, #tpu.memory_space<vmem>>, vector<1x16xf32>,
      %broadcast_in_dim3A_138 = arith.constant 0.000000e+00 : f32
      %broadcast_in_dim3A_139 = vector.broadcast %broadcast_in_dim3A_138 : f32 to vector<16xf32>
      %swap3A_140 = arith.index_cast %add3A_118 : i32 to index
      %swap3A_141 = arith.constant 48 : index
      %swap3A_142 = tpu.vector_load %arg14[%swap3A_140, %swap3A_141] {strides = array<i32>} : memref<32x128xf32, #tpu.memory_space<vmem>>, vector<1x16xf32>,
      %swap3A_143 = vector.shape_cast %swap3A_142 : vector<1x16xf32> to vector<16xf32>
      %swap3A_144 = vector.shape_cast %broadcast_in_dim3A_139 : vector<16xf32> to vector<1x16xf32>
      tpu.vector_store %arg14[%swap3A_140, %swap3A_141], %swap3A_144 {strides = array<i32>} : memref<32x128xf32, #tpu.memory_space<vmem>>, vector<1x16xf32>,
      %broadcast_in_dim3A_145 = arith.constant 0.000000e+00 : f32
      %broadcast_in_dim3A_146 = vector.broadcast %broadcast_in_dim3A_145 : f32 to vector<16xf32>
      %swap3A_147 = arith.index_cast %add3A_118 : i32 to index
      %swap3A_148 = arith.constant 64 : index
      %swap3A_149 = tpu.vector_load %arg14[%swap3A_147, %swap3A_148] {strides = array<i32>} : memref<32x128xf32, #tpu.memory_space<vmem>>, vector<1x16xf32>,
      %swap3A_150 = vector.shape_cast %swap3A_149 : vector<1x16xf32> to vector<16xf32>
      %swap3A_151 = vector.shape_cast %broadcast_in_dim3A_146 : vector<16xf32> to vector<1x16xf32>
      tpu.vector_store %arg14[%swap3A_147, %swap3A_148], %swap3A_151 {strides = array<i32>} : memref<32x128xf32, #tpu.memory_space<vmem>>, vector<1x16xf32>,
      %broadcast_in_dim3A_152 = arith.constant 0.000000e+00 : f32
      %broadcast_in_dim3A_153 = vector.broadcast %broadcast_in_dim3A_152 : f32 to vector<16xf32>
      %swap3A_154 = arith.index_cast %add3A_118 : i32 to index
      %swap3A_155 = arith.constant 80 : index
      %swap3A_156 = tpu.vector_load %arg14[%swap3A_154, %swap3A_155] {strides = array<i32>} : memref<32x128xf32, #tpu.memory_space<vmem>>, vector<1x16xf32>,
      %swap3A_157 = vector.shape_cast %swap3A_156 : vector<1x16xf32> to vector<16xf32>
      %swap3A_158 = vector.shape_cast %broadcast_in_dim3A_153 : vector<16xf32> to vector<1x16xf32>
      tpu.vector_store %arg14[%swap3A_154, %swap3A_155], %swap3A_158 {strides = array<i32>} : memref<32x128xf32, #tpu.memory_space<vmem>>, vector<1x16xf32>,
      %broadcast_in_dim3A_159 = arith.constant 0.000000e+00 : f32
      %broadcast_in_dim3A_160 = vector.broadcast %broadcast_in_dim3A_159 : f32 to vector<16xf32>
      %swap3A_161 = arith.index_cast %add3A_118 : i32 to index
      %swap3A_162 = arith.constant 96 : index
      %swap3A_163 = tpu.vector_load %arg14[%swap3A_161, %swap3A_162] {strides = array<i32>} : memref<32x128xf32, #tpu.memory_space<vmem>>, vector<1x16xf32>,
      %swap3A_164 = vector.shape_cast %swap3A_163 : vector<1x16xf32> to vector<16xf32>
      %swap3A_165 = vector.shape_cast %broadcast_in_dim3A_160 : vector<16xf32> to vector<1x16xf32>
      tpu.vector_store %arg14[%swap3A_161, %swap3A_162], %swap3A_165 {strides = array<i32>} : memref<32x128xf32, #tpu.memory_space<vmem>>, vector<1x16xf32>,
      %broadcast_in_dim3A_166 = arith.constant 0.000000e+00 : f32
      %broadcast_in_dim3A_167 = vector.broadcast %broadcast_in_dim3A_166 : f32 to vector<16xf32>
      %swap3A_168 = arith.index_cast %add3A_118 : i32 to index
      %swap3A_169 = arith.constant 112 : index
      %swap3A_170 = tpu.vector_load %arg14[%swap3A_168, %swap3A_169] {strides = array<i32>} : memref<32x128xf32, #tpu.memory_space<vmem>>, vector<1x16xf32>,
      %swap3A_171 = vector.shape_cast %swap3A_170 : vector<1x16xf32> to vector<16xf32>
      %swap3A_172 = vector.shape_cast %broadcast_in_dim3A_167 : vector<16xf32> to vector<1x16xf32>
      tpu.vector_store %arg14[%swap3A_168, %swap3A_169], %swap3A_172 {strides = array<i32>} : memref<32x128xf32, #tpu.memory_space<vmem>>, vector<1x16xf32>,
    }
    %scan3A_44 = arith.constant 32 : i32
    %scan3A_45 = arith.constant 0 : i32
    %scan3A_46 = arith.constant 20 : i32
    %scan3A_47 = arith.addi %scan3A_45, %scan3A_46 : i32
    %scan3A_48 = arith.constant 1 : i32
    scf.for %scan3A_114 = %scan3A_45 to %scan3A_47 step %scan3A_48  : i32 {
      %mul3A_115 = arith.constant 1 : i32
      %mul3A_116 = arith.muli %scan3A_114, %mul3A_115 : i32
      %add3A_117 = arith.constant 0 : i32
      %add3A_118 = arith.addi %add3A_117, %mul3A_116 : i32
      %mul3A_119 = arith.constant 32 : i32
      %mul3A_120 = arith.muli %add3A_118, %mul3A_119 : i32
      %add3A_121 = arith.addi %mul3A_2, %mul3A_120 : i32
      %dma_start3A_122 = arith.constant 0 : i32
      %dma_start3A_123 = tpu.memref_slice %arg15[%add3A_121, %dma_start3A_122] : memref<10240x128xf32, #tpu.memory_space<vmem_shared>> -> memref<32x128xf32, #tpu.memory_space<vmem_shared>>
      %dma_start3A_124 = arith.constant 0 : i32
      %dma_start3A_125 = tpu.memref_slice %arg15[%add3A_121, %dma_start3A_124] : memref<10240x128xf32, #tpu.memory_space<vmem_shared>> -> memref<32x128xf32, #tpu.memory_space<vmem_shared>>
      tpu.enqueue_dma source(%arg14 : memref<32x128xf32, #tpu.memory_space<vmem>>) target(%dma_start3A_125 : memref<32x128xf32, #tpu.memory_space<vmem_shared>>) target_semaphore(%arg16 : memref<!tpu.dma_semaphore, #tpu.memory_space<semaphore_mem>>)
    }
    %scan3A_49 = arith.constant 20 : i32
    %scan3A_50 = arith.constant 0 : i32
    %scan3A_51 = arith.constant 20 : i32
    %scan3A_52 = arith.addi %scan3A_50, %scan3A_51 : i32
    %scan3A_53 = arith.constant 1 : i32
    scf.for %scan3A_114 = %scan3A_50 to %scan3A_52 step %scan3A_53  : i32 {
      %mul3A_115 = arith.constant 1 : i32
      %mul3A_116 = arith.muli %scan3A_114, %mul3A_115 : i32
      %add3A_117 = arith.constant 0 : i32
      %add3A_118 = arith.addi %add3A_117, %mul3A_116 : i32
      %dma_wait3A = arith.constant 0 : i32
      %dma_wait3A_119 = tpu.memref_slice %arg15[%mul3A_2, %dma_wait3A] : memref<10240x128xf32, #tpu.memory_space<vmem_shared>> -> memref<32x128xf32, #tpu.memory_space<vmem_shared>>
      %dma_wait3A_120 = arith.constant 0 : i32
      %dma_wait3A_121 = tpu.memref_slice %arg15[%mul3A_2, %dma_wait3A_120] : memref<10240x128xf32, #tpu.memory_space<vmem_shared>> -> memref<32x128xf32, #tpu.memory_space<vmem_shared>>
      tpu.wait_dma2 semaphore(%arg16 : memref<!tpu.dma_semaphore, #tpu.memory_space<semaphore_mem>>) src(%arg14 : memref<32x128xf32, #tpu.memory_space<vmem>>) dst(%dma_wait3A_121 : memref<32x128xf32, #tpu.memory_space<vmem_shared>>)
    }
    %scan3A_54 = arith.constant 20 : i32
    %dma_start3A_55 = arith.constant 0 : i32
    %dma_start3A_56 = arith.constant 0 : i32
    %dma_start3A_57 = tpu.memref_slice %arg10[%dma_start3A_55, %dma_start3A_56] : memref<40x128xi32, #tpu.memory_space<vmem>> -> memref<1x128xi32, #tpu.memory_space<vmem>>
    %dma_start3A_58 = tpu.memref_squeeze %dma_start3A_57 : memref<1x128xi32, #tpu.memory_space<vmem>> -> memref<128xi32, #tpu.memory_space<vmem>>
    %dma_start3A_59 = arith.constant 0 : i32
    %dma_start3A_60 = arith.constant 0 : i32
    %dma_start3A_61 = tpu.memref_slice %arg2[%dma_start3A_59, %dma_start3A_60] : memref<10240x128xf32, #tpu.memory_space<hbm>> -> memref<10240x128xf32, #tpu.memory_space<hbm>>
    tpu.enqueue_indirect_dma source(%dma_start3A_61 : memref<10240x128xf32, #tpu.memory_space<hbm>>) target(%arg12 : memref<128x128xf32, #tpu.memory_space<vmem>>) offsets(%dma_start3A_58 : memref<128xi32, #tpu.memory_space<vmem>>) semaphore(%arg16 : memref<!tpu.dma_semaphore, #tpu.memory_space<semaphore_mem>>)
    %dma_start3A_62 = arith.constant 1 : i32
    %dma_start3A_63 = arith.constant 0 : i32
    %dma_start3A_64 = tpu.memref_slice %arg10[%dma_start3A_62, %dma_start3A_63] : memref<40x128xi32, #tpu.memory_space<vmem>> -> memref<1x128xi32, #tpu.memory_space<vmem>>
    %dma_start3A_65 = tpu.memref_squeeze %dma_start3A_64 : memref<1x128xi32, #tpu.memory_space<vmem>> -> memref<128xi32, #tpu.memory_space<vmem>>
    %dma_start3A_66 = arith.constant 0 : i32
    %dma_start3A_67 = arith.constant 0 : i32
    %dma_start3A_68 = tpu.memref_slice %arg2[%dma_start3A_66, %dma_start3A_67] : memref<10240x128xf32, #tpu.memory_space<hbm>> -> memref<10240x128xf32, #tpu.memory_space<hbm>>
    tpu.enqueue_indirect_dma source(%dma_start3A_68 : memref<10240x128xf32, #tpu.memory_space<hbm>>) target(%arg13 : memref<128x128xf32, #tpu.memory_space<vmem>>) offsets(%dma_start3A_65 : memref<128xi32, #tpu.memory_space<vmem>>) semaphore(%arg17 : memref<!tpu.dma_semaphore, #tpu.memory_space<semaphore_mem>>)
    %barrier3A_69 = arith.constant 0 : index
    tpu.barrier barrier_id(%barrier3A_69)
    %scan3A_70 = arith.constant 0 : i32
    %scan3A_71 = arith.constant 20 : i32
    %scan3A_72 = arith.addi %scan3A_70, %scan3A_71 : i32
    %scan3A_73 = arith.constant 1 : i32
    scf.for %scan3A_114 = %scan3A_70 to %scan3A_72 step %scan3A_73  : i32 {
      %mul3A_115 = arith.constant 2 : i32
      %mul3A_116 = arith.muli %scan3A_114, %mul3A_115 : i32
      %add3A_117 = arith.constant 0 : i32
      %add3A_118 = arith.addi %add3A_117, %mul3A_116 : i32
      %dma_wait3A = arith.constant 0 : i32
      %dma_wait3A_119 = tpu.memref_slice %arg10[%add3A_118, %dma_wait3A] : memref<40x128xi32, #tpu.memory_space<vmem>> -> memref<1x128xi32, #tpu.memory_space<vmem>>
      %dma_wait3A_120 = tpu.memref_squeeze %dma_wait3A_119 : memref<1x128xi32, #tpu.memory_space<vmem>> -> memref<128xi32, #tpu.memory_space<vmem>>
      %dma_wait3A_121 = arith.constant 0 : i32
      %dma_wait3A_122 = arith.constant 0 : i32
      %dma_wait3A_123 = tpu.memref_slice %arg2[%dma_wait3A_121, %dma_wait3A_122] : memref<10240x128xf32, #tpu.memory_space<hbm>> -> memref<10240x128xf32, #tpu.memory_space<hbm>>
      tpu.wait_indirect_dma semaphore(%arg16 : memref<!tpu.dma_semaphore, #tpu.memory_space<semaphore_mem>>) src(%dma_wait3A_123 : memref<10240x128xf32, #tpu.memory_space<hbm>>) dst(%arg12 : memref<128x128xf32, #tpu.memory_space<vmem>>)
      "tpu.region"() ({
        %run_scoped3A_145 = tpu.sem_alloc : memref<!tpu.dma_semaphore, #tpu.memory_space<semaphore_mem>>
        %dma_start3A_146 = arith.constant 0 : i32
        %dma_start3A_147 = tpu.memref_slice %arg11[%add3A_118, %dma_start3A_146] : memref<40x128xi32, #tpu.memory_space<vmem>> -> memref<1x128xi32, #tpu.memory_space<vmem>>
        %dma_start3A_148 = tpu.memref_squeeze %dma_start3A_147 : memref<1x128xi32, #tpu.memory_space<vmem>> -> memref<128xi32, #tpu.memory_space<vmem>>
        %dma_start3A_149 = arith.constant 0 : i32
        %dma_start3A_150 = arith.constant 0 : i32
        %dma_start3A_151 = tpu.memref_slice %arg15[%dma_start3A_149, %dma_start3A_150] : memref<10240x128xf32, #tpu.memory_space<vmem_shared>> -> memref<10240x128xf32, #tpu.memory_space<vmem_shared>>
        tpu.enqueue_indirect_dma source(%arg12 : memref<128x128xf32, #tpu.memory_space<vmem>>) target(%dma_start3A_151 : memref<10240x128xf32, #tpu.memory_space<vmem_shared>>) offsets(%dma_start3A_148 : memref<128xi32, #tpu.memory_space<vmem>>) semaphore(%run_scoped3A_145 : memref<!tpu.dma_semaphore, #tpu.memory_space<semaphore_mem>>) {add = true}
        %dma_wait3A_152 = arith.constant 0 : i32
        %dma_wait3A_153 = tpu.memref_slice %arg11[%add3A_118, %dma_wait3A_152] : memref<40x128xi32, #tpu.memory_space<vmem>> -> memref<1x128xi32, #tpu.memory_space<vmem>>
        %dma_wait3A_154 = tpu.memref_squeeze %dma_wait3A_153 : memref<1x128xi32, #tpu.memory_space<vmem>> -> memref<128xi32, #tpu.memory_space<vmem>>
        %dma_wait3A_155 = arith.constant 0 : i32
        %dma_wait3A_156 = arith.constant 0 : i32
        %dma_wait3A_157 = tpu.memref_slice %arg15[%dma_wait3A_155, %dma_wait3A_156] : memref<10240x128xf32, #tpu.memory_space<vmem_shared>> -> memref<10240x128xf32, #tpu.memory_space<vmem_shared>>
        tpu.wait_indirect_dma semaphore(%run_scoped3A_145 : memref<!tpu.dma_semaphore, #tpu.memory_space<semaphore_mem>>) src(%arg12 : memref<128x128xf32, #tpu.memory_space<vmem>>) dst(%dma_wait3A_157 : memref<10240x128xf32, #tpu.memory_space<vmem_shared>>)
        tpu.yield
      }) : () -> ()
      %add3A_124 = arith.constant 2 : i32
      %add3A_125 = arith.addi %add3A_118, %add3A_124 : i32
      %lt3A = arith.constant 40 : i32
      %lt3A_126 = arith.cmpi slt, %add3A_125, %lt3A : i32
      %convert_element_type3A = arith.extui %lt3A_126 : i1 to i32
      %cond3A = arith.constant 0 : i32
      %cond3A_127 = arith.cmpi ne, %convert_element_type3A, %cond3A : i32
      scf.if %cond3A_127 {
        %add3A_145 = arith.constant 2 : i32
        %add3A_146 = arith.addi %add3A_118, %add3A_145 : i32
        %dma_start3A_147 = arith.constant 0 : i32
        %dma_start3A_148 = tpu.memref_slice %arg10[%add3A_146, %dma_start3A_147] : memref<40x128xi32, #tpu.memory_space<vmem>> -> memref<1x128xi32, #tpu.memory_space<vmem>>
        %dma_start3A_149 = tpu.memref_squeeze %dma_start3A_148 : memref<1x128xi32, #tpu.memory_space<vmem>> -> memref<128xi32, #tpu.memory_space<vmem>>
        %dma_start3A_150 = arith.constant 0 : i32
        %dma_start3A_151 = arith.constant 0 : i32
        %dma_start3A_152 = tpu.memref_slice %arg2[%dma_start3A_150, %dma_start3A_151] : memref<10240x128xf32, #tpu.memory_space<hbm>> -> memref<10240x128xf32, #tpu.memory_space<hbm>>
        tpu.enqueue_indirect_dma source(%dma_start3A_152 : memref<10240x128xf32, #tpu.memory_space<hbm>>) target(%arg12 : memref<128x128xf32, #tpu.memory_space<vmem>>) offsets(%dma_start3A_149 : memref<128xi32, #tpu.memory_space<vmem>>) semaphore(%arg16 : memref<!tpu.dma_semaphore, #tpu.memory_space<semaphore_mem>>)
      } else {
      }
      %add3A_128 = arith.constant 1 : i32
      %add3A_129 = arith.addi %add3A_118, %add3A_128 : i32
      %dma_wait3A_130 = arith.constant 0 : i32
      %dma_wait3A_131 = tpu.memref_slice %arg10[%add3A_129, %dma_wait3A_130] : memref<40x128xi32, #tpu.memory_space<vmem>> -> memref<1x128xi32, #tpu.memory_space<vmem>>
      %dma_wait3A_132 = tpu.memref_squeeze %dma_wait3A_131 : memref<1x128xi32, #tpu.memory_space<vmem>> -> memref<128xi32, #tpu.memory_space<vmem>>
      %dma_wait3A_133 = arith.constant 0 : i32
      %dma_wait3A_134 = arith.constant 0 : i32
      %dma_wait3A_135 = tpu.memref_slice %arg2[%dma_wait3A_133, %dma_wait3A_134] : memref<10240x128xf32, #tpu.memory_space<hbm>> -> memref<10240x128xf32, #tpu.memory_space<hbm>>
      tpu.wait_indirect_dma semaphore(%arg17 : memref<!tpu.dma_semaphore, #tpu.memory_space<semaphore_mem>>) src(%dma_wait3A_135 : memref<10240x128xf32, #tpu.memory_space<hbm>>) dst(%arg13 : memref<128x128xf32, #tpu.memory_space<vmem>>)
      %add3A_136 = arith.constant 1 : i32
      %add3A_137 = arith.addi %add3A_118, %add3A_136 : i32
      "tpu.region"() ({
        %run_scoped3A_145 = tpu.sem_alloc : memref<!tpu.dma_semaphore, #tpu.memory_space<semaphore_mem>>
        %dma_start3A_146 = arith.constant 0 : i32
        %dma_start3A_147 = tpu.memref_slice %arg11[%add3A_137, %dma_start3A_146] : memref<40x128xi32, #tpu.memory_space<vmem>> -> memref<1x128xi32, #tpu.memory_space<vmem>>
        %dma_start3A_148 = tpu.memref_squeeze %dma_start3A_147 : memref<1x128xi32, #tpu.memory_space<vmem>> -> memref<128xi32, #tpu.memory_space<vmem>>
        %dma_start3A_149 = arith.constant 0 : i32
        %dma_start3A_150 = arith.constant 0 : i32
        %dma_start3A_151 = tpu.memref_slice %arg15[%dma_start3A_149, %dma_start3A_150] : memref<10240x128xf32, #tpu.memory_space<vmem_shared>> -> memref<10240x128xf32, #tpu.memory_space<vmem_shared>>
        tpu.enqueue_indirect_dma source(%arg13 : memref<128x128xf32, #tpu.memory_space<vmem>>) target(%dma_start3A_151 : memref<10240x128xf32, #tpu.memory_space<vmem_shared>>) offsets(%dma_start3A_148 : memref<128xi32, #tpu.memory_space<vmem>>) semaphore(%run_scoped3A_145 : memref<!tpu.dma_semaphore, #tpu.memory_space<semaphore_mem>>) {add = true}
        %dma_wait3A_152 = arith.constant 0 : i32
        %dma_wait3A_153 = tpu.memref_slice %arg11[%add3A_137, %dma_wait3A_152] : memref<40x128xi32, #tpu.memory_space<vmem>> -> memref<1x128xi32, #tpu.memory_space<vmem>>
        %dma_wait3A_154 = tpu.memref_squeeze %dma_wait3A_153 : memref<1x128xi32, #tpu.memory_space<vmem>> -> memref<128xi32, #tpu.memory_space<vmem>>
        %dma_wait3A_155 = arith.constant 0 : i32
        %dma_wait3A_156 = arith.constant 0 : i32
        %dma_wait3A_157 = tpu.memref_slice %arg15[%dma_wait3A_155, %dma_wait3A_156] : memref<10240x128xf32, #tpu.memory_space<vmem_shared>> -> memref<10240x128xf32, #tpu.memory_space<vmem_shared>>
        tpu.wait_indirect_dma semaphore(%run_scoped3A_145 : memref<!tpu.dma_semaphore, #tpu.memory_space<semaphore_mem>>) src(%arg13 : memref<128x128xf32, #tpu.memory_space<vmem>>) dst(%dma_wait3A_157 : memref<10240x128xf32, #tpu.memory_space<vmem_shared>>)
        tpu.yield
      }) : () -> ()
      %add3A_138 = arith.constant 3 : i32
      %add3A_139 = arith.addi %add3A_118, %add3A_138 : i32
      %lt3A_140 = arith.constant 40 : i32
      %lt3A_141 = arith.cmpi slt, %add3A_139, %lt3A_140 : i32
      %convert_element_type3A_142 = arith.extui %lt3A_141 : i1 to i32
      %cond3A_143 = arith.constant 0 : i32
      %cond3A_144 = arith.cmpi ne, %convert_element_type3A_142, %cond3A_143 : i32
      scf.if %cond3A_144 {
        %add3A_145 = arith.constant 3 : i32
        %add3A_146 = arith.addi %add3A_118, %add3A_145 : i32
        %dma_start3A_147 = arith.constant 0 : i32
        %dma_start3A_148 = tpu.memref_slice %arg10[%add3A_146, %dma_start3A_147] : memref<40x128xi32, #tpu.memory_space<vmem>> -> memref<1x128xi32, #tpu.memory_space<vmem>>
        %dma_start3A_149 = tpu.memref_squeeze %dma_start3A_148 : memref<1x128xi32, #tpu.memory_space<vmem>> -> memref<128xi32, #tpu.memory_space<vmem>>
        %dma_start3A_150 = arith.constant 0 : i32
        %dma_start3A_151 = arith.constant 0 : i32
        %dma_start3A_152 = tpu.memref_slice %arg2[%dma_start3A_150, %dma_start3A_151] : memref<10240x128xf32, #tpu.memory_space<hbm>> -> memref<10240x128xf32, #tpu.memory_space<hbm>>
        tpu.enqueue_indirect_dma source(%dma_start3A_152 : memref<10240x128xf32, #tpu.memory_space<hbm>>) target(%arg13 : memref<128x128xf32, #tpu.memory_space<vmem>>) offsets(%dma_start3A_149 : memref<128xi32, #tpu.memory_space<vmem>>) semaphore(%arg17 : memref<!tpu.dma_semaphore, #tpu.memory_space<semaphore_mem>>)
      } else {
      }
    }
    %scan3A_74 = arith.constant 20 : i32
    %barrier3A_75 = arith.constant 0 : index
    tpu.barrier barrier_id(%barrier3A_75)
    %run_scoped3A_76 = arith.constant 1 : i32
    "tpu.region"() ({
      %run_scoped3A_114 = tpu.sem_alloc : memref<!tpu.dma_semaphore, #tpu.memory_space<semaphore_mem>>
      %dma_start3A_115 = arith.constant 0 : i32
      %dma_start3A_116 = tpu.memref_slice %arg9[%arg0, %run_scoped3A_76, %mul3A_2, %dma_start3A_115] : memref<2x3x10240x128xf32, #tpu.memory_space<hbm>> -> memref<1x1x640x128xf32, #tpu.memory_space<hbm>>
      %dma_start3A_117 = tpu.memref_squeeze %dma_start3A_116 : memref<1x1x640x128xf32, #tpu.memory_space<hbm>> -> memref<640x128xf32, #tpu.memory_space<hbm>>
      %dma_start3A_118 = arith.constant 0 : i32
      %dma_start3A_119 = tpu.memref_slice %arg15[%mul3A_2, %dma_start3A_118] : memref<10240x128xf32, #tpu.memory_space<vmem_shared>> -> memref<640x128xf32, #tpu.memory_space<vmem_shared>>
      tpu.enqueue_dma source(%dma_start3A_119 : memref<640x128xf32, #tpu.memory_space<vmem_shared>>) target(%dma_start3A_117 : memref<640x128xf32, #tpu.memory_space<hbm>>) target_semaphore(%run_scoped3A_114 : memref<!tpu.dma_semaphore, #tpu.memory_space<semaphore_mem>>)
      %dma_wait3A = arith.constant 0 : i32
      %dma_wait3A_120 = tpu.memref_slice %arg9[%arg0, %run_scoped3A_76, %mul3A_2, %dma_wait3A] : memref<2x3x10240x128xf32, #tpu.memory_space<hbm>> -> memref<1x1x640x128xf32, #tpu.memory_space<hbm>>
      %dma_wait3A_121 = tpu.memref_squeeze %dma_wait3A_120 : memref<1x1x640x128xf32, #tpu.memory_space<hbm>> -> memref<640x128xf32, #tpu.memory_space<hbm>>
      %dma_wait3A_122 = arith.constant 0 : i32
      %dma_wait3A_123 = tpu.memref_slice %arg15[%mul3A_2, %dma_wait3A_122] : memref<10240x128xf32, #tpu.memory_space<vmem_shared>> -> memref<640x128xf32, #tpu.memory_space<vmem_shared>>
      tpu.wait_dma2 semaphore(%run_scoped3A_114 : memref<!tpu.dma_semaphore, #tpu.memory_space<semaphore_mem>>) src(%dma_wait3A_123 : memref<640x128xf32, #tpu.memory_space<vmem_shared>>) dst(%dma_wait3A_121 : memref<640x128xf32, #tpu.memory_space<hbm>>)
      tpu.yield
    }) : () -> ()
    "tpu.region"() ({
      %run_scoped3A_114 = tpu.sem_alloc : memref<!tpu.dma_semaphore, #tpu.memory_space<semaphore_mem>>
      %dma_start3A_115 = arith.constant 0 : i32
      %dma_start3A_116 = tpu.memref_slice %arg7[%mul3A_6, %dma_start3A_115] : memref<1280x128xi32, #tpu.memory_space<hbm>> -> memref<40x128xi32, #tpu.memory_space<hbm>>
      %dma_start3A_117 = arith.constant 0 : i32
      %dma_start3A_118 = tpu.memref_slice %arg7[%mul3A_6, %dma_start3A_117] : memref<1280x128xi32, #tpu.memory_space<hbm>> -> memref<40x128xi32, #tpu.memory_space<hbm>>
      tpu.enqueue_dma source(%dma_start3A_118 : memref<40x128xi32, #tpu.memory_space<hbm>>) target(%arg10 : memref<40x128xi32, #tpu.memory_space<vmem>>) target_semaphore(%run_scoped3A_114 : memref<!tpu.dma_semaphore, #tpu.memory_space<semaphore_mem>>)
      %dma_wait3A = arith.constant 0 : i32
      %dma_wait3A_119 = tpu.memref_slice %arg7[%mul3A_6, %dma_wait3A] : memref<1280x128xi32, #tpu.memory_space<hbm>> -> memref<40x128xi32, #tpu.memory_space<hbm>>
      %dma_wait3A_120 = arith.constant 0 : i32
      %dma_wait3A_121 = tpu.memref_slice %arg7[%mul3A_6, %dma_wait3A_120] : memref<1280x128xi32, #tpu.memory_space<hbm>> -> memref<40x128xi32, #tpu.memory_space<hbm>>
      tpu.wait_dma2 semaphore(%run_scoped3A_114 : memref<!tpu.dma_semaphore, #tpu.memory_space<semaphore_mem>>) src(%dma_wait3A_121 : memref<40x128xi32, #tpu.memory_space<hbm>>) dst(%arg10 : memref<40x128xi32, #tpu.memory_space<vmem>>)
      tpu.yield
    }) : () -> ()
    "tpu.region"() ({
      %run_scoped3A_114 = tpu.sem_alloc : memref<!tpu.dma_semaphore, #tpu.memory_space<semaphore_mem>>
      %dma_start3A_115 = arith.constant 0 : i32
      %dma_start3A_116 = tpu.memref_slice %arg8[%mul3A_6, %dma_start3A_115] : memref<1280x128xi32, #tpu.memory_space<hbm>> -> memref<40x128xi32, #tpu.memory_space<hbm>>
      %dma_start3A_117 = arith.constant 0 : i32
      %dma_start3A_118 = tpu.memref_slice %arg8[%mul3A_6, %dma_start3A_117] : memref<1280x128xi32, #tpu.memory_space<hbm>> -> memref<40x128xi32, #tpu.memory_space<hbm>>
      tpu.enqueue_dma source(%dma_start3A_118 : memref<40x128xi32, #tpu.memory_space<hbm>>) target(%arg11 : memref<40x128xi32, #tpu.memory_space<vmem>>) target_semaphore(%run_scoped3A_114 : memref<!tpu.dma_semaphore, #tpu.memory_space<semaphore_mem>>)
      %dma_wait3A = arith.constant 0 : i32
      %dma_wait3A_119 = tpu.memref_slice %arg8[%mul3A_6, %dma_wait3A] : memref<1280x128xi32, #tpu.memory_space<hbm>> -> memref<40x128xi32, #tpu.memory_space<hbm>>
      %dma_wait3A_120 = arith.constant 0 : i32
      %dma_wait3A_121 = tpu.memref_slice %arg8[%mul3A_6, %dma_wait3A_120] : memref<1280x128xi32, #tpu.memory_space<hbm>> -> memref<40x128xi32, #tpu.memory_space<hbm>>
      tpu.wait_dma2 semaphore(%run_scoped3A_114 : memref<!tpu.dma_semaphore, #tpu.memory_space<semaphore_mem>>) src(%dma_wait3A_121 : memref<40x128xi32, #tpu.memory_space<hbm>>) dst(%arg11 : memref<40x128xi32, #tpu.memory_space<vmem>>)
      tpu.yield
    }) : () -> ()
    %scan3A_77 = arith.constant 0 : i32
    %scan3A_78 = arith.constant 32 : i32
    %scan3A_79 = arith.addi %scan3A_77, %scan3A_78 : i32
    %scan3A_80 = arith.constant 1 : i32
    scf.for %scan3A_114 = %scan3A_77 to %scan3A_79 step %scan3A_80  : i32 {
      %mul3A_115 = arith.constant 1 : i32
      %mul3A_116 = arith.muli %scan3A_114, %mul3A_115 : i32
      %add3A_117 = arith.constant 0 : i32
      %add3A_118 = arith.addi %add3A_117, %mul3A_116 : i32
      %broadcast_in_dim3A = arith.constant 0.000000e+00 : f32
      %broadcast_in_dim3A_119 = vector.broadcast %broadcast_in_dim3A : f32 to vector<16xf32>
      %swap3A = arith.index_cast %add3A_118 : i32 to index
      %swap3A_120 = arith.constant 0 : index
      %swap3A_121 = tpu.vector_load %arg14[%swap3A, %swap3A_120] {strides = array<i32>} : memref<32x128xf32, #tpu.memory_space<vmem>>, vector<1x16xf32>,
      %swap3A_122 = vector.shape_cast %swap3A_121 : vector<1x16xf32> to vector<16xf32>
      %swap3A_123 = vector.shape_cast %broadcast_in_dim3A_119 : vector<16xf32> to vector<1x16xf32>
      tpu.vector_store %arg14[%swap3A, %swap3A_120], %swap3A_123 {strides = array<i32>} : memref<32x128xf32, #tpu.memory_space<vmem>>, vector<1x16xf32>,
      %broadcast_in_dim3A_124 = arith.constant 0.000000e+00 : f32
      %broadcast_in_dim3A_125 = vector.broadcast %broadcast_in_dim3A_124 : f32 to vector<16xf32>
      %swap3A_126 = arith.index_cast %add3A_118 : i32 to index
      %swap3A_127 = arith.constant 16 : index
      %swap3A_128 = tpu.vector_load %arg14[%swap3A_126, %swap3A_127] {strides = array<i32>} : memref<32x128xf32, #tpu.memory_space<vmem>>, vector<1x16xf32>,
      %swap3A_129 = vector.shape_cast %swap3A_128 : vector<1x16xf32> to vector<16xf32>
      %swap3A_130 = vector.shape_cast %broadcast_in_dim3A_125 : vector<16xf32> to vector<1x16xf32>
      tpu.vector_store %arg14[%swap3A_126, %swap3A_127], %swap3A_130 {strides = array<i32>} : memref<32x128xf32, #tpu.memory_space<vmem>>, vector<1x16xf32>,
      %broadcast_in_dim3A_131 = arith.constant 0.000000e+00 : f32
      %broadcast_in_dim3A_132 = vector.broadcast %broadcast_in_dim3A_131 : f32 to vector<16xf32>
      %swap3A_133 = arith.index_cast %add3A_118 : i32 to index
      %swap3A_134 = arith.constant 32 : index
      %swap3A_135 = tpu.vector_load %arg14[%swap3A_133, %swap3A_134] {strides = array<i32>} : memref<32x128xf32, #tpu.memory_space<vmem>>, vector<1x16xf32>,
      %swap3A_136 = vector.shape_cast %swap3A_135 : vector<1x16xf32> to vector<16xf32>
      %swap3A_137 = vector.shape_cast %broadcast_in_dim3A_132 : vector<16xf32> to vector<1x16xf32>
      tpu.vector_store %arg14[%swap3A_133, %swap3A_134], %swap3A_137 {strides = array<i32>} : memref<32x128xf32, #tpu.memory_space<vmem>>, vector<1x16xf32>,
      %broadcast_in_dim3A_138 = arith.constant 0.000000e+00 : f32
      %broadcast_in_dim3A_139 = vector.broadcast %broadcast_in_dim3A_138 : f32 to vector<16xf32>
      %swap3A_140 = arith.index_cast %add3A_118 : i32 to index
      %swap3A_141 = arith.constant 48 : index
      %swap3A_142 = tpu.vector_load %arg14[%swap3A_140, %swap3A_141] {strides = array<i32>} : memref<32x128xf32, #tpu.memory_space<vmem>>, vector<1x16xf32>,
      %swap3A_143 = vector.shape_cast %swap3A_142 : vector<1x16xf32> to vector<16xf32>
      %swap3A_144 = vector.shape_cast %broadcast_in_dim3A_139 : vector<16xf32> to vector<1x16xf32>
      tpu.vector_store %arg14[%swap3A_140, %swap3A_141], %swap3A_144 {strides = array<i32>} : memref<32x128xf32, #tpu.memory_space<vmem>>, vector<1x16xf32>,
      %broadcast_in_dim3A_145 = arith.constant 0.000000e+00 : f32
      %broadcast_in_dim3A_146 = vector.broadcast %broadcast_in_dim3A_145 : f32 to vector<16xf32>
      %swap3A_147 = arith.index_cast %add3A_118 : i32 to index
      %swap3A_148 = arith.constant 64 : index
      %swap3A_149 = tpu.vector_load %arg14[%swap3A_147, %swap3A_148] {strides = array<i32>} : memref<32x128xf32, #tpu.memory_space<vmem>>, vector<1x16xf32>,
      %swap3A_150 = vector.shape_cast %swap3A_149 : vector<1x16xf32> to vector<16xf32>
      %swap3A_151 = vector.shape_cast %broadcast_in_dim3A_146 : vector<16xf32> to vector<1x16xf32>
      tpu.vector_store %arg14[%swap3A_147, %swap3A_148], %swap3A_151 {strides = array<i32>} : memref<32x128xf32, #tpu.memory_space<vmem>>, vector<1x16xf32>,
      %broadcast_in_dim3A_152 = arith.constant 0.000000e+00 : f32
      %broadcast_in_dim3A_153 = vector.broadcast %broadcast_in_dim3A_152 : f32 to vector<16xf32>
      %swap3A_154 = arith.index_cast %add3A_118 : i32 to index
      %swap3A_155 = arith.constant 80 : index
      %swap3A_156 = tpu.vector_load %arg14[%swap3A_154, %swap3A_155] {strides = array<i32>} : memref<32x128xf32, #tpu.memory_space<vmem>>, vector<1x16xf32>,
      %swap3A_157 = vector.shape_cast %swap3A_156 : vector<1x16xf32> to vector<16xf32>
      %swap3A_158 = vector.shape_cast %broadcast_in_dim3A_153 : vector<16xf32> to vector<1x16xf32>
      tpu.vector_store %arg14[%swap3A_154, %swap3A_155], %swap3A_158 {strides = array<i32>} : memref<32x128xf32, #tpu.memory_space<vmem>>, vector<1x16xf32>,
      %broadcast_in_dim3A_159 = arith.constant 0.000000e+00 : f32
      %broadcast_in_dim3A_160 = vector.broadcast %broadcast_in_dim3A_159 : f32 to vector<16xf32>
      %swap3A_161 = arith.index_cast %add3A_118 : i32 to index
      %swap3A_162 = arith.constant 96 : index
      %swap3A_163 = tpu.vector_load %arg14[%swap3A_161, %swap3A_162] {strides = array<i32>} : memref<32x128xf32, #tpu.memory_space<vmem>>, vector<1x16xf32>,
      %swap3A_164 = vector.shape_cast %swap3A_163 : vector<1x16xf32> to vector<16xf32>
      %swap3A_165 = vector.shape_cast %broadcast_in_dim3A_160 : vector<16xf32> to vector<1x16xf32>
      tpu.vector_store %arg14[%swap3A_161, %swap3A_162], %swap3A_165 {strides = array<i32>} : memref<32x128xf32, #tpu.memory_space<vmem>>, vector<1x16xf32>,
      %broadcast_in_dim3A_166 = arith.constant 0.000000e+00 : f32
      %broadcast_in_dim3A_167 = vector.broadcast %broadcast_in_dim3A_166 : f32 to vector<16xf32>
      %swap3A_168 = arith.index_cast %add3A_118 : i32 to index
      %swap3A_169 = arith.constant 112 : index
      %swap3A_170 = tpu.vector_load %arg14[%swap3A_168, %swap3A_169] {strides = array<i32>} : memref<32x128xf32, #tpu.memory_space<vmem>>, vector<1x16xf32>,
      %swap3A_171 = vector.shape_cast %swap3A_170 : vector<1x16xf32> to vector<16xf32>
      %swap3A_172 = vector.shape_cast %broadcast_in_dim3A_167 : vector<16xf32> to vector<1x16xf32>
      tpu.vector_store %arg14[%swap3A_168, %swap3A_169], %swap3A_172 {strides = array<i32>} : memref<32x128xf32, #tpu.memory_space<vmem>>, vector<1x16xf32>,
    }
    %scan3A_81 = arith.constant 32 : i32
    %scan3A_82 = arith.constant 0 : i32
    %scan3A_83 = arith.constant 20 : i32
    %scan3A_84 = arith.addi %scan3A_82, %scan3A_83 : i32
    %scan3A_85 = arith.constant 1 : i32
    scf.for %scan3A_114 = %scan3A_82 to %scan3A_84 step %scan3A_85  : i32 {
      %mul3A_115 = arith.constant 1 : i32
      %mul3A_116 = arith.muli %scan3A_114, %mul3A_115 : i32
      %add3A_117 = arith.constant 0 : i32
      %add3A_118 = arith.addi %add3A_117, %mul3A_116 : i32
      %mul3A_119 = arith.constant 32 : i32
      %mul3A_120 = arith.muli %add3A_118, %mul3A_119 : i32
      %add3A_121 = arith.addi %mul3A_2, %mul3A_120 : i32
      %dma_start3A_122 = arith.constant 0 : i32
      %dma_start3A_123 = tpu.memref_slice %arg15[%add3A_121, %dma_start3A_122] : memref<10240x128xf32, #tpu.memory_space<vmem_shared>> -> memref<32x128xf32, #tpu.memory_space<vmem_shared>>
      %dma_start3A_124 = arith.constant 0 : i32
      %dma_start3A_125 = tpu.memref_slice %arg15[%add3A_121, %dma_start3A_124] : memref<10240x128xf32, #tpu.memory_space<vmem_shared>> -> memref<32x128xf32, #tpu.memory_space<vmem_shared>>
      tpu.enqueue_dma source(%arg14 : memref<32x128xf32, #tpu.memory_space<vmem>>) target(%dma_start3A_125 : memref<32x128xf32, #tpu.memory_space<vmem_shared>>) target_semaphore(%arg16 : memref<!tpu.dma_semaphore, #tpu.memory_space<semaphore_mem>>)
    }
    %scan3A_86 = arith.constant 20 : i32
    %scan3A_87 = arith.constant 0 : i32
    %scan3A_88 = arith.constant 20 : i32
    %scan3A_89 = arith.addi %scan3A_87, %scan3A_88 : i32
    %scan3A_90 = arith.constant 1 : i32
    scf.for %scan3A_114 = %scan3A_87 to %scan3A_89 step %scan3A_90  : i32 {
      %mul3A_115 = arith.constant 1 : i32
      %mul3A_116 = arith.muli %scan3A_114, %mul3A_115 : i32
      %add3A_117 = arith.constant 0 : i32
      %add3A_118 = arith.addi %add3A_117, %mul3A_116 : i32
      %dma_wait3A = arith.constant 0 : i32
      %dma_wait3A_119 = tpu.memref_slice %arg15[%mul3A_2, %dma_wait3A] : memref<10240x128xf32, #tpu.memory_space<vmem_shared>> -> memref<32x128xf32, #tpu.memory_space<vmem_shared>>
      %dma_wait3A_120 = arith.constant 0 : i32
      %dma_wait3A_121 = tpu.memref_slice %arg15[%mul3A_2, %dma_wait3A_120] : memref<10240x128xf32, #tpu.memory_space<vmem_shared>> -> memref<32x128xf32, #tpu.memory_space<vmem_shared>>
      tpu.wait_dma2 semaphore(%arg16 : memref<!tpu.dma_semaphore, #tpu.memory_space<semaphore_mem>>) src(%arg14 : memref<32x128xf32, #tpu.memory_space<vmem>>) dst(%dma_wait3A_121 : memref<32x128xf32, #tpu.memory_space<vmem_shared>>)
    }
    %scan3A_91 = arith.constant 20 : i32
    %dma_start3A_92 = arith.constant 0 : i32
    %dma_start3A_93 = arith.constant 0 : i32
    %dma_start3A_94 = tpu.memref_slice %arg10[%dma_start3A_92, %dma_start3A_93] : memref<40x128xi32, #tpu.memory_space<vmem>> -> memref<1x128xi32, #tpu.memory_space<vmem>>
    %dma_start3A_95 = tpu.memref_squeeze %dma_start3A_94 : memref<1x128xi32, #tpu.memory_space<vmem>> -> memref<128xi32, #tpu.memory_space<vmem>>
    %dma_start3A_96 = arith.constant 0 : i32
    %dma_start3A_97 = arith.constant 0 : i32
    %dma_start3A_98 = tpu.memref_slice %arg2[%dma_start3A_96, %dma_start3A_97] : memref<10240x128xf32, #tpu.memory_space<hbm>> -> memref<10240x128xf32, #tpu.memory_space<hbm>>
    tpu.enqueue_indirect_dma source(%dma_start3A_98 : memref<10240x128xf32, #tpu.memory_space<hbm>>) target(%arg12 : memref<128x128xf32, #tpu.memory_space<vmem>>) offsets(%dma_start3A_95 : memref<128xi32, #tpu.memory_space<vmem>>) semaphore(%arg16 : memref<!tpu.dma_semaphore, #tpu.memory_space<semaphore_mem>>)
    %dma_start3A_99 = arith.constant 1 : i32
    %dma_start3A_100 = arith.constant 0 : i32
    %dma_start3A_101 = tpu.memref_slice %arg10[%dma_start3A_99, %dma_start3A_100] : memref<40x128xi32, #tpu.memory_space<vmem>> -> memref<1x128xi32, #tpu.memory_space<vmem>>
    %dma_start3A_102 = tpu.memref_squeeze %dma_start3A_101 : memref<1x128xi32, #tpu.memory_space<vmem>> -> memref<128xi32, #tpu.memory_space<vmem>>
    %dma_start3A_103 = arith.constant 0 : i32
    %dma_start3A_104 = arith.constant 0 : i32
    %dma_start3A_105 = tpu.memref_slice %arg2[%dma_start3A_103, %dma_start3A_104] : memref<10240x128xf32, #tpu.memory_space<hbm>> -> memref<10240x128xf32, #tpu.memory_space<hbm>>
    tpu.enqueue_indirect_dma source(%dma_start3A_105 : memref<10240x128xf32, #tpu.memory_space<hbm>>) target(%arg13 : memref<128x128xf32, #tpu.memory_space<vmem>>) offsets(%dma_start3A_102 : memref<128xi32, #tpu.memory_space<vmem>>) semaphore(%arg17 : memref<!tpu.dma_semaphore, #tpu.memory_space<semaphore_mem>>)
    %barrier3A_106 = arith.constant 0 : index
    tpu.barrier barrier_id(%barrier3A_106)
    %scan3A_107 = arith.constant 0 : i32
    %scan3A_108 = arith.constant 20 : i32
    %scan3A_109 = arith.addi %scan3A_107, %scan3A_108 : i32
    %scan3A_110 = arith.constant 1 : i32
    scf.for %scan3A_114 = %scan3A_107 to %scan3A_109 step %scan3A_110  : i32 {
      %mul3A_115 = arith.constant 2 : i32
      %mul3A_116 = arith.muli %scan3A_114, %mul3A_115 : i32
      %add3A_117 = arith.constant 0 : i32
      %add3A_118 = arith.addi %add3A_117, %mul3A_116 : i32
      %dma_wait3A = arith.constant 0 : i32
      %dma_wait3A_119 = tpu.memref_slice %arg10[%add3A_118, %dma_wait3A] : memref<40x128xi32, #tpu.memory_space<vmem>> -> memref<1x128xi32, #tpu.memory_space<vmem>>
      %dma_wait3A_120 = tpu.memref_squeeze %dma_wait3A_119 : memref<1x128xi32, #tpu.memory_space<vmem>> -> memref<128xi32, #tpu.memory_space<vmem>>
      %dma_wait3A_121 = arith.constant 0 : i32
      %dma_wait3A_122 = arith.constant 0 : i32
      %dma_wait3A_123 = tpu.memref_slice %arg2[%dma_wait3A_121, %dma_wait3A_122] : memref<10240x128xf32, #tpu.memory_space<hbm>> -> memref<10240x128xf32, #tpu.memory_space<hbm>>
      tpu.wait_indirect_dma semaphore(%arg16 : memref<!tpu.dma_semaphore, #tpu.memory_space<semaphore_mem>>) src(%dma_wait3A_123 : memref<10240x128xf32, #tpu.memory_space<hbm>>) dst(%arg12 : memref<128x128xf32, #tpu.memory_space<vmem>>)
      "tpu.region"() ({
        %run_scoped3A_145 = tpu.sem_alloc : memref<!tpu.dma_semaphore, #tpu.memory_space<semaphore_mem>>
        %dma_start3A_146 = arith.constant 0 : i32
        %dma_start3A_147 = tpu.memref_slice %arg11[%add3A_118, %dma_start3A_146] : memref<40x128xi32, #tpu.memory_space<vmem>> -> memref<1x128xi32, #tpu.memory_space<vmem>>
        %dma_start3A_148 = tpu.memref_squeeze %dma_start3A_147 : memref<1x128xi32, #tpu.memory_space<vmem>> -> memref<128xi32, #tpu.memory_space<vmem>>
        %dma_start3A_149 = arith.constant 0 : i32
        %dma_start3A_150 = arith.constant 0 : i32
        %dma_start3A_151 = tpu.memref_slice %arg15[%dma_start3A_149, %dma_start3A_150] : memref<10240x128xf32, #tpu.memory_space<vmem_shared>> -> memref<10240x128xf32, #tpu.memory_space<vmem_shared>>
        tpu.enqueue_indirect_dma source(%arg12 : memref<128x128xf32, #tpu.memory_space<vmem>>) target(%dma_start3A_151 : memref<10240x128xf32, #tpu.memory_space<vmem_shared>>) offsets(%dma_start3A_148 : memref<128xi32, #tpu.memory_space<vmem>>) semaphore(%run_scoped3A_145 : memref<!tpu.dma_semaphore, #tpu.memory_space<semaphore_mem>>) {add = true}
        %dma_wait3A_152 = arith.constant 0 : i32
        %dma_wait3A_153 = tpu.memref_slice %arg11[%add3A_118, %dma_wait3A_152] : memref<40x128xi32, #tpu.memory_space<vmem>> -> memref<1x128xi32, #tpu.memory_space<vmem>>
        %dma_wait3A_154 = tpu.memref_squeeze %dma_wait3A_153 : memref<1x128xi32, #tpu.memory_space<vmem>> -> memref<128xi32, #tpu.memory_space<vmem>>
        %dma_wait3A_155 = arith.constant 0 : i32
        %dma_wait3A_156 = arith.constant 0 : i32
        %dma_wait3A_157 = tpu.memref_slice %arg15[%dma_wait3A_155, %dma_wait3A_156] : memref<10240x128xf32, #tpu.memory_space<vmem_shared>> -> memref<10240x128xf32, #tpu.memory_space<vmem_shared>>
        tpu.wait_indirect_dma semaphore(%run_scoped3A_145 : memref<!tpu.dma_semaphore, #tpu.memory_space<semaphore_mem>>) src(%arg12 : memref<128x128xf32, #tpu.memory_space<vmem>>) dst(%dma_wait3A_157 : memref<10240x128xf32, #tpu.memory_space<vmem_shared>>)
        tpu.yield
      }) : () -> ()
      %add3A_124 = arith.constant 2 : i32
      %add3A_125 = arith.addi %add3A_118, %add3A_124 : i32
      %lt3A = arith.constant 40 : i32
      %lt3A_126 = arith.cmpi slt, %add3A_125, %lt3A : i32
      %convert_element_type3A = arith.extui %lt3A_126 : i1 to i32
      %cond3A = arith.constant 0 : i32
      %cond3A_127 = arith.cmpi ne, %convert_element_type3A, %cond3A : i32
      scf.if %cond3A_127 {
        %add3A_145 = arith.constant 2 : i32
        %add3A_146 = arith.addi %add3A_118, %add3A_145 : i32
        %dma_start3A_147 = arith.constant 0 : i32
        %dma_start3A_148 = tpu.memref_slice %arg10[%add3A_146, %dma_start3A_147] : memref<40x128xi32, #tpu.memory_space<vmem>> -> memref<1x128xi32, #tpu.memory_space<vmem>>
        %dma_start3A_149 = tpu.memref_squeeze %dma_start3A_148 : memref<1x128xi32, #tpu.memory_space<vmem>> -> memref<128xi32, #tpu.memory_space<vmem>>
        %dma_start3A_150 = arith.constant 0 : i32
        %dma_start3A_151 = arith.constant 0 : i32
        %dma_start3A_152 = tpu.memref_slice %arg2[%dma_start3A_150, %dma_start3A_151] : memref<10240x128xf32, #tpu.memory_space<hbm>> -> memref<10240x128xf32, #tpu.memory_space<hbm>>
        tpu.enqueue_indirect_dma source(%dma_start3A_152 : memref<10240x128xf32, #tpu.memory_space<hbm>>) target(%arg12 : memref<128x128xf32, #tpu.memory_space<vmem>>) offsets(%dma_start3A_149 : memref<128xi32, #tpu.memory_space<vmem>>) semaphore(%arg16 : memref<!tpu.dma_semaphore, #tpu.memory_space<semaphore_mem>>)
      } else {
      }
      %add3A_128 = arith.constant 1 : i32
      %add3A_129 = arith.addi %add3A_118, %add3A_128 : i32
      %dma_wait3A_130 = arith.constant 0 : i32
      %dma_wait3A_131 = tpu.memref_slice %arg10[%add3A_129, %dma_wait3A_130] : memref<40x128xi32, #tpu.memory_space<vmem>> -> memref<1x128xi32, #tpu.memory_space<vmem>>
      %dma_wait3A_132 = tpu.memref_squeeze %dma_wait3A_131 : memref<1x128xi32, #tpu.memory_space<vmem>> -> memref<128xi32, #tpu.memory_space<vmem>>
      %dma_wait3A_133 = arith.constant 0 : i32
      %dma_wait3A_134 = arith.constant 0 : i32
      %dma_wait3A_135 = tpu.memref_slice %arg2[%dma_wait3A_133, %dma_wait3A_134] : memref<10240x128xf32, #tpu.memory_space<hbm>> -> memref<10240x128xf32, #tpu.memory_space<hbm>>
      tpu.wait_indirect_dma semaphore(%arg17 : memref<!tpu.dma_semaphore, #tpu.memory_space<semaphore_mem>>) src(%dma_wait3A_135 : memref<10240x128xf32, #tpu.memory_space<hbm>>) dst(%arg13 : memref<128x128xf32, #tpu.memory_space<vmem>>)
      %add3A_136 = arith.constant 1 : i32
      %add3A_137 = arith.addi %add3A_118, %add3A_136 : i32
      "tpu.region"() ({
        %run_scoped3A_145 = tpu.sem_alloc : memref<!tpu.dma_semaphore, #tpu.memory_space<semaphore_mem>>
        %dma_start3A_146 = arith.constant 0 : i32
        %dma_start3A_147 = tpu.memref_slice %arg11[%add3A_137, %dma_start3A_146] : memref<40x128xi32, #tpu.memory_space<vmem>> -> memref<1x128xi32, #tpu.memory_space<vmem>>
        %dma_start3A_148 = tpu.memref_squeeze %dma_start3A_147 : memref<1x128xi32, #tpu.memory_space<vmem>> -> memref<128xi32, #tpu.memory_space<vmem>>
        %dma_start3A_149 = arith.constant 0 : i32
        %dma_start3A_150 = arith.constant 0 : i32
        %dma_start3A_151 = tpu.memref_slice %arg15[%dma_start3A_149, %dma_start3A_150] : memref<10240x128xf32, #tpu.memory_space<vmem_shared>> -> memref<10240x128xf32, #tpu.memory_space<vmem_shared>>
        tpu.enqueue_indirect_dma source(%arg13 : memref<128x128xf32, #tpu.memory_space<vmem>>) target(%dma_start3A_151 : memref<10240x128xf32, #tpu.memory_space<vmem_shared>>) offsets(%dma_start3A_148 : memref<128xi32, #tpu.memory_space<vmem>>) semaphore(%run_scoped3A_145 : memref<!tpu.dma_semaphore, #tpu.memory_space<semaphore_mem>>) {add = true}
        %dma_wait3A_152 = arith.constant 0 : i32
        %dma_wait3A_153 = tpu.memref_slice %arg11[%add3A_137, %dma_wait3A_152] : memref<40x128xi32, #tpu.memory_space<vmem>> -> memref<1x128xi32, #tpu.memory_space<vmem>>
        %dma_wait3A_154 = tpu.memref_squeeze %dma_wait3A_153 : memref<1x128xi32, #tpu.memory_space<vmem>> -> memref<128xi32, #tpu.memory_space<vmem>>
        %dma_wait3A_155 = arith.constant 0 : i32
        %dma_wait3A_156 = arith.constant 0 : i32
        %dma_wait3A_157 = tpu.memref_slice %arg15[%dma_wait3A_155, %dma_wait3A_156] : memref<10240x128xf32, #tpu.memory_space<vmem_shared>> -> memref<10240x128xf32, #tpu.memory_space<vmem_shared>>
        tpu.wait_indirect_dma semaphore(%run_scoped3A_145 : memref<!tpu.dma_semaphore, #tpu.memory_space<semaphore_mem>>) src(%arg13 : memref<128x128xf32, #tpu.memory_space<vmem>>) dst(%dma_wait3A_157 : memref<10240x128xf32, #tpu.memory_space<vmem_shared>>)
        tpu.yield
      }) : () -> ()
      %add3A_138 = arith.constant 3 : i32
      %add3A_139 = arith.addi %add3A_118, %add3A_138 : i32
      %lt3A_140 = arith.constant 40 : i32
      %lt3A_141 = arith.cmpi slt, %add3A_139, %lt3A_140 : i32
      %convert_element_type3A_142 = arith.extui %lt3A_141 : i1 to i32
      %cond3A_143 = arith.constant 0 : i32
      %cond3A_144 = arith.cmpi ne, %convert_element_type3A_142, %cond3A_143 : i32
      scf.if %cond3A_144 {
        %add3A_145 = arith.constant 3 : i32
        %add3A_146 = arith.addi %add3A_118, %add3A_145 : i32
        %dma_start3A_147 = arith.constant 0 : i32
        %dma_start3A_148 = tpu.memref_slice %arg10[%add3A_146, %dma_start3A_147] : memref<40x128xi32, #tpu.memory_space<vmem>> -> memref<1x128xi32, #tpu.memory_space<vmem>>
        %dma_start3A_149 = tpu.memref_squeeze %dma_start3A_148 : memref<1x128xi32, #tpu.memory_space<vmem>> -> memref<128xi32, #tpu.memory_space<vmem>>
        %dma_start3A_150 = arith.constant 0 : i32
        %dma_start3A_151 = arith.constant 0 : i32
        %dma_start3A_152 = tpu.memref_slice %arg2[%dma_start3A_150, %dma_start3A_151] : memref<10240x128xf32, #tpu.memory_space<hbm>> -> memref<10240x128xf32, #tpu.memory_space<hbm>>
        tpu.enqueue_indirect_dma source(%dma_start3A_152 : memref<10240x128xf32, #tpu.memory_space<hbm>>) target(%arg13 : memref<128x128xf32, #tpu.memory_space<vmem>>) offsets(%dma_start3A_149 : memref<128xi32, #tpu.memory_space<vmem>>) semaphore(%arg17 : memref<!tpu.dma_semaphore, #tpu.memory_space<semaphore_mem>>)
      } else {
      }
    }
    %scan3A_111 = arith.constant 20 : i32
    %barrier3A_112 = arith.constant 0 : index
    tpu.barrier barrier_id(%barrier3A_112)
    %run_scoped3A_113 = arith.constant 2 : i32
    "tpu.region"() ({
      %run_scoped3A_114 = tpu.sem_alloc : memref<!tpu.dma_semaphore, #tpu.memory_space<semaphore_mem>>
      %dma_start3A_115 = arith.constant 0 : i32
      %dma_start3A_116 = tpu.memref_slice %arg9[%arg0, %run_scoped3A_113, %mul3A_2, %dma_start3A_115] : memref<2x3x10240x128xf32, #tpu.memory_space<hbm>> -> memref<1x1x640x128xf32, #tpu.memory_space<hbm>>
      %dma_start3A_117 = tpu.memref_squeeze %dma_start3A_116 : memref<1x1x640x128xf32, #tpu.memory_space<hbm>> -> memref<640x128xf32, #tpu.memory_space<hbm>>
      %dma_start3A_118 = arith.constant 0 : i32
      %dma_start3A_119 = tpu.memref_slice %arg15[%mul3A_2, %dma_start3A_118] : memref<10240x128xf32, #tpu.memory_space<vmem_shared>> -> memref<640x128xf32, #tpu.memory_space<vmem_shared>>
      tpu.enqueue_dma source(%dma_start3A_119 : memref<640x128xf32, #tpu.memory_space<vmem_shared>>) target(%dma_start3A_117 : memref<640x128xf32, #tpu.memory_space<hbm>>) target_semaphore(%run_scoped3A_114 : memref<!tpu.dma_semaphore, #tpu.memory_space<semaphore_mem>>)
      %dma_wait3A = arith.constant 0 : i32
      %dma_wait3A_120 = tpu.memref_slice %arg9[%arg0, %run_scoped3A_113, %mul3A_2, %dma_wait3A] : memref<2x3x10240x128xf32, #tpu.memory_space<hbm>> -> memref<1x1x640x128xf32, #tpu.memory_space<hbm>>
      %dma_wait3A_121 = tpu.memref_squeeze %dma_wait3A_120 : memref<1x1x640x128xf32, #tpu.memory_space<hbm>> -> memref<640x128xf32, #tpu.memory_space<hbm>>
      %dma_wait3A_122 = arith.constant 0 : i32
      %dma_wait3A_123 = tpu.memref_slice %arg15[%mul3A_2, %dma_wait3A_122] : memref<10240x128xf32, #tpu.memory_space<vmem_shared>> -> memref<640x128xf32, #tpu.memory_space<vmem_shared>>
      tpu.wait_dma2 semaphore(%run_scoped3A_114 : memref<!tpu.dma_semaphore, #tpu.memory_space<semaphore_mem>>) src(%dma_wait3A_123 : memref<640x128xf32, #tpu.memory_space<vmem_shared>>) dst(%dma_wait3A_121 : memref<640x128xf32, #tpu.memory_space<hbm>>)
      tpu.yield
    }) : () -> ()
    return
  }
}

#map = affine_map<(d0, d1) -> (0, 0)>
#map1 = affine_map<(d0, d1) -> (0, 0, 0, 0)>
module attributes {stable_mosaic.version = 14 : i64} {
  func.func @_sc_body(%arg0: i32, %arg1: i32, %arg2: memref<10240x128xf32, #tpu.memory_space<hbm>>, %arg3: memref<1280x128xi32, #tpu.memory_space<hbm>>, %arg4: memref<1280x128xi32, #tpu.memory_space<hbm>>, %arg5: memref<1280x128xi32, #tpu.memory_space<hbm>>, %arg6: memref<1280x128xi32, #tpu.memory_space<hbm>>, %arg7: memref<1280x128xi32, #tpu.memory_space<hbm>>, %arg8: memref<1280x128xi32, #tpu.memory_space<hbm>>, %arg9: memref<2x3x10240x128xf32, #tpu.memory_space<hbm>>, %arg10: memref<40x128xi32, #tpu.memory_space<vmem>>, %arg11: memref<40x128xi32, #tpu.memory_space<vmem>>, %arg12: memref<128x128xf32, #tpu.memory_space<vmem>>, %arg13: memref<128x128xf32, #tpu.memory_space<vmem>>, %arg14: memref<32x128xf32, #tpu.memory_space<vmem>>, %arg15: memref<10240x128xf32, #tpu.memory_space<vmem_shared>>, %arg16: memref<!tpu.dma_semaphore, #tpu.memory_space<semaphore_mem>>, %arg17: memref<!tpu.dma_semaphore, #tpu.memory_space<semaphore_mem>>) attributes {dimension_semantics = [#tpu.dimension_semantics<core_parallel>, #tpu.dimension_semantics<subcore_parallel>], iteration_bounds = array<i64: 2, 16>, scalar_prefetch = 0 : i64, scratch_operands = 8 : i64, tpu.core_type = #tpu.core_type<sc_vector_subcore>, window_params = [{transform_indices = #map}, {transform_indices = #map}, {transform_indices = #map}, {transform_indices = #map}, {transform_indices = #map}, {transform_indices = #map}, {transform_indices = #map}, {transform_indices = #map1}]} {
    %mul3A = arith.constant 16 : i32
    %mul3A_0 = arith.muli %arg0, %mul3A : i32
    %add3A = arith.addi %mul3A_0, %arg1 : i32
    %mul3A_1 = arith.constant 640 : i32
    %mul3A_2 = arith.muli %arg1, %mul3A_1 : i32
    %mul3A_3 = arith.constant 640 : i32
    %mul3A_4 = arith.muli %arg1, %mul3A_3 : i32
    %mul3A_5 = arith.constant 40 : i32
    %mul3A_6 = arith.muli %add3A, %mul3A_5 : i32
    "tpu.region"() ({
      %run_scoped3A_114 = tpu.sem_alloc : memref<!tpu.dma_semaphore, #tpu.memory_space<semaphore_mem>>
      %dma_start3A_115 = arith.constant 0 : i32
      %dma_start3A_116 = tpu.memref_slice %arg3[%mul3A_6, %dma_start3A_115] : memref<1280x128xi32, #tpu.memory_space<hbm>> -> memref<40x128xi32, #tpu.memory_space<hbm>>
      %dma_start3A_117 = arith.constant 0 : i32
      %dma_start3A_118 = tpu.memref_slice %arg3[%mul3A_6, %dma_start3A_117] : memref<1280x128xi32, #tpu.memory_space<hbm>> -> memref<40x128xi32, #tpu.memory_space<hbm>>
      tpu.enqueue_dma source(%dma_start3A_118 : memref<40x128xi32, #tpu.memory_space<hbm>>) target(%arg10 : memref<40x128xi32, #tpu.memory_space<vmem>>) target_semaphore(%run_scoped3A_114 : memref<!tpu.dma_semaphore, #tpu.memory_space<semaphore_mem>>)
      %dma_wait3A = arith.constant 0 : i32
      %dma_wait3A_119 = tpu.memref_slice %arg3[%mul3A_6, %dma_wait3A] : memref<1280x128xi32, #tpu.memory_space<hbm>> -> memref<40x128xi32, #tpu.memory_space<hbm>>
      %dma_wait3A_120 = arith.constant 0 : i32
      %dma_wait3A_121 = tpu.memref_slice %arg3[%mul3A_6, %dma_wait3A_120] : memref<1280x128xi32, #tpu.memory_space<hbm>> -> memref<40x128xi32, #tpu.memory_space<hbm>>
      tpu.wait_dma2 semaphore(%run_scoped3A_114 : memref<!tpu.dma_semaphore, #tpu.memory_space<semaphore_mem>>) src(%dma_wait3A_121 : memref<40x128xi32, #tpu.memory_space<hbm>>) dst(%arg10 : memref<40x128xi32, #tpu.memory_space<vmem>>)
      tpu.yield
    }) : () -> ()
    "tpu.region"() ({
      %run_scoped3A_114 = tpu.sem_alloc : memref<!tpu.dma_semaphore, #tpu.memory_space<semaphore_mem>>
      %dma_start3A_115 = arith.constant 0 : i32
      %dma_start3A_116 = tpu.memref_slice %arg4[%mul3A_6, %dma_start3A_115] : memref<1280x128xi32, #tpu.memory_space<hbm>> -> memref<40x128xi32, #tpu.memory_space<hbm>>
      %dma_start3A_117 = arith.constant 0 : i32
      %dma_start3A_118 = tpu.memref_slice %arg4[%mul3A_6, %dma_start3A_117] : memref<1280x128xi32, #tpu.memory_space<hbm>> -> memref<40x128xi32, #tpu.memory_space<hbm>>
      tpu.enqueue_dma source(%dma_start3A_118 : memref<40x128xi32, #tpu.memory_space<hbm>>) target(%arg11 : memref<40x128xi32, #tpu.memory_space<vmem>>) target_semaphore(%run_scoped3A_114 : memref<!tpu.dma_semaphore, #tpu.memory_space<semaphore_mem>>)
      %dma_wait3A = arith.constant 0 : i32
      %dma_wait3A_119 = tpu.memref_slice %arg4[%mul3A_6, %dma_wait3A] : memref<1280x128xi32, #tpu.memory_space<hbm>> -> memref<40x128xi32, #tpu.memory_space<hbm>>
      %dma_wait3A_120 = arith.constant 0 : i32
      %dma_wait3A_121 = tpu.memref_slice %arg4[%mul3A_6, %dma_wait3A_120] : memref<1280x128xi32, #tpu.memory_space<hbm>> -> memref<40x128xi32, #tpu.memory_space<hbm>>
      tpu.wait_dma2 semaphore(%run_scoped3A_114 : memref<!tpu.dma_semaphore, #tpu.memory_space<semaphore_mem>>) src(%dma_wait3A_121 : memref<40x128xi32, #tpu.memory_space<hbm>>) dst(%arg11 : memref<40x128xi32, #tpu.memory_space<vmem>>)
      tpu.yield
    }) : () -> ()
    %scan3A = arith.constant 0 : i32
    %scan3A_7 = arith.constant 32 : i32
    %scan3A_8 = arith.addi %scan3A, %scan3A_7 : i32
    %scan3A_9 = arith.constant 1 : i32
    scf.for %scan3A_114 = %scan3A to %scan3A_8 step %scan3A_9  : i32 {
      %mul3A_115 = arith.constant 1 : i32
      %mul3A_116 = arith.muli %scan3A_114, %mul3A_115 : i32
      %add3A_117 = arith.constant 0 : i32
      %add3A_118 = arith.addi %add3A_117, %mul3A_116 : i32
      %broadcast_in_dim3A = arith.constant 0.000000e+00 : f32
      %broadcast_in_dim3A_119 = vector.broadcast %broadcast_in_dim3A : f32 to vector<16xf32>
      %swap3A = arith.index_cast %add3A_118 : i32 to index
      %swap3A_120 = arith.constant 0 : index
      %swap3A_121 = tpu.vector_load %arg14[%swap3A, %swap3A_120] {strides = array<i32>} : memref<32x128xf32, #tpu.memory_space<vmem>>, vector<1x16xf32>,
      %swap3A_122 = vector.shape_cast %swap3A_121 : vector<1x16xf32> to vector<16xf32>
      %swap3A_123 = vector.shape_cast %broadcast_in_dim3A_119 : vector<16xf32> to vector<1x16xf32>
      tpu.vector_store %arg14[%swap3A, %swap3A_120], %swap3A_123 {strides = array<i32>} : memref<32x128xf32, #tpu.memory_space<vmem>>, vector<1x16xf32>,
      %broadcast_in_dim3A_124 = arith.constant 0.000000e+00 : f32
      %broadcast_in_dim3A_125 = vector.broadcast %broadcast_in_dim3A_124 : f32 to vector<16xf32>
      %swap3A_126 = arith.index_cast %add3A_118 : i32 to index
      %swap3A_127 = arith.constant 16 : index
      %swap3A_128 = tpu.vector_load %arg14[%swap3A_126, %swap3A_127] {strides = array<i32>} : memref<32x128xf32, #tpu.memory_space<vmem>>, vector<1x16xf32>,
      %swap3A_129 = vector.shape_cast %swap3A_128 : vector<1x16xf32> to vector<16xf32>
      %swap3A_130 = vector.shape_cast %broadcast_in_dim3A_125 : vector<16xf32> to vector<1x16xf32>
      tpu.vector_store %arg14[%swap3A_126, %swap3A_127], %swap3A_130 {strides = array<i32>} : memref<32x128xf32, #tpu.memory_space<vmem>>, vector<1x16xf32>,
      %broadcast_in_dim3A_131 = arith.constant 0.000000e+00 : f32
      %broadcast_in_dim3A_132 = vector.broadcast %broadcast_in_dim3A_131 : f32 to vector<16xf32>
      %swap3A_133 = arith.index_cast %add3A_118 : i32 to index
      %swap3A_134 = arith.constant 32 : index
      %swap3A_135 = tpu.vector_load %arg14[%swap3A_133, %swap3A_134] {strides = array<i32>} : memref<32x128xf32, #tpu.memory_space<vmem>>, vector<1x16xf32>,
      %swap3A_136 = vector.shape_cast %swap3A_135 : vector<1x16xf32> to vector<16xf32>
      %swap3A_137 = vector.shape_cast %broadcast_in_dim3A_132 : vector<16xf32> to vector<1x16xf32>
      tpu.vector_store %arg14[%swap3A_133, %swap3A_134], %swap3A_137 {strides = array<i32>} : memref<32x128xf32, #tpu.memory_space<vmem>>, vector<1x16xf32>,
      %broadcast_in_dim3A_138 = arith.constant 0.000000e+00 : f32
      %broadcast_in_dim3A_139 = vector.broadcast %broadcast_in_dim3A_138 : f32 to vector<16xf32>
      %swap3A_140 = arith.index_cast %add3A_118 : i32 to index
      %swap3A_141 = arith.constant 48 : index
      %swap3A_142 = tpu.vector_load %arg14[%swap3A_140, %swap3A_141] {strides = array<i32>} : memref<32x128xf32, #tpu.memory_space<vmem>>, vector<1x16xf32>,
      %swap3A_143 = vector.shape_cast %swap3A_142 : vector<1x16xf32> to vector<16xf32>
      %swap3A_144 = vector.shape_cast %broadcast_in_dim3A_139 : vector<16xf32> to vector<1x16xf32>
      tpu.vector_store %arg14[%swap3A_140, %swap3A_141], %swap3A_144 {strides = array<i32>} : memref<32x128xf32, #tpu.memory_space<vmem>>, vector<1x16xf32>,
      %broadcast_in_dim3A_145 = arith.constant 0.000000e+00 : f32
      %broadcast_in_dim3A_146 = vector.broadcast %broadcast_in_dim3A_145 : f32 to vector<16xf32>
      %swap3A_147 = arith.index_cast %add3A_118 : i32 to index
      %swap3A_148 = arith.constant 64 : index
      %swap3A_149 = tpu.vector_load %arg14[%swap3A_147, %swap3A_148] {strides = array<i32>} : memref<32x128xf32, #tpu.memory_space<vmem>>, vector<1x16xf32>,
      %swap3A_150 = vector.shape_cast %swap3A_149 : vector<1x16xf32> to vector<16xf32>
      %swap3A_151 = vector.shape_cast %broadcast_in_dim3A_146 : vector<16xf32> to vector<1x16xf32>
      tpu.vector_store %arg14[%swap3A_147, %swap3A_148], %swap3A_151 {strides = array<i32>} : memref<32x128xf32, #tpu.memory_space<vmem>>, vector<1x16xf32>,
      %broadcast_in_dim3A_152 = arith.constant 0.000000e+00 : f32
      %broadcast_in_dim3A_153 = vector.broadcast %broadcast_in_dim3A_152 : f32 to vector<16xf32>
      %swap3A_154 = arith.index_cast %add3A_118 : i32 to index
      %swap3A_155 = arith.constant 80 : index
      %swap3A_156 = tpu.vector_load %arg14[%swap3A_154, %swap3A_155] {strides = array<i32>} : memref<32x128xf32, #tpu.memory_space<vmem>>, vector<1x16xf32>,
      %swap3A_157 = vector.shape_cast %swap3A_156 : vector<1x16xf32> to vector<16xf32>
      %swap3A_158 = vector.shape_cast %broadcast_in_dim3A_153 : vector<16xf32> to vector<1x16xf32>
      tpu.vector_store %arg14[%swap3A_154, %swap3A_155], %swap3A_158 {strides = array<i32>} : memref<32x128xf32, #tpu.memory_space<vmem>>, vector<1x16xf32>,
      %broadcast_in_dim3A_159 = arith.constant 0.000000e+00 : f32
      %broadcast_in_dim3A_160 = vector.broadcast %broadcast_in_dim3A_159 : f32 to vector<16xf32>
      %swap3A_161 = arith.index_cast %add3A_118 : i32 to index
      %swap3A_162 = arith.constant 96 : index
      %swap3A_163 = tpu.vector_load %arg14[%swap3A_161, %swap3A_162] {strides = array<i32>} : memref<32x128xf32, #tpu.memory_space<vmem>>, vector<1x16xf32>,
      %swap3A_164 = vector.shape_cast %swap3A_163 : vector<1x16xf32> to vector<16xf32>
      %swap3A_165 = vector.shape_cast %broadcast_in_dim3A_160 : vector<16xf32> to vector<1x16xf32>
      tpu.vector_store %arg14[%swap3A_161, %swap3A_162], %swap3A_165 {strides = array<i32>} : memref<32x128xf32, #tpu.memory_space<vmem>>, vector<1x16xf32>,
      %broadcast_in_dim3A_166 = arith.constant 0.000000e+00 : f32
      %broadcast_in_dim3A_167 = vector.broadcast %broadcast_in_dim3A_166 : f32 to vector<16xf32>
      %swap3A_168 = arith.index_cast %add3A_118 : i32 to index
      %swap3A_169 = arith.constant 112 : index
      %swap3A_170 = tpu.vector_load %arg14[%swap3A_168, %swap3A_169] {strides = array<i32>} : memref<32x128xf32, #tpu.memory_space<vmem>>, vector<1x16xf32>,
      %swap3A_171 = vector.shape_cast %swap3A_170 : vector<1x16xf32> to vector<16xf32>
      %swap3A_172 = vector.shape_cast %broadcast_in_dim3A_167 : vector<16xf32> to vector<1x16xf32>
      tpu.vector_store %arg14[%swap3A_168, %swap3A_169], %swap3A_172 {strides = array<i32>} : memref<32x128xf32, #tpu.memory_space<vmem>>, vector<1x16xf32>,
    }
    %scan3A_10 = arith.constant 32 : i32
    %scan3A_11 = arith.constant 0 : i32
    %scan3A_12 = arith.constant 20 : i32
    %scan3A_13 = arith.addi %scan3A_11, %scan3A_12 : i32
    %scan3A_14 = arith.constant 1 : i32
    scf.for %scan3A_114 = %scan3A_11 to %scan3A_13 step %scan3A_14  : i32 {
      %mul3A_115 = arith.constant 1 : i32
      %mul3A_116 = arith.muli %scan3A_114, %mul3A_115 : i32
      %add3A_117 = arith.constant 0 : i32
      %add3A_118 = arith.addi %add3A_117, %mul3A_116 : i32
      %mul3A_119 = arith.constant 32 : i32
      %mul3A_120 = arith.muli %add3A_118, %mul3A_119 : i32
      %add3A_121 = arith.addi %mul3A_2, %mul3A_120 : i32
      %dma_start3A_122 = arith.constant 0 : i32
      %dma_start3A_123 = tpu.memref_slice %arg15[%add3A_121, %dma_start3A_122] : memref<10240x128xf32, #tpu.memory_space<vmem_shared>> -> memref<32x128xf32, #tpu.memory_space<vmem_shared>>
      %dma_start3A_124 = arith.constant 0 : i32
      %dma_start3A_125 = tpu.memref_slice %arg15[%add3A_121, %dma_start3A_124] : memref<10240x128xf32, #tpu.memory_space<vmem_shared>> -> memref<32x128xf32, #tpu.memory_space<vmem_shared>>
      tpu.enqueue_dma source(%arg14 : memref<32x128xf32, #tpu.memory_space<vmem>>) target(%dma_start3A_125 : memref<32x128xf32, #tpu.memory_space<vmem_shared>>) target_semaphore(%arg16 : memref<!tpu.dma_semaphore, #tpu.memory_space<semaphore_mem>>)
    }
    %scan3A_15 = arith.constant 20 : i32
    %scan3A_16 = arith.constant 0 : i32
    %scan3A_17 = arith.constant 20 : i32
    %scan3A_18 = arith.addi %scan3A_16, %scan3A_17 : i32
    %scan3A_19 = arith.constant 1 : i32
    scf.for %scan3A_114 = %scan3A_16 to %scan3A_18 step %scan3A_19  : i32 {
      %mul3A_115 = arith.constant 1 : i32
      %mul3A_116 = arith.muli %scan3A_114, %mul3A_115 : i32
      %add3A_117 = arith.constant 0 : i32
      %add3A_118 = arith.addi %add3A_117, %mul3A_116 : i32
      %dma_wait3A = arith.constant 0 : i32
      %dma_wait3A_119 = tpu.memref_slice %arg15[%mul3A_2, %dma_wait3A] : memref<10240x128xf32, #tpu.memory_space<vmem_shared>> -> memref<32x128xf32, #tpu.memory_space<vmem_shared>>
      %dma_wait3A_120 = arith.constant 0 : i32
      %dma_wait3A_121 = tpu.memref_slice %arg15[%mul3A_2, %dma_wait3A_120] : memref<10240x128xf32, #tpu.memory_space<vmem_shared>> -> memref<32x128xf32, #tpu.memory_space<vmem_shared>>
      tpu.wait_dma2 semaphore(%arg16 : memref<!tpu.dma_semaphore, #tpu.memory_space<semaphore_mem>>) src(%arg14 : memref<32x128xf32, #tpu.memory_space<vmem>>) dst(%dma_wait3A_121 : memref<32x128xf32, #tpu.memory_space<vmem_shared>>)
    }
    %scan3A_20 = arith.constant 20 : i32
    %dma_start3A = arith.constant 0 : i32
    %dma_start3A_21 = arith.constant 0 : i32
    %dma_start3A_22 = tpu.memref_slice %arg10[%dma_start3A, %dma_start3A_21] : memref<40x128xi32, #tpu.memory_space<vmem>> -> memref<1x128xi32, #tpu.memory_space<vmem>>
    %dma_start3A_23 = tpu.memref_squeeze %dma_start3A_22 : memref<1x128xi32, #tpu.memory_space<vmem>> -> memref<128xi32, #tpu.memory_space<vmem>>
    %dma_start3A_24 = arith.constant 0 : i32
    %dma_start3A_25 = arith.constant 0 : i32
    %dma_start3A_26 = tpu.memref_slice %arg2[%dma_start3A_24, %dma_start3A_25] : memref<10240x128xf32, #tpu.memory_space<hbm>> -> memref<10240x128xf32, #tpu.memory_space<hbm>>
    tpu.enqueue_indirect_dma source(%dma_start3A_26 : memref<10240x128xf32, #tpu.memory_space<hbm>>) target(%arg12 : memref<128x128xf32, #tpu.memory_space<vmem>>) offsets(%dma_start3A_23 : memref<128xi32, #tpu.memory_space<vmem>>) semaphore(%arg16 : memref<!tpu.dma_semaphore, #tpu.memory_space<semaphore_mem>>)
    %dma_start3A_27 = arith.constant 1 : i32
    %dma_start3A_28 = arith.constant 0 : i32
    %dma_start3A_29 = tpu.memref_slice %arg10[%dma_start3A_27, %dma_start3A_28] : memref<40x128xi32, #tpu.memory_space<vmem>> -> memref<1x128xi32, #tpu.memory_space<vmem>>
    %dma_start3A_30 = tpu.memref_squeeze %dma_start3A_29 : memref<1x128xi32, #tpu.memory_space<vmem>> -> memref<128xi32, #tpu.memory_space<vmem>>
    %dma_start3A_31 = arith.constant 0 : i32
    %dma_start3A_32 = arith.constant 0 : i32
    %dma_start3A_33 = tpu.memref_slice %arg2[%dma_start3A_31, %dma_start3A_32] : memref<10240x128xf32, #tpu.memory_space<hbm>> -> memref<10240x128xf32, #tpu.memory_space<hbm>>
    tpu.enqueue_indirect_dma source(%dma_start3A_33 : memref<10240x128xf32, #tpu.memory_space<hbm>>) target(%arg13 : memref<128x128xf32, #tpu.memory_space<vmem>>) offsets(%dma_start3A_30 : memref<128xi32, #tpu.memory_space<vmem>>) semaphore(%arg17 : memref<!tpu.dma_semaphore, #tpu.memory_space<semaphore_mem>>)
    %barrier3A = arith.constant 0 : index
    tpu.barrier barrier_id(%barrier3A)
    %scan3A_34 = arith.constant 0 : i32
    %scan3A_35 = arith.constant 20 : i32
    %scan3A_36 = arith.addi %scan3A_34, %scan3A_35 : i32
    %scan3A_37 = arith.constant 1 : i32
    scf.for %scan3A_114 = %scan3A_34 to %scan3A_36 step %scan3A_37  : i32 {
      %mul3A_115 = arith.constant 2 : i32
      %mul3A_116 = arith.muli %scan3A_114, %mul3A_115 : i32
      %add3A_117 = arith.constant 0 : i32
      %add3A_118 = arith.addi %add3A_117, %mul3A_116 : i32
      %dma_wait3A = arith.constant 0 : i32
      %dma_wait3A_119 = tpu.memref_slice %arg10[%add3A_118, %dma_wait3A] : memref<40x128xi32, #tpu.memory_space<vmem>> -> memref<1x128xi32, #tpu.memory_space<vmem>>
      %dma_wait3A_120 = tpu.memref_squeeze %dma_wait3A_119 : memref<1x128xi32, #tpu.memory_space<vmem>> -> memref<128xi32, #tpu.memory_space<vmem>>
      %dma_wait3A_121 = arith.constant 0 : i32
      %dma_wait3A_122 = arith.constant 0 : i32
      %dma_wait3A_123 = tpu.memref_slice %arg2[%dma_wait3A_121, %dma_wait3A_122] : memref<10240x128xf32, #tpu.memory_space<hbm>> -> memref<10240x128xf32, #tpu.memory_space<hbm>>
      tpu.wait_indirect_dma semaphore(%arg16 : memref<!tpu.dma_semaphore, #tpu.memory_space<semaphore_mem>>) src(%dma_wait3A_123 : memref<10240x128xf32, #tpu.memory_space<hbm>>) dst(%arg12 : memref<128x128xf32, #tpu.memory_space<vmem>>)
      "tpu.region"() ({
        %run_scoped3A_145 = tpu.sem_alloc : memref<!tpu.dma_semaphore, #tpu.memory_space<semaphore_mem>>
        %dma_start3A_146 = arith.constant 0 : i32
        %dma_start3A_147 = tpu.memref_slice %arg11[%add3A_118, %dma_start3A_146] : memref<40x128xi32, #tpu.memory_space<vmem>> -> memref<1x128xi32, #tpu.memory_space<vmem>>
        %dma_start3A_148 = tpu.memref_squeeze %dma_start3A_147 : memref<1x128xi32, #tpu.memory_space<vmem>> -> memref<128xi32, #tpu.memory_space<vmem>>
        %dma_start3A_149 = arith.constant 0 : i32
        %dma_start3A_150 = arith.constant 0 : i32
        %dma_start3A_151 = tpu.memref_slice %arg15[%dma_start3A_149, %dma_start3A_150] : memref<10240x128xf32, #tpu.memory_space<vmem_shared>> -> memref<10240x128xf32, #tpu.memory_space<vmem_shared>>
        tpu.enqueue_indirect_dma source(%arg12 : memref<128x128xf32, #tpu.memory_space<vmem>>) target(%dma_start3A_151 : memref<10240x128xf32, #tpu.memory_space<vmem_shared>>) offsets(%dma_start3A_148 : memref<128xi32, #tpu.memory_space<vmem>>) semaphore(%run_scoped3A_145 : memref<!tpu.dma_semaphore, #tpu.memory_space<semaphore_mem>>) {add = true}
        %dma_wait3A_152 = arith.constant 0 : i32
        %dma_wait3A_153 = tpu.memref_slice %arg11[%add3A_118, %dma_wait3A_152] : memref<40x128xi32, #tpu.memory_space<vmem>> -> memref<1x128xi32, #tpu.memory_space<vmem>>
        %dma_wait3A_154 = tpu.memref_squeeze %dma_wait3A_153 : memref<1x128xi32, #tpu.memory_space<vmem>> -> memref<128xi32, #tpu.memory_space<vmem>>
        %dma_wait3A_155 = arith.constant 0 : i32
        %dma_wait3A_156 = arith.constant 0 : i32
        %dma_wait3A_157 = tpu.memref_slice %arg15[%dma_wait3A_155, %dma_wait3A_156] : memref<10240x128xf32, #tpu.memory_space<vmem_shared>> -> memref<10240x128xf32, #tpu.memory_space<vmem_shared>>
        tpu.wait_indirect_dma semaphore(%run_scoped3A_145 : memref<!tpu.dma_semaphore, #tpu.memory_space<semaphore_mem>>) src(%arg12 : memref<128x128xf32, #tpu.memory_space<vmem>>) dst(%dma_wait3A_157 : memref<10240x128xf32, #tpu.memory_space<vmem_shared>>)
        tpu.yield
      }) : () -> ()
      %add3A_124 = arith.constant 2 : i32
      %add3A_125 = arith.addi %add3A_118, %add3A_124 : i32
      %lt3A = arith.constant 40 : i32
      %lt3A_126 = arith.cmpi slt, %add3A_125, %lt3A : i32
      %convert_element_type3A = arith.extui %lt3A_126 : i1 to i32
      %cond3A = arith.constant 0 : i32
      %cond3A_127 = arith.cmpi ne, %convert_element_type3A, %cond3A : i32
      scf.if %cond3A_127 {
        %add3A_145 = arith.constant 2 : i32
        %add3A_146 = arith.addi %add3A_118, %add3A_145 : i32
        %dma_start3A_147 = arith.constant 0 : i32
        %dma_start3A_148 = tpu.memref_slice %arg10[%add3A_146, %dma_start3A_147] : memref<40x128xi32, #tpu.memory_space<vmem>> -> memref<1x128xi32, #tpu.memory_space<vmem>>
        %dma_start3A_149 = tpu.memref_squeeze %dma_start3A_148 : memref<1x128xi32, #tpu.memory_space<vmem>> -> memref<128xi32, #tpu.memory_space<vmem>>
        %dma_start3A_150 = arith.constant 0 : i32
        %dma_start3A_151 = arith.constant 0 : i32
        %dma_start3A_152 = tpu.memref_slice %arg2[%dma_start3A_150, %dma_start3A_151] : memref<10240x128xf32, #tpu.memory_space<hbm>> -> memref<10240x128xf32, #tpu.memory_space<hbm>>
        tpu.enqueue_indirect_dma source(%dma_start3A_152 : memref<10240x128xf32, #tpu.memory_space<hbm>>) target(%arg12 : memref<128x128xf32, #tpu.memory_space<vmem>>) offsets(%dma_start3A_149 : memref<128xi32, #tpu.memory_space<vmem>>) semaphore(%arg16 : memref<!tpu.dma_semaphore, #tpu.memory_space<semaphore_mem>>)
      } else {
      }
      %add3A_128 = arith.constant 1 : i32
      %add3A_129 = arith.addi %add3A_118, %add3A_128 : i32
      %dma_wait3A_130 = arith.constant 0 : i32
      %dma_wait3A_131 = tpu.memref_slice %arg10[%add3A_129, %dma_wait3A_130] : memref<40x128xi32, #tpu.memory_space<vmem>> -> memref<1x128xi32, #tpu.memory_space<vmem>>
      %dma_wait3A_132 = tpu.memref_squeeze %dma_wait3A_131 : memref<1x128xi32, #tpu.memory_space<vmem>> -> memref<128xi32, #tpu.memory_space<vmem>>
      %dma_wait3A_133 = arith.constant 0 : i32
      %dma_wait3A_134 = arith.constant 0 : i32
      %dma_wait3A_135 = tpu.memref_slice %arg2[%dma_wait3A_133, %dma_wait3A_134] : memref<10240x128xf32, #tpu.memory_space<hbm>> -> memref<10240x128xf32, #tpu.memory_space<hbm>>
      tpu.wait_indirect_dma semaphore(%arg17 : memref<!tpu.dma_semaphore, #tpu.memory_space<semaphore_mem>>) src(%dma_wait3A_135 : memref<10240x128xf32, #tpu.memory_space<hbm>>) dst(%arg13 : memref<128x128xf32, #tpu.memory_space<vmem>>)
      %add3A_136 = arith.constant 1 : i32
      %add3A_137 = arith.addi %add3A_118, %add3A_136 : i32
      "tpu.region"() ({
        %run_scoped3A_145 = tpu.sem_alloc : memref<!tpu.dma_semaphore, #tpu.memory_space<semaphore_mem>>
        %dma_start3A_146 = arith.constant 0 : i32
        %dma_start3A_147 = tpu.memref_slice %arg11[%add3A_137, %dma_start3A_146] : memref<40x128xi32, #tpu.memory_space<vmem>> -> memref<1x128xi32, #tpu.memory_space<vmem>>
        %dma_start3A_148 = tpu.memref_squeeze %dma_start3A_147 : memref<1x128xi32, #tpu.memory_space<vmem>> -> memref<128xi32, #tpu.memory_space<vmem>>
        %dma_start3A_149 = arith.constant 0 : i32
        %dma_start3A_150 = arith.constant 0 : i32
        %dma_start3A_151 = tpu.memref_slice %arg15[%dma_start3A_149, %dma_start3A_150] : memref<10240x128xf32, #tpu.memory_space<vmem_shared>> -> memref<10240x128xf32, #tpu.memory_space<vmem_shared>>
        tpu.enqueue_indirect_dma source(%arg13 : memref<128x128xf32, #tpu.memory_space<vmem>>) target(%dma_start3A_151 : memref<10240x128xf32, #tpu.memory_space<vmem_shared>>) offsets(%dma_start3A_148 : memref<128xi32, #tpu.memory_space<vmem>>) semaphore(%run_scoped3A_145 : memref<!tpu.dma_semaphore, #tpu.memory_space<semaphore_mem>>) {add = true}
        %dma_wait3A_152 = arith.constant 0 : i32
        %dma_wait3A_153 = tpu.memref_slice %arg11[%add3A_137, %dma_wait3A_152] : memref<40x128xi32, #tpu.memory_space<vmem>> -> memref<1x128xi32, #tpu.memory_space<vmem>>
        %dma_wait3A_154 = tpu.memref_squeeze %dma_wait3A_153 : memref<1x128xi32, #tpu.memory_space<vmem>> -> memref<128xi32, #tpu.memory_space<vmem>>
        %dma_wait3A_155 = arith.constant 0 : i32
        %dma_wait3A_156 = arith.constant 0 : i32
        %dma_wait3A_157 = tpu.memref_slice %arg15[%dma_wait3A_155, %dma_wait3A_156] : memref<10240x128xf32, #tpu.memory_space<vmem_shared>> -> memref<10240x128xf32, #tpu.memory_space<vmem_shared>>
        tpu.wait_indirect_dma semaphore(%run_scoped3A_145 : memref<!tpu.dma_semaphore, #tpu.memory_space<semaphore_mem>>) src(%arg13 : memref<128x128xf32, #tpu.memory_space<vmem>>) dst(%dma_wait3A_157 : memref<10240x128xf32, #tpu.memory_space<vmem_shared>>)
        tpu.yield
      }) : () -> ()
      %add3A_138 = arith.constant 3 : i32
      %add3A_139 = arith.addi %add3A_118, %add3A_138 : i32
      %lt3A_140 = arith.constant 40 : i32
      %lt3A_141 = arith.cmpi slt, %add3A_139, %lt3A_140 : i32
      %convert_element_type3A_142 = arith.extui %lt3A_141 : i1 to i32
      %cond3A_143 = arith.constant 0 : i32
      %cond3A_144 = arith.cmpi ne, %convert_element_type3A_142, %cond3A_143 : i32
      scf.if %cond3A_144 {
        %add3A_145 = arith.constant 3 : i32
        %add3A_146 = arith.addi %add3A_118, %add3A_145 : i32
        %dma_start3A_147 = arith.constant 0 : i32
        %dma_start3A_148 = tpu.memref_slice %arg10[%add3A_146, %dma_start3A_147] : memref<40x128xi32, #tpu.memory_space<vmem>> -> memref<1x128xi32, #tpu.memory_space<vmem>>
        %dma_start3A_149 = tpu.memref_squeeze %dma_start3A_148 : memref<1x128xi32, #tpu.memory_space<vmem>> -> memref<128xi32, #tpu.memory_space<vmem>>
        %dma_start3A_150 = arith.constant 0 : i32
        %dma_start3A_151 = arith.constant 0 : i32
        %dma_start3A_152 = tpu.memref_slice %arg2[%dma_start3A_150, %dma_start3A_151] : memref<10240x128xf32, #tpu.memory_space<hbm>> -> memref<10240x128xf32, #tpu.memory_space<hbm>>
        tpu.enqueue_indirect_dma source(%dma_start3A_152 : memref<10240x128xf32, #tpu.memory_space<hbm>>) target(%arg13 : memref<128x128xf32, #tpu.memory_space<vmem>>) offsets(%dma_start3A_149 : memref<128xi32, #tpu.memory_space<vmem>>) semaphore(%arg17 : memref<!tpu.dma_semaphore, #tpu.memory_space<semaphore_mem>>)
      } else {
      }
    }
    %scan3A_38 = arith.constant 20 : i32
    %barrier3A_39 = arith.constant 0 : index
    tpu.barrier barrier_id(%barrier3A_39)
    %run_scoped3A = arith.constant 0 : i32
    "tpu.region"() ({
      %run_scoped3A_114 = tpu.sem_alloc : memref<!tpu.dma_semaphore, #tpu.memory_space<semaphore_mem>>
      %dma_start3A_115 = arith.constant 0 : i32
      %dma_start3A_116 = tpu.memref_slice %arg9[%arg0, %run_scoped3A, %mul3A_2, %dma_start3A_115] : memref<2x3x10240x128xf32, #tpu.memory_space<hbm>> -> memref<1x1x640x128xf32, #tpu.memory_space<hbm>>
      %dma_start3A_117 = tpu.memref_squeeze %dma_start3A_116 : memref<1x1x640x128xf32, #tpu.memory_space<hbm>> -> memref<640x128xf32, #tpu.memory_space<hbm>>
      %dma_start3A_118 = arith.constant 0 : i32
      %dma_start3A_119 = tpu.memref_slice %arg15[%mul3A_2, %dma_start3A_118] : memref<10240x128xf32, #tpu.memory_space<vmem_shared>> -> memref<640x128xf32, #tpu.memory_space<vmem_shared>>
      tpu.enqueue_dma source(%dma_start3A_119 : memref<640x128xf32, #tpu.memory_space<vmem_shared>>) target(%dma_start3A_117 : memref<640x128xf32, #tpu.memory_space<hbm>>) target_semaphore(%run_scoped3A_114 : memref<!tpu.dma_semaphore, #tpu.memory_space<semaphore_mem>>)
      %dma_wait3A = arith.constant 0 : i32
      %dma_wait3A_120 = tpu.memref_slice %arg9[%arg0, %run_scoped3A, %mul3A_2, %dma_wait3A] : memref<2x3x10240x128xf32, #tpu.memory_space<hbm>> -> memref<1x1x640x128xf32, #tpu.memory_space<hbm>>
      %dma_wait3A_121 = tpu.memref_squeeze %dma_wait3A_120 : memref<1x1x640x128xf32, #tpu.memory_space<hbm>> -> memref<640x128xf32, #tpu.memory_space<hbm>>
      %dma_wait3A_122 = arith.constant 0 : i32
      %dma_wait3A_123 = tpu.memref_slice %arg15[%mul3A_2, %dma_wait3A_122] : memref<10240x128xf32, #tpu.memory_space<vmem_shared>> -> memref<640x128xf32, #tpu.memory_space<vmem_shared>>
      tpu.wait_dma2 semaphore(%run_scoped3A_114 : memref<!tpu.dma_semaphore, #tpu.memory_space<semaphore_mem>>) src(%dma_wait3A_123 : memref<640x128xf32, #tpu.memory_space<vmem_shared>>) dst(%dma_wait3A_121 : memref<640x128xf32, #tpu.memory_space<hbm>>)
      tpu.yield
    }) : () -> ()
    "tpu.region"() ({
      %run_scoped3A_114 = tpu.sem_alloc : memref<!tpu.dma_semaphore, #tpu.memory_space<semaphore_mem>>
      %dma_start3A_115 = arith.constant 0 : i32
      %dma_start3A_116 = tpu.memref_slice %arg5[%mul3A_6, %dma_start3A_115] : memref<1280x128xi32, #tpu.memory_space<hbm>> -> memref<40x128xi32, #tpu.memory_space<hbm>>
      %dma_start3A_117 = arith.constant 0 : i32
      %dma_start3A_118 = tpu.memref_slice %arg5[%mul3A_6, %dma_start3A_117] : memref<1280x128xi32, #tpu.memory_space<hbm>> -> memref<40x128xi32, #tpu.memory_space<hbm>>
      tpu.enqueue_dma source(%dma_start3A_118 : memref<40x128xi32, #tpu.memory_space<hbm>>) target(%arg10 : memref<40x128xi32, #tpu.memory_space<vmem>>) target_semaphore(%run_scoped3A_114 : memref<!tpu.dma_semaphore, #tpu.memory_space<semaphore_mem>>)
      %dma_wait3A = arith.constant 0 : i32
      %dma_wait3A_119 = tpu.memref_slice %arg5[%mul3A_6, %dma_wait3A] : memref<1280x128xi32, #tpu.memory_space<hbm>> -> memref<40x128xi32, #tpu.memory_space<hbm>>
      %dma_wait3A_120 = arith.constant 0 : i32
      %dma_wait3A_121 = tpu.memref_slice %arg5[%mul3A_6, %dma_wait3A_120] : memref<1280x128xi32, #tpu.memory_space<hbm>> -> memref<40x128xi32, #tpu.memory_space<hbm>>
      tpu.wait_dma2 semaphore(%run_scoped3A_114 : memref<!tpu.dma_semaphore, #tpu.memory_space<semaphore_mem>>) src(%dma_wait3A_121 : memref<40x128xi32, #tpu.memory_space<hbm>>) dst(%arg10 : memref<40x128xi32, #tpu.memory_space<vmem>>)
      tpu.yield
    }) : () -> ()
    "tpu.region"() ({
      %run_scoped3A_114 = tpu.sem_alloc : memref<!tpu.dma_semaphore, #tpu.memory_space<semaphore_mem>>
      %dma_start3A_115 = arith.constant 0 : i32
      %dma_start3A_116 = tpu.memref_slice %arg6[%mul3A_6, %dma_start3A_115] : memref<1280x128xi32, #tpu.memory_space<hbm>> -> memref<40x128xi32, #tpu.memory_space<hbm>>
      %dma_start3A_117 = arith.constant 0 : i32
      %dma_start3A_118 = tpu.memref_slice %arg6[%mul3A_6, %dma_start3A_117] : memref<1280x128xi32, #tpu.memory_space<hbm>> -> memref<40x128xi32, #tpu.memory_space<hbm>>
      tpu.enqueue_dma source(%dma_start3A_118 : memref<40x128xi32, #tpu.memory_space<hbm>>) target(%arg11 : memref<40x128xi32, #tpu.memory_space<vmem>>) target_semaphore(%run_scoped3A_114 : memref<!tpu.dma_semaphore, #tpu.memory_space<semaphore_mem>>)
      %dma_wait3A = arith.constant 0 : i32
      %dma_wait3A_119 = tpu.memref_slice %arg6[%mul3A_6, %dma_wait3A] : memref<1280x128xi32, #tpu.memory_space<hbm>> -> memref<40x128xi32, #tpu.memory_space<hbm>>
      %dma_wait3A_120 = arith.constant 0 : i32
      %dma_wait3A_121 = tpu.memref_slice %arg6[%mul3A_6, %dma_wait3A_120] : memref<1280x128xi32, #tpu.memory_space<hbm>> -> memref<40x128xi32, #tpu.memory_space<hbm>>
      tpu.wait_dma2 semaphore(%run_scoped3A_114 : memref<!tpu.dma_semaphore, #tpu.memory_space<semaphore_mem>>) src(%dma_wait3A_121 : memref<40x128xi32, #tpu.memory_space<hbm>>) dst(%arg11 : memref<40x128xi32, #tpu.memory_space<vmem>>)
      tpu.yield
    }) : () -> ()
    %scan3A_40 = arith.constant 0 : i32
    %scan3A_41 = arith.constant 32 : i32
    %scan3A_42 = arith.addi %scan3A_40, %scan3A_41 : i32
    %scan3A_43 = arith.constant 1 : i32
    scf.for %scan3A_114 = %scan3A_40 to %scan3A_42 step %scan3A_43  : i32 {
      %mul3A_115 = arith.constant 1 : i32
      %mul3A_116 = arith.muli %scan3A_114, %mul3A_115 : i32
      %add3A_117 = arith.constant 0 : i32
      %add3A_118 = arith.addi %add3A_117, %mul3A_116 : i32
      %broadcast_in_dim3A = arith.constant 0.000000e+00 : f32
      %broadcast_in_dim3A_119 = vector.broadcast %broadcast_in_dim3A : f32 to vector<16xf32>
      %swap3A = arith.index_cast %add3A_118 : i32 to index
      %swap3A_120 = arith.constant 0 : index
      %swap3A_121 = tpu.vector_load %arg14[%swap3A, %swap3A_120] {strides = array<i32>} : memref<32x128xf32, #tpu.memory_space<vmem>>, vector<1x16xf32>,
      %swap3A_122 = vector.shape_cast %swap3A_121 : vector<1x16xf32> to vector<16xf32>
      %swap3A_123 = vector.shape_cast %broadcast_in_dim3A_119 : vector<16xf32> to vector<1x16xf32>
      tpu.vector_store %arg14[%swap3A, %swap3A_120], %swap3A_123 {strides = array<i32>} : memref<32x128xf32, #tpu.memory_space<vmem>>, vector<1x16xf32>,
      %broadcast_in_dim3A_124 = arith.constant 0.000000e+00 : f32
      %broadcast_in_dim3A_125 = vector.broadcast %broadcast_in_dim3A_124 : f32 to vector<16xf32>
      %swap3A_126 = arith.index_cast %add3A_118 : i32 to index
      %swap3A_127 = arith.constant 16 : index
      %swap3A_128 = tpu.vector_load %arg14[%swap3A_126, %swap3A_127] {strides = array<i32>} : memref<32x128xf32, #tpu.memory_space<vmem>>, vector<1x16xf32>,
      %swap3A_129 = vector.shape_cast %swap3A_128 : vector<1x16xf32> to vector<16xf32>
      %swap3A_130 = vector.shape_cast %broadcast_in_dim3A_125 : vector<16xf32> to vector<1x16xf32>
      tpu.vector_store %arg14[%swap3A_126, %swap3A_127], %swap3A_130 {strides = array<i32>} : memref<32x128xf32, #tpu.memory_space<vmem>>, vector<1x16xf32>,
      %broadcast_in_dim3A_131 = arith.constant 0.000000e+00 : f32
      %broadcast_in_dim3A_132 = vector.broadcast %broadcast_in_dim3A_131 : f32 to vector<16xf32>
      %swap3A_133 = arith.index_cast %add3A_118 : i32 to index
      %swap3A_134 = arith.constant 32 : index
      %swap3A_135 = tpu.vector_load %arg14[%swap3A_133, %swap3A_134] {strides = array<i32>} : memref<32x128xf32, #tpu.memory_space<vmem>>, vector<1x16xf32>,
      %swap3A_136 = vector.shape_cast %swap3A_135 : vector<1x16xf32> to vector<16xf32>
      %swap3A_137 = vector.shape_cast %broadcast_in_dim3A_132 : vector<16xf32> to vector<1x16xf32>
      tpu.vector_store %arg14[%swap3A_133, %swap3A_134], %swap3A_137 {strides = array<i32>} : memref<32x128xf32, #tpu.memory_space<vmem>>, vector<1x16xf32>,
      %broadcast_in_dim3A_138 = arith.constant 0.000000e+00 : f32
      %broadcast_in_dim3A_139 = vector.broadcast %broadcast_in_dim3A_138 : f32 to vector<16xf32>
      %swap3A_140 = arith.index_cast %add3A_118 : i32 to index
      %swap3A_141 = arith.constant 48 : index
      %swap3A_142 = tpu.vector_load %arg14[%swap3A_140, %swap3A_141] {strides = array<i32>} : memref<32x128xf32, #tpu.memory_space<vmem>>, vector<1x16xf32>,
      %swap3A_143 = vector.shape_cast %swap3A_142 : vector<1x16xf32> to vector<16xf32>
      %swap3A_144 = vector.shape_cast %broadcast_in_dim3A_139 : vector<16xf32> to vector<1x16xf32>
      tpu.vector_store %arg14[%swap3A_140, %swap3A_141], %swap3A_144 {strides = array<i32>} : memref<32x128xf32, #tpu.memory_space<vmem>>, vector<1x16xf32>,
      %broadcast_in_dim3A_145 = arith.constant 0.000000e+00 : f32
      %broadcast_in_dim3A_146 = vector.broadcast %broadcast_in_dim3A_145 : f32 to vector<16xf32>
      %swap3A_147 = arith.index_cast %add3A_118 : i32 to index
      %swap3A_148 = arith.constant 64 : index
      %swap3A_149 = tpu.vector_load %arg14[%swap3A_147, %swap3A_148] {strides = array<i32>} : memref<32x128xf32, #tpu.memory_space<vmem>>, vector<1x16xf32>,
      %swap3A_150 = vector.shape_cast %swap3A_149 : vector<1x16xf32> to vector<16xf32>
      %swap3A_151 = vector.shape_cast %broadcast_in_dim3A_146 : vector<16xf32> to vector<1x16xf32>
      tpu.vector_store %arg14[%swap3A_147, %swap3A_148], %swap3A_151 {strides = array<i32>} : memref<32x128xf32, #tpu.memory_space<vmem>>, vector<1x16xf32>,
      %broadcast_in_dim3A_152 = arith.constant 0.000000e+00 : f32
      %broadcast_in_dim3A_153 = vector.broadcast %broadcast_in_dim3A_152 : f32 to vector<16xf32>
      %swap3A_154 = arith.index_cast %add3A_118 : i32 to index
      %swap3A_155 = arith.constant 80 : index
      %swap3A_156 = tpu.vector_load %arg14[%swap3A_154, %swap3A_155] {strides = array<i32>} : memref<32x128xf32, #tpu.memory_space<vmem>>, vector<1x16xf32>,
      %swap3A_157 = vector.shape_cast %swap3A_156 : vector<1x16xf32> to vector<16xf32>
      %swap3A_158 = vector.shape_cast %broadcast_in_dim3A_153 : vector<16xf32> to vector<1x16xf32>
      tpu.vector_store %arg14[%swap3A_154, %swap3A_155], %swap3A_158 {strides = array<i32>} : memref<32x128xf32, #tpu.memory_space<vmem>>, vector<1x16xf32>,
      %broadcast_in_dim3A_159 = arith.constant 0.000000e+00 : f32
      %broadcast_in_dim3A_160 = vector.broadcast %broadcast_in_dim3A_159 : f32 to vector<16xf32>
      %swap3A_161 = arith.index_cast %add3A_118 : i32 to index
      %swap3A_162 = arith.constant 96 : index
      %swap3A_163 = tpu.vector_load %arg14[%swap3A_161, %swap3A_162] {strides = array<i32>} : memref<32x128xf32, #tpu.memory_space<vmem>>, vector<1x16xf32>,
      %swap3A_164 = vector.shape_cast %swap3A_163 : vector<1x16xf32> to vector<16xf32>
      %swap3A_165 = vector.shape_cast %broadcast_in_dim3A_160 : vector<16xf32> to vector<1x16xf32>
      tpu.vector_store %arg14[%swap3A_161, %swap3A_162], %swap3A_165 {strides = array<i32>} : memref<32x128xf32, #tpu.memory_space<vmem>>, vector<1x16xf32>,
      %broadcast_in_dim3A_166 = arith.constant 0.000000e+00 : f32
      %broadcast_in_dim3A_167 = vector.broadcast %broadcast_in_dim3A_166 : f32 to vector<16xf32>
      %swap3A_168 = arith.index_cast %add3A_118 : i32 to index
      %swap3A_169 = arith.constant 112 : index
      %swap3A_170 = tpu.vector_load %arg14[%swap3A_168, %swap3A_169] {strides = array<i32>} : memref<32x128xf32, #tpu.memory_space<vmem>>, vector<1x16xf32>,
      %swap3A_171 = vector.shape_cast %swap3A_170 : vector<1x16xf32> to vector<16xf32>
      %swap3A_172 = vector.shape_cast %broadcast_in_dim3A_167 : vector<16xf32> to vector<1x16xf32>
      tpu.vector_store %arg14[%swap3A_168, %swap3A_169], %swap3A_172 {strides = array<i32>} : memref<32x128xf32, #tpu.memory_space<vmem>>, vector<1x16xf32>,
    }
    %scan3A_44 = arith.constant 32 : i32
    %scan3A_45 = arith.constant 0 : i32
    %scan3A_46 = arith.constant 20 : i32
    %scan3A_47 = arith.addi %scan3A_45, %scan3A_46 : i32
    %scan3A_48 = arith.constant 1 : i32
    scf.for %scan3A_114 = %scan3A_45 to %scan3A_47 step %scan3A_48  : i32 {
      %mul3A_115 = arith.constant 1 : i32
      %mul3A_116 = arith.muli %scan3A_114, %mul3A_115 : i32
      %add3A_117 = arith.constant 0 : i32
      %add3A_118 = arith.addi %add3A_117, %mul3A_116 : i32
      %mul3A_119 = arith.constant 32 : i32
      %mul3A_120 = arith.muli %add3A_118, %mul3A_119 : i32
      %add3A_121 = arith.addi %mul3A_2, %mul3A_120 : i32
      %dma_start3A_122 = arith.constant 0 : i32
      %dma_start3A_123 = tpu.memref_slice %arg15[%add3A_121, %dma_start3A_122] : memref<10240x128xf32, #tpu.memory_space<vmem_shared>> -> memref<32x128xf32, #tpu.memory_space<vmem_shared>>
      %dma_start3A_124 = arith.constant 0 : i32
      %dma_start3A_125 = tpu.memref_slice %arg15[%add3A_121, %dma_start3A_124] : memref<10240x128xf32, #tpu.memory_space<vmem_shared>> -> memref<32x128xf32, #tpu.memory_space<vmem_shared>>
      tpu.enqueue_dma source(%arg14 : memref<32x128xf32, #tpu.memory_space<vmem>>) target(%dma_start3A_125 : memref<32x128xf32, #tpu.memory_space<vmem_shared>>) target_semaphore(%arg16 : memref<!tpu.dma_semaphore, #tpu.memory_space<semaphore_mem>>)
    }
    %scan3A_49 = arith.constant 20 : i32
    %scan3A_50 = arith.constant 0 : i32
    %scan3A_51 = arith.constant 20 : i32
    %scan3A_52 = arith.addi %scan3A_50, %scan3A_51 : i32
    %scan3A_53 = arith.constant 1 : i32
    scf.for %scan3A_114 = %scan3A_50 to %scan3A_52 step %scan3A_53  : i32 {
      %mul3A_115 = arith.constant 1 : i32
      %mul3A_116 = arith.muli %scan3A_114, %mul3A_115 : i32
      %add3A_117 = arith.constant 0 : i32
      %add3A_118 = arith.addi %add3A_117, %mul3A_116 : i32
      %dma_wait3A = arith.constant 0 : i32
      %dma_wait3A_119 = tpu.memref_slice %arg15[%mul3A_2, %dma_wait3A] : memref<10240x128xf32, #tpu.memory_space<vmem_shared>> -> memref<32x128xf32, #tpu.memory_space<vmem_shared>>
      %dma_wait3A_120 = arith.constant 0 : i32
      %dma_wait3A_121 = tpu.memref_slice %arg15[%mul3A_2, %dma_wait3A_120] : memref<10240x128xf32, #tpu.memory_space<vmem_shared>> -> memref<32x128xf32, #tpu.memory_space<vmem_shared>>
      tpu.wait_dma2 semaphore(%arg16 : memref<!tpu.dma_semaphore, #tpu.memory_space<semaphore_mem>>) src(%arg14 : memref<32x128xf32, #tpu.memory_space<vmem>>) dst(%dma_wait3A_121 : memref<32x128xf32, #tpu.memory_space<vmem_shared>>)
    }
    %scan3A_54 = arith.constant 20 : i32
    %dma_start3A_55 = arith.constant 0 : i32
    %dma_start3A_56 = arith.constant 0 : i32
    %dma_start3A_57 = tpu.memref_slice %arg10[%dma_start3A_55, %dma_start3A_56] : memref<40x128xi32, #tpu.memory_space<vmem>> -> memref<1x128xi32, #tpu.memory_space<vmem>>
    %dma_start3A_58 = tpu.memref_squeeze %dma_start3A_57 : memref<1x128xi32, #tpu.memory_space<vmem>> -> memref<128xi32, #tpu.memory_space<vmem>>
    %dma_start3A_59 = arith.constant 0 : i32
    %dma_start3A_60 = arith.constant 0 : i32
    %dma_start3A_61 = tpu.memref_slice %arg2[%dma_start3A_59, %dma_start3A_60] : memref<10240x128xf32, #tpu.memory_space<hbm>> -> memref<10240x128xf32, #tpu.memory_space<hbm>>
    tpu.enqueue_indirect_dma source(%dma_start3A_61 : memref<10240x128xf32, #tpu.memory_space<hbm>>) target(%arg12 : memref<128x128xf32, #tpu.memory_space<vmem>>) offsets(%dma_start3A_58 : memref<128xi32, #tpu.memory_space<vmem>>) semaphore(%arg16 : memref<!tpu.dma_semaphore, #tpu.memory_space<semaphore_mem>>)
    %dma_start3A_62 = arith.constant 1 : i32
    %dma_start3A_63 = arith.constant 0 : i32
    %dma_start3A_64 = tpu.memref_slice %arg10[%dma_start3A_62, %dma_start3A_63] : memref<40x128xi32, #tpu.memory_space<vmem>> -> memref<1x128xi32, #tpu.memory_space<vmem>>
    %dma_start3A_65 = tpu.memref_squeeze %dma_start3A_64 : memref<1x128xi32, #tpu.memory_space<vmem>> -> memref<128xi32, #tpu.memory_space<vmem>>
    %dma_start3A_66 = arith.constant 0 : i32
    %dma_start3A_67 = arith.constant 0 : i32
    %dma_start3A_68 = tpu.memref_slice %arg2[%dma_start3A_66, %dma_start3A_67] : memref<10240x128xf32, #tpu.memory_space<hbm>> -> memref<10240x128xf32, #tpu.memory_space<hbm>>
    tpu.enqueue_indirect_dma source(%dma_start3A_68 : memref<10240x128xf32, #tpu.memory_space<hbm>>) target(%arg13 : memref<128x128xf32, #tpu.memory_space<vmem>>) offsets(%dma_start3A_65 : memref<128xi32, #tpu.memory_space<vmem>>) semaphore(%arg17 : memref<!tpu.dma_semaphore, #tpu.memory_space<semaphore_mem>>)
    %barrier3A_69 = arith.constant 0 : index
    tpu.barrier barrier_id(%barrier3A_69)
    %scan3A_70 = arith.constant 0 : i32
    %scan3A_71 = arith.constant 20 : i32
    %scan3A_72 = arith.addi %scan3A_70, %scan3A_71 : i32
    %scan3A_73 = arith.constant 1 : i32
    scf.for %scan3A_114 = %scan3A_70 to %scan3A_72 step %scan3A_73  : i32 {
      %mul3A_115 = arith.constant 2 : i32
      %mul3A_116 = arith.muli %scan3A_114, %mul3A_115 : i32
      %add3A_117 = arith.constant 0 : i32
      %add3A_118 = arith.addi %add3A_117, %mul3A_116 : i32
      %dma_wait3A = arith.constant 0 : i32
      %dma_wait3A_119 = tpu.memref_slice %arg10[%add3A_118, %dma_wait3A] : memref<40x128xi32, #tpu.memory_space<vmem>> -> memref<1x128xi32, #tpu.memory_space<vmem>>
      %dma_wait3A_120 = tpu.memref_squeeze %dma_wait3A_119 : memref<1x128xi32, #tpu.memory_space<vmem>> -> memref<128xi32, #tpu.memory_space<vmem>>
      %dma_wait3A_121 = arith.constant 0 : i32
      %dma_wait3A_122 = arith.constant 0 : i32
      %dma_wait3A_123 = tpu.memref_slice %arg2[%dma_wait3A_121, %dma_wait3A_122] : memref<10240x128xf32, #tpu.memory_space<hbm>> -> memref<10240x128xf32, #tpu.memory_space<hbm>>
      tpu.wait_indirect_dma semaphore(%arg16 : memref<!tpu.dma_semaphore, #tpu.memory_space<semaphore_mem>>) src(%dma_wait3A_123 : memref<10240x128xf32, #tpu.memory_space<hbm>>) dst(%arg12 : memref<128x128xf32, #tpu.memory_space<vmem>>)
      "tpu.region"() ({
        %run_scoped3A_145 = tpu.sem_alloc : memref<!tpu.dma_semaphore, #tpu.memory_space<semaphore_mem>>
        %dma_start3A_146 = arith.constant 0 : i32
        %dma_start3A_147 = tpu.memref_slice %arg11[%add3A_118, %dma_start3A_146] : memref<40x128xi32, #tpu.memory_space<vmem>> -> memref<1x128xi32, #tpu.memory_space<vmem>>
        %dma_start3A_148 = tpu.memref_squeeze %dma_start3A_147 : memref<1x128xi32, #tpu.memory_space<vmem>> -> memref<128xi32, #tpu.memory_space<vmem>>
        %dma_start3A_149 = arith.constant 0 : i32
        %dma_start3A_150 = arith.constant 0 : i32
        %dma_start3A_151 = tpu.memref_slice %arg15[%dma_start3A_149, %dma_start3A_150] : memref<10240x128xf32, #tpu.memory_space<vmem_shared>> -> memref<10240x128xf32, #tpu.memory_space<vmem_shared>>
        tpu.enqueue_indirect_dma source(%arg12 : memref<128x128xf32, #tpu.memory_space<vmem>>) target(%dma_start3A_151 : memref<10240x128xf32, #tpu.memory_space<vmem_shared>>) offsets(%dma_start3A_148 : memref<128xi32, #tpu.memory_space<vmem>>) semaphore(%run_scoped3A_145 : memref<!tpu.dma_semaphore, #tpu.memory_space<semaphore_mem>>) {add = true}
        %dma_wait3A_152 = arith.constant 0 : i32
        %dma_wait3A_153 = tpu.memref_slice %arg11[%add3A_118, %dma_wait3A_152] : memref<40x128xi32, #tpu.memory_space<vmem>> -> memref<1x128xi32, #tpu.memory_space<vmem>>
        %dma_wait3A_154 = tpu.memref_squeeze %dma_wait3A_153 : memref<1x128xi32, #tpu.memory_space<vmem>> -> memref<128xi32, #tpu.memory_space<vmem>>
        %dma_wait3A_155 = arith.constant 0 : i32
        %dma_wait3A_156 = arith.constant 0 : i32
        %dma_wait3A_157 = tpu.memref_slice %arg15[%dma_wait3A_155, %dma_wait3A_156] : memref<10240x128xf32, #tpu.memory_space<vmem_shared>> -> memref<10240x128xf32, #tpu.memory_space<vmem_shared>>
        tpu.wait_indirect_dma semaphore(%run_scoped3A_145 : memref<!tpu.dma_semaphore, #tpu.memory_space<semaphore_mem>>) src(%arg12 : memref<128x128xf32, #tpu.memory_space<vmem>>) dst(%dma_wait3A_157 : memref<10240x128xf32, #tpu.memory_space<vmem_shared>>)
        tpu.yield
      }) : () -> ()
      %add3A_124 = arith.constant 2 : i32
      %add3A_125 = arith.addi %add3A_118, %add3A_124 : i32
      %lt3A = arith.constant 40 : i32
      %lt3A_126 = arith.cmpi slt, %add3A_125, %lt3A : i32
      %convert_element_type3A = arith.extui %lt3A_126 : i1 to i32
      %cond3A = arith.constant 0 : i32
      %cond3A_127 = arith.cmpi ne, %convert_element_type3A, %cond3A : i32
      scf.if %cond3A_127 {
        %add3A_145 = arith.constant 2 : i32
        %add3A_146 = arith.addi %add3A_118, %add3A_145 : i32
        %dma_start3A_147 = arith.constant 0 : i32
        %dma_start3A_148 = tpu.memref_slice %arg10[%add3A_146, %dma_start3A_147] : memref<40x128xi32, #tpu.memory_space<vmem>> -> memref<1x128xi32, #tpu.memory_space<vmem>>
        %dma_start3A_149 = tpu.memref_squeeze %dma_start3A_148 : memref<1x128xi32, #tpu.memory_space<vmem>> -> memref<128xi32, #tpu.memory_space<vmem>>
        %dma_start3A_150 = arith.constant 0 : i32
        %dma_start3A_151 = arith.constant 0 : i32
        %dma_start3A_152 = tpu.memref_slice %arg2[%dma_start3A_150, %dma_start3A_151] : memref<10240x128xf32, #tpu.memory_space<hbm>> -> memref<10240x128xf32, #tpu.memory_space<hbm>>
        tpu.enqueue_indirect_dma source(%dma_start3A_152 : memref<10240x128xf32, #tpu.memory_space<hbm>>) target(%arg12 : memref<128x128xf32, #tpu.memory_space<vmem>>) offsets(%dma_start3A_149 : memref<128xi32, #tpu.memory_space<vmem>>) semaphore(%arg16 : memref<!tpu.dma_semaphore, #tpu.memory_space<semaphore_mem>>)
      } else {
      }
      %add3A_128 = arith.constant 1 : i32
      %add3A_129 = arith.addi %add3A_118, %add3A_128 : i32
      %dma_wait3A_130 = arith.constant 0 : i32
      %dma_wait3A_131 = tpu.memref_slice %arg10[%add3A_129, %dma_wait3A_130] : memref<40x128xi32, #tpu.memory_space<vmem>> -> memref<1x128xi32, #tpu.memory_space<vmem>>
      %dma_wait3A_132 = tpu.memref_squeeze %dma_wait3A_131 : memref<1x128xi32, #tpu.memory_space<vmem>> -> memref<128xi32, #tpu.memory_space<vmem>>
      %dma_wait3A_133 = arith.constant 0 : i32
      %dma_wait3A_134 = arith.constant 0 : i32
      %dma_wait3A_135 = tpu.memref_slice %arg2[%dma_wait3A_133, %dma_wait3A_134] : memref<10240x128xf32, #tpu.memory_space<hbm>> -> memref<10240x128xf32, #tpu.memory_space<hbm>>
      tpu.wait_indirect_dma semaphore(%arg17 : memref<!tpu.dma_semaphore, #tpu.memory_space<semaphore_mem>>) src(%dma_wait3A_135 : memref<10240x128xf32, #tpu.memory_space<hbm>>) dst(%arg13 : memref<128x128xf32, #tpu.memory_space<vmem>>)
      %add3A_136 = arith.constant 1 : i32
      %add3A_137 = arith.addi %add3A_118, %add3A_136 : i32
      "tpu.region"() ({
        %run_scoped3A_145 = tpu.sem_alloc : memref<!tpu.dma_semaphore, #tpu.memory_space<semaphore_mem>>
        %dma_start3A_146 = arith.constant 0 : i32
        %dma_start3A_147 = tpu.memref_slice %arg11[%add3A_137, %dma_start3A_146] : memref<40x128xi32, #tpu.memory_space<vmem>> -> memref<1x128xi32, #tpu.memory_space<vmem>>
        %dma_start3A_148 = tpu.memref_squeeze %dma_start3A_147 : memref<1x128xi32, #tpu.memory_space<vmem>> -> memref<128xi32, #tpu.memory_space<vmem>>
        %dma_start3A_149 = arith.constant 0 : i32
        %dma_start3A_150 = arith.constant 0 : i32
        %dma_start3A_151 = tpu.memref_slice %arg15[%dma_start3A_149, %dma_start3A_150] : memref<10240x128xf32, #tpu.memory_space<vmem_shared>> -> memref<10240x128xf32, #tpu.memory_space<vmem_shared>>
        tpu.enqueue_indirect_dma source(%arg13 : memref<128x128xf32, #tpu.memory_space<vmem>>) target(%dma_start3A_151 : memref<10240x128xf32, #tpu.memory_space<vmem_shared>>) offsets(%dma_start3A_148 : memref<128xi32, #tpu.memory_space<vmem>>) semaphore(%run_scoped3A_145 : memref<!tpu.dma_semaphore, #tpu.memory_space<semaphore_mem>>) {add = true}
        %dma_wait3A_152 = arith.constant 0 : i32
        %dma_wait3A_153 = tpu.memref_slice %arg11[%add3A_137, %dma_wait3A_152] : memref<40x128xi32, #tpu.memory_space<vmem>> -> memref<1x128xi32, #tpu.memory_space<vmem>>
        %dma_wait3A_154 = tpu.memref_squeeze %dma_wait3A_153 : memref<1x128xi32, #tpu.memory_space<vmem>> -> memref<128xi32, #tpu.memory_space<vmem>>
        %dma_wait3A_155 = arith.constant 0 : i32
        %dma_wait3A_156 = arith.constant 0 : i32
        %dma_wait3A_157 = tpu.memref_slice %arg15[%dma_wait3A_155, %dma_wait3A_156] : memref<10240x128xf32, #tpu.memory_space<vmem_shared>> -> memref<10240x128xf32, #tpu.memory_space<vmem_shared>>
        tpu.wait_indirect_dma semaphore(%run_scoped3A_145 : memref<!tpu.dma_semaphore, #tpu.memory_space<semaphore_mem>>) src(%arg13 : memref<128x128xf32, #tpu.memory_space<vmem>>) dst(%dma_wait3A_157 : memref<10240x128xf32, #tpu.memory_space<vmem_shared>>)
        tpu.yield
      }) : () -> ()
      %add3A_138 = arith.constant 3 : i32
      %add3A_139 = arith.addi %add3A_118, %add3A_138 : i32
      %lt3A_140 = arith.constant 40 : i32
      %lt3A_141 = arith.cmpi slt, %add3A_139, %lt3A_140 : i32
      %convert_element_type3A_142 = arith.extui %lt3A_141 : i1 to i32
      %cond3A_143 = arith.constant 0 : i32
      %cond3A_144 = arith.cmpi ne, %convert_element_type3A_142, %cond3A_143 : i32
      scf.if %cond3A_144 {
        %add3A_145 = arith.constant 3 : i32
        %add3A_146 = arith.addi %add3A_118, %add3A_145 : i32
        %dma_start3A_147 = arith.constant 0 : i32
        %dma_start3A_148 = tpu.memref_slice %arg10[%add3A_146, %dma_start3A_147] : memref<40x128xi32, #tpu.memory_space<vmem>> -> memref<1x128xi32, #tpu.memory_space<vmem>>
        %dma_start3A_149 = tpu.memref_squeeze %dma_start3A_148 : memref<1x128xi32, #tpu.memory_space<vmem>> -> memref<128xi32, #tpu.memory_space<vmem>>
        %dma_start3A_150 = arith.constant 0 : i32
        %dma_start3A_151 = arith.constant 0 : i32
        %dma_start3A_152 = tpu.memref_slice %arg2[%dma_start3A_150, %dma_start3A_151] : memref<10240x128xf32, #tpu.memory_space<hbm>> -> memref<10240x128xf32, #tpu.memory_space<hbm>>
        tpu.enqueue_indirect_dma source(%dma_start3A_152 : memref<10240x128xf32, #tpu.memory_space<hbm>>) target(%arg13 : memref<128x128xf32, #tpu.memory_space<vmem>>) offsets(%dma_start3A_149 : memref<128xi32, #tpu.memory_space<vmem>>) semaphore(%arg17 : memref<!tpu.dma_semaphore, #tpu.memory_space<semaphore_mem>>)
      } else {
      }
    }
    %scan3A_74 = arith.constant 20 : i32
    %barrier3A_75 = arith.constant 0 : index
    tpu.barrier barrier_id(%barrier3A_75)
    %run_scoped3A_76 = arith.constant 1 : i32
    "tpu.region"() ({
      %run_scoped3A_114 = tpu.sem_alloc : memref<!tpu.dma_semaphore, #tpu.memory_space<semaphore_mem>>
      %dma_start3A_115 = arith.constant 0 : i32
      %dma_start3A_116 = tpu.memref_slice %arg9[%arg0, %run_scoped3A_76, %mul3A_2, %dma_start3A_115] : memref<2x3x10240x128xf32, #tpu.memory_space<hbm>> -> memref<1x1x640x128xf32, #tpu.memory_space<hbm>>
      %dma_start3A_117 = tpu.memref_squeeze %dma_start3A_116 : memref<1x1x640x128xf32, #tpu.memory_space<hbm>> -> memref<640x128xf32, #tpu.memory_space<hbm>>
      %dma_start3A_118 = arith.constant 0 : i32
      %dma_start3A_119 = tpu.memref_slice %arg15[%mul3A_2, %dma_start3A_118] : memref<10240x128xf32, #tpu.memory_space<vmem_shared>> -> memref<640x128xf32, #tpu.memory_space<vmem_shared>>
      tpu.enqueue_dma source(%dma_start3A_119 : memref<640x128xf32, #tpu.memory_space<vmem_shared>>) target(%dma_start3A_117 : memref<640x128xf32, #tpu.memory_space<hbm>>) target_semaphore(%run_scoped3A_114 : memref<!tpu.dma_semaphore, #tpu.memory_space<semaphore_mem>>)
      %dma_wait3A = arith.constant 0 : i32
      %dma_wait3A_120 = tpu.memref_slice %arg9[%arg0, %run_scoped3A_76, %mul3A_2, %dma_wait3A] : memref<2x3x10240x128xf32, #tpu.memory_space<hbm>> -> memref<1x1x640x128xf32, #tpu.memory_space<hbm>>
      %dma_wait3A_121 = tpu.memref_squeeze %dma_wait3A_120 : memref<1x1x640x128xf32, #tpu.memory_space<hbm>> -> memref<640x128xf32, #tpu.memory_space<hbm>>
      %dma_wait3A_122 = arith.constant 0 : i32
      %dma_wait3A_123 = tpu.memref_slice %arg15[%mul3A_2, %dma_wait3A_122] : memref<10240x128xf32, #tpu.memory_space<vmem_shared>> -> memref<640x128xf32, #tpu.memory_space<vmem_shared>>
      tpu.wait_dma2 semaphore(%run_scoped3A_114 : memref<!tpu.dma_semaphore, #tpu.memory_space<semaphore_mem>>) src(%dma_wait3A_123 : memref<640x128xf32, #tpu.memory_space<vmem_shared>>) dst(%dma_wait3A_121 : memref<640x128xf32, #tpu.memory_space<hbm>>)
      tpu.yield
    }) : () -> ()
    "tpu.region"() ({
      %run_scoped3A_114 = tpu.sem_alloc : memref<!tpu.dma_semaphore, #tpu.memory_space<semaphore_mem>>
      %dma_start3A_115 = arith.constant 0 : i32
      %dma_start3A_116 = tpu.memref_slice %arg7[%mul3A_6, %dma_start3A_115] : memref<1280x128xi32, #tpu.memory_space<hbm>> -> memref<40x128xi32, #tpu.memory_space<hbm>>
      %dma_start3A_117 = arith.constant 0 : i32
      %dma_start3A_118 = tpu.memref_slice %arg7[%mul3A_6, %dma_start3A_117] : memref<1280x128xi32, #tpu.memory_space<hbm>> -> memref<40x128xi32, #tpu.memory_space<hbm>>
      tpu.enqueue_dma source(%dma_start3A_118 : memref<40x128xi32, #tpu.memory_space<hbm>>) target(%arg10 : memref<40x128xi32, #tpu.memory_space<vmem>>) target_semaphore(%run_scoped3A_114 : memref<!tpu.dma_semaphore, #tpu.memory_space<semaphore_mem>>)
      %dma_wait3A = arith.constant 0 : i32
      %dma_wait3A_119 = tpu.memref_slice %arg7[%mul3A_6, %dma_wait3A] : memref<1280x128xi32, #tpu.memory_space<hbm>> -> memref<40x128xi32, #tpu.memory_space<hbm>>
      %dma_wait3A_120 = arith.constant 0 : i32
      %dma_wait3A_121 = tpu.memref_slice %arg7[%mul3A_6, %dma_wait3A_120] : memref<1280x128xi32, #tpu.memory_space<hbm>> -> memref<40x128xi32, #tpu.memory_space<hbm>>
      tpu.wait_dma2 semaphore(%run_scoped3A_114 : memref<!tpu.dma_semaphore, #tpu.memory_space<semaphore_mem>>) src(%dma_wait3A_121 : memref<40x128xi32, #tpu.memory_space<hbm>>) dst(%arg10 : memref<40x128xi32, #tpu.memory_space<vmem>>)
      tpu.yield
    }) : () -> ()
    "tpu.region"() ({
      %run_scoped3A_114 = tpu.sem_alloc : memref<!tpu.dma_semaphore, #tpu.memory_space<semaphore_mem>>
      %dma_start3A_115 = arith.constant 0 : i32
      %dma_start3A_116 = tpu.memref_slice %arg8[%mul3A_6, %dma_start3A_115] : memref<1280x128xi32, #tpu.memory_space<hbm>> -> memref<40x128xi32, #tpu.memory_space<hbm>>
      %dma_start3A_117 = arith.constant 0 : i32
      %dma_start3A_118 = tpu.memref_slice %arg8[%mul3A_6, %dma_start3A_117] : memref<1280x128xi32, #tpu.memory_space<hbm>> -> memref<40x128xi32, #tpu.memory_space<hbm>>
      tpu.enqueue_dma source(%dma_start3A_118 : memref<40x128xi32, #tpu.memory_space<hbm>>) target(%arg11 : memref<40x128xi32, #tpu.memory_space<vmem>>) target_semaphore(%run_scoped3A_114 : memref<!tpu.dma_semaphore, #tpu.memory_space<semaphore_mem>>)
      %dma_wait3A = arith.constant 0 : i32
      %dma_wait3A_119 = tpu.memref_slice %arg8[%mul3A_6, %dma_wait3A] : memref<1280x128xi32, #tpu.memory_space<hbm>> -> memref<40x128xi32, #tpu.memory_space<hbm>>
      %dma_wait3A_120 = arith.constant 0 : i32
      %dma_wait3A_121 = tpu.memref_slice %arg8[%mul3A_6, %dma_wait3A_120] : memref<1280x128xi32, #tpu.memory_space<hbm>> -> memref<40x128xi32, #tpu.memory_space<hbm>>
      tpu.wait_dma2 semaphore(%run_scoped3A_114 : memref<!tpu.dma_semaphore, #tpu.memory_space<semaphore_mem>>) src(%dma_wait3A_121 : memref<40x128xi32, #tpu.memory_space<hbm>>) dst(%arg11 : memref<40x128xi32, #tpu.memory_space<vmem>>)
      tpu.yield
    }) : () -> ()
    %scan3A_77 = arith.constant 0 : i32
    %scan3A_78 = arith.constant 32 : i32
    %scan3A_79 = arith.addi %scan3A_77, %scan3A_78 : i32
    %scan3A_80 = arith.constant 1 : i32
    scf.for %scan3A_114 = %scan3A_77 to %scan3A_79 step %scan3A_80  : i32 {
      %mul3A_115 = arith.constant 1 : i32
      %mul3A_116 = arith.muli %scan3A_114, %mul3A_115 : i32
      %add3A_117 = arith.constant 0 : i32
      %add3A_118 = arith.addi %add3A_117, %mul3A_116 : i32
      %broadcast_in_dim3A = arith.constant 0.000000e+00 : f32
      %broadcast_in_dim3A_119 = vector.broadcast %broadcast_in_dim3A : f32 to vector<16xf32>
      %swap3A = arith.index_cast %add3A_118 : i32 to index
      %swap3A_120 = arith.constant 0 : index
      %swap3A_121 = tpu.vector_load %arg14[%swap3A, %swap3A_120] {strides = array<i32>} : memref<32x128xf32, #tpu.memory_space<vmem>>, vector<1x16xf32>,
      %swap3A_122 = vector.shape_cast %swap3A_121 : vector<1x16xf32> to vector<16xf32>
      %swap3A_123 = vector.shape_cast %broadcast_in_dim3A_119 : vector<16xf32> to vector<1x16xf32>
      tpu.vector_store %arg14[%swap3A, %swap3A_120], %swap3A_123 {strides = array<i32>} : memref<32x128xf32, #tpu.memory_space<vmem>>, vector<1x16xf32>,
      %broadcast_in_dim3A_124 = arith.constant 0.000000e+00 : f32
      %broadcast_in_dim3A_125 = vector.broadcast %broadcast_in_dim3A_124 : f32 to vector<16xf32>
      %swap3A_126 = arith.index_cast %add3A_118 : i32 to index
      %swap3A_127 = arith.constant 16 : index
      %swap3A_128 = tpu.vector_load %arg14[%swap3A_126, %swap3A_127] {strides = array<i32>} : memref<32x128xf32, #tpu.memory_space<vmem>>, vector<1x16xf32>,
      %swap3A_129 = vector.shape_cast %swap3A_128 : vector<1x16xf32> to vector<16xf32>
      %swap3A_130 = vector.shape_cast %broadcast_in_dim3A_125 : vector<16xf32> to vector<1x16xf32>
      tpu.vector_store %arg14[%swap3A_126, %swap3A_127], %swap3A_130 {strides = array<i32>} : memref<32x128xf32, #tpu.memory_space<vmem>>, vector<1x16xf32>,
      %broadcast_in_dim3A_131 = arith.constant 0.000000e+00 : f32
      %broadcast_in_dim3A_132 = vector.broadcast %broadcast_in_dim3A_131 : f32 to vector<16xf32>
      %swap3A_133 = arith.index_cast %add3A_118 : i32 to index
      %swap3A_134 = arith.constant 32 : index
      %swap3A_135 = tpu.vector_load %arg14[%swap3A_133, %swap3A_134] {strides = array<i32>} : memref<32x128xf32, #tpu.memory_space<vmem>>, vector<1x16xf32>,
      %swap3A_136 = vector.shape_cast %swap3A_135 : vector<1x16xf32> to vector<16xf32>
      %swap3A_137 = vector.shape_cast %broadcast_in_dim3A_132 : vector<16xf32> to vector<1x16xf32>
      tpu.vector_store %arg14[%swap3A_133, %swap3A_134], %swap3A_137 {strides = array<i32>} : memref<32x128xf32, #tpu.memory_space<vmem>>, vector<1x16xf32>,
      %broadcast_in_dim3A_138 = arith.constant 0.000000e+00 : f32
      %broadcast_in_dim3A_139 = vector.broadcast %broadcast_in_dim3A_138 : f32 to vector<16xf32>
      %swap3A_140 = arith.index_cast %add3A_118 : i32 to index
      %swap3A_141 = arith.constant 48 : index
      %swap3A_142 = tpu.vector_load %arg14[%swap3A_140, %swap3A_141] {strides = array<i32>} : memref<32x128xf32, #tpu.memory_space<vmem>>, vector<1x16xf32>,
      %swap3A_143 = vector.shape_cast %swap3A_142 : vector<1x16xf32> to vector<16xf32>
      %swap3A_144 = vector.shape_cast %broadcast_in_dim3A_139 : vector<16xf32> to vector<1x16xf32>
      tpu.vector_store %arg14[%swap3A_140, %swap3A_141], %swap3A_144 {strides = array<i32>} : memref<32x128xf32, #tpu.memory_space<vmem>>, vector<1x16xf32>,
      %broadcast_in_dim3A_145 = arith.constant 0.000000e+00 : f32
      %broadcast_in_dim3A_146 = vector.broadcast %broadcast_in_dim3A_145 : f32 to vector<16xf32>
      %swap3A_147 = arith.index_cast %add3A_118 : i32 to index
      %swap3A_148 = arith.constant 64 : index
      %swap3A_149 = tpu.vector_load %arg14[%swap3A_147, %swap3A_148] {strides = array<i32>} : memref<32x128xf32, #tpu.memory_space<vmem>>, vector<1x16xf32>,
      %swap3A_150 = vector.shape_cast %swap3A_149 : vector<1x16xf32> to vector<16xf32>
      %swap3A_151 = vector.shape_cast %broadcast_in_dim3A_146 : vector<16xf32> to vector<1x16xf32>
      tpu.vector_store %arg14[%swap3A_147, %swap3A_148], %swap3A_151 {strides = array<i32>} : memref<32x128xf32, #tpu.memory_space<vmem>>, vector<1x16xf32>,
      %broadcast_in_dim3A_152 = arith.constant 0.000000e+00 : f32
      %broadcast_in_dim3A_153 = vector.broadcast %broadcast_in_dim3A_152 : f32 to vector<16xf32>
      %swap3A_154 = arith.index_cast %add3A_118 : i32 to index
      %swap3A_155 = arith.constant 80 : index
      %swap3A_156 = tpu.vector_load %arg14[%swap3A_154, %swap3A_155] {strides = array<i32>} : memref<32x128xf32, #tpu.memory_space<vmem>>, vector<1x16xf32>,
      %swap3A_157 = vector.shape_cast %swap3A_156 : vector<1x16xf32> to vector<16xf32>
      %swap3A_158 = vector.shape_cast %broadcast_in_dim3A_153 : vector<16xf32> to vector<1x16xf32>
      tpu.vector_store %arg14[%swap3A_154, %swap3A_155], %swap3A_158 {strides = array<i32>} : memref<32x128xf32, #tpu.memory_space<vmem>>, vector<1x16xf32>,
      %broadcast_in_dim3A_159 = arith.constant 0.000000e+00 : f32
      %broadcast_in_dim3A_160 = vector.broadcast %broadcast_in_dim3A_159 : f32 to vector<16xf32>
      %swap3A_161 = arith.index_cast %add3A_118 : i32 to index
      %swap3A_162 = arith.constant 96 : index
      %swap3A_163 = tpu.vector_load %arg14[%swap3A_161, %swap3A_162] {strides = array<i32>} : memref<32x128xf32, #tpu.memory_space<vmem>>, vector<1x16xf32>,
      %swap3A_164 = vector.shape_cast %swap3A_163 : vector<1x16xf32> to vector<16xf32>
      %swap3A_165 = vector.shape_cast %broadcast_in_dim3A_160 : vector<16xf32> to vector<1x16xf32>
      tpu.vector_store %arg14[%swap3A_161, %swap3A_162], %swap3A_165 {strides = array<i32>} : memref<32x128xf32, #tpu.memory_space<vmem>>, vector<1x16xf32>,
      %broadcast_in_dim3A_166 = arith.constant 0.000000e+00 : f32
      %broadcast_in_dim3A_167 = vector.broadcast %broadcast_in_dim3A_166 : f32 to vector<16xf32>
      %swap3A_168 = arith.index_cast %add3A_118 : i32 to index
      %swap3A_169 = arith.constant 112 : index
      %swap3A_170 = tpu.vector_load %arg14[%swap3A_168, %swap3A_169] {strides = array<i32>} : memref<32x128xf32, #tpu.memory_space<vmem>>, vector<1x16xf32>,
      %swap3A_171 = vector.shape_cast %swap3A_170 : vector<1x16xf32> to vector<16xf32>
      %swap3A_172 = vector.shape_cast %broadcast_in_dim3A_167 : vector<16xf32> to vector<1x16xf32>
      tpu.vector_store %arg14[%swap3A_168, %swap3A_169], %swap3A_172 {strides = array<i32>} : memref<32x128xf32, #tpu.memory_space<vmem>>, vector<1x16xf32>,
    }
    %scan3A_81 = arith.constant 32 : i32
    %scan3A_82 = arith.constant 0 : i32
    %scan3A_83 = arith.constant 20 : i32
    %scan3A_84 = arith.addi %scan3A_82, %scan3A_83 : i32
    %scan3A_85 = arith.constant 1 : i32
    scf.for %scan3A_114 = %scan3A_82 to %scan3A_84 step %scan3A_85  : i32 {
      %mul3A_115 = arith.constant 1 : i32
      %mul3A_116 = arith.muli %scan3A_114, %mul3A_115 : i32
      %add3A_117 = arith.constant 0 : i32
      %add3A_118 = arith.addi %add3A_117, %mul3A_116 : i32
      %mul3A_119 = arith.constant 32 : i32
      %mul3A_120 = arith.muli %add3A_118, %mul3A_119 : i32
      %add3A_121 = arith.addi %mul3A_2, %mul3A_120 : i32
      %dma_start3A_122 = arith.constant 0 : i32
      %dma_start3A_123 = tpu.memref_slice %arg15[%add3A_121, %dma_start3A_122] : memref<10240x128xf32, #tpu.memory_space<vmem_shared>> -> memref<32x128xf32, #tpu.memory_space<vmem_shared>>
      %dma_start3A_124 = arith.constant 0 : i32
      %dma_start3A_125 = tpu.memref_slice %arg15[%add3A_121, %dma_start3A_124] : memref<10240x128xf32, #tpu.memory_space<vmem_shared>> -> memref<32x128xf32, #tpu.memory_space<vmem_shared>>
      tpu.enqueue_dma source(%arg14 : memref<32x128xf32, #tpu.memory_space<vmem>>) target(%dma_start3A_125 : memref<32x128xf32, #tpu.memory_space<vmem_shared>>) target_semaphore(%arg16 : memref<!tpu.dma_semaphore, #tpu.memory_space<semaphore_mem>>)
    }
    %scan3A_86 = arith.constant 20 : i32
    %scan3A_87 = arith.constant 0 : i32
    %scan3A_88 = arith.constant 20 : i32
    %scan3A_89 = arith.addi %scan3A_87, %scan3A_88 : i32
    %scan3A_90 = arith.constant 1 : i32
    scf.for %scan3A_114 = %scan3A_87 to %scan3A_89 step %scan3A_90  : i32 {
      %mul3A_115 = arith.constant 1 : i32
      %mul3A_116 = arith.muli %scan3A_114, %mul3A_115 : i32
      %add3A_117 = arith.constant 0 : i32
      %add3A_118 = arith.addi %add3A_117, %mul3A_116 : i32
      %dma_wait3A = arith.constant 0 : i32
      %dma_wait3A_119 = tpu.memref_slice %arg15[%mul3A_2, %dma_wait3A] : memref<10240x128xf32, #tpu.memory_space<vmem_shared>> -> memref<32x128xf32, #tpu.memory_space<vmem_shared>>
      %dma_wait3A_120 = arith.constant 0 : i32
      %dma_wait3A_121 = tpu.memref_slice %arg15[%mul3A_2, %dma_wait3A_120] : memref<10240x128xf32, #tpu.memory_space<vmem_shared>> -> memref<32x128xf32, #tpu.memory_space<vmem_shared>>
      tpu.wait_dma2 semaphore(%arg16 : memref<!tpu.dma_semaphore, #tpu.memory_space<semaphore_mem>>) src(%arg14 : memref<32x128xf32, #tpu.memory_space<vmem>>) dst(%dma_wait3A_121 : memref<32x128xf32, #tpu.memory_space<vmem_shared>>)
    }
    %scan3A_91 = arith.constant 20 : i32
    %dma_start3A_92 = arith.constant 0 : i32
    %dma_start3A_93 = arith.constant 0 : i32
    %dma_start3A_94 = tpu.memref_slice %arg10[%dma_start3A_92, %dma_start3A_93] : memref<40x128xi32, #tpu.memory_space<vmem>> -> memref<1x128xi32, #tpu.memory_space<vmem>>
    %dma_start3A_95 = tpu.memref_squeeze %dma_start3A_94 : memref<1x128xi32, #tpu.memory_space<vmem>> -> memref<128xi32, #tpu.memory_space<vmem>>
    %dma_start3A_96 = arith.constant 0 : i32
    %dma_start3A_97 = arith.constant 0 : i32
    %dma_start3A_98 = tpu.memref_slice %arg2[%dma_start3A_96, %dma_start3A_97] : memref<10240x128xf32, #tpu.memory_space<hbm>> -> memref<10240x128xf32, #tpu.memory_space<hbm>>
    tpu.enqueue_indirect_dma source(%dma_start3A_98 : memref<10240x128xf32, #tpu.memory_space<hbm>>) target(%arg12 : memref<128x128xf32, #tpu.memory_space<vmem>>) offsets(%dma_start3A_95 : memref<128xi32, #tpu.memory_space<vmem>>) semaphore(%arg16 : memref<!tpu.dma_semaphore, #tpu.memory_space<semaphore_mem>>)
    %dma_start3A_99 = arith.constant 1 : i32
    %dma_start3A_100 = arith.constant 0 : i32
    %dma_start3A_101 = tpu.memref_slice %arg10[%dma_start3A_99, %dma_start3A_100] : memref<40x128xi32, #tpu.memory_space<vmem>> -> memref<1x128xi32, #tpu.memory_space<vmem>>
    %dma_start3A_102 = tpu.memref_squeeze %dma_start3A_101 : memref<1x128xi32, #tpu.memory_space<vmem>> -> memref<128xi32, #tpu.memory_space<vmem>>
    %dma_start3A_103 = arith.constant 0 : i32
    %dma_start3A_104 = arith.constant 0 : i32
    %dma_start3A_105 = tpu.memref_slice %arg2[%dma_start3A_103, %dma_start3A_104] : memref<10240x128xf32, #tpu.memory_space<hbm>> -> memref<10240x128xf32, #tpu.memory_space<hbm>>
    tpu.enqueue_indirect_dma source(%dma_start3A_105 : memref<10240x128xf32, #tpu.memory_space<hbm>>) target(%arg13 : memref<128x128xf32, #tpu.memory_space<vmem>>) offsets(%dma_start3A_102 : memref<128xi32, #tpu.memory_space<vmem>>) semaphore(%arg17 : memref<!tpu.dma_semaphore, #tpu.memory_space<semaphore_mem>>)
    %barrier3A_106 = arith.constant 0 : index
    tpu.barrier barrier_id(%barrier3A_106)
    %scan3A_107 = arith.constant 0 : i32
    %scan3A_108 = arith.constant 20 : i32
    %scan3A_109 = arith.addi %scan3A_107, %scan3A_108 : i32
    %scan3A_110 = arith.constant 1 : i32
    scf.for %scan3A_114 = %scan3A_107 to %scan3A_109 step %scan3A_110  : i32 {
      %mul3A_115 = arith.constant 2 : i32
      %mul3A_116 = arith.muli %scan3A_114, %mul3A_115 : i32
      %add3A_117 = arith.constant 0 : i32
      %add3A_118 = arith.addi %add3A_117, %mul3A_116 : i32
      %dma_wait3A = arith.constant 0 : i32
      %dma_wait3A_119 = tpu.memref_slice %arg10[%add3A_118, %dma_wait3A] : memref<40x128xi32, #tpu.memory_space<vmem>> -> memref<1x128xi32, #tpu.memory_space<vmem>>
      %dma_wait3A_120 = tpu.memref_squeeze %dma_wait3A_119 : memref<1x128xi32, #tpu.memory_space<vmem>> -> memref<128xi32, #tpu.memory_space<vmem>>
      %dma_wait3A_121 = arith.constant 0 : i32
      %dma_wait3A_122 = arith.constant 0 : i32
      %dma_wait3A_123 = tpu.memref_slice %arg2[%dma_wait3A_121, %dma_wait3A_122] : memref<10240x128xf32, #tpu.memory_space<hbm>> -> memref<10240x128xf32, #tpu.memory_space<hbm>>
      tpu.wait_indirect_dma semaphore(%arg16 : memref<!tpu.dma_semaphore, #tpu.memory_space<semaphore_mem>>) src(%dma_wait3A_123 : memref<10240x128xf32, #tpu.memory_space<hbm>>) dst(%arg12 : memref<128x128xf32, #tpu.memory_space<vmem>>)
      "tpu.region"() ({
        %run_scoped3A_145 = tpu.sem_alloc : memref<!tpu.dma_semaphore, #tpu.memory_space<semaphore_mem>>
        %dma_start3A_146 = arith.constant 0 : i32
        %dma_start3A_147 = tpu.memref_slice %arg11[%add3A_118, %dma_start3A_146] : memref<40x128xi32, #tpu.memory_space<vmem>> -> memref<1x128xi32, #tpu.memory_space<vmem>>
        %dma_start3A_148 = tpu.memref_squeeze %dma_start3A_147 : memref<1x128xi32, #tpu.memory_space<vmem>> -> memref<128xi32, #tpu.memory_space<vmem>>
        %dma_start3A_149 = arith.constant 0 : i32
        %dma_start3A_150 = arith.constant 0 : i32
        %dma_start3A_151 = tpu.memref_slice %arg15[%dma_start3A_149, %dma_start3A_150] : memref<10240x128xf32, #tpu.memory_space<vmem_shared>> -> memref<10240x128xf32, #tpu.memory_space<vmem_shared>>
        tpu.enqueue_indirect_dma source(%arg12 : memref<128x128xf32, #tpu.memory_space<vmem>>) target(%dma_start3A_151 : memref<10240x128xf32, #tpu.memory_space<vmem_shared>>) offsets(%dma_start3A_148 : memref<128xi32, #tpu.memory_space<vmem>>) semaphore(%run_scoped3A_145 : memref<!tpu.dma_semaphore, #tpu.memory_space<semaphore_mem>>) {add = true}
        %dma_wait3A_152 = arith.constant 0 : i32
        %dma_wait3A_153 = tpu.memref_slice %arg11[%add3A_118, %dma_wait3A_152] : memref<40x128xi32, #tpu.memory_space<vmem>> -> memref<1x128xi32, #tpu.memory_space<vmem>>
        %dma_wait3A_154 = tpu.memref_squeeze %dma_wait3A_153 : memref<1x128xi32, #tpu.memory_space<vmem>> -> memref<128xi32, #tpu.memory_space<vmem>>
        %dma_wait3A_155 = arith.constant 0 : i32
        %dma_wait3A_156 = arith.constant 0 : i32
        %dma_wait3A_157 = tpu.memref_slice %arg15[%dma_wait3A_155, %dma_wait3A_156] : memref<10240x128xf32, #tpu.memory_space<vmem_shared>> -> memref<10240x128xf32, #tpu.memory_space<vmem_shared>>
        tpu.wait_indirect_dma semaphore(%run_scoped3A_145 : memref<!tpu.dma_semaphore, #tpu.memory_space<semaphore_mem>>) src(%arg12 : memref<128x128xf32, #tpu.memory_space<vmem>>) dst(%dma_wait3A_157 : memref<10240x128xf32, #tpu.memory_space<vmem_shared>>)
        tpu.yield
      }) : () -> ()
      %add3A_124 = arith.constant 2 : i32
      %add3A_125 = arith.addi %add3A_118, %add3A_124 : i32
      %lt3A = arith.constant 40 : i32
      %lt3A_126 = arith.cmpi slt, %add3A_125, %lt3A : i32
      %convert_element_type3A = arith.extui %lt3A_126 : i1 to i32
      %cond3A = arith.constant 0 : i32
      %cond3A_127 = arith.cmpi ne, %convert_element_type3A, %cond3A : i32
      scf.if %cond3A_127 {
        %add3A_145 = arith.constant 2 : i32
        %add3A_146 = arith.addi %add3A_118, %add3A_145 : i32
        %dma_start3A_147 = arith.constant 0 : i32
        %dma_start3A_148 = tpu.memref_slice %arg10[%add3A_146, %dma_start3A_147] : memref<40x128xi32, #tpu.memory_space<vmem>> -> memref<1x128xi32, #tpu.memory_space<vmem>>
        %dma_start3A_149 = tpu.memref_squeeze %dma_start3A_148 : memref<1x128xi32, #tpu.memory_space<vmem>> -> memref<128xi32, #tpu.memory_space<vmem>>
        %dma_start3A_150 = arith.constant 0 : i32
        %dma_start3A_151 = arith.constant 0 : i32
        %dma_start3A_152 = tpu.memref_slice %arg2[%dma_start3A_150, %dma_start3A_151] : memref<10240x128xf32, #tpu.memory_space<hbm>> -> memref<10240x128xf32, #tpu.memory_space<hbm>>
        tpu.enqueue_indirect_dma source(%dma_start3A_152 : memref<10240x128xf32, #tpu.memory_space<hbm>>) target(%arg12 : memref<128x128xf32, #tpu.memory_space<vmem>>) offsets(%dma_start3A_149 : memref<128xi32, #tpu.memory_space<vmem>>) semaphore(%arg16 : memref<!tpu.dma_semaphore, #tpu.memory_space<semaphore_mem>>)
      } else {
      }
      %add3A_128 = arith.constant 1 : i32
      %add3A_129 = arith.addi %add3A_118, %add3A_128 : i32
      %dma_wait3A_130 = arith.constant 0 : i32
      %dma_wait3A_131 = tpu.memref_slice %arg10[%add3A_129, %dma_wait3A_130] : memref<40x128xi32, #tpu.memory_space<vmem>> -> memref<1x128xi32, #tpu.memory_space<vmem>>
      %dma_wait3A_132 = tpu.memref_squeeze %dma_wait3A_131 : memref<1x128xi32, #tpu.memory_space<vmem>> -> memref<128xi32, #tpu.memory_space<vmem>>
      %dma_wait3A_133 = arith.constant 0 : i32
      %dma_wait3A_134 = arith.constant 0 : i32
      %dma_wait3A_135 = tpu.memref_slice %arg2[%dma_wait3A_133, %dma_wait3A_134] : memref<10240x128xf32, #tpu.memory_space<hbm>> -> memref<10240x128xf32, #tpu.memory_space<hbm>>
      tpu.wait_indirect_dma semaphore(%arg17 : memref<!tpu.dma_semaphore, #tpu.memory_space<semaphore_mem>>) src(%dma_wait3A_135 : memref<10240x128xf32, #tpu.memory_space<hbm>>) dst(%arg13 : memref<128x128xf32, #tpu.memory_space<vmem>>)
      %add3A_136 = arith.constant 1 : i32
      %add3A_137 = arith.addi %add3A_118, %add3A_136 : i32
      "tpu.region"() ({
        %run_scoped3A_145 = tpu.sem_alloc : memref<!tpu.dma_semaphore, #tpu.memory_space<semaphore_mem>>
        %dma_start3A_146 = arith.constant 0 : i32
        %dma_start3A_147 = tpu.memref_slice %arg11[%add3A_137, %dma_start3A_146] : memref<40x128xi32, #tpu.memory_space<vmem>> -> memref<1x128xi32, #tpu.memory_space<vmem>>
        %dma_start3A_148 = tpu.memref_squeeze %dma_start3A_147 : memref<1x128xi32, #tpu.memory_space<vmem>> -> memref<128xi32, #tpu.memory_space<vmem>>
        %dma_start3A_149 = arith.constant 0 : i32
        %dma_start3A_150 = arith.constant 0 : i32
        %dma_start3A_151 = tpu.memref_slice %arg15[%dma_start3A_149, %dma_start3A_150] : memref<10240x128xf32, #tpu.memory_space<vmem_shared>> -> memref<10240x128xf32, #tpu.memory_space<vmem_shared>>
        tpu.enqueue_indirect_dma source(%arg13 : memref<128x128xf32, #tpu.memory_space<vmem>>) target(%dma_start3A_151 : memref<10240x128xf32, #tpu.memory_space<vmem_shared>>) offsets(%dma_start3A_148 : memref<128xi32, #tpu.memory_space<vmem>>) semaphore(%run_scoped3A_145 : memref<!tpu.dma_semaphore, #tpu.memory_space<semaphore_mem>>) {add = true}
        %dma_wait3A_152 = arith.constant 0 : i32
        %dma_wait3A_153 = tpu.memref_slice %arg11[%add3A_137, %dma_wait3A_152] : memref<40x128xi32, #tpu.memory_space<vmem>> -> memref<1x128xi32, #tpu.memory_space<vmem>>
        %dma_wait3A_154 = tpu.memref_squeeze %dma_wait3A_153 : memref<1x128xi32, #tpu.memory_space<vmem>> -> memref<128xi32, #tpu.memory_space<vmem>>
        %dma_wait3A_155 = arith.constant 0 : i32
        %dma_wait3A_156 = arith.constant 0 : i32
        %dma_wait3A_157 = tpu.memref_slice %arg15[%dma_wait3A_155, %dma_wait3A_156] : memref<10240x128xf32, #tpu.memory_space<vmem_shared>> -> memref<10240x128xf32, #tpu.memory_space<vmem_shared>>
        tpu.wait_indirect_dma semaphore(%run_scoped3A_145 : memref<!tpu.dma_semaphore, #tpu.memory_space<semaphore_mem>>) src(%arg13 : memref<128x128xf32, #tpu.memory_space<vmem>>) dst(%dma_wait3A_157 : memref<10240x128xf32, #tpu.memory_space<vmem_shared>>)
        tpu.yield
      }) : () -> ()
      %add3A_138 = arith.constant 3 : i32
      %add3A_139 = arith.addi %add3A_118, %add3A_138 : i32
      %lt3A_140 = arith.constant 40 : i32
      %lt3A_141 = arith.cmpi slt, %add3A_139, %lt3A_140 : i32
      %convert_element_type3A_142 = arith.extui %lt3A_141 : i1 to i32
      %cond3A_143 = arith.constant 0 : i32
      %cond3A_144 = arith.cmpi ne, %convert_element_type3A_142, %cond3A_143 : i32
      scf.if %cond3A_144 {
        %add3A_145 = arith.constant 3 : i32
        %add3A_146 = arith.addi %add3A_118, %add3A_145 : i32
        %dma_start3A_147 = arith.constant 0 : i32
        %dma_start3A_148 = tpu.memref_slice %arg10[%add3A_146, %dma_start3A_147] : memref<40x128xi32, #tpu.memory_space<vmem>> -> memref<1x128xi32, #tpu.memory_space<vmem>>
        %dma_start3A_149 = tpu.memref_squeeze %dma_start3A_148 : memref<1x128xi32, #tpu.memory_space<vmem>> -> memref<128xi32, #tpu.memory_space<vmem>>
        %dma_start3A_150 = arith.constant 0 : i32
        %dma_start3A_151 = arith.constant 0 : i32
        %dma_start3A_152 = tpu.memref_slice %arg2[%dma_start3A_150, %dma_start3A_151] : memref<10240x128xf32, #tpu.memory_space<hbm>> -> memref<10240x128xf32, #tpu.memory_space<hbm>>
        tpu.enqueue_indirect_dma source(%dma_start3A_152 : memref<10240x128xf32, #tpu.memory_space<hbm>>) target(%arg13 : memref<128x128xf32, #tpu.memory_space<vmem>>) offsets(%dma_start3A_149 : memref<128xi32, #tpu.memory_space<vmem>>) semaphore(%arg17 : memref<!tpu.dma_semaphore, #tpu.memory_space<semaphore_mem>>)
      } else {
      }
    }
    %scan3A_111 = arith.constant 20 : i32
    %barrier3A_112 = arith.constant 0 : index
    tpu.barrier barrier_id(%barrier3A_112)
    %run_scoped3A_113 = arith.constant 2 : i32
    "tpu.region"() ({
      %run_scoped3A_114 = tpu.sem_alloc : memref<!tpu.dma_semaphore, #tpu.memory_space<semaphore_mem>>
      %dma_start3A_115 = arith.constant 0 : i32
      %dma_start3A_116 = tpu.memref_slice %arg9[%arg0, %run_scoped3A_113, %mul3A_2, %dma_start3A_115] : memref<2x3x10240x128xf32, #tpu.memory_space<hbm>> -> memref<1x1x640x128xf32, #tpu.memory_space<hbm>>
      %dma_start3A_117 = tpu.memref_squeeze %dma_start3A_116 : memref<1x1x640x128xf32, #tpu.memory_space<hbm>> -> memref<640x128xf32, #tpu.memory_space<hbm>>
      %dma_start3A_118 = arith.constant 0 : i32
      %dma_start3A_119 = tpu.memref_slice %arg15[%mul3A_2, %dma_start3A_118] : memref<10240x128xf32, #tpu.memory_space<vmem_shared>> -> memref<640x128xf32, #tpu.memory_space<vmem_shared>>
      tpu.enqueue_dma source(%dma_start3A_119 : memref<640x128xf32, #tpu.memory_space<vmem_shared>>) target(%dma_start3A_117 : memref<640x128xf32, #tpu.memory_space<hbm>>) target_semaphore(%run_scoped3A_114 : memref<!tpu.dma_semaphore, #tpu.memory_space<semaphore_mem>>)
      %dma_wait3A = arith.constant 0 : i32
      %dma_wait3A_120 = tpu.memref_slice %arg9[%arg0, %run_scoped3A_113, %mul3A_2, %dma_wait3A] : memref<2x3x10240x128xf32, #tpu.memory_space<hbm>> -> memref<1x1x640x128xf32, #tpu.memory_space<hbm>>
      %dma_wait3A_121 = tpu.memref_squeeze %dma_wait3A_120 : memref<1x1x640x128xf32, #tpu.memory_space<hbm>> -> memref<640x128xf32, #tpu.memory_space<hbm>>
      %dma_wait3A_122 = arith.constant 0 : i32
      %dma_wait3A_123 = tpu.memref_slice %arg15[%mul3A_2, %dma_wait3A_122] : memref<10240x128xf32, #tpu.memory_space<vmem_shared>> -> memref<640x128xf32, #tpu.memory_space<vmem_shared>>
      tpu.wait_dma2 semaphore(%run_scoped3A_114 : memref<!tpu.dma_semaphore, #tpu.memory_space<semaphore_mem>>) src(%dma_wait3A_123 : memref<640x128xf32, #tpu.memory_space<vmem_shared>>) dst(%dma_wait3A_121 : memref<640x128xf32, #tpu.memory_space<hbm>>)
      tpu.yield
    }) : () -> ()
    return
  }
}

module attributes {stable_mosaic.version = 14 : i64} {
  func.func @_tc_body(%arg0: i32, %arg1: memref<2x3x1024x128xf32, #tpu.memory_space<vmem>>, %arg2: memref<2x3x1024x1xf32, #tpu.memory_space<vmem>>, %arg3: memref<3x128x128xf32, #tpu.memory_space<vmem>>, %arg4: memref<3x1x128xf32, #tpu.memory_space<vmem>>, %arg5: memref<1024x128xf32, #tpu.memory_space<vmem>>) attributes {dimension_semantics = [#tpu.dimension_semantics<arbitrary>], iteration_bounds = array<i64: 10>, scalar_prefetch = 0 : i64, scratch_operands = 0 : i64, tpu.core_type = #tpu.core_type<tc>, window_params = [{transform_indices = @transform_0, window_bounds = array<i64: 2, 3, 1024, 128>}, {transform_indices = @transform_1, window_bounds = array<i64: 2, 3, 1024, 1>}, {pipeline_mode = #tpu.pipeline_mode<synchronous>, transform_indices = @transform_2, window_bounds = array<i64: 3, 128, 128>}, {pipeline_mode = #tpu.pipeline_mode<synchronous>, transform_indices = @transform_3, window_bounds = array<i64: 3, 1, 128>}, {transform_indices = @transform_4, window_bounds = array<i64: 1024, 128>}]} {
    %get3A = arith.constant 0 : index
    %get3A_0 = arith.constant 0 : index
    %get3A_1 = arith.constant 0 : index
    %get3A_2 = arith.constant 0 : index
    %get3A_3 = vector.load %arg1[%get3A, %get3A_0, %get3A_1, %get3A_2] : memref<2x3x1024x128xf32, #tpu.memory_space<vmem>>, vector<2x3x1024x128xf32>
    %get3A_4 = arith.constant 0 : index
    %get3A_5 = arith.constant 0 : index
    %get3A_6 = arith.constant 0 : index
    %get3A_7 = arith.constant 0 : index
    %get3A_8 = vector.load %arg2[%get3A_4, %get3A_5, %get3A_6, %get3A_7] : memref<2x3x1024x1xf32, #tpu.memory_space<vmem>>, vector<2x3x1024x1xf32>
    %broadcast_in_dim3A = arith.constant 0.000000e+00 : f32
    %broadcast_in_dim3A_9 = vector.broadcast %broadcast_in_dim3A : f32 to vector<1024x128xf32>
    %slice3A = vector.extract_strided_slice %get3A_8 {offsets = [0, 0, 0, 0], sizes = [1, 1, 1024, 1], strides = [1, 1, 1, 1]} : vector<2x3x1024x1xf32> to vector<1x1x1024x1xf32>
    %squeeze3A = vector.shape_cast %slice3A : vector<1x1x1024x1xf32> to vector<1024x1xf32>
    %slice3A_10 = vector.extract_strided_slice %get3A_8 {offsets = [1, 0, 0, 0], sizes = [1, 1, 1024, 1], strides = [1, 1, 1, 1]} : vector<2x3x1024x1xf32> to vector<1x1x1024x1xf32>
    %squeeze3A_11 = vector.shape_cast %slice3A_10 : vector<1x1x1024x1xf32> to vector<1024x1xf32>
    %add3A = arith.addf %squeeze3A, %squeeze3A_11 : vector<1024x1xf32>
    %jit3A = arith.constant 1.000000e+00 : f32
    %max3A = vector.broadcast %jit3A : f32 to vector<1024x1xf32>
    %max3A_12 = arith.maximumf %max3A, %add3A : vector<1024x1xf32>
    %div3A = arith.constant 1.000000e+00 : f32
    %div3A_13 = vector.broadcast %div3A : f32 to vector<1024x1xf32>
    %div3A_14 = arith.divf %div3A_13, %max3A_12 : vector<1024x1xf32>
    %slice3A_15 = vector.extract_strided_slice %get3A_3 {offsets = [0, 0, 0, 0], sizes = [1, 1, 1024, 128], strides = [1, 1, 1, 1]} : vector<2x3x1024x128xf32> to vector<1x1x1024x128xf32>
    %squeeze3A_16 = vector.shape_cast %slice3A_15 : vector<1x1x1024x128xf32> to vector<1024x128xf32>
    %slice3A_17 = vector.extract_strided_slice %get3A_3 {offsets = [1, 0, 0, 0], sizes = [1, 1, 1024, 128], strides = [1, 1, 1, 1]} : vector<2x3x1024x128xf32> to vector<1x1x1024x128xf32>
    %squeeze3A_18 = vector.shape_cast %slice3A_17 : vector<1x1x1024x128xf32> to vector<1024x128xf32>
    %add3A_19 = arith.addf %squeeze3A_16, %squeeze3A_18 : vector<1024x128xf32>
    %mul3A = vector.broadcast %div3A_14 : vector<1024x1xf32> to vector<1024x128xf32>
    %mul3A_20 = arith.mulf %add3A_19, %mul3A : vector<1024x128xf32>
    %get3A_21 = arith.constant 0 : index
    %get3A_22 = arith.constant 0 : index
    %get3A_23 = arith.constant 0 : index
    %get3A_24 = vector.load %arg3[%get3A_21, %get3A_22, %get3A_23] : memref<3x128x128xf32, #tpu.memory_space<vmem>>, vector<1x128x128xf32>
    %get3A_25 = vector.shape_cast %get3A_24 : vector<1x128x128xf32> to vector<128x128xf32>
    %dot_general3A = arith.constant dense<0.000000e+00> : vector<1024x128xf32>
    %dot_general3A_26 = tpu.matmul %mul3A_20, %get3A_25, %dot_general3A {dimension_numbers = #tpu.dot_dimension_numbers<[1], [0], [0], [1], [0, 0, 1, 1], [], []>, transpose_lhs_hint = false} : vector<1024x128xf32>, vector<128x128xf32>, vector<1024x128xf32> -> vector<1024x128xf32>
    %add3A_27 = arith.addf %broadcast_in_dim3A_9, %dot_general3A_26 : vector<1024x128xf32>
    %get3A_28 = arith.constant 0 : index
    %get3A_29 = arith.constant 0 : index
    %get3A_30 = arith.constant 0 : index
    %get3A_31 = vector.load %arg4[%get3A_28, %get3A_29, %get3A_30] : memref<3x1x128xf32, #tpu.memory_space<vmem>>, vector<1x1x128xf32>
    %get3A_32 = vector.shape_cast %get3A_31 : vector<1x1x128xf32> to vector<1x128xf32>
    %add3A_33 = vector.broadcast %get3A_32 : vector<1x128xf32> to vector<1024x128xf32>
    %add3A_34 = arith.addf %add3A_27, %add3A_33 : vector<1024x128xf32>
    %slice3A_35 = vector.extract_strided_slice %get3A_8 {offsets = [0, 1, 0, 0], sizes = [1, 1, 1024, 1], strides = [1, 1, 1, 1]} : vector<2x3x1024x1xf32> to vector<1x1x1024x1xf32>
    %squeeze3A_36 = vector.shape_cast %slice3A_35 : vector<1x1x1024x1xf32> to vector<1024x1xf32>
    %slice3A_37 = vector.extract_strided_slice %get3A_8 {offsets = [1, 1, 0, 0], sizes = [1, 1, 1024, 1], strides = [1, 1, 1, 1]} : vector<2x3x1024x1xf32> to vector<1x1x1024x1xf32>
    %squeeze3A_38 = vector.shape_cast %slice3A_37 : vector<1x1x1024x1xf32> to vector<1024x1xf32>
    %add3A_39 = arith.addf %squeeze3A_36, %squeeze3A_38 : vector<1024x1xf32>
    %jit3A_40 = arith.constant 1.000000e+00 : f32
    %max3A_41 = vector.broadcast %jit3A_40 : f32 to vector<1024x1xf32>
    %max3A_42 = arith.maximumf %max3A_41, %add3A_39 : vector<1024x1xf32>
    %div3A_43 = arith.constant 1.000000e+00 : f32
    %div3A_44 = vector.broadcast %div3A_43 : f32 to vector<1024x1xf32>
    %div3A_45 = arith.divf %div3A_44, %max3A_42 : vector<1024x1xf32>
    %slice3A_46 = vector.extract_strided_slice %get3A_3 {offsets = [0, 1, 0, 0], sizes = [1, 1, 1024, 128], strides = [1, 1, 1, 1]} : vector<2x3x1024x128xf32> to vector<1x1x1024x128xf32>
    %squeeze3A_47 = vector.shape_cast %slice3A_46 : vector<1x1x1024x128xf32> to vector<1024x128xf32>
    %slice3A_48 = vector.extract_strided_slice %get3A_3 {offsets = [1, 1, 0, 0], sizes = [1, 1, 1024, 128], strides = [1, 1, 1, 1]} : vector<2x3x1024x128xf32> to vector<1x1x1024x128xf32>
    %squeeze3A_49 = vector.shape_cast %slice3A_48 : vector<1x1x1024x128xf32> to vector<1024x128xf32>
    %add3A_50 = arith.addf %squeeze3A_47, %squeeze3A_49 : vector<1024x128xf32>
    %mul3A_51 = vector.broadcast %div3A_45 : vector<1024x1xf32> to vector<1024x128xf32>
    %mul3A_52 = arith.mulf %add3A_50, %mul3A_51 : vector<1024x128xf32>
    %get3A_53 = arith.constant 1 : index
    %get3A_54 = arith.constant 0 : index
    %get3A_55 = arith.constant 0 : index
    %get3A_56 = vector.load %arg3[%get3A_53, %get3A_54, %get3A_55] : memref<3x128x128xf32, #tpu.memory_space<vmem>>, vector<1x128x128xf32>
    %get3A_57 = vector.shape_cast %get3A_56 : vector<1x128x128xf32> to vector<128x128xf32>
    %dot_general3A_58 = arith.constant dense<0.000000e+00> : vector<1024x128xf32>
    %dot_general3A_59 = tpu.matmul %mul3A_52, %get3A_57, %dot_general3A_58 {dimension_numbers = #tpu.dot_dimension_numbers<[1], [0], [0], [1], [0, 0, 1, 1], [], []>, transpose_lhs_hint = false} : vector<1024x128xf32>, vector<128x128xf32>, vector<1024x128xf32> -> vector<1024x128xf32>
    %add3A_60 = arith.addf %add3A_34, %dot_general3A_59 : vector<1024x128xf32>
    %get3A_61 = arith.constant 1 : index
    %get3A_62 = arith.constant 0 : index
    %get3A_63 = arith.constant 0 : index
    %get3A_64 = vector.load %arg4[%get3A_61, %get3A_62, %get3A_63] : memref<3x1x128xf32, #tpu.memory_space<vmem>>, vector<1x1x128xf32>
    %get3A_65 = vector.shape_cast %get3A_64 : vector<1x1x128xf32> to vector<1x128xf32>
    %add3A_66 = vector.broadcast %get3A_65 : vector<1x128xf32> to vector<1024x128xf32>
    %add3A_67 = arith.addf %add3A_60, %add3A_66 : vector<1024x128xf32>
    %slice3A_68 = vector.extract_strided_slice %get3A_8 {offsets = [0, 2, 0, 0], sizes = [1, 1, 1024, 1], strides = [1, 1, 1, 1]} : vector<2x3x1024x1xf32> to vector<1x1x1024x1xf32>
    %squeeze3A_69 = vector.shape_cast %slice3A_68 : vector<1x1x1024x1xf32> to vector<1024x1xf32>
    %slice3A_70 = vector.extract_strided_slice %get3A_8 {offsets = [1, 2, 0, 0], sizes = [1, 1, 1024, 1], strides = [1, 1, 1, 1]} : vector<2x3x1024x1xf32> to vector<1x1x1024x1xf32>
    %squeeze3A_71 = vector.shape_cast %slice3A_70 : vector<1x1x1024x1xf32> to vector<1024x1xf32>
    %add3A_72 = arith.addf %squeeze3A_69, %squeeze3A_71 : vector<1024x1xf32>
    %jit3A_73 = arith.constant 1.000000e+00 : f32
    %max3A_74 = vector.broadcast %jit3A_73 : f32 to vector<1024x1xf32>
    %max3A_75 = arith.maximumf %max3A_74, %add3A_72 : vector<1024x1xf32>
    %div3A_76 = arith.constant 1.000000e+00 : f32
    %div3A_77 = vector.broadcast %div3A_76 : f32 to vector<1024x1xf32>
    %div3A_78 = arith.divf %div3A_77, %max3A_75 : vector<1024x1xf32>
    %slice3A_79 = vector.extract_strided_slice %get3A_3 {offsets = [0, 2, 0, 0], sizes = [1, 1, 1024, 128], strides = [1, 1, 1, 1]} : vector<2x3x1024x128xf32> to vector<1x1x1024x128xf32>
    %squeeze3A_80 = vector.shape_cast %slice3A_79 : vector<1x1x1024x128xf32> to vector<1024x128xf32>
    %slice3A_81 = vector.extract_strided_slice %get3A_3 {offsets = [1, 2, 0, 0], sizes = [1, 1, 1024, 128], strides = [1, 1, 1, 1]} : vector<2x3x1024x128xf32> to vector<1x1x1024x128xf32>
    %squeeze3A_82 = vector.shape_cast %slice3A_81 : vector<1x1x1024x128xf32> to vector<1024x128xf32>
    %add3A_83 = arith.addf %squeeze3A_80, %squeeze3A_82 : vector<1024x128xf32>
    %mul3A_84 = vector.broadcast %div3A_78 : vector<1024x1xf32> to vector<1024x128xf32>
    %mul3A_85 = arith.mulf %add3A_83, %mul3A_84 : vector<1024x128xf32>
    %get3A_86 = arith.constant 2 : index
    %get3A_87 = arith.constant 0 : index
    %get3A_88 = arith.constant 0 : index
    %get3A_89 = vector.load %arg3[%get3A_86, %get3A_87, %get3A_88] : memref<3x128x128xf32, #tpu.memory_space<vmem>>, vector<1x128x128xf32>
    %get3A_90 = vector.shape_cast %get3A_89 : vector<1x128x128xf32> to vector<128x128xf32>
    %dot_general3A_91 = arith.constant dense<0.000000e+00> : vector<1024x128xf32>
    %dot_general3A_92 = tpu.matmul %mul3A_85, %get3A_90, %dot_general3A_91 {dimension_numbers = #tpu.dot_dimension_numbers<[1], [0], [0], [1], [0, 0, 1, 1], [], []>, transpose_lhs_hint = false} : vector<1024x128xf32>, vector<128x128xf32>, vector<1024x128xf32> -> vector<1024x128xf32>
    %add3A_93 = arith.addf %add3A_67, %dot_general3A_92 : vector<1024x128xf32>
    %get3A_94 = arith.constant 2 : index
    %get3A_95 = arith.constant 0 : index
    %get3A_96 = arith.constant 0 : index
    %get3A_97 = vector.load %arg4[%get3A_94, %get3A_95, %get3A_96] : memref<3x1x128xf32, #tpu.memory_space<vmem>>, vector<1x1x128xf32>
    %get3A_98 = vector.shape_cast %get3A_97 : vector<1x1x128xf32> to vector<1x128xf32>
    %add3A_99 = vector.broadcast %get3A_98 : vector<1x128xf32> to vector<1024x128xf32>
    %add3A_100 = arith.addf %add3A_93, %add3A_99 : vector<1024x128xf32>
    %max3A_101 = arith.constant 0.000000e+00 : f32
    %max3A_102 = vector.broadcast %max3A_101 : f32 to vector<1024x128xf32>
    %max3A_103 = arith.maximumf %add3A_100, %max3A_102 : vector<1024x128xf32>
    %swap3A = arith.constant 0 : index
    %swap3A_104 = arith.constant 0 : index
    %swap3A_105 = vector.load %arg5[%swap3A, %swap3A_104] : memref<1024x128xf32, #tpu.memory_space<vmem>>, vector<1024x128xf32>
    tpu.vector_store %arg5[%swap3A, %swap3A_104], %max3A_103 {strides = array<i32>} : memref<1024x128xf32, #tpu.memory_space<vmem>>, vector<1024x128xf32>,
    return
  }
  func.func @transform_0(%arg0: i32) -> (i32, i32, i32, i32) {
    %c0_i32 = arith.constant 0 : i32
    %c0_i32_0 = arith.constant 0 : i32
    %c0_i32_1 = arith.constant 0 : i32
    %c0_i32_2 = arith.constant 0 : i32
    return %c0_i32, %c0_i32_0, %arg0, %c0_i32_1 : i32, i32, i32, i32
  }
  func.func @transform_1(%arg0: i32) -> (i32, i32, i32, i32) {
    %c0_i32 = arith.constant 0 : i32
    %c0_i32_0 = arith.constant 0 : i32
    %c0_i32_1 = arith.constant 0 : i32
    %c0_i32_2 = arith.constant 0 : i32
    return %c0_i32, %c0_i32_0, %arg0, %c0_i32_1 : i32, i32, i32, i32
  }
  func.func @transform_2(%arg0: i32) -> (i32, i32, i32) {
    %c0_i32 = arith.constant 0 : i32
    %c0_i32_0 = arith.constant 0 : i32
    %c0_i32_1 = arith.constant 0 : i32
    %c0_i32_2 = arith.constant 0 : i32
    return %c0_i32, %c0_i32_0, %c0_i32_1 : i32, i32, i32
  }
  func.func @transform_3(%arg0: i32) -> (i32, i32, i32) {
    %c0_i32 = arith.constant 0 : i32
    %c0_i32_0 = arith.constant 0 : i32
    %c0_i32_1 = arith.constant 0 : i32
    %c0_i32_2 = arith.constant 0 : i32
    return %c0_i32, %c0_i32_0, %c0_i32_1 : i32, i32, i32
  }
  func.func @transform_4(%arg0: i32) -> (i32, i32) {
    %c0_i32 = arith.constant 0 : i32
    %c0_i32_0 = arith.constant 0 : i32
    return %arg0, %c0_i32 : i32, i32
  }
}

module attributes {stable_mosaic.version = 14 : i64} {
  func.func @_tc_body(%arg0: i32, %arg1: memref<2x3x1000x128xf32, #tpu.memory_space<vmem>>, %arg2: memref<2x3x1000x1xf32, #tpu.memory_space<vmem>>, %arg3: memref<3x128x128xf32, #tpu.memory_space<vmem>>, %arg4: memref<3x1x128xf32, #tpu.memory_space<vmem>>, %arg5: memref<1000x128xf32, #tpu.memory_space<vmem>>, %arg6: memref<128x128xf32, #tpu.memory_space<vmem>>, %arg7: memref<1x128xf32, #tpu.memory_space<vmem>>, %arg8: memref<1000x128xf32, #tpu.memory_space<vmem>>) attributes {dimension_semantics = [#tpu.dimension_semantics<arbitrary>], iteration_bounds = array<i64: 10>, scalar_prefetch = 0 : i64, scratch_operands = 0 : i64, tpu.core_type = #tpu.core_type<tc>, window_params = [{transform_indices = @transform_0, window_bounds = array<i64: 2, 3, 1000, 128>}, {transform_indices = @transform_1, window_bounds = array<i64: 2, 3, 1000, 1>}, {pipeline_mode = #tpu.pipeline_mode<synchronous>, transform_indices = @transform_2, window_bounds = array<i64: 3, 128, 128>}, {pipeline_mode = #tpu.pipeline_mode<synchronous>, transform_indices = @transform_3, window_bounds = array<i64: 3, 1, 128>}, {transform_indices = @transform_4, window_bounds = array<i64: 1000, 128>}, {pipeline_mode = #tpu.pipeline_mode<synchronous>, transform_indices = @transform_5, window_bounds = array<i64: 128, 128>}, {pipeline_mode = #tpu.pipeline_mode<synchronous>, transform_indices = @transform_6, window_bounds = array<i64: 1, 128>}, {transform_indices = @transform_7, window_bounds = array<i64: 1000, 128>}]} {
    %get3A = arith.constant 0 : index
    %get3A_0 = arith.constant 0 : index
    %get3A_1 = arith.constant 0 : index
    %get3A_2 = arith.constant 0 : index
    %get3A_3 = vector.load %arg1[%get3A, %get3A_0, %get3A_1, %get3A_2] : memref<2x3x1000x128xf32, #tpu.memory_space<vmem>>, vector<2x3x1000x128xf32>
    %get3A_4 = arith.constant 0 : index
    %get3A_5 = arith.constant 0 : index
    %get3A_6 = arith.constant 0 : index
    %get3A_7 = arith.constant 0 : index
    %get3A_8 = vector.load %arg2[%get3A_4, %get3A_5, %get3A_6, %get3A_7] : memref<2x3x1000x1xf32, #tpu.memory_space<vmem>>, vector<2x3x1000x1xf32>
    %broadcast_in_dim3A = arith.constant 0.000000e+00 : f32
    %broadcast_in_dim3A_9 = vector.broadcast %broadcast_in_dim3A : f32 to vector<1000x128xf32>
    %slice3A = vector.extract_strided_slice %get3A_8 {offsets = [0, 0, 0, 0], sizes = [1, 1, 1000, 1], strides = [1, 1, 1, 1]} : vector<2x3x1000x1xf32> to vector<1x1x1000x1xf32>
    %squeeze3A = vector.shape_cast %slice3A : vector<1x1x1000x1xf32> to vector<1000x1xf32>
    %slice3A_10 = vector.extract_strided_slice %get3A_8 {offsets = [1, 0, 0, 0], sizes = [1, 1, 1000, 1], strides = [1, 1, 1, 1]} : vector<2x3x1000x1xf32> to vector<1x1x1000x1xf32>
    %squeeze3A_11 = vector.shape_cast %slice3A_10 : vector<1x1x1000x1xf32> to vector<1000x1xf32>
    %add3A = arith.addf %squeeze3A, %squeeze3A_11 : vector<1000x1xf32>
    %jit3A = arith.constant 1.000000e+00 : f32
    %max3A = vector.broadcast %jit3A : f32 to vector<1000x1xf32>
    %max3A_12 = arith.maximumf %max3A, %add3A : vector<1000x1xf32>
    %div3A = arith.constant 1.000000e+00 : f32
    %div3A_13 = vector.broadcast %div3A : f32 to vector<1000x1xf32>
    %div3A_14 = arith.divf %div3A_13, %max3A_12 : vector<1000x1xf32>
    %slice3A_15 = vector.extract_strided_slice %get3A_3 {offsets = [0, 0, 0, 0], sizes = [1, 1, 1000, 128], strides = [1, 1, 1, 1]} : vector<2x3x1000x128xf32> to vector<1x1x1000x128xf32>
    %squeeze3A_16 = vector.shape_cast %slice3A_15 : vector<1x1x1000x128xf32> to vector<1000x128xf32>
    %slice3A_17 = vector.extract_strided_slice %get3A_3 {offsets = [1, 0, 0, 0], sizes = [1, 1, 1000, 128], strides = [1, 1, 1, 1]} : vector<2x3x1000x128xf32> to vector<1x1x1000x128xf32>
    %squeeze3A_18 = vector.shape_cast %slice3A_17 : vector<1x1x1000x128xf32> to vector<1000x128xf32>
    %add3A_19 = arith.addf %squeeze3A_16, %squeeze3A_18 : vector<1000x128xf32>
    %mul3A = vector.broadcast %div3A_14 : vector<1000x1xf32> to vector<1000x128xf32>
    %mul3A_20 = arith.mulf %add3A_19, %mul3A : vector<1000x128xf32>
    %get3A_21 = arith.constant 0 : index
    %get3A_22 = arith.constant 0 : index
    %get3A_23 = arith.constant 0 : index
    %get3A_24 = vector.load %arg3[%get3A_21, %get3A_22, %get3A_23] : memref<3x128x128xf32, #tpu.memory_space<vmem>>, vector<1x128x128xf32>
    %get3A_25 = vector.shape_cast %get3A_24 : vector<1x128x128xf32> to vector<128x128xf32>
    %dot_general3A = arith.constant dense<0.000000e+00> : vector<1000x128xf32>
    %dot_general3A_26 = tpu.matmul %mul3A_20, %get3A_25, %dot_general3A {dimension_numbers = #tpu.dot_dimension_numbers<[1], [0], [0], [1], [0, 0, 1, 1], [], []>, transpose_lhs_hint = false} : vector<1000x128xf32>, vector<128x128xf32>, vector<1000x128xf32> -> vector<1000x128xf32>
    %add3A_27 = arith.addf %broadcast_in_dim3A_9, %dot_general3A_26 : vector<1000x128xf32>
    %get3A_28 = arith.constant 0 : index
    %get3A_29 = arith.constant 0 : index
    %get3A_30 = arith.constant 0 : index
    %get3A_31 = vector.load %arg4[%get3A_28, %get3A_29, %get3A_30] : memref<3x1x128xf32, #tpu.memory_space<vmem>>, vector<1x1x128xf32>
    %get3A_32 = vector.shape_cast %get3A_31 : vector<1x1x128xf32> to vector<1x128xf32>
    %add3A_33 = vector.broadcast %get3A_32 : vector<1x128xf32> to vector<1000x128xf32>
    %add3A_34 = arith.addf %add3A_27, %add3A_33 : vector<1000x128xf32>
    %slice3A_35 = vector.extract_strided_slice %get3A_8 {offsets = [0, 1, 0, 0], sizes = [1, 1, 1000, 1], strides = [1, 1, 1, 1]} : vector<2x3x1000x1xf32> to vector<1x1x1000x1xf32>
    %squeeze3A_36 = vector.shape_cast %slice3A_35 : vector<1x1x1000x1xf32> to vector<1000x1xf32>
    %slice3A_37 = vector.extract_strided_slice %get3A_8 {offsets = [1, 1, 0, 0], sizes = [1, 1, 1000, 1], strides = [1, 1, 1, 1]} : vector<2x3x1000x1xf32> to vector<1x1x1000x1xf32>
    %squeeze3A_38 = vector.shape_cast %slice3A_37 : vector<1x1x1000x1xf32> to vector<1000x1xf32>
    %add3A_39 = arith.addf %squeeze3A_36, %squeeze3A_38 : vector<1000x1xf32>
    %jit3A_40 = arith.constant 1.000000e+00 : f32
    %max3A_41 = vector.broadcast %jit3A_40 : f32 to vector<1000x1xf32>
    %max3A_42 = arith.maximumf %max3A_41, %add3A_39 : vector<1000x1xf32>
    %div3A_43 = arith.constant 1.000000e+00 : f32
    %div3A_44 = vector.broadcast %div3A_43 : f32 to vector<1000x1xf32>
    %div3A_45 = arith.divf %div3A_44, %max3A_42 : vector<1000x1xf32>
    %slice3A_46 = vector.extract_strided_slice %get3A_3 {offsets = [0, 1, 0, 0], sizes = [1, 1, 1000, 128], strides = [1, 1, 1, 1]} : vector<2x3x1000x128xf32> to vector<1x1x1000x128xf32>
    %squeeze3A_47 = vector.shape_cast %slice3A_46 : vector<1x1x1000x128xf32> to vector<1000x128xf32>
    %slice3A_48 = vector.extract_strided_slice %get3A_3 {offsets = [1, 1, 0, 0], sizes = [1, 1, 1000, 128], strides = [1, 1, 1, 1]} : vector<2x3x1000x128xf32> to vector<1x1x1000x128xf32>
    %squeeze3A_49 = vector.shape_cast %slice3A_48 : vector<1x1x1000x128xf32> to vector<1000x128xf32>
    %add3A_50 = arith.addf %squeeze3A_47, %squeeze3A_49 : vector<1000x128xf32>
    %mul3A_51 = vector.broadcast %div3A_45 : vector<1000x1xf32> to vector<1000x128xf32>
    %mul3A_52 = arith.mulf %add3A_50, %mul3A_51 : vector<1000x128xf32>
    %get3A_53 = arith.constant 1 : index
    %get3A_54 = arith.constant 0 : index
    %get3A_55 = arith.constant 0 : index
    %get3A_56 = vector.load %arg3[%get3A_53, %get3A_54, %get3A_55] : memref<3x128x128xf32, #tpu.memory_space<vmem>>, vector<1x128x128xf32>
    %get3A_57 = vector.shape_cast %get3A_56 : vector<1x128x128xf32> to vector<128x128xf32>
    %dot_general3A_58 = arith.constant dense<0.000000e+00> : vector<1000x128xf32>
    %dot_general3A_59 = tpu.matmul %mul3A_52, %get3A_57, %dot_general3A_58 {dimension_numbers = #tpu.dot_dimension_numbers<[1], [0], [0], [1], [0, 0, 1, 1], [], []>, transpose_lhs_hint = false} : vector<1000x128xf32>, vector<128x128xf32>, vector<1000x128xf32> -> vector<1000x128xf32>
    %add3A_60 = arith.addf %add3A_34, %dot_general3A_59 : vector<1000x128xf32>
    %get3A_61 = arith.constant 1 : index
    %get3A_62 = arith.constant 0 : index
    %get3A_63 = arith.constant 0 : index
    %get3A_64 = vector.load %arg4[%get3A_61, %get3A_62, %get3A_63] : memref<3x1x128xf32, #tpu.memory_space<vmem>>, vector<1x1x128xf32>
    %get3A_65 = vector.shape_cast %get3A_64 : vector<1x1x128xf32> to vector<1x128xf32>
    %add3A_66 = vector.broadcast %get3A_65 : vector<1x128xf32> to vector<1000x128xf32>
    %add3A_67 = arith.addf %add3A_60, %add3A_66 : vector<1000x128xf32>
    %slice3A_68 = vector.extract_strided_slice %get3A_8 {offsets = [0, 2, 0, 0], sizes = [1, 1, 1000, 1], strides = [1, 1, 1, 1]} : vector<2x3x1000x1xf32> to vector<1x1x1000x1xf32>
    %squeeze3A_69 = vector.shape_cast %slice3A_68 : vector<1x1x1000x1xf32> to vector<1000x1xf32>
    %slice3A_70 = vector.extract_strided_slice %get3A_8 {offsets = [1, 2, 0, 0], sizes = [1, 1, 1000, 1], strides = [1, 1, 1, 1]} : vector<2x3x1000x1xf32> to vector<1x1x1000x1xf32>
    %squeeze3A_71 = vector.shape_cast %slice3A_70 : vector<1x1x1000x1xf32> to vector<1000x1xf32>
    %add3A_72 = arith.addf %squeeze3A_69, %squeeze3A_71 : vector<1000x1xf32>
    %jit3A_73 = arith.constant 1.000000e+00 : f32
    %max3A_74 = vector.broadcast %jit3A_73 : f32 to vector<1000x1xf32>
    %max3A_75 = arith.maximumf %max3A_74, %add3A_72 : vector<1000x1xf32>
    %div3A_76 = arith.constant 1.000000e+00 : f32
    %div3A_77 = vector.broadcast %div3A_76 : f32 to vector<1000x1xf32>
    %div3A_78 = arith.divf %div3A_77, %max3A_75 : vector<1000x1xf32>
    %slice3A_79 = vector.extract_strided_slice %get3A_3 {offsets = [0, 2, 0, 0], sizes = [1, 1, 1000, 128], strides = [1, 1, 1, 1]} : vector<2x3x1000x128xf32> to vector<1x1x1000x128xf32>
    %squeeze3A_80 = vector.shape_cast %slice3A_79 : vector<1x1x1000x128xf32> to vector<1000x128xf32>
    %slice3A_81 = vector.extract_strided_slice %get3A_3 {offsets = [1, 2, 0, 0], sizes = [1, 1, 1000, 128], strides = [1, 1, 1, 1]} : vector<2x3x1000x128xf32> to vector<1x1x1000x128xf32>
    %squeeze3A_82 = vector.shape_cast %slice3A_81 : vector<1x1x1000x128xf32> to vector<1000x128xf32>
    %add3A_83 = arith.addf %squeeze3A_80, %squeeze3A_82 : vector<1000x128xf32>
    %mul3A_84 = vector.broadcast %div3A_78 : vector<1000x1xf32> to vector<1000x128xf32>
    %mul3A_85 = arith.mulf %add3A_83, %mul3A_84 : vector<1000x128xf32>
    %get3A_86 = arith.constant 2 : index
    %get3A_87 = arith.constant 0 : index
    %get3A_88 = arith.constant 0 : index
    %get3A_89 = vector.load %arg3[%get3A_86, %get3A_87, %get3A_88] : memref<3x128x128xf32, #tpu.memory_space<vmem>>, vector<1x128x128xf32>
    %get3A_90 = vector.shape_cast %get3A_89 : vector<1x128x128xf32> to vector<128x128xf32>
    %dot_general3A_91 = arith.constant dense<0.000000e+00> : vector<1000x128xf32>
    %dot_general3A_92 = tpu.matmul %mul3A_85, %get3A_90, %dot_general3A_91 {dimension_numbers = #tpu.dot_dimension_numbers<[1], [0], [0], [1], [0, 0, 1, 1], [], []>, transpose_lhs_hint = false} : vector<1000x128xf32>, vector<128x128xf32>, vector<1000x128xf32> -> vector<1000x128xf32>
    %add3A_93 = arith.addf %add3A_67, %dot_general3A_92 : vector<1000x128xf32>
    %get3A_94 = arith.constant 2 : index
    %get3A_95 = arith.constant 0 : index
    %get3A_96 = arith.constant 0 : index
    %get3A_97 = vector.load %arg4[%get3A_94, %get3A_95, %get3A_96] : memref<3x1x128xf32, #tpu.memory_space<vmem>>, vector<1x1x128xf32>
    %get3A_98 = vector.shape_cast %get3A_97 : vector<1x1x128xf32> to vector<1x128xf32>
    %add3A_99 = vector.broadcast %get3A_98 : vector<1x128xf32> to vector<1000x128xf32>
    %add3A_100 = arith.addf %add3A_93, %add3A_99 : vector<1000x128xf32>
    %get3A_101 = arith.constant 0 : index
    %get3A_102 = arith.constant 0 : index
    %get3A_103 = vector.load %arg5[%get3A_101, %get3A_102] : memref<1000x128xf32, #tpu.memory_space<vmem>>, vector<1000x128xf32>
    %get3A_104 = arith.constant 0 : index
    %get3A_105 = arith.constant 0 : index
    %get3A_106 = vector.load %arg6[%get3A_104, %get3A_105] : memref<128x128xf32, #tpu.memory_space<vmem>>, vector<128x128xf32>
    %dot_general3A_107 = arith.constant dense<0.000000e+00> : vector<1000x128xf32>
    %dot_general3A_108 = tpu.matmul %get3A_103, %get3A_106, %dot_general3A_107 {dimension_numbers = #tpu.dot_dimension_numbers<[1], [0], [0], [1], [0, 0, 1, 1], [], []>, transpose_lhs_hint = false} : vector<1000x128xf32>, vector<128x128xf32>, vector<1000x128xf32> -> vector<1000x128xf32>
    %add3A_109 = arith.addf %add3A_100, %dot_general3A_108 : vector<1000x128xf32>
    %get3A_110 = arith.constant 0 : index
    %get3A_111 = arith.constant 0 : index
    %get3A_112 = vector.load %arg7[%get3A_110, %get3A_111] : memref<1x128xf32, #tpu.memory_space<vmem>>, vector<1x128xf32>
    %add3A_113 = vector.broadcast %get3A_112 : vector<1x128xf32> to vector<1000x128xf32>
    %add3A_114 = arith.addf %add3A_109, %add3A_113 : vector<1000x128xf32>
    %swap3A = arith.constant 0 : index
    %swap3A_115 = arith.constant 0 : index
    %swap3A_116 = vector.load %arg8[%swap3A, %swap3A_115] : memref<1000x128xf32, #tpu.memory_space<vmem>>, vector<1000x128xf32>
    tpu.vector_store %arg8[%swap3A, %swap3A_115], %add3A_114 {strides = array<i32>} : memref<1000x128xf32, #tpu.memory_space<vmem>>, vector<1000x128xf32>,
    return
  }
  func.func @transform_0(%arg0: i32) -> (i32, i32, i32, i32) {
    %c0_i32 = arith.constant 0 : i32
    %c0_i32_0 = arith.constant 0 : i32
    %c0_i32_1 = arith.constant 0 : i32
    %c0_i32_2 = arith.constant 0 : i32
    return %c0_i32, %c0_i32_0, %arg0, %c0_i32_1 : i32, i32, i32, i32
  }
  func.func @transform_1(%arg0: i32) -> (i32, i32, i32, i32) {
    %c0_i32 = arith.constant 0 : i32
    %c0_i32_0 = arith.constant 0 : i32
    %c0_i32_1 = arith.constant 0 : i32
    %c0_i32_2 = arith.constant 0 : i32
    return %c0_i32, %c0_i32_0, %arg0, %c0_i32_1 : i32, i32, i32, i32
  }
  func.func @transform_2(%arg0: i32) -> (i32, i32, i32) {
    %c0_i32 = arith.constant 0 : i32
    %c0_i32_0 = arith.constant 0 : i32
    %c0_i32_1 = arith.constant 0 : i32
    %c0_i32_2 = arith.constant 0 : i32
    return %c0_i32, %c0_i32_0, %c0_i32_1 : i32, i32, i32
  }
  func.func @transform_3(%arg0: i32) -> (i32, i32, i32) {
    %c0_i32 = arith.constant 0 : i32
    %c0_i32_0 = arith.constant 0 : i32
    %c0_i32_1 = arith.constant 0 : i32
    %c0_i32_2 = arith.constant 0 : i32
    return %c0_i32, %c0_i32_0, %c0_i32_1 : i32, i32, i32
  }
  func.func @transform_4(%arg0: i32) -> (i32, i32) {
    %c0_i32 = arith.constant 0 : i32
    %c0_i32_0 = arith.constant 0 : i32
    return %arg0, %c0_i32 : i32, i32
  }
  func.func @transform_5(%arg0: i32) -> (i32, i32) {
    %c0_i32 = arith.constant 0 : i32
    %c0_i32_0 = arith.constant 0 : i32
    %c0_i32_1 = arith.constant 0 : i32
    return %c0_i32, %c0_i32_0 : i32, i32
  }
  func.func @transform_6(%arg0: i32) -> (i32, i32) {
    %c0_i32 = arith.constant 0 : i32
    %c0_i32_0 = arith.constant 0 : i32
    %c0_i32_1 = arith.constant 0 : i32
    return %c0_i32, %c0_i32_0 : i32, i32
  }
  func.func @transform_7(%arg0: i32) -> (i32, i32) {
    %c0_i32 = arith.constant 0 : i32
    %c0_i32_0 = arith.constant 0 : i32
    return %arg0, %c0_i32 : i32, i32
  }
}

</mosaic_0001>

<sc_bundles>
// kernel: kernel.11.cloned.1.call-start
scs
__scs_entry_jumppad:
0x0: {  	(pc) =	sbr.rel $0x88, $3  }
0x1: {  	(tag) =	ssettag $0x0;
	lr =	simm.s32 $0x1  }
0x2: {  	[smem:$0x3F89] =	sst lr;
	_ =	strace $0xD0000000  }
0x3: {  	_ = 	snop  }
0x4: {  	_ = 	snop  }
0x5: {  	_ = 	snop  }
0x6: {  	_ = 	snop  }
0x7: {  	_ = 	snop  }
__scs_overlays_trampoline_lowered:
0x8: {  	[smem:$0x3F98] =	sst s0  }
0x9: {  	[smem:$0x3F99] =	sst s1  }
0xa: {  	[smem:$0x3F9A] =	sst s2  }
0xb: {  	[smem:$0x3F9B] =	sst s3  }
0xc: {  	[smem:$0x3F9C] =	sst s4  }
0xd: {  	[smem:$0x3F9D] =	sst s5  }
0xe: {  	[smem:$0x3F9E] =	sst s6  }
0xf: {  	[smem:$0x3F9F] =	sst s7  }
0x10: {  	[smem:$0x3FA0] =	sst s8  }
0x11: {  	[smem:$0x3FA1] =	sst s9;
	s0 =	simm.s32 @!p0 $0x0  }
0x12: {  	s1 =	sld [smem:$0x3F87];
	s0 =	simm.s32 @p0 $0x1  }
0x13: {  	[smem:$0x3FA2] =	sst s0;
	s0 =	simm.s32 @!p1 $0x0  }
0x14: {  	s2 =	sld [smem:$0x3F86];
	s0 =	simm.s32 @p1 $0x1  }
0x15: {  	[smem:$0x3FA3] =	sst s0;
	s0 =	simm.s32 @!p2 $0x0  }
0x16: {  	s3 =	sld [smem:$0x3FDB];
	s0 =	simm.s32 @p2 $0x1  }
0x17: {  	s4 =	simm.s32 $0x1BF5;
	[smem:$0x3FA5] =	sst s0  }
0x18: {  	s0 =	sld [smem:$0x3F88];
	_ =	swait.ge [sflag:s4], $0x0  }
0x19: {  	s7 =	sld [smem:$0x3F89]  }
0x1a: {  	s8 =	sadd.s32 $0xFFFFE003, lr  }
0x1b: {  	s9 =	sadd.s32 $0xFFFFFEF7, lr;
	s5 =	simm.s32 $0xFFFFFFFF;
	p2 =	slt.u32 s8, $0xFFFFF086  }
0x1c: {  	p1 =	slt.u32 s9, $0xF7A;
	s5 =	simm.s32 @!p2 $0x0  }
0x1d: {  	s5 =	simm.s32 @p1 $0x1;
	p0 =	seq.s32 s7, s2  }
0x1e: {  	s7 =	smul.u32 @!p0 $0xF7A, s2;
	p2 =	seq.s32 @!p0 s5, $0x0  }
0x1f: {  	s9 =	smul.u32 $0xF7A, s1;
	s8 =	simm.s32 @!p0 $0x1BF5;
	p2 =	por !p2, p0  }
0x20: {  	[sflag:s8] =	ssyncset.s32 @!p0 $0xFFFFF086;
	s6 =	sadd.s32 @!p0 s3, s7;
	s7 =	simm.s32 @!p0 $0x108  }
0x21: {  	s3 =	sadd.s32 s3, s9;
	s6 =	sadd.s32 @!p0 $0x88, s6;
	s7 =	simm.s32 @p2 $0x1082  }
0x22: {  	[simem:s7], [sflag:s8] =	dma.local @!p0 [hbm:s6], $0xF7A  }
0x23: {  	s9 =	sor.u32 $0xD0000000, s2;
	s6 =	simm.s32 $0x108;
	_ =	swait.ge @!p0 [sflag:s8], $0x0  }
0x24: {  	s3 =	sadd.s32 $0x88, s3;
	s6 =	simm.s32 @!p1 $0x1082;
	[sflag:s4] =	ssyncset.s32 $0xFFFFF086  }
0x25: {  	[simem:s6], [sflag:s4] =	dma.local [hbm:s3], $0xF7A  }
0x26: {  	[smem:$0x3F89] =	sst s1;
	(tag) =	ssettag s2;
	_ =	strace s9  }
0x27: {  	s1 =	sld [smem:$0x3F99]  }
0x28: {  	s2 =	sld [smem:$0x3F9A]  }
0x29: {  	s4 =	sld [smem:$0x3F9C]  }
0x2a: {  	p0 =	seq.s32 s5, $0x0;
	s5 =	sld [smem:$0x3F9D]  }
0x2b: {  	s6 =	sld [smem:$0x3F9E]  }
0x2c: {  	s7 =	sld [smem:$0x3F9F]  }
0x2d: {  	s3 =	simm.s32 $0x108;
	s8 =	sld [smem:$0x3FA0]  }
0x2e: {  	s3 =	simm.s32 @!p0 $0x1082;
	s9 =	sld [smem:$0x3FA1]  }
0x2f: {  	lr =	sadd.s32 s0, s3;
	s0 =	sld [smem:$0x3F98]  }
0x30: {  	s3 =	sld [smem:$0x3F9B]  }
0x31: {  	[smem:$0x3FA4] =	sst s10  }
0x32: {  	s10 =	sld [smem:$0x3FA2];
	_ =	sdelay $0x3  }
0x33: {  	p0 =	seq.s32 s10, $0x1;
	s10 =	sld [smem:$0x3FA4];
	_ =	sdelay $0x3  }
0x34: {  	[smem:$0x3FA4] =	sst s10  }
0x35: {  	s10 =	sld [smem:$0x3FA3];
	_ =	sdelay $0x3  }
0x36: {  	p1 =	seq.s32 s10, $0x1;
	s10 =	sld [smem:$0x3FA4];
	_ =	sdelay $0x3  }
0x37: {  	[smem:$0x3FA4] =	sst s10  }
0x38: {  	s10 =	sld [smem:$0x3FA5]  }
0x39: {  	_ = 	snop;
	(pc) =	sbr.ind lr, $3  }
0x3a: {  	_ = 	snop  }
0x3b: {  	_ = 	snop  }
0x3c: {  	p2 =	seq.s32 s10, $0x1;
	s10 =	sld [smem:$0x3FA4]  }
0x3d: {  	_ =	shalt  }
0x3e: {  	_ =	shalt  }
0x3f: {  	_ =	shalt  }
0x40: {  	_ =	shalt  }
0x41: {  	_ =	shalt  }
0x42: {  	_ =	shalt  }
0x43: {  	_ =	shalt  }
0x44: {  	_ =	shalt  }
0x45: {  	_ =	shalt  }
0x46: {  	_ =	shalt  }
0x47: {  	_ =	shalt  }
0x48: {  	_ =	shalt  }
0x49: {  	_ =	shalt  }
0x4a: {  	_ =	shalt  }
0x4b: {  	_ =	shalt  }
0x4c: {  	_ =	shalt  }
0x4d: {  	_ =	shalt  }
0x4e: {  	_ =	shalt  }
0x4f: {  	_ =	shalt  }
0x50: {  	_ =	shalt  }
0x51: {  	_ =	shalt  }
0x52: {  	_ =	shalt  }
0x53: {  	_ =	shalt  }
0x54: {  	_ =	shalt  }
0x55: {  	_ =	shalt  }
0x56: {  	_ =	shalt  }
0x57: {  	_ =	shalt  }
0x58: {  	_ =	shalt  }
0x59: {  	_ =	shalt  }
0x5a: {  	_ =	shalt  }
0x5b: {  	_ =	shalt  }
0x5c: {  	_ =	shalt  }
0x5d: {  	_ =	shalt  }
0x5e: {  	_ =	shalt  }
0x5f: {  	_ =	shalt  }
0x60: {  	_ =	shalt  }
0x61: {  	_ =	shalt  }
0x62: {  	_ =	shalt  }
0x63: {  	_ =	shalt  }
0x64: {  	_ =	shalt  }
0x65: {  	_ =	shalt  }
0x66: {  	_ =	shalt  }
0x67: {  	_ =	shalt  }
0x68: {  	_ =	shalt  }
0x69: {  	_ =	shalt  }
0x6a: {  	_ =	shalt  }
0x6b: {  	_ =	shalt  }
0x6c: {  	_ =	shalt  }
0x6d: {  	_ =	shalt  }
0x6e: {  	_ =	shalt  }
0x6f: {  	_ =	shalt  }
0x70: {  	_ =	shalt  }
0x71: {  	_ =	shalt  }
0x72: {  	_ =	shalt  }
0x73: {  	_ =	shalt  }
0x74: {  	_ =	shalt  }
0x75: {  	_ =	shalt  }
0x76: {  	_ =	shalt  }
0x77: {  	_ =	shalt  }
0x78: {  	_ =	shalt  }
0x79: {  	_ =	shalt  }
0x7a: {  	_ =	shalt  }
0x7b: {  	_ =	shalt  }
0x7c: {  	_ =	shalt  }
0x7d: {  	_ =	shalt  }
0x7e: {  	_ =	shalt  }
0x7f: {  	_ =	shalt  }
0x80: {  	_ =	shalt  }
0x81: {  	_ =	shalt  }
0x82: {  	_ =	shalt  }
0x83: {  	_ =	shalt  }
0x84: {  	_ =	shalt  }
0x85: {  	_ =	shalt  }
0x86: {  	_ =	shalt  }
0x87: {  	_ =	shalt  }
.Lfunc_end0:
.L_simem_size_0:
called_computation.1_lowered:
.L_overlay_start_0:
0x88: {  	s2 =	sld [smem:$0x3FD9]  }
0x89: {  	s3 =	sld [smem:$0x3FFE];
	_ =	sdelay $0x1  }
0x8a: {  	s1 =	srdreg.scid  }
0x8b: {  	s0 =	sand.u32 $0x1, s1  }
0x8c: {  	s17 =	sshll.u32 s0, $0xA;
	s2 =	sadd.s32 s3, s2  }
0x8d: {  	s2 =	sadd.s32 s2, s17  }
0x8e: {  	[smem:$0x3FB0] =	sst s2  }
0x8f: {  	_ = 	snop  }
0x90: {  	s2 =	sld [smem:$0x3FD0];
	(tm) =	ssettm $0x1  }
0x91: {  	s18 =	sld [smem:$0x3FFB];
	_ =	sdelay $0x3  }
0x92: {  	_ =	strace s18  }
0x93: {  	s3 =	sld [smem:$0x3FFC];
	_ =	sdelay $0x3  }
0x94: {  	_ =	strace s3  }
0x95: {  	s3 =	sld [smem:$0x3FFD];
	_ =	sdelay $0x3  }
0x96: {  	_ =	strace s3  }
0x97: {  	_ =	strace $0x8FFFFFFF  }
0x98: {  	s19 =	sld [smem:$0x3FDB];
	_ =	sdelay $0x1  }
0x99: {  	s4 =	simm.s32 $_scs_section_size  }
0x9a: {  	s5 =	simm.s32 $_size__tile_overlayer_lowered;
	s6 =	simm.s32 $_tile_overlayer_lowered  }
0x9b: {  	s22 =	simm.s32 $0x1BFF;
	s21 =	sshll.u32 s6, $0x1;
	s3 =	sadd.s32 s4, s19  }
0x9c: {  	s7 =	simm.s32 $0x0;
	s20 =	sshll.u32 s5, $0x1;
	s5 =	sadd.s32 s21, s3  }
0x9d: {  	[timem:s7], [sflag:s22] =	dma.local [hbm:s5], s20  }
0x9e: {  	_ =	swait.ge [sflag:s22], s20  }
0x9f: {  	s4 =	ssub.s32 $0x0, s20;
	[sflag:s22] =	ssyncset.done $0x0  }
0xa0: {  	[sflag:s22] =	ssyncadd.s32 s4;
	_ =	sdelay $0x1  }
0xa1: {  	s23 =	simm.s32 $0x1B8B  }
0xa2: {  	_ =	swait.ge [sflag:s23], $0x1  }
0xa3: {  	[sflag:s23] =	ssyncset.done $0x0  }
0xa4: {  	s25 =	simm.s32 $0x1B8E;
	s24 =	sld [smem:$0x3FFE];
	[sflag:s23] =	ssyncadd.s32 $0xFFFFFFFF  }
0xa5: {  	s26 =	simm.s32 $execute0_lowered;
	[smem:$0x3FD2] =	sst s25  }
0xa6: {  	s5 =	sshll.u32 s26, $0x1;
	_ =	strace $0x80000049;
	[dreg:$0x1] =	wrdreg $0xFFFFFFFF  }
0xa7: {  	s28 =	simm.s32 $_size_execute0_lowered;
	s3 =	sadd.s32 s3, s5;
	[dreg:$0x0] =	wrdreg $0x0  }
0xa8: {  	s5 =	sshll.u32 s28, $0x1;
	[dreg:$0x2] =	wrdreg s3  }
0xa9: {  	[dreg:$0x3] =	wrdreg s5  }
0xaa: {  	[dreg:$0x4] =	wrdreg $0xC0  }
0xab: {  	_ =	task [dreg:s7], $0x5FFFF  }
0xac: {  	[dreg:$0x1] =	wrdreg $0xFFFFFFFF  }
0xad: {  	[dreg:$0x0] =	wrdreg $0x60  }
0xae: {  	[dreg:$0x2] =	wrdreg s24  }
0xaf: {  	[dreg:$0x3] =	wrdreg s2  }
0xb0: {  	[dreg:$0x4] =	wrdreg $0xB8000  }
0xb1: {  	[dreg:$0x5] =	wrdreg $0x9  }
0xb2: {  	_ =	task.clear_ibuf [dreg:s7], $0x6FFFF;
	_ =	strace $0x90000049  }
0xb3: {  	s29 =	simm.s32 $0x9;
	_ =	strace $0x8000004B  }
0xb4: {  	_ =	swait.ge [sflag:s29], $0x1  }
0xb5: {  	[sflag:s29] =	ssyncadd.s32 $0xFFFFFFFF  }
0xb6: {  	_ =	strace $0x9000004B  }
0xb7: {  	_ =	sfence  }
0xb8: {  	s30 =	sld [smem:$0x0];
	_ =	sdelay $0x2  }
0xb9: {  	s31 =	sshll.u32 s1, $0xD;
	s1 =	sshrl.u32 s1, $0x2  }
0xba: {  	s3 =	sand.u32 $0x4000, s31;
	s1 =	sadd.s32 s1, s30  }
0xbb: {  	s0 =	sor.u32 s3, s0;
	s1 =	sshll.u32 s1, $0x11  }
0xbc: {  	s0 =	sor.u32 s1, s0  }
0xbd: {  	s0 =	sadd.s32 $0x8F2B, s0  }
0xbe: {  	[sflag:s0] =	ssyncadd.remote.s32 $0x1  }
0xbf: {  	_ =	sfence.sel $0xFFFF  }
0xc0: {  	[dreg:$0x0] =	wrdreg $0xFFFFFFFF;
	(pc) =	sbr.abs _section_cstart, $3  }
0xc1: {  	[dreg:$0x1] =	wrdreg $0xFFFFFFFF  }
0xc2: {  	_ =	task.clear_ibuf [dreg:s7], $0x2FFFF;
	_ =	strace $0x9FFFFFFF  }
0xc3: {  	(tm) =	ssettm $0x7FFFFFFF  }
tec
execute0_lowered:
.L_overlay_start_1:
0x0: {  	(tag) =	ssettag $0x1  }
0x1: {  	s0 =	rddreg [dreg:$0x0]  }
0x2: {  	s2 =	rddreg [dreg:$0x1]  }
0x3: {  	s1 =	rddreg [dreg:$0x2];
	s3 =	srdreg.scid  }
0x4: {  	s4 =	simm.s32 $0x0;
	s8 =	stileid.u32;
	s10 =	simm.s32 $0x1  }
0x5: {  	s11 =	simm.s32 $0x80;
	s12 =	simm.s32 $0x2800;
	s3 =	sand.u32 $0x1, s3  }
0x6: {  	[smem:$0x7FF] =	sst s4;
	s7 =	smul.u32 $0x14000, s8;
	s4 =	sadd.s32 $0x1B600, s0  }
0x7: {  	s5 =	smul.u32 $0x3C0000, s3;
	s6 =	sshll.u32 s3, $0x4;
	s3 =	ssub.s32 $0x2, s3  }
0x8: {  	s6 =	sor.u32 s8, s6;
	s13 =	sshrl.u32 s3, $0x1;
	s8 =	smul.u32 $0x50000, s8  }
0x9: {  	_ =	strace $0x8000004A;
	s6 =	smul.u32 $0x280, s6;
	s3 =	ssub.s32 s3, s13  }
0xa: {  	s5 =	sadd.s32 s7, s5;
	s13 =	simm.s32 $0x6800;
	s22 =	smax.u32 s3, $0x1  }
0xb: {  	s9 =	sadd.s32 s6, s0;
	s2 =	sadd.s32 s2, s6;
	[dreg:$0xd] =	wrdreg s22  }
0xc: {  	s5 =	sshrl.u32 s5, $0x3;
	s14 =	sadd.s32 $0xC600, s9;
	[dreg:$0xb] =	wrdreg s2  }
0xd: {  	s0 =	sadd.s32 s5, s0;
	s15 =	sadd.s32 $0x7600, s9;
	[dreg:$0x4] =	wrdreg s14  }
0xe: {  	s16 =	sshrl.u32 s8, $0x2;
	s17 =	sadd.s32 $0x1FD400, s0;
	[dreg:$0x5] =	wrdreg s15  }
0xf: {  	s7 =	sadd.s32 s16, s1;
	s18 =	sadd.s32 $0x11600, s9;
	[dreg:$0x6] =	wrdreg s17  }
0x10: {  	s6 =	simm.s32 $0x3;
	s19 =	sadd.s32 $0x2600, s9;
	[dreg:$0x7] =	wrdreg s18  }
0x11: {  	s20 =	sadd.s32 $0x225400, s0;
	s21 =	sadd.s32 $0x16600, s9;
	[dreg:$0x8] =	wrdreg s19  }
0x12: {  	s0 =	sadd.s32 $0x24D400, s0;
	s23 =	sadd.s32 $0x1000, s7;
	[dreg:$0x9] =	wrdreg s20  }
0x13: {  	s24 =	sadd.s32 $0x2000, s7;
	s25 =	sadd.s32 $0x3000, s7;
	[dreg:$0xa] =	wrdreg s21  }
0x14: {  	s26 =	sadd.s32 $0x4000, s7;
	s22 =	sadd.s32 $0x7000, s7;
	[dreg:$0xc] =	wrdreg s0  }
0x15: {  	s28 =	sadd.s32 $0xC000, s7;
	s29 =	sadd.s32 $0xD000, s7;
	[dreg:$0xe] =	wrdreg s23  }
0x16: {  	s30 =	sadd.s32 $0xE000, s7;
	s31 =	sadd.s32 $0xF000, s7;
	[dreg:$0xf] =	wrdreg s24  }
0x17: {  	s2 =	sadd.s32 $0x11000, s7;
	s3 =	sadd.s32 $0x12000, s7;
	[dreg:$0x10] =	wrdreg s25  }
0x18: {  	s5 =	sadd.s32 $0x13000, s7;
	s9 =	simm.s32 $0xA800;
	[dreg:$0x11] =	wrdreg s26  }
0x19: {  	s20 =	sadd.s32 $0x5000, s7;
	s21 =	sadd.s32 $0x6000, s7;
	s23 =	sadd.s32 $0x8000, s7  }
0x1a: {  	s24 =	sadd.s32 $0x9000, s7;
	s25 =	sadd.s32 $0xA000, s7;
	s26 =	sadd.s32 $0xB000, s7  }
0x1b: {  	v0 =	vimm.f32 $0.0e+00;
	s0 =	sadd.s32 $0x10000, s7;
	s14 =	simm.s32 $0x2;
	s15 =	simm.s32 $0x0  }
.LBB2_1:
0x1c: {  	s8 =	simm.s32 $0x0;
	s16 =	rddreg [dreg:$0x4]  }
0x1d: {  	[tilespmem:s8], [sflag:$0x3] =	stream.linear.gather [hbm4b:s16+s8], $0x1400, $0x38;
	[tilespmem:$0x1F800] =	vst v63  }
0x1e: {  	_ =	swait.ge [sflag:s6], $0x1400  }
0x1f: {  	[sflag:s6] =	ssyncset.done $0x0  }
0x20: {  	s17 =	simm.s32 $0x1400;
	s19 =	rddreg [dreg:$0x5];
	[sflag:s6] =	ssyncadd.s32 $0xFFFFEC00  }
0x21: {  	[tilespmem:s17], [sflag:$0x3] =	stream.linear.gather [hbm4b:s19+s8], $0x1400, $0x38;
	[tilespmem:$0x1F800] =	vst v63  }
0x22: {  	_ =	swait.ge [sflag:s6], $0x1400  }
0x23: {  	[sflag:s6] =	ssyncset.done $0x0  }
0x24: {  	s16 =	simm.s32 $0x200;
	s8 =	simm.s32 $0x0;
	[sflag:s6] =	ssyncadd.s32 $0xFFFFEC00  }
.LBB2_2:
0x25: {  	p0 =	sne.s32 s16, $0x3E00;
	[tilespmem:s8+$0xA870] =	vst v0  }
0x26: {  	[tilespmem:s8+$0xA800] =	vst v0  }
0x27: {  	[tilespmem:s8+$0xA810] =	vst v0  }
.Ltmp0:
0x28: {  	[tilespmem:s8+$0xA820] =	vst v0;
	(pc) =	sbr.rel @p0 .LBB2_2-.Ltmp0, $4  }
0x29: {  	[tilespmem:s8+$0xA830] =	vst v0  }
0x2a: {  	[tilespmem:s8+$0xA840] =	vst v0  }
0x2b: {  	[tilespmem:s8+$0xA850] =	vst v0  }
0x2c: {  	[tilespmem:s8+$0xA860] =	vst v0;
	s8 =	sshra.s32 s16, $0x2;
	s16 =	sadd.s32 $0x200, s16  }
0x2d: {  	[tilespmem:s8+$0xA870] =	vst v0  }
0x2e: {  	[tilespmem:s8+$0xA800] =	vst v0  }
0x2f: {  	[tilespmem:s8+$0xA810] =	vst v0  }
0x30: {  	[tilespmem:s8+$0xA820] =	vst v0  }
0x31: {  	[tilespmem:s8+$0xA830] =	vst v0  }
0x32: {  	[tilespmem:s8+$0xA840] =	vst v0  }
0x33: {  	[tilespmem:s8+$0xA850] =	vst v0  }
0x34: {  	[tilespmem:s8+$0xA860] =	vst v0  }
0x35: {  	[spmem:s7] =	stream.linear.scatter [tilespmem:s9], [sflag:$0x1], $0x1000, $0x38;
	[tilespmem:$0x1F800] =	vst v63  }
0x36: {  	s16 =	rddreg [dreg:$0xe]  }
0x37: {  	[spmem:s16] =	stream.linear.scatter [tilespmem:s9], [sflag:$0x1], $0x1000, $0x38;
	[tilespmem:$0x1F800] =	vst v63  }
0x38: {  	s17 =	rddreg [dreg:$0xf]  }
0x39: {  	[spmem:s17] =	stream.linear.scatter [tilespmem:s9], [sflag:$0x1], $0x1000, $0x38;
	[tilespmem:$0x1F800] =	vst v63  }
0x3a: {  	s18 =	rddreg [dreg:$0x10]  }
0x3b: {  	[spmem:s18] =	stream.linear.scatter [tilespmem:s9], [sflag:$0x1], $0x1000, $0x38;
	[tilespmem:$0x1F800] =	vst v63  }
0x3c: {  	s19 =	rddreg [dreg:$0x11]  }
0x3d: {  	[spmem:s19] =	stream.linear.scatter [tilespmem:s9], [sflag:$0x1], $0x1000, $0x38;
	[tilespmem:$0x1F800] =	vst v63  }
0x3e: {  	_ = 	snop  }
0x3f: {  	[spmem:s20] =	stream.linear.scatter [tilespmem:s9], [sflag:$0x1], $0x1000, $0x38;
	[tilespmem:$0x1F800] =	vst v63  }
0x40: {  	_ = 	snop  }
0x41: {  	[spmem:s21] =	stream.linear.scatter [tilespmem:s9], [sflag:$0x1], $0x1000, $0x38;
	[tilespmem:$0x1F800] =	vst v63  }
0x42: {  	_ = 	snop  }
0x43: {  	[spmem:s22] =	stream.linear.scatter [tilespmem:s9], [sflag:$0x1], $0x1000, $0x38;
	[tilespmem:$0x1F800] =	vst v63  }
0x44: {  	_ = 	snop  }
0x45: {  	[spmem:s23] =	stream.linear.scatter [tilespmem:s9], [sflag:$0x1], $0x1000, $0x38;
	[tilespmem:$0x1F800] =	vst v63  }
0x46: {  	_ = 	snop  }
0x47: {  	[spmem:s24] =	stream.linear.scatter [tilespmem:s9], [sflag:$0x1], $0x1000, $0x38;
	[tilespmem:$0x1F800] =	vst v63  }
0x48: {  	_ = 	snop  }
0x49: {  	[spmem:s25] =	stream.linear.scatter [tilespmem:s9], [sflag:$0x1], $0x1000, $0x38;
	[tilespmem:$0x1F800] =	vst v63  }
0x4a: {  	_ = 	snop  }
0x4b: {  	[spmem:s26] =	stream.linear.scatter [tilespmem:s9], [sflag:$0x1], $0x1000, $0x38;
	[tilespmem:$0x1F800] =	vst v63  }
0x4c: {  	_ = 	snop  }
0x4d: {  	[spmem:s28] =	stream.linear.scatter [tilespmem:s9], [sflag:$0x1], $0x1000, $0x38;
	[tilespmem:$0x1F800] =	vst v63  }
0x4e: {  	_ = 	snop  }
0x4f: {  	[spmem:s29] =	stream.linear.scatter [tilespmem:s9], [sflag:$0x1], $0x1000, $0x38;
	[tilespmem:$0x1F800] =	vst v63  }
0x50: {  	_ = 	snop  }
0x51: {  	[spmem:s30] =	stream.linear.scatter [tilespmem:s9], [sflag:$0x1], $0x1000, $0x38;
	[tilespmem:$0x1F800] =	vst v63  }
0x52: {  	_ = 	snop  }
0x53: {  	[spmem:s31] =	stream.linear.scatter [tilespmem:s9], [sflag:$0x1], $0x1000, $0x38;
	[tilespmem:$0x1F800] =	vst v63  }
0x54: {  	_ = 	snop  }
0x55: {  	[spmem:s0] =	stream.linear.scatter [tilespmem:s9], [sflag:$0x1], $0x1000, $0x38;
	[tilespmem:$0x1F800] =	vst v63  }
0x56: {  	_ = 	snop  }
0x57: {  	[spmem:s2] =	stream.linear.scatter [tilespmem:s9], [sflag:$0x1], $0x1000, $0x38;
	[tilespmem:$0x1F800] =	vst v63  }
0x58: {  	_ = 	snop  }
0x59: {  	[spmem:s3] =	stream.linear.scatter [tilespmem:s9], [sflag:$0x1], $0x1000, $0x38;
	[tilespmem:$0x1F800] =	vst v63  }
0x5a: {  	_ = 	snop  }
0x5b: {  	[spmem:s5] =	stream.linear.scatter [tilespmem:s9], [sflag:$0x1], $0x1000, $0x38;
	[tilespmem:$0x1F800] =	vst v63  }
0x5c: {  	_ =	swait.ge [sflag:s10], $0x1000  }
0x5d: {  	[sflag:s10] =	ssyncset.done $0x0  }
0x5e: {  	[sflag:s10] =	ssyncadd.s32 $0xFFFFF000  }
0x5f: {  	_ =	swait.ge [sflag:s10], $0x1000  }
0x60: {  	[sflag:s10] =	ssyncset.done $0x0  }
0x61: {  	[sflag:s10] =	ssyncadd.s32 $0xFFFFF000  }
0x62: {  	_ =	swait.ge [sflag:s10], $0x1000  }
0x63: {  	[sflag:s10] =	ssyncset.done $0x0  }
0x64: {  	[sflag:s10] =	ssyncadd.s32 $0xFFFFF000  }
0x65: {  	_ =	swait.ge [sflag:s10], $0x1000  }
0x66: {  	[sflag:s10] =	ssyncset.done $0x0  }
0x67: {  	[sflag:s10] =	ssyncadd.s32 $0xFFFFF000  }
0x68: {  	_ =	swait.ge [sflag:s10], $0x1000  }
0x69: {  	[sflag:s10] =	ssyncset.done $0x0  }
0x6a: {  	[sflag:s10] =	ssyncadd.s32 $0xFFFFF000  }
0x6b: {  	_ =	swait.ge [sflag:s10], $0x1000  }
0x6c: {  	[sflag:s10] =	ssyncset.done $0x0  }
0x6d: {  	[sflag:s10] =	ssyncadd.s32 $0xFFFFF000  }
0x6e: {  	_ =	swait.ge [sflag:s10], $0x1000  }
0x6f: {  	[sflag:s10] =	ssyncset.done $0x0  }
0x70: {  	[sflag:s10] =	ssyncadd.s32 $0xFFFFF000  }
0x71: {  	_ =	swait.ge [sflag:s10], $0x1000  }
0x72: {  	[sflag:s10] =	ssyncset.done $0x0  }
0x73: {  	[sflag:s10] =	ssyncadd.s32 $0xFFFFF000  }
0x74: {  	_ =	swait.ge [sflag:s10], $0x1000  }
0x75: {  	[sflag:s10] =	ssyncset.done $0x0  }
0x76: {  	[sflag:s10] =	ssyncadd.s32 $0xFFFFF000  }
0x77: {  	_ =	swait.ge [sflag:s10], $0x1000  }
0x78: {  	[sflag:s10] =	ssyncset.done $0x0  }
0x79: {  	[sflag:s10] =	ssyncadd.s32 $0xFFFFF000  }
0x7a: {  	_ =	swait.ge [sflag:s10], $0x1000  }
0x7b: {  	[sflag:s10] =	ssyncset.done $0x0  }
0x7c: {  	[sflag:s10] =	ssyncadd.s32 $0xFFFFF000  }
0x7d: {  	_ =	swait.ge [sflag:s10], $0x1000  }
0x7e: {  	[sflag:s10] =	ssyncset.done $0x0  }
0x7f: {  	[sflag:s10] =	ssyncadd.s32 $0xFFFFF000  }
0x80: {  	_ =	swait.ge [sflag:s10], $0x1000  }
0x81: {  	[sflag:s10] =	ssyncset.done $0x0  }
0x82: {  	[sflag:s10] =	ssyncadd.s32 $0xFFFFF000  }
0x83: {  	_ =	swait.ge [sflag:s10], $0x1000  }
0x84: {  	[sflag:s10] =	ssyncset.done $0x0  }
0x85: {  	[sflag:s10] =	ssyncadd.s32 $0xFFFFF000  }
0x86: {  	_ =	swait.ge [sflag:s10], $0x1000  }
0x87: {  	[sflag:s10] =	ssyncset.done $0x0  }
0x88: {  	[sflag:s10] =	ssyncadd.s32 $0xFFFFF000  }
0x89: {  	_ =	swait.ge [sflag:s10], $0x1000  }
0x8a: {  	[sflag:s10] =	ssyncset.done $0x0  }
0x8b: {  	[sflag:s10] =	ssyncadd.s32 $0xFFFFF000  }
0x8c: {  	_ =	swait.ge [sflag:s10], $0x1000  }
0x8d: {  	[sflag:s10] =	ssyncset.done $0x0  }
0x8e: {  	[sflag:s10] =	ssyncadd.s32 $0xFFFFF000  }
0x8f: {  	_ =	swait.ge [sflag:s10], $0x1000  }
0x90: {  	[sflag:s10] =	ssyncset.done $0x0  }
0x91: {  	[sflag:s10] =	ssyncadd.s32 $0xFFFFF000  }
0x92: {  	_ =	swait.ge [sflag:s10], $0x1000  }
0x93: {  	[sflag:s10] =	ssyncset.done $0x0  }
0x94: {  	[sflag:s10] =	ssyncadd.s32 $0xFFFFF000  }
0x95: {  	_ =	swait.ge [sflag:s10], $0x1000  }
0x96: {  	[sflag:s10] =	ssyncset.done $0x0  }
0x97: {  	s16 =	simm.s32 $0x0;
	[sflag:s10] =	ssyncadd.s32 $0xFFFFF000  }
0x98: {  	[tilespmem:s12], [sflag:$0x1] =	stream.indirect.gather [hbm4b:s4+s11], $0x80, s16, s11, $0xb8;
	[tilespmem:$0x1F800] =	vst v63  }
0x99: {  	_ = 	snop  }
0x9a: {  	[tilespmem:s13], [sflag:$0x2] =	stream.indirect.gather [hbm4b:s4+s11], $0x80, s11, s11, $0xb8;
	[tilespmem:$0x1F800] =	vst v63  }
0x9b: {  	[bflag:$0x0] =	sbarrier.arrive $0xFFFF  }
0x9c: {  	_ =	swait.ge [sflag:s10], $0x4000  }
0x9d: {  	[sflag:s10] =	ssyncset.done $0x0  }
0x9e: {  	s17 =	simm.s32 $0x1400;
	[sflag:s10] =	ssyncadd.s32 $0xFFFFC000  }
0x9f: {  	[spmem:s1] =	stream.indirect.scatter.add.f32 [tilespmem:s12], [sflag:$0x3], $0x80, s17, s11, $0xb8;
	[tilespmem:$0x1F800] =	vst v63  }
0xa0: {  	_ =	swait.ge [sflag:s6], $0x4000  }
0xa1: {  	[sflag:s6] =	ssyncset.done $0x0  }
0xa2: {  	s18 =	simm.s32 $0x100;
	[sflag:s6] =	ssyncadd.s32 $0xFFFFC000  }
0xa3: {  	[tilespmem:s12], [sflag:$0x1] =	stream.indirect.gather [hbm4b:s4+s11], $0x80, s18, s11, $0xb8;
	[tilespmem:$0x1F800] =	vst v63  }
0xa4: {  	_ =	swait.ge [sflag:s14], $0x4000  }
0xa5: {  	[sflag:s14] =	ssyncset.done $0x0  }
0xa6: {  	s19 =	simm.s32 $0x1480;
	[sflag:s14] =	ssyncadd.s32 $0xFFFFC000  }
0xa7: {  	[spmem:s1] =	stream.indirect.scatter.add.f32 [tilespmem:s13], [sflag:$0x3], $0x80, s19, s11, $0xb8;
	[tilespmem:$0x1F800] =	vst v63  }
0xa8: {  	_ =	swait.ge [sflag:s6], $0x4000  }
0xa9: {  	[sflag:s6] =	ssyncset.done $0x0  }
0xaa: {  	s8 =	simm.s32 $0x400;
	s16 =	simm.s32 $0x180;
	[sflag:s6] =	ssyncadd.s32 $0xFFFFC000  }
.LBB2_4:
0xab: {  	[tilespmem:s13], [sflag:$0x2] =	stream.indirect.gather [hbm4b:s4+s11], $0x80, s16, s11, $0xb8;
	[tilespmem:$0x1F800] =	vst v63  }
0xac: {  	s16 =	smov.u32 s8  }
0xad: {  	p0 =	sne.s32 s8, $0x4800;
	s8 =	sadd.s32 $0x400, s8;
	_ =	swait.ge [sflag:s10], $0x4000  }
0xae: {  	s16 =	sshra.s32 s16, $0x2;
	[sflag:s10] =	ssyncset.done $0x0  }
0xaf: {  	s17 =	sadd.s32 $0x1400, s16;
	[sflag:s10] =	ssyncadd.s32 $0xFFFFC000  }
0xb0: {  	[spmem:s1] =	stream.indirect.scatter.add.f32 [tilespmem:s12], [sflag:$0x3], $0x80, s17, s11, $0xb8;
	[tilespmem:$0x1F800] =	vst v63  }
0xb1: {  	_ =	swait.ge [sflag:s6], $0x4000  }
0xb2: {  	[sflag:s6] =	ssyncset.done $0x0  }
0xb3: {  	s17 =	sadd.s32 $0x100, s16;
	[sflag:s6] =	ssyncadd.s32 $0xFFFFC000  }
0xb4: {  	[tilespmem:s12], [sflag:$0x1] =	stream.indirect.gather [hbm4b:s4+s11], $0x80, s17, s11, $0xb8;
	[tilespmem:$0x1F800] =	vst v63  }
0xb5: {  	_ =	swait.ge [sflag:s14], $0x4000  }
0xb6: {  	[sflag:s14] =	ssyncset.done $0x0  }
.Ltmp1:
0xb7: {  	s17 =	sadd.s32 $0x1480, s16;
	[sflag:s14] =	ssyncadd.s32 $0xFFFFC000;
	(pc) =	sbr.rel @p0 .LBB2_4-.Ltmp1, $4  }
0xb8: {  	[spmem:s1] =	stream.indirect.scatter.add.f32 [tilespmem:s13], [sflag:$0x3], $0x80, s17, s11, $0xb8;
	[tilespmem:$0x1F800] =	vst v63  }
0xb9: {  	_ =	swait.ge [sflag:s6], $0x4000  }
0xba: {  	[sflag:s6] =	ssyncset.done $0x0  }
0xbb: {  	s16 =	sadd.s32 $0x180, s16;
	[sflag:s6] =	ssyncadd.s32 $0xFFFFC000  }
0xbc: {  	[tilespmem:s13], [sflag:$0x2] =	stream.indirect.gather [hbm4b:s4+s11], $0x80, s16, s11, $0xb8;
	[tilespmem:$0x1F800] =	vst v63  }
0xbd: {  	_ =	swait.ge [sflag:s10], $0x4000  }
0xbe: {  	[sflag:s10] =	ssyncset.done $0x0  }
0xbf: {  	s8 =	simm.s32 $0x2700;
	[sflag:s10] =	ssyncadd.s32 $0xFFFFC000  }
0xc0: {  	[spmem:s1] =	stream.indirect.scatter.add.f32 [tilespmem:s12], [sflag:$0x3], $0x80, s8, s11, $0xb8;
	[tilespmem:$0x1F800] =	vst v63  }
0xc1: {  	_ =	swait.ge [sflag:s6], $0x4000  }
0xc2: {  	[sflag:s6] =	ssyncset.done $0x0  }
0xc3: {  	[sflag:s6] =	ssyncadd.s32 $0xFFFFC000  }
0xc4: {  	_ =	swait.ge [sflag:s14], $0x4000  }
0xc5: {  	[sflag:s14] =	ssyncset.done $0x0  }
0xc6: {  	s18 =	simm.s32 $0x2780;
	[sflag:s14] =	ssyncadd.s32 $0xFFFFC000  }
0xc7: {  	[spmem:s1] =	stream.indirect.scatter.add.f32 [tilespmem:s13], [sflag:$0x3], $0x80, s18, s11, $0xb8;
	[tilespmem:$0x1F800] =	vst v63  }
0xc8: {  	_ =	swait.ge [sflag:s6], $0x4000  }
0xc9: {  	[sflag:s6] =	ssyncset.done $0x0  }
0xca: {  	s19 =	stileid.u32;
	[sflag:s6] =	ssyncadd.s32 $0xFFFFC000  }
0xcb: {  	s8 =	sshll.u32 s19, $0x6;
	[bflag:$0x0] =	sbarrier.arrive $0xFFFF  }
0xcc: {  	s16 =	sshrl.u32 s7, $0x3;
	s8 =	sor.u32 $0x1C03, s8;
	s17 =	rddreg [dreg:$0x6]  }
0xcd: {  	[hbm:s17], [sflag:s8] =	dma.local [spmem:s16], $0x2800  }
0xce: {  	_ =	swait.ge [sflag:s6], $0x2800  }
0xcf: {  	[sflag:s6] =	ssyncset.done $0x0  }
0xd0: {  	s17 =	simm.s32 $0x0;
	s18 =	rddreg [dreg:$0x7];
	[sflag:s6] =	ssyncadd.s32 $0xFFFFD800  }
0xd1: {  	[tilespmem:s17], [sflag:$0x3] =	stream.linear.gather [hbm4b:s18+s17], $0x1400, $0x38;
	[tilespmem:$0x1F800] =	vst v63  }
0xd2: {  	_ =	swait.ge [sflag:s6], $0x1400  }
0xd3: {  	[sflag:s6] =	ssyncset.done $0x0  }
0xd4: {  	s19 =	simm.s32 $0x1400;
	s18 =	rddreg [dreg:$0x8];
	[sflag:s6] =	ssyncadd.s32 $0xFFFFEC00  }
0xd5: {  	[tilespmem:s19], [sflag:$0x3] =	stream.linear.gather [hbm4b:s18+s17], $0x1400, $0x38;
	[tilespmem:$0x1F800] =	vst v63  }
0xd6: {  	_ =	swait.ge [sflag:s6], $0x1400  }
0xd7: {  	[sflag:s6] =	ssyncset.done $0x0  }
0xd8: {  	s17 =	simm.s32 $0x0;
	s18 =	simm.s32 $0x200;
	[sflag:s6] =	ssyncadd.s32 $0xFFFFEC00  }
.LBB2_6:
0xd9: {  	p0 =	sne.s32 s18, $0x3E00;
	[tilespmem:s17+$0xA870] =	vst v0  }
0xda: {  	[tilespmem:s17+$0xA800] =	vst v0  }
0xdb: {  	[tilespmem:s17+$0xA810] =	vst v0  }
.Ltmp2:
0xdc: {  	[tilespmem:s17+$0xA820] =	vst v0;
	(pc) =	sbr.rel @p0 .LBB2_6-.Ltmp2, $4  }
0xdd: {  	[tilespmem:s17+$0xA830] =	vst v0  }
0xde: {  	[tilespmem:s17+$0xA840] =	vst v0  }
0xdf: {  	[tilespmem:s17+$0xA850] =	vst v0  }
0xe0: {  	[tilespmem:s17+$0xA860] =	vst v0;
	s17 =	sshra.s32 s18, $0x2;
	s18 =	sadd.s32 $0x200, s18  }
0xe1: {  	[tilespmem:s17+$0xA870] =	vst v0  }
0xe2: {  	[tilespmem:s17+$0xA800] =	vst v0  }
0xe3: {  	[tilespmem:s17+$0xA810] =	vst v0  }
0xe4: {  	[tilespmem:s17+$0xA820] =	vst v0  }
0xe5: {  	[tilespmem:s17+$0xA830] =	vst v0  }
0xe6: {  	[tilespmem:s17+$0xA840] =	vst v0  }
0xe7: {  	[tilespmem:s17+$0xA850] =	vst v0  }
0xe8: {  	[tilespmem:s17+$0xA860] =	vst v0  }
0xe9: {  	[spmem:s7] =	stream.linear.scatter [tilespmem:s9], [sflag:$0x1], $0x1000, $0x38;
	[tilespmem:$0x1F800] =	vst v63  }
0xea: {  	s18 =	rddreg [dreg:$0xe]  }
0xeb: {  	[spmem:s18] =	stream.linear.scatter [tilespmem:s9], [sflag:$0x1], $0x1000, $0x38;
	[tilespmem:$0x1F800] =	vst v63  }
0xec: {  	s19 =	rddreg [dreg:$0xf]  }
0xed: {  	[spmem:s19] =	stream.linear.scatter [tilespmem:s9], [sflag:$0x1], $0x1000, $0x38;
	[tilespmem:$0x1F800] =	vst v63  }
0xee: {  	s18 =	rddreg [dreg:$0x10]  }
0xef: {  	[spmem:s18] =	stream.linear.scatter [tilespmem:s9], [sflag:$0x1], $0x1000, $0x38;
	[tilespmem:$0x1F800] =	vst v63  }
0xf0: {  	s19 =	rddreg [dreg:$0x11]  }
0xf1: {  	[spmem:s19] =	stream.linear.scatter [tilespmem:s9], [sflag:$0x1], $0x1000, $0x38;
	[tilespmem:$0x1F800] =	vst v63  }
0xf2: {  	_ = 	snop  }
0xf3: {  	[spmem:s20] =	stream.linear.scatter [tilespmem:s9], [sflag:$0x1], $0x1000, $0x38;
	[tilespmem:$0x1F800] =	vst v63  }
0xf4: {  	_ = 	snop  }
0xf5: {  	[spmem:s21] =	stream.linear.scatter [tilespmem:s9], [sflag:$0x1], $0x1000, $0x38;
	[tilespmem:$0x1F800] =	vst v63  }
0xf6: {  	_ = 	snop  }
0xf7: {  	[spmem:s22] =	stream.linear.scatter [tilespmem:s9], [sflag:$0x1], $0x1000, $0x38;
	[tilespmem:$0x1F800] =	vst v63  }
0xf8: {  	_ = 	snop  }
0xf9: {  	[spmem:s23] =	stream.linear.scatter [tilespmem:s9], [sflag:$0x1], $0x1000, $0x38;
	[tilespmem:$0x1F800] =	vst v63  }
0xfa: {  	_ = 	snop  }
0xfb: {  	[spmem:s24] =	stream.linear.scatter [tilespmem:s9], [sflag:$0x1], $0x1000, $0x38;
	[tilespmem:$0x1F800] =	vst v63  }
0xfc: {  	_ = 	snop  }
0xfd: {  	[spmem:s25] =	stream.linear.scatter [tilespmem:s9], [sflag:$0x1], $0x1000, $0x38;
	[tilespmem:$0x1F800] =	vst v63  }
0xfe: {  	_ = 	snop  }
0xff: {  	[spmem:s26] =	stream.linear.scatter [tilespmem:s9], [sflag:$0x1], $0x1000, $0x38;
	[tilespmem:$0x1F800] =	vst v63  }
0x100: {  	_ = 	snop  }
0x101: {  	[spmem:s28] =	stream.linear.scatter [tilespmem:s9], [sflag:$0x1], $0x1000, $0x38;
	[tilespmem:$0x1F800] =	vst v63  }
0x102: {  	_ = 	snop  }
0x103: {  	[spmem:s29] =	stream.linear.scatter [tilespmem:s9], [sflag:$0x1], $0x1000, $0x38;
	[tilespmem:$0x1F800] =	vst v63  }
0x104: {  	_ = 	snop  }
0x105: {  	[spmem:s30] =	stream.linear.scatter [tilespmem:s9], [sflag:$0x1], $0x1000, $0x38;
	[tilespmem:$0x1F800] =	vst v63  }
0x106: {  	_ = 	snop  }
0x107: {  	[spmem:s31] =	stream.linear.scatter [tilespmem:s9], [sflag:$0x1], $0x1000, $0x38;
	[tilespmem:$0x1F800] =	vst v63  }
0x108: {  	_ = 	snop  }
0x109: {  	[spmem:s0] =	stream.linear.scatter [tilespmem:s9], [sflag:$0x1], $0x1000, $0x38;
	[tilespmem:$0x1F800] =	vst v63  }
0x10a: {  	_ = 	snop  }
0x10b: {  	[spmem:s2] =	stream.linear.scatter [tilespmem:s9], [sflag:$0x1], $0x1000, $0x38;
	[tilespmem:$0x1F800] =	vst v63  }
0x10c: {  	_ = 	snop  }
0x10d: {  	[spmem:s3] =	stream.linear.scatter [tilespmem:s9], [sflag:$0x1], $0x1000, $0x38;
	[tilespmem:$0x1F800] =	vst v63  }
0x10e: {  	_ = 	snop  }
0x10f: {  	[spmem:s5] =	stream.linear.scatter [tilespmem:s9], [sflag:$0x1], $0x1000, $0x38;
	[tilespmem:$0x1F800] =	vst v63  }
0x110: {  	_ =	swait.ge [sflag:s10], $0x1000  }
0x111: {  	[sflag:s10] =	ssyncset.done $0x0  }
0x112: {  	[sflag:s10] =	ssyncadd.s32 $0xFFFFF000  }
0x113: {  	_ =	swait.ge [sflag:s10], $0x1000  }
0x114: {  	[sflag:s10] =	ssyncset.done $0x0  }
0x115: {  	[sflag:s10] =	ssyncadd.s32 $0xFFFFF000  }
0x116: {  	_ =	swait.ge [sflag:s10], $0x1000  }
0x117: {  	[sflag:s10] =	ssyncset.done $0x0  }
0x118: {  	[sflag:s10] =	ssyncadd.s32 $0xFFFFF000  }
0x119: {  	_ =	swait.ge [sflag:s10], $0x1000  }
0x11a: {  	[sflag:s10] =	ssyncset.done $0x0  }
0x11b: {  	[sflag:s10] =	ssyncadd.s32 $0xFFFFF000  }
0x11c: {  	_ =	swait.ge [sflag:s10], $0x1000  }
0x11d: {  	[sflag:s10] =	ssyncset.done $0x0  }
0x11e: {  	[sflag:s10] =	ssyncadd.s32 $0xFFFFF000  }
0x11f: {  	_ =	swait.ge [sflag:s10], $0x1000  }
0x120: {  	[sflag:s10] =	ssyncset.done $0x0  }
0x121: {  	[sflag:s10] =	ssyncadd.s32 $0xFFFFF000  }
0x122: {  	_ =	swait.ge [sflag:s10], $0x1000  }
0x123: {  	[sflag:s10] =	ssyncset.done $0x0  }
0x124: {  	[sflag:s10] =	ssyncadd.s32 $0xFFFFF000  }
0x125: {  	_ =	swait.ge [sflag:s10], $0x1000  }
0x126: {  	[sflag:s10] =	ssyncset.done $0x0  }
0x127: {  	[sflag:s10] =	ssyncadd.s32 $0xFFFFF000  }
0x128: {  	_ =	swait.ge [sflag:s10], $0x1000  }
0x129: {  	[sflag:s10] =	ssyncset.done $0x0  }
0x12a: {  	[sflag:s10] =	ssyncadd.s32 $0xFFFFF000  }
0x12b: {  	_ =	swait.ge [sflag:s10], $0x1000  }
0x12c: {  	[sflag:s10] =	ssyncset.done $0x0  }
0x12d: {  	[sflag:s10] =	ssyncadd.s32 $0xFFFFF000  }
0x12e: {  	_ =	swait.ge [sflag:s10], $0x1000  }
0x12f: {  	[sflag:s10] =	ssyncset.done $0x0  }
0x130: {  	[sflag:s10] =	ssyncadd.s32 $0xFFFFF000  }
0x131: {  	_ =	swait.ge [sflag:s10], $0x1000  }
0x132: {  	[sflag:s10] =	ssyncset.done $0x0  }
0x133: {  	[sflag:s10] =	ssyncadd.s32 $0xFFFFF000  }
0x134: {  	_ =	swait.ge [sflag:s10], $0x1000  }
0x135: {  	[sflag:s10] =	ssyncset.done $0x0  }
0x136: {  	[sflag:s10] =	ssyncadd.s32 $0xFFFFF000  }
0x137: {  	_ =	swait.ge [sflag:s10], $0x1000  }
0x138: {  	[sflag:s10] =	ssyncset.done $0x0  }
0x139: {  	[sflag:s10] =	ssyncadd.s32 $0xFFFFF000  }
0x13a: {  	_ =	swait.ge [sflag:s10], $0x1000  }
0x13b: {  	[sflag:s10] =	ssyncset.done $0x0  }
0x13c: {  	[sflag:s10] =	ssyncadd.s32 $0xFFFFF000  }
0x13d: {  	_ =	swait.ge [sflag:s10], $0x1000  }
0x13e: {  	[sflag:s10] =	ssyncset.done $0x0  }
0x13f: {  	[sflag:s10] =	ssyncadd.s32 $0xFFFFF000  }
0x140: {  	_ =	swait.ge [sflag:s10], $0x1000  }
0x141: {  	[sflag:s10] =	ssyncset.done $0x0  }
0x142: {  	[sflag:s10] =	ssyncadd.s32 $0xFFFFF000  }
0x143: {  	_ =	swait.ge [sflag:s10], $0x1000  }
0x144: {  	[sflag:s10] =	ssyncset.done $0x0  }
0x145: {  	[sflag:s10] =	ssyncadd.s32 $0xFFFFF000  }
0x146: {  	_ =	swait.ge [sflag:s10], $0x1000  }
0x147: {  	[sflag:s10] =	ssyncset.done $0x0  }
0x148: {  	[sflag:s10] =	ssyncadd.s32 $0xFFFFF000  }
0x149: {  	_ =	swait.ge [sflag:s10], $0x1000  }
0x14a: {  	[sflag:s10] =	ssyncset.done $0x0  }
0x14b: {  	s18 =	simm.s32 $0x0;
	[sflag:s10] =	ssyncadd.s32 $0xFFFFF000  }
0x14c: {  	[tilespmem:s12], [sflag:$0x1] =	stream.indirect.gather [hbm4b:s4+s11], $0x80, s18, s11, $0xb8;
	[tilespmem:$0x1F800] =	vst v63  }
0x14d: {  	_ = 	snop  }
0x14e: {  	[tilespmem:s13], [sflag:$0x2] =	stream.indirect.gather [hbm4b:s4+s11], $0x80, s11, s11, $0xb8;
	[tilespmem:$0x1F800] =	vst v63  }
0x14f: {  	[bflag:$0x0] =	sbarrier.arrive $0xFFFF  }
0x150: {  	_ =	swait.ge [sflag:s10], $0x4000  }
0x151: {  	[sflag:s10] =	ssyncset.done $0x0  }
0x152: {  	s19 =	simm.s32 $0x1400;
	[sflag:s10] =	ssyncadd.s32 $0xFFFFC000  }
0x153: {  	[spmem:s1] =	stream.indirect.scatter.add.f32 [tilespmem:s12], [sflag:$0x3], $0x80, s19, s11, $0xb8;
	[tilespmem:$0x1F800] =	vst v63  }
0x154: {  	_ =	swait.ge [sflag:s6], $0x4000  }
0x155: {  	[sflag:s6] =	ssyncset.done $0x0  }
0x156: {  	s18 =	simm.s32 $0x100;
	[sflag:s6] =	ssyncadd.s32 $0xFFFFC000  }
0x157: {  	[tilespmem:s12], [sflag:$0x1] =	stream.indirect.gather [hbm4b:s4+s11], $0x80, s18, s11, $0xb8;
	[tilespmem:$0x1F800] =	vst v63  }
0x158: {  	_ =	swait.ge [sflag:s14], $0x4000  }
0x159: {  	[sflag:s14] =	ssyncset.done $0x0  }
0x15a: {  	s19 =	simm.s32 $0x1480;
	[sflag:s14] =	ssyncadd.s32 $0xFFFFC000  }
0x15b: {  	[spmem:s1] =	stream.indirect.scatter.add.f32 [tilespmem:s13], [sflag:$0x3], $0x80, s19, s11, $0xb8;
	[tilespmem:$0x1F800] =	vst v63  }
0x15c: {  	_ =	swait.ge [sflag:s6], $0x4000  }
0x15d: {  	[sflag:s6] =	ssyncset.done $0x0  }
0x15e: {  	s17 =	simm.s32 $0x400;
	s18 =	simm.s32 $0x180;
	[sflag:s6] =	ssyncadd.s32 $0xFFFFC000  }
.LBB2_8:
0x15f: {  	[tilespmem:s13], [sflag:$0x2] =	stream.indirect.gather [hbm4b:s4+s11], $0x80, s18, s11, $0xb8;
	[tilespmem:$0x1F800] =	vst v63  }
0x160: {  	s18 =	smov.u32 s17  }
0x161: {  	p0 =	sne.s32 s17, $0x4800;
	s17 =	sadd.s32 $0x400, s17;
	_ =	swait.ge [sflag:s10], $0x4000  }
0x162: {  	s18 =	sshra.s32 s18, $0x2;
	[sflag:s10] =	ssyncset.done $0x0  }
0x163: {  	s19 =	sadd.s32 $0x1400, s18;
	[sflag:s10] =	ssyncadd.s32 $0xFFFFC000  }
0x164: {  	[spmem:s1] =	stream.indirect.scatter.add.f32 [tilespmem:s12], [sflag:$0x3], $0x80, s19, s11, $0xb8;
	[tilespmem:$0x1F800] =	vst v63  }
0x165: {  	_ =	swait.ge [sflag:s6], $0x4000  }
0x166: {  	[sflag:s6] =	ssyncset.done $0x0  }
0x167: {  	s19 =	sadd.s32 $0x100, s18;
	[sflag:s6] =	ssyncadd.s32 $0xFFFFC000  }
0x168: {  	[tilespmem:s12], [sflag:$0x1] =	stream.indirect.gather [hbm4b:s4+s11], $0x80, s19, s11, $0xb8;
	[tilespmem:$0x1F800] =	vst v63  }
0x169: {  	_ =	swait.ge [sflag:s14], $0x4000  }
0x16a: {  	[sflag:s14] =	ssyncset.done $0x0  }
.Ltmp3:
0x16b: {  	s19 =	sadd.s32 $0x1480, s18;
	[sflag:s14] =	ssyncadd.s32 $0xFFFFC000;
	(pc) =	sbr.rel @p0 .LBB2_8-.Ltmp3, $4  }
0x16c: {  	[spmem:s1] =	stream.indirect.scatter.add.f32 [tilespmem:s13], [sflag:$0x3], $0x80, s19, s11, $0xb8;
	[tilespmem:$0x1F800] =	vst v63  }
0x16d: {  	_ =	swait.ge [sflag:s6], $0x4000  }
0x16e: {  	[sflag:s6] =	ssyncset.done $0x0  }
0x16f: {  	s18 =	sadd.s32 $0x180, s18;
	[sflag:s6] =	ssyncadd.s32 $0xFFFFC000  }
0x170: {  	[tilespmem:s13], [sflag:$0x2] =	stream.indirect.gather [hbm4b:s4+s11], $0x80, s18, s11, $0xb8;
	[tilespmem:$0x1F800] =	vst v63  }
0x171: {  	_ =	swait.ge [sflag:s10], $0x4000  }
0x172: {  	[sflag:s10] =	ssyncset.done $0x0  }
0x173: {  	s17 =	simm.s32 $0x2700;
	[sflag:s10] =	ssyncadd.s32 $0xFFFFC000  }
0x174: {  	[spmem:s1] =	stream.indirect.scatter.add.f32 [tilespmem:s12], [sflag:$0x3], $0x80, s17, s11, $0xb8;
	[tilespmem:$0x1F800] =	vst v63  }
0x175: {  	_ =	swait.ge [sflag:s6], $0x4000  }
0x176: {  	[sflag:s6] =	ssyncset.done $0x0  }
0x177: {  	[sflag:s6] =	ssyncadd.s32 $0xFFFFC000  }
0x178: {  	_ =	swait.ge [sflag:s14], $0x4000  }
0x179: {  	[sflag:s14] =	ssyncset.done $0x0  }
0x17a: {  	s19 =	simm.s32 $0x2780;
	[sflag:s14] =	ssyncadd.s32 $0xFFFFC000  }
0x17b: {  	[spmem:s1] =	stream.indirect.scatter.add.f32 [tilespmem:s13], [sflag:$0x3], $0x80, s19, s11, $0xb8;
	[tilespmem:$0x1F800] =	vst v63  }
0x17c: {  	_ =	swait.ge [sflag:s6], $0x4000  }
0x17d: {  	[sflag:s6] =	ssyncset.done $0x0  }
0x17e: {  	[sflag:s6] =	ssyncadd.s32 $0xFFFFC000  }
0x17f: {  	[bflag:$0x0] =	sbarrier.arrive $0xFFFF  }
0x180: {  	s18 =	rddreg [dreg:$0x9]  }
0x181: {  	[hbm:s18], [sflag:s8] =	dma.local [spmem:s16], $0x2800  }
0x182: {  	_ =	swait.ge [sflag:s6], $0x2800  }
0x183: {  	[sflag:s6] =	ssyncset.done $0x0  }
0x184: {  	s17 =	simm.s32 $0x0;
	s19 =	rddreg [dreg:$0xa];
	[sflag:s6] =	ssyncadd.s32 $0xFFFFD800  }
0x185: {  	[tilespmem:s17], [sflag:$0x3] =	stream.linear.gather [hbm4b:s19+s17], $0x1400, $0x38;
	[tilespmem:$0x1F800] =	vst v63  }
0x186: {  	_ =	swait.ge [sflag:s6], $0x1400  }
0x187: {  	[sflag:s6] =	ssyncset.done $0x0  }
0x188: {  	s19 =	simm.s32 $0x1400;
	s18 =	rddreg [dreg:$0xb];
	[sflag:s6] =	ssyncadd.s32 $0xFFFFEC00  }
0x189: {  	[tilespmem:s19], [sflag:$0x3] =	stream.linear.gather [hbm4b:s18+s17], $0x1400, $0x38;
	[tilespmem:$0x1F800] =	vst v63  }
0x18a: {  	_ =	swait.ge [sflag:s6], $0x1400  }
0x18b: {  	[sflag:s6] =	ssyncset.done $0x0  }
0x18c: {  	s17 =	simm.s32 $0x0;
	s18 =	simm.s32 $0x200;
	[sflag:s6] =	ssyncadd.s32 $0xFFFFEC00  }
.LBB2_10:
0x18d: {  	p0 =	sne.s32 s18, $0x3E00;
	[tilespmem:s17+$0xA870] =	vst v0  }
0x18e: {  	[tilespmem:s17+$0xA800] =	vst v0  }
0x18f: {  	[tilespmem:s17+$0xA810] =	vst v0  }
.Ltmp4:
0x190: {  	[tilespmem:s17+$0xA820] =	vst v0;
	(pc) =	sbr.rel @p0 .LBB2_10-.Ltmp4, $4  }
0x191: {  	[tilespmem:s17+$0xA830] =	vst v0  }
0x192: {  	[tilespmem:s17+$0xA840] =	vst v0  }
0x193: {  	[tilespmem:s17+$0xA850] =	vst v0  }
0x194: {  	[tilespmem:s17+$0xA860] =	vst v0;
	s17 =	sshra.s32 s18, $0x2;
	s18 =	sadd.s32 $0x200, s18  }
0x195: {  	[tilespmem:s17+$0xA870] =	vst v0  }
0x196: {  	[tilespmem:s17+$0xA800] =	vst v0  }
0x197: {  	[tilespmem:s17+$0xA810] =	vst v0  }
0x198: {  	[tilespmem:s17+$0xA820] =	vst v0  }
0x199: {  	[tilespmem:s17+$0xA830] =	vst v0  }
0x19a: {  	[tilespmem:s17+$0xA840] =	vst v0  }
0x19b: {  	[tilespmem:s17+$0xA850] =	vst v0  }
0x19c: {  	[tilespmem:s17+$0xA860] =	vst v0  }
0x19d: {  	[spmem:s7] =	stream.linear.scatter [tilespmem:s9], [sflag:$0x1], $0x1000, $0x38;
	[tilespmem:$0x1F800] =	vst v63  }
0x19e: {  	s18 =	rddreg [dreg:$0xe]  }
0x19f: {  	[spmem:s18] =	stream.linear.scatter [tilespmem:s9], [sflag:$0x1], $0x1000, $0x38;
	[tilespmem:$0x1F800] =	vst v63  }
0x1a0: {  	s19 =	rddreg [dreg:$0xf]  }
0x1a1: {  	[spmem:s19] =	stream.linear.scatter [tilespmem:s9], [sflag:$0x1], $0x1000, $0x38;
	[tilespmem:$0x1F800] =	vst v63  }
0x1a2: {  	s18 =	rddreg [dreg:$0x10]  }
0x1a3: {  	[spmem:s18] =	stream.linear.scatter [tilespmem:s9], [sflag:$0x1], $0x1000, $0x38;
	[tilespmem:$0x1F800] =	vst v63  }
0x1a4: {  	s19 =	rddreg [dreg:$0x11]  }
0x1a5: {  	[spmem:s19] =	stream.linear.scatter [tilespmem:s9], [sflag:$0x1], $0x1000, $0x38;
	[tilespmem:$0x1F800] =	vst v63  }
0x1a6: {  	_ = 	snop  }
0x1a7: {  	[spmem:s20] =	stream.linear.scatter [tilespmem:s9], [sflag:$0x1], $0x1000, $0x38;
	[tilespmem:$0x1F800] =	vst v63  }
0x1a8: {  	_ = 	snop  }
0x1a9: {  	[spmem:s21] =	stream.linear.scatter [tilespmem:s9], [sflag:$0x1], $0x1000, $0x38;
	[tilespmem:$0x1F800] =	vst v63  }
0x1aa: {  	_ = 	snop  }
0x1ab: {  	[spmem:s22] =	stream.linear.scatter [tilespmem:s9], [sflag:$0x1], $0x1000, $0x38;
	[tilespmem:$0x1F800] =	vst v63  }
0x1ac: {  	_ = 	snop  }
0x1ad: {  	[spmem:s23] =	stream.linear.scatter [tilespmem:s9], [sflag:$0x1], $0x1000, $0x38;
	[tilespmem:$0x1F800] =	vst v63  }
0x1ae: {  	_ = 	snop  }
0x1af: {  	[spmem:s24] =	stream.linear.scatter [tilespmem:s9], [sflag:$0x1], $0x1000, $0x38;
	[tilespmem:$0x1F800] =	vst v63  }
0x1b0: {  	_ = 	snop  }
0x1b1: {  	[spmem:s25] =	stream.linear.scatter [tilespmem:s9], [sflag:$0x1], $0x1000, $0x38;
	[tilespmem:$0x1F800] =	vst v63  }
0x1b2: {  	_ = 	snop  }
0x1b3: {  	[spmem:s26] =	stream.linear.scatter [tilespmem:s9], [sflag:$0x1], $0x1000, $0x38;
	[tilespmem:$0x1F800] =	vst v63  }
0x1b4: {  	_ = 	snop  }
0x1b5: {  	[spmem:s28] =	stream.linear.scatter [tilespmem:s9], [sflag:$0x1], $0x1000, $0x38;
	[tilespmem:$0x1F800] =	vst v63  }
0x1b6: {  	_ = 	snop  }
0x1b7: {  	[spmem:s29] =	stream.linear.scatter [tilespmem:s9], [sflag:$0x1], $0x1000, $0x38;
	[tilespmem:$0x1F800] =	vst v63  }
0x1b8: {  	_ = 	snop  }
0x1b9: {  	[spmem:s30] =	stream.linear.scatter [tilespmem:s9], [sflag:$0x1], $0x1000, $0x38;
	[tilespmem:$0x1F800] =	vst v63  }
0x1ba: {  	_ = 	snop  }
0x1bb: {  	[spmem:s31] =	stream.linear.scatter [tilespmem:s9], [sflag:$0x1], $0x1000, $0x38;
	[tilespmem:$0x1F800] =	vst v63  }
0x1bc: {  	_ = 	snop  }
0x1bd: {  	[spmem:s0] =	stream.linear.scatter [tilespmem:s9], [sflag:$0x1], $0x1000, $0x38;
	[tilespmem:$0x1F800] =	vst v63  }
0x1be: {  	_ = 	snop  }
0x1bf: {  	[spmem:s2] =	stream.linear.scatter [tilespmem:s9], [sflag:$0x1], $0x1000, $0x38;
	[tilespmem:$0x1F800] =	vst v63  }
0x1c0: {  	_ = 	snop  }
0x1c1: {  	[spmem:s3] =	stream.linear.scatter [tilespmem:s9], [sflag:$0x1], $0x1000, $0x38;
	[tilespmem:$0x1F800] =	vst v63  }
0x1c2: {  	_ = 	snop  }
0x1c3: {  	[spmem:s5] =	stream.linear.scatter [tilespmem:s9], [sflag:$0x1], $0x1000, $0x38;
	[tilespmem:$0x1F800] =	vst v63  }
0x1c4: {  	_ =	swait.ge [sflag:s10], $0x1000  }
0x1c5: {  	[sflag:s10] =	ssyncset.done $0x0  }
0x1c6: {  	[sflag:s10] =	ssyncadd.s32 $0xFFFFF000  }
0x1c7: {  	_ =	swait.ge [sflag:s10], $0x1000  }
0x1c8: {  	[sflag:s10] =	ssyncset.done $0x0  }
0x1c9: {  	[sflag:s10] =	ssyncadd.s32 $0xFFFFF000  }
0x1ca: {  	_ =	swait.ge [sflag:s10], $0x1000  }
0x1cb: {  	[sflag:s10] =	ssyncset.done $0x0  }
0x1cc: {  	[sflag:s10] =	ssyncadd.s32 $0xFFFFF000  }
0x1cd: {  	_ =	swait.ge [sflag:s10], $0x1000  }
0x1ce: {  	[sflag:s10] =	ssyncset.done $0x0  }
0x1cf: {  	[sflag:s10] =	ssyncadd.s32 $0xFFFFF000  }
0x1d0: {  	_ =	swait.ge [sflag:s10], $0x1000  }
0x1d1: {  	[sflag:s10] =	ssyncset.done $0x0  }
0x1d2: {  	[sflag:s10] =	ssyncadd.s32 $0xFFFFF000  }
0x1d3: {  	_ =	swait.ge [sflag:s10], $0x1000  }
0x1d4: {  	[sflag:s10] =	ssyncset.done $0x0  }
0x1d5: {  	[sflag:s10] =	ssyncadd.s32 $0xFFFFF000  }
0x1d6: {  	_ =	swait.ge [sflag:s10], $0x1000  }
0x1d7: {  	[sflag:s10] =	ssyncset.done $0x0  }
0x1d8: {  	[sflag:s10] =	ssyncadd.s32 $0xFFFFF000  }
0x1d9: {  	_ =	swait.ge [sflag:s10], $0x1000  }
0x1da: {  	[sflag:s10] =	ssyncset.done $0x0  }
0x1db: {  	[sflag:s10] =	ssyncadd.s32 $0xFFFFF000  }
0x1dc: {  	_ =	swait.ge [sflag:s10], $0x1000  }
0x1dd: {  	[sflag:s10] =	ssyncset.done $0x0  }
0x1de: {  	[sflag:s10] =	ssyncadd.s32 $0xFFFFF000  }
0x1df: {  	_ =	swait.ge [sflag:s10], $0x1000  }
0x1e0: {  	[sflag:s10] =	ssyncset.done $0x0  }
0x1e1: {  	[sflag:s10] =	ssyncadd.s32 $0xFFFFF000  }
0x1e2: {  	_ =	swait.ge [sflag:s10], $0x1000  }
0x1e3: {  	[sflag:s10] =	ssyncset.done $0x0  }
0x1e4: {  	[sflag:s10] =	ssyncadd.s32 $0xFFFFF000  }
0x1e5: {  	_ =	swait.ge [sflag:s10], $0x1000  }
0x1e6: {  	[sflag:s10] =	ssyncset.done $0x0  }
0x1e7: {  	[sflag:s10] =	ssyncadd.s32 $0xFFFFF000  }
0x1e8: {  	_ =	swait.ge [sflag:s10], $0x1000  }
0x1e9: {  	[sflag:s10] =	ssyncset.done $0x0  }
0x1ea: {  	[sflag:s10] =	ssyncadd.s32 $0xFFFFF000  }
0x1eb: {  	_ =	swait.ge [sflag:s10], $0x1000  }
0x1ec: {  	[sflag:s10] =	ssyncset.done $0x0  }
0x1ed: {  	[sflag:s10] =	ssyncadd.s32 $0xFFFFF000  }
0x1ee: {  	_ =	swait.ge [sflag:s10], $0x1000  }
0x1ef: {  	[sflag:s10] =	ssyncset.done $0x0  }
0x1f0: {  	[sflag:s10] =	ssyncadd.s32 $0xFFFFF000  }
0x1f1: {  	_ =	swait.ge [sflag:s10], $0x1000  }
0x1f2: {  	[sflag:s10] =	ssyncset.done $0x0  }
0x1f3: {  	[sflag:s10] =	ssyncadd.s32 $0xFFFFF000  }
0x1f4: {  	_ =	swait.ge [sflag:s10], $0x1000  }
0x1f5: {  	[sflag:s10] =	ssyncset.done $0x0  }
0x1f6: {  	[sflag:s10] =	ssyncadd.s32 $0xFFFFF000  }
0x1f7: {  	_ =	swait.ge [sflag:s10], $0x1000  }
0x1f8: {  	[sflag:s10] =	ssyncset.done $0x0  }
0x1f9: {  	[sflag:s10] =	ssyncadd.s32 $0xFFFFF000  }
0x1fa: {  	_ =	swait.ge [sflag:s10], $0x1000  }
0x1fb: {  	[sflag:s10] =	ssyncset.done $0x0  }
0x1fc: {  	[sflag:s10] =	ssyncadd.s32 $0xFFFFF000  }
0x1fd: {  	_ =	swait.ge [sflag:s10], $0x1000  }
0x1fe: {  	[sflag:s10] =	ssyncset.done $0x0  }
0x1ff: {  	s18 =	simm.s32 $0x0;
	[sflag:s10] =	ssyncadd.s32 $0xFFFFF000  }
0x200: {  	[tilespmem:s12], [sflag:$0x1] =	stream.indirect.gather [hbm4b:s4+s11], $0x80, s18, s11, $0xb8;
	[tilespmem:$0x1F800] =	vst v63  }
0x201: {  	_ = 	snop  }
0x202: {  	[tilespmem:s13], [sflag:$0x2] =	stream.indirect.gather [hbm4b:s4+s11], $0x80, s11, s11, $0xb8;
	[tilespmem:$0x1F800] =	vst v63  }
0x203: {  	[bflag:$0x0] =	sbarrier.arrive $0xFFFF  }
0x204: {  	_ =	swait.ge [sflag:s10], $0x4000  }
0x205: {  	[sflag:s10] =	ssyncset.done $0x0  }
0x206: {  	s19 =	simm.s32 $0x1400;
	[sflag:s10] =	ssyncadd.s32 $0xFFFFC000  }
0x207: {  	[spmem:s1] =	stream.indirect.scatter.add.f32 [tilespmem:s12], [sflag:$0x3], $0x80, s19, s11, $0xb8;
	[tilespmem:$0x1F800] =	vst v63  }
0x208: {  	_ =	swait.ge [sflag:s6], $0x4000  }
0x209: {  	[sflag:s6] =	ssyncset.done $0x0  }
0x20a: {  	s18 =	simm.s32 $0x100;
	[sflag:s6] =	ssyncadd.s32 $0xFFFFC000  }
0x20b: {  	[tilespmem:s12], [sflag:$0x1] =	stream.indirect.gather [hbm4b:s4+s11], $0x80, s18, s11, $0xb8;
	[tilespmem:$0x1F800] =	vst v63  }
0x20c: {  	_ =	swait.ge [sflag:s14], $0x4000  }
0x20d: {  	[sflag:s14] =	ssyncset.done $0x0  }
0x20e: {  	s19 =	simm.s32 $0x1480;
	[sflag:s14] =	ssyncadd.s32 $0xFFFFC000  }
0x20f: {  	[spmem:s1] =	stream.indirect.scatter.add.f32 [tilespmem:s13], [sflag:$0x3], $0x80, s19, s11, $0xb8;
	[tilespmem:$0x1F800] =	vst v63  }
0x210: {  	_ =	swait.ge [sflag:s6], $0x4000  }
0x211: {  	[sflag:s6] =	ssyncset.done $0x0  }
0x212: {  	s17 =	simm.s32 $0x400;
	s18 =	simm.s32 $0x180;
	[sflag:s6] =	ssyncadd.s32 $0xFFFFC000  }
.LBB2_12:
0x213: {  	[tilespmem:s13], [sflag:$0x2] =	stream.indirect.gather [hbm4b:s4+s11], $0x80, s18, s11, $0xb8;
	[tilespmem:$0x1F800] =	vst v63  }
0x214: {  	s18 =	smov.u32 s17  }
0x215: {  	p0 =	sne.s32 s17, $0x4800;
	s17 =	sadd.s32 $0x400, s17;
	_ =	swait.ge [sflag:s10], $0x4000  }
0x216: {  	s18 =	sshra.s32 s18, $0x2;
	[sflag:s10] =	ssyncset.done $0x0  }
0x217: {  	s19 =	sadd.s32 $0x1400, s18;
	[sflag:s10] =	ssyncadd.s32 $0xFFFFC000  }
0x218: {  	[spmem:s1] =	stream.indirect.scatter.add.f32 [tilespmem:s12], [sflag:$0x3], $0x80, s19, s11, $0xb8;
	[tilespmem:$0x1F800] =	vst v63  }
0x219: {  	_ =	swait.ge [sflag:s6], $0x4000  }
0x21a: {  	[sflag:s6] =	ssyncset.done $0x0  }
0x21b: {  	s19 =	sadd.s32 $0x100, s18;
	[sflag:s6] =	ssyncadd.s32 $0xFFFFC000  }
0x21c: {  	[tilespmem:s12], [sflag:$0x1] =	stream.indirect.gather [hbm4b:s4+s11], $0x80, s19, s11, $0xb8;
	[tilespmem:$0x1F800] =	vst v63  }
0x21d: {  	_ =	swait.ge [sflag:s14], $0x4000  }
0x21e: {  	[sflag:s14] =	ssyncset.done $0x0  }
.Ltmp5:
0x21f: {  	s19 =	sadd.s32 $0x1480, s18;
	[sflag:s14] =	ssyncadd.s32 $0xFFFFC000;
	(pc) =	sbr.rel @p0 .LBB2_12-.Ltmp5, $4  }
0x220: {  	[spmem:s1] =	stream.indirect.scatter.add.f32 [tilespmem:s13], [sflag:$0x3], $0x80, s19, s11, $0xb8;
	[tilespmem:$0x1F800] =	vst v63  }
0x221: {  	_ =	swait.ge [sflag:s6], $0x4000  }
0x222: {  	[sflag:s6] =	ssyncset.done $0x0  }
0x223: {  	s18 =	sadd.s32 $0x180, s18;
	[sflag:s6] =	ssyncadd.s32 $0xFFFFC000  }
0x224: {  	[tilespmem:s13], [sflag:$0x2] =	stream.indirect.gather [hbm4b:s4+s11], $0x80, s18, s11, $0xb8;
	[tilespmem:$0x1F800] =	vst v63  }
0x225: {  	_ =	swait.ge [sflag:s10], $0x4000  }
0x226: {  	[sflag:s10] =	ssyncset.done $0x0  }
0x227: {  	s17 =	simm.s32 $0x2700;
	[sflag:s10] =	ssyncadd.s32 $0xFFFFC000  }
0x228: {  	[spmem:s1] =	stream.indirect.scatter.add.f32 [tilespmem:s12], [sflag:$0x3], $0x80, s17, s11, $0xb8;
	[tilespmem:$0x1F800] =	vst v63  }
0x229: {  	_ =	swait.ge [sflag:s6], $0x4000  }
0x22a: {  	[sflag:s6] =	ssyncset.done $0x0  }
0x22b: {  	[sflag:s6] =	ssyncadd.s32 $0xFFFFC000  }
0x22c: {  	_ =	swait.ge [sflag:s14], $0x4000  }
0x22d: {  	[sflag:s14] =	ssyncset.done $0x0  }
0x22e: {  	s19 =	simm.s32 $0x2780;
	[sflag:s14] =	ssyncadd.s32 $0xFFFFC000  }
0x22f: {  	[spmem:s1] =	stream.indirect.scatter.add.f32 [tilespmem:s13], [sflag:$0x3], $0x80, s19, s11, $0xb8;
	[tilespmem:$0x1F800] =	vst v63  }
0x230: {  	_ =	swait.ge [sflag:s6], $0x4000  }
0x231: {  	[sflag:s6] =	ssyncset.done $0x0  }
0x232: {  	[sflag:s6] =	ssyncadd.s32 $0xFFFFC000  }
0x233: {  	[bflag:$0x0] =	sbarrier.arrive $0xFFFF  }
0x234: {  	s18 =	rddreg [dreg:$0xc]  }
0x235: {  	[hbm:s18], [sflag:s8] =	dma.local [spmem:s16], $0x2800  }
0x236: {  	_ =	swait.ge [sflag:s6], $0x2800  }
0x237: {  	s15 =	sadd.s32 $0x1, s15;
	s19 =	rddreg [dreg:$0xd]  }
0x238: {  	p0 =	sne.s32 s15, s19  }
.Ltmp6:
0x239: {  	_ = 	snop;
	(pc) =	sbr.rel @p0 .LBB2_1-.Ltmp6, $3  }
0x23a: {  	_ =	sdelay $0x1  }
0x23b: {  	[sflag:s6] =	ssyncset.done $0x0  }
0x23c: {  	[sflag:s6] =	ssyncadd.s32 $0xFFFFD800  }
0x23d: {  	_ =	sfence.sel $0x180000  }
0x23e: {  	[bflag:$0x0] =	sbarrier.arrive $0xFFFF  }
0x23f: {  	_ =	strace $0x9000004A  }
0x240: {  	s0 =	stileid.u32;
	[bflag:$0x2] =	sbarrier.arrive $0xFFFF  }
0x241: {  	p0 =	sne.s32 s0, $0x0;
	s0 =	rddreg [dreg:$0x3]  }
0x242: {  	s0 =	sadd.s32 @!p0 $0x100000, s0  }
0x243: {  	[sflag:s0] =	ssyncadd.tile.s32 @!p0 $0x1;
	_ =	shalt  }
.Lfunc_end2:
_tile_overlayer_lowered:
.L_overlay_start_2:
0x244: {  	(tag) =	ssettag $0x2  }
0x245: {  	s0 =	rddreg [dreg:$0x0];
	s2 =	stileid.u32  }
0x246: {  	s1 =	rddreg [dreg:$0x1];
	p0 =	sne.s32 s2, $0x0  }
0x247: {  	s3 =	rddreg [dreg:$0x2];
	[bflag:$0x3] =	sbarrier.arrive $0xFFFF;
	s2 =	simm.s32 @!p0 $0x1C03  }
0x248: {  	[timem:s3], [sflag:s2] =	dma.local @!p0 [hbm:s0], s1  }
0x249: {  	s0 =	simm.s32 @!p0 $0x3  }
0x24a: {  	_ =	swait.ge @!p0 [sflag:s0], s1  }
0x24b: {  	s1 =	ssub.s32 @!p0 $0x0, s1;
	[sflag:s0] =	ssyncset.done @!p0 $0x0  }
0x24c: {  	[sflag:s0] =	ssyncadd.s32 @!p0 s1  }
0x24d: {  	[bflag:$0x3] =	sbarrier.arrive $0xFFFF  }
0x24e: {  	_ =	shalt  }

// kernel: kernel.14.cloned.1.call-start
scs
__scs_entry_jumppad:
0x0: {  	(pc) =	sbr.rel $0x88, $3  }
0x1: {  	(tag) =	ssettag $0x0;
	lr =	simm.s32 $0x1  }
0x2: {  	[smem:$0x3F89] =	sst lr;
	_ =	strace $0xD0000000  }
0x3: {  	_ = 	snop  }
0x4: {  	_ = 	snop  }
0x5: {  	_ = 	snop  }
0x6: {  	_ = 	snop  }
0x7: {  	_ = 	snop  }
__scs_overlays_trampoline_lowered:
0x8: {  	[smem:$0x3F98] =	sst s0  }
0x9: {  	[smem:$0x3F99] =	sst s1  }
0xa: {  	[smem:$0x3F9A] =	sst s2  }
0xb: {  	[smem:$0x3F9B] =	sst s3  }
0xc: {  	[smem:$0x3F9C] =	sst s4  }
0xd: {  	[smem:$0x3F9D] =	sst s5  }
0xe: {  	[smem:$0x3F9E] =	sst s6  }
0xf: {  	[smem:$0x3F9F] =	sst s7  }
0x10: {  	[smem:$0x3FA0] =	sst s8  }
0x11: {  	[smem:$0x3FA1] =	sst s9;
	s0 =	simm.s32 @!p0 $0x0  }
0x12: {  	s1 =	sld [smem:$0x3F87];
	s0 =	simm.s32 @p0 $0x1  }
0x13: {  	[smem:$0x3FA2] =	sst s0;
	s0 =	simm.s32 @!p1 $0x0  }
0x14: {  	s2 =	sld [smem:$0x3F86];
	s0 =	simm.s32 @p1 $0x1  }
0x15: {  	[smem:$0x3FA3] =	sst s0;
	s0 =	simm.s32 @!p2 $0x0  }
0x16: {  	s3 =	sld [smem:$0x3FDB];
	s0 =	simm.s32 @p2 $0x1  }
0x17: {  	s4 =	simm.s32 $0x1BF5;
	[smem:$0x3FA5] =	sst s0  }
0x18: {  	s0 =	sld [smem:$0x3F88];
	_ =	swait.ge [sflag:s4], $0x0  }
0x19: {  	s7 =	sld [smem:$0x3F89]  }
0x1a: {  	s8 =	sadd.s32 $0xFFFFE003, lr  }
0x1b: {  	s9 =	sadd.s32 $0xFFFFFEF7, lr;
	s5 =	simm.s32 $0xFFFFFFFF;
	p2 =	slt.u32 s8, $0xFFFFF086  }
0x1c: {  	p1 =	slt.u32 s9, $0xF7A;
	s5 =	simm.s32 @!p2 $0x0  }
0x1d: {  	s5 =	simm.s32 @p1 $0x1;
	p0 =	seq.s32 s7, s2  }
0x1e: {  	s7 =	smul.u32 @!p0 $0xF7A, s2;
	p2 =	seq.s32 @!p0 s5, $0x0  }
0x1f: {  	s9 =	smul.u32 $0xF7A, s1;
	s8 =	simm.s32 @!p0 $0x1BF5;
	p2 =	por !p2, p0  }
0x20: {  	[sflag:s8] =	ssyncset.s32 @!p0 $0xFFFFF086;
	s6 =	sadd.s32 @!p0 s3, s7;
	s7 =	simm.s32 @!p0 $0x108  }
0x21: {  	s3 =	sadd.s32 s3, s9;
	s6 =	sadd.s32 @!p0 $0x88, s6;
	s7 =	simm.s32 @p2 $0x1082  }
0x22: {  	[simem:s7], [sflag:s8] =	dma.local @!p0 [hbm:s6], $0xF7A  }
0x23: {  	s9 =	sor.u32 $0xD0000000, s2;
	s6 =	simm.s32 $0x108;
	_ =	swait.ge @!p0 [sflag:s8], $0x0  }
0x24: {  	s3 =	sadd.s32 $0x88, s3;
	s6 =	simm.s32 @!p1 $0x1082;
	[sflag:s4] =	ssyncset.s32 $0xFFFFF086  }
0x25: {  	[simem:s6], [sflag:s4] =	dma.local [hbm:s3], $0xF7A  }
0x26: {  	[smem:$0x3F89] =	sst s1;
	(tag) =	ssettag s2;
	_ =	strace s9  }
0x27: {  	s1 =	sld [smem:$0x3F99]  }
0x28: {  	s2 =	sld [smem:$0x3F9A]  }
0x29: {  	s4 =	sld [smem:$0x3F9C]  }
0x2a: {  	p0 =	seq.s32 s5, $0x0;
	s5 =	sld [smem:$0x3F9D]  }
0x2b: {  	s6 =	sld [smem:$0x3F9E]  }
0x2c: {  	s7 =	sld [smem:$0x3F9F]  }
0x2d: {  	s3 =	simm.s32 $0x108;
	s8 =	sld [smem:$0x3FA0]  }
0x2e: {  	s3 =	simm.s32 @!p0 $0x1082;
	s9 =	sld [smem:$0x3FA1]  }
0x2f: {  	lr =	sadd.s32 s0, s3;
	s0 =	sld [smem:$0x3F98]  }
0x30: {  	s3 =	sld [smem:$0x3F9B]  }
0x31: {  	[smem:$0x3FA4] =	sst s10  }
0x32: {  	s10 =	sld [smem:$0x3FA2];
	_ =	sdelay $0x3  }
0x33: {  	p0 =	seq.s32 s10, $0x1;
	s10 =	sld [smem:$0x3FA4];
	_ =	sdelay $0x3  }
0x34: {  	[smem:$0x3FA4] =	sst s10  }
0x35: {  	s10 =	sld [smem:$0x3FA3];
	_ =	sdelay $0x3  }
0x36: {  	p1 =	seq.s32 s10, $0x1;
	s10 =	sld [smem:$0x3FA4];
	_ =	sdelay $0x3  }
0x37: {  	[smem:$0x3FA4] =	sst s10  }
0x38: {  	s10 =	sld [smem:$0x3FA5]  }
0x39: {  	_ = 	snop;
	(pc) =	sbr.ind lr, $3  }
0x3a: {  	_ = 	snop  }
0x3b: {  	_ = 	snop  }
0x3c: {  	p2 =	seq.s32 s10, $0x1;
	s10 =	sld [smem:$0x3FA4]  }
0x3d: {  	_ =	shalt  }
0x3e: {  	_ =	shalt  }
0x3f: {  	_ =	shalt  }
0x40: {  	_ =	shalt  }
0x41: {  	_ =	shalt  }
0x42: {  	_ =	shalt  }
0x43: {  	_ =	shalt  }
0x44: {  	_ =	shalt  }
0x45: {  	_ =	shalt  }
0x46: {  	_ =	shalt  }
0x47: {  	_ =	shalt  }
0x48: {  	_ =	shalt  }
0x49: {  	_ =	shalt  }
0x4a: {  	_ =	shalt  }
0x4b: {  	_ =	shalt  }
0x4c: {  	_ =	shalt  }
0x4d: {  	_ =	shalt  }
0x4e: {  	_ =	shalt  }
0x4f: {  	_ =	shalt  }
0x50: {  	_ =	shalt  }
0x51: {  	_ =	shalt  }
0x52: {  	_ =	shalt  }
0x53: {  	_ =	shalt  }
0x54: {  	_ =	shalt  }
0x55: {  	_ =	shalt  }
0x56: {  	_ =	shalt  }
0x57: {  	_ =	shalt  }
0x58: {  	_ =	shalt  }
0x59: {  	_ =	shalt  }
0x5a: {  	_ =	shalt  }
0x5b: {  	_ =	shalt  }
0x5c: {  	_ =	shalt  }
0x5d: {  	_ =	shalt  }
0x5e: {  	_ =	shalt  }
0x5f: {  	_ =	shalt  }
0x60: {  	_ =	shalt  }
0x61: {  	_ =	shalt  }
0x62: {  	_ =	shalt  }
0x63: {  	_ =	shalt  }
0x64: {  	_ =	shalt  }
0x65: {  	_ =	shalt  }
0x66: {  	_ =	shalt  }
0x67: {  	_ =	shalt  }
0x68: {  	_ =	shalt  }
0x69: {  	_ =	shalt  }
0x6a: {  	_ =	shalt  }
0x6b: {  	_ =	shalt  }
0x6c: {  	_ =	shalt  }
0x6d: {  	_ =	shalt  }
0x6e: {  	_ =	shalt  }
0x6f: {  	_ =	shalt  }
0x70: {  	_ =	shalt  }
0x71: {  	_ =	shalt  }
0x72: {  	_ =	shalt  }
0x73: {  	_ =	shalt  }
0x74: {  	_ =	shalt  }
0x75: {  	_ =	shalt  }
0x76: {  	_ =	shalt  }
0x77: {  	_ =	shalt  }
0x78: {  	_ =	shalt  }
0x79: {  	_ =	shalt  }
0x7a: {  	_ =	shalt  }
0x7b: {  	_ =	shalt  }
0x7c: {  	_ =	shalt  }
0x7d: {  	_ =	shalt  }
0x7e: {  	_ =	shalt  }
0x7f: {  	_ =	shalt  }
0x80: {  	_ =	shalt  }
0x81: {  	_ =	shalt  }
0x82: {  	_ =	shalt  }
0x83: {  	_ =	shalt  }
0x84: {  	_ =	shalt  }
0x85: {  	_ =	shalt  }
0x86: {  	_ =	shalt  }
0x87: {  	_ =	shalt  }
.Lfunc_end0:
.L_simem_size_0:
called_computation.2_lowered:
.L_overlay_start_0:
0x88: {  	s2 =	sld [smem:$0x3FD9]  }
0x89: {  	s3 =	sld [smem:$0x3FFE];
	_ =	sdelay $0x1  }
0x8a: {  	s1 =	srdreg.scid  }
0x8b: {  	s0 =	sand.u32 $0x1, s1  }
0x8c: {  	s17 =	sshll.u32 s0, $0xA;
	s2 =	sadd.s32 s3, s2  }
0x8d: {  	s2 =	sadd.s32 s2, s17  }
0x8e: {  	[smem:$0x3FB0] =	sst s2  }
0x8f: {  	_ = 	snop  }
0x90: {  	s2 =	sld [smem:$0x3FD0];
	(tm) =	ssettm $0x1  }
0x91: {  	s18 =	sld [smem:$0x3FFB];
	_ =	sdelay $0x3  }
0x92: {  	_ =	strace s18  }
0x93: {  	s3 =	sld [smem:$0x3FFC];
	_ =	sdelay $0x3  }
0x94: {  	_ =	strace s3  }
0x95: {  	s3 =	sld [smem:$0x3FFD];
	_ =	sdelay $0x3  }
0x96: {  	_ =	strace s3  }
0x97: {  	_ =	strace $0x8FFFFFFF  }
0x98: {  	s19 =	sld [smem:$0x3FDB];
	_ =	sdelay $0x1  }
0x99: {  	s4 =	simm.s32 $_scs_section_size  }
0x9a: {  	s5 =	simm.s32 $_size__tile_overlayer_lowered;
	s6 =	simm.s32 $_tile_overlayer_lowered  }
0x9b: {  	s22 =	simm.s32 $0x1BFF;
	s21 =	sshll.u32 s6, $0x1;
	s3 =	sadd.s32 s4, s19  }
0x9c: {  	s7 =	simm.s32 $0x0;
	s20 =	sshll.u32 s5, $0x1;
	s5 =	sadd.s32 s21, s3  }
0x9d: {  	[timem:s7], [sflag:s22] =	dma.local [hbm:s5], s20  }
0x9e: {  	_ =	swait.ge [sflag:s22], s20  }
0x9f: {  	s4 =	ssub.s32 $0x0, s20;
	[sflag:s22] =	ssyncset.done $0x0  }
0xa0: {  	[sflag:s22] =	ssyncadd.s32 s4;
	_ =	sdelay $0x1  }
0xa1: {  	s23 =	simm.s32 $0x1B8B  }
0xa2: {  	_ =	swait.ge [sflag:s23], $0x1  }
0xa3: {  	[sflag:s23] =	ssyncset.done $0x0  }
0xa4: {  	s25 =	simm.s32 $0x1B8E;
	s24 =	sld [smem:$0x3FFE];
	[sflag:s23] =	ssyncadd.s32 $0xFFFFFFFF  }
0xa5: {  	s26 =	simm.s32 $execute0_lowered;
	[smem:$0x3FD2] =	sst s25  }
0xa6: {  	s5 =	sshll.u32 s26, $0x1;
	_ =	strace $0x8000004C;
	[dreg:$0x1] =	wrdreg $0xFFFFFFFF  }
0xa7: {  	s28 =	simm.s32 $_size_execute0_lowered;
	s3 =	sadd.s32 s3, s5;
	[dreg:$0x0] =	wrdreg $0x0  }
0xa8: {  	s5 =	sshll.u32 s28, $0x1;
	[dreg:$0x2] =	wrdreg s3  }
0xa9: {  	[dreg:$0x3] =	wrdreg s5  }
0xaa: {  	[dreg:$0x4] =	wrdreg $0xC0  }
0xab: {  	_ =	task [dreg:s7], $0x5FFFF  }
0xac: {  	[dreg:$0x1] =	wrdreg $0xFFFFFFFF  }
0xad: {  	[dreg:$0x0] =	wrdreg $0x60  }
0xae: {  	[dreg:$0x2] =	wrdreg s24  }
0xaf: {  	[dreg:$0x3] =	wrdreg s2  }
0xb0: {  	[dreg:$0x4] =	wrdreg $0xB8000  }
0xb1: {  	[dreg:$0x5] =	wrdreg $0x9  }
0xb2: {  	_ =	task.clear_ibuf [dreg:s7], $0x6FFFF;
	_ =	strace $0x9000004C  }
0xb3: {  	s29 =	simm.s32 $0x9;
	_ =	strace $0x8000004E  }
0xb4: {  	_ =	swait.ge [sflag:s29], $0x1  }
0xb5: {  	[sflag:s29] =	ssyncadd.s32 $0xFFFFFFFF  }
0xb6: {  	_ =	strace $0x9000004E  }
0xb7: {  	_ =	sfence  }
0xb8: {  	s30 =	sld [smem:$0x0];
	_ =	sdelay $0x2  }
0xb9: {  	s31 =	sshll.u32 s1, $0xD;
	s1 =	sshrl.u32 s1, $0x2  }
0xba: {  	s3 =	sand.u32 $0x4000, s31;
	s1 =	sadd.s32 s1, s30  }
0xbb: {  	s0 =	sor.u32 s3, s0;
	s1 =	sshll.u32 s1, $0x11  }
0xbc: {  	s0 =	sor.u32 s1, s0  }
0xbd: {  	s0 =	sadd.s32 $0x8F2B, s0  }
0xbe: {  	[sflag:s0] =	ssyncadd.remote.s32 $0x1  }
0xbf: {  	_ =	sfence.sel $0xFFFF  }
0xc0: {  	[dreg:$0x0] =	wrdreg $0xFFFFFFFF;
	(pc) =	sbr.abs _section_cstart, $3  }
0xc1: {  	[dreg:$0x1] =	wrdreg $0xFFFFFFFF  }
0xc2: {  	_ =	task.clear_ibuf [dreg:s7], $0x2FFFF;
	_ =	strace $0x9FFFFFFF  }
0xc3: {  	(tm) =	ssettm $0x7FFFFFFF  }
tec
execute0_lowered:
.L_overlay_start_1:
0x0: {  	(tag) =	ssettag $0x1  }
0x1: {  	s0 =	rddreg [dreg:$0x0]  }
0x2: {  	s2 =	rddreg [dreg:$0x1]  }
0x3: {  	s1 =	rddreg [dreg:$0x2];
	s3 =	srdreg.scid  }
0x4: {  	s4 =	simm.s32 $0x0;
	s8 =	stileid.u32;
	s10 =	simm.s32 $0x1  }
0x5: {  	s11 =	simm.s32 $0x80;
	s12 =	simm.s32 $0x2800;
	s3 =	sand.u32 $0x1, s3  }
0x6: {  	[smem:$0x7FF] =	sst s4;
	s7 =	smul.u32 $0x14000, s8;
	s4 =	sadd.s32 $0x1B600, s0  }
0x7: {  	s5 =	smul.u32 $0x3C0000, s3;
	s6 =	sshll.u32 s3, $0x4;
	s3 =	ssub.s32 $0x2, s3  }
0x8: {  	s6 =	sor.u32 s8, s6;
	s13 =	sshrl.u32 s3, $0x1;
	s8 =	smul.u32 $0x50000, s8  }
0x9: {  	_ =	strace $0x8000004D;
	s6 =	smul.u32 $0x280, s6;
	s3 =	ssub.s32 s3, s13  }
0xa: {  	s5 =	sadd.s32 s7, s5;
	s13 =	simm.s32 $0x6800;
	s22 =	smax.u32 s3, $0x1  }
0xb: {  	s9 =	sadd.s32 s6, s0;
	s2 =	sadd.s32 s2, s6;
	[dreg:$0xd] =	wrdreg s22  }
0xc: {  	s5 =	sshrl.u32 s5, $0x3;
	s14 =	sadd.s32 $0xC600, s9;
	[dreg:$0xb] =	wrdreg s2  }
0xd: {  	s0 =	sadd.s32 s5, s0;
	s15 =	sadd.s32 $0x7600, s9;
	[dreg:$0x4] =	wrdreg s14  }
0xe: {  	s16 =	sshrl.u32 s8, $0x2;
	s17 =	sadd.s32 $0x1FD400, s0;
	[dreg:$0x5] =	wrdreg s15  }
0xf: {  	s7 =	sadd.s32 s16, s1;
	s18 =	sadd.s32 $0x11600, s9;
	[dreg:$0x6] =	wrdreg s17  }
0x10: {  	s6 =	simm.s32 $0x3;
	s19 =	sadd.s32 $0x2600, s9;
	[dreg:$0x7] =	wrdreg s18  }
0x11: {  	s20 =	sadd.s32 $0x225400, s0;
	s21 =	sadd.s32 $0x16600, s9;
	[dreg:$0x8] =	wrdreg s19  }
0x12: {  	s0 =	sadd.s32 $0x24D400, s0;
	s23 =	sadd.s32 $0x1000, s7;
	[dreg:$0x9] =	wrdreg s20  }
0x13: {  	s24 =	sadd.s32 $0x2000, s7;
	s25 =	sadd.s32 $0x3000, s7;
	[dreg:$0xa] =	wrdreg s21  }
0x14: {  	s26 =	sadd.s32 $0x4000, s7;
	s22 =	sadd.s32 $0x7000, s7;
	[dreg:$0xc] =	wrdreg s0  }
0x15: {  	s28 =	sadd.s32 $0xC000, s7;
	s29 =	sadd.s32 $0xD000, s7;
	[dreg:$0xe] =	wrdreg s23  }
0x16: {  	s30 =	sadd.s32 $0xE000, s7;
	s31 =	sadd.s32 $0xF000, s7;
	[dreg:$0xf] =	wrdreg s24  }
0x17: {  	s2 =	sadd.s32 $0x11000, s7;
	s3 =	sadd.s32 $0x12000, s7;
	[dreg:$0x10] =	wrdreg s25  }
0x18: {  	s5 =	sadd.s32 $0x13000, s7;
	s9 =	simm.s32 $0xA800;
	[dreg:$0x11] =	wrdreg s26  }
0x19: {  	s20 =	sadd.s32 $0x5000, s7;
	s21 =	sadd.s32 $0x6000, s7;
	s23 =	sadd.s32 $0x8000, s7  }
0x1a: {  	s24 =	sadd.s32 $0x9000, s7;
	s25 =	sadd.s32 $0xA000, s7;
	s26 =	sadd.s32 $0xB000, s7  }
0x1b: {  	v0 =	vimm.f32 $0.0e+00;
	s0 =	sadd.s32 $0x10000, s7;
	s14 =	simm.s32 $0x2;
	s15 =	simm.s32 $0x0  }
.LBB2_1:
0x1c: {  	s8 =	simm.s32 $0x0;
	s16 =	rddreg [dreg:$0x4]  }
0x1d: {  	[tilespmem:s8], [sflag:$0x3] =	stream.linear.gather [hbm4b:s16+s8], $0x1400, $0x38;
	[tilespmem:$0x1F800] =	vst v63  }
0x1e: {  	_ =	swait.ge [sflag:s6], $0x1400  }
0x1f: {  	[sflag:s6] =	ssyncset.done $0x0  }
0x20: {  	s17 =	simm.s32 $0x1400;
	s19 =	rddreg [dreg:$0x5];
	[sflag:s6] =	ssyncadd.s32 $0xFFFFEC00  }
0x21: {  	[tilespmem:s17], [sflag:$0x3] =	stream.linear.gather [hbm4b:s19+s8], $0x1400, $0x38;
	[tilespmem:$0x1F800] =	vst v63  }
0x22: {  	_ =	swait.ge [sflag:s6], $0x1400  }
0x23: {  	[sflag:s6] =	ssyncset.done $0x0  }
0x24: {  	s16 =	simm.s32 $0x200;
	s8 =	simm.s32 $0x0;
	[sflag:s6] =	ssyncadd.s32 $0xFFFFEC00  }
.LBB2_2:
0x25: {  	p0 =	sne.s32 s16, $0x3E00;
	[tilespmem:s8+$0xA870] =	vst v0  }
0x26: {  	[tilespmem:s8+$0xA800] =	vst v0  }
0x27: {  	[tilespmem:s8+$0xA810] =	vst v0  }
.Ltmp0:
0x28: {  	[tilespmem:s8+$0xA820] =	vst v0;
	(pc) =	sbr.rel @p0 .LBB2_2-.Ltmp0, $4  }
0x29: {  	[tilespmem:s8+$0xA830] =	vst v0  }
0x2a: {  	[tilespmem:s8+$0xA840] =	vst v0  }
0x2b: {  	[tilespmem:s8+$0xA850] =	vst v0  }
0x2c: {  	[tilespmem:s8+$0xA860] =	vst v0;
	s8 =	sshra.s32 s16, $0x2;
	s16 =	sadd.s32 $0x200, s16  }
0x2d: {  	[tilespmem:s8+$0xA870] =	vst v0  }
0x2e: {  	[tilespmem:s8+$0xA800] =	vst v0  }
0x2f: {  	[tilespmem:s8+$0xA810] =	vst v0  }
0x30: {  	[tilespmem:s8+$0xA820] =	vst v0  }
0x31: {  	[tilespmem:s8+$0xA830] =	vst v0  }
0x32: {  	[tilespmem:s8+$0xA840] =	vst v0  }
0x33: {  	[tilespmem:s8+$0xA850] =	vst v0  }
0x34: {  	[tilespmem:s8+$0xA860] =	vst v0  }
0x35: {  	[spmem:s7] =	stream.linear.scatter [tilespmem:s9], [sflag:$0x1], $0x1000, $0x38;
	[tilespmem:$0x1F800] =	vst v63  }
0x36: {  	s16 =	rddreg [dreg:$0xe]  }
0x37: {  	[spmem:s16] =	stream.linear.scatter [tilespmem:s9], [sflag:$0x1], $0x1000, $0x38;
	[tilespmem:$0x1F800] =	vst v63  }
0x38: {  	s17 =	rddreg [dreg:$0xf]  }
0x39: {  	[spmem:s17] =	stream.linear.scatter [tilespmem:s9], [sflag:$0x1], $0x1000, $0x38;
	[tilespmem:$0x1F800] =	vst v63  }
0x3a: {  	s18 =	rddreg [dreg:$0x10]  }
0x3b: {  	[spmem:s18] =	stream.linear.scatter [tilespmem:s9], [sflag:$0x1], $0x1000, $0x38;
	[tilespmem:$0x1F800] =	vst v63  }
0x3c: {  	s19 =	rddreg [dreg:$0x11]  }
0x3d: {  	[spmem:s19] =	stream.linear.scatter [tilespmem:s9], [sflag:$0x1], $0x1000, $0x38;
	[tilespmem:$0x1F800] =	vst v63  }
0x3e: {  	_ = 	snop  }
0x3f: {  	[spmem:s20] =	stream.linear.scatter [tilespmem:s9], [sflag:$0x1], $0x1000, $0x38;
	[tilespmem:$0x1F800] =	vst v63  }
0x40: {  	_ = 	snop  }
0x41: {  	[spmem:s21] =	stream.linear.scatter [tilespmem:s9], [sflag:$0x1], $0x1000, $0x38;
	[tilespmem:$0x1F800] =	vst v63  }
0x42: {  	_ = 	snop  }
0x43: {  	[spmem:s22] =	stream.linear.scatter [tilespmem:s9], [sflag:$0x1], $0x1000, $0x38;
	[tilespmem:$0x1F800] =	vst v63  }
0x44: {  	_ = 	snop  }
0x45: {  	[spmem:s23] =	stream.linear.scatter [tilespmem:s9], [sflag:$0x1], $0x1000, $0x38;
	[tilespmem:$0x1F800] =	vst v63  }
0x46: {  	_ = 	snop  }
0x47: {  	[spmem:s24] =	stream.linear.scatter [tilespmem:s9], [sflag:$0x1], $0x1000, $0x38;
	[tilespmem:$0x1F800] =	vst v63  }
0x48: {  	_ = 	snop  }
0x49: {  	[spmem:s25] =	stream.linear.scatter [tilespmem:s9], [sflag:$0x1], $0x1000, $0x38;
	[tilespmem:$0x1F800] =	vst v63  }
0x4a: {  	_ = 	snop  }
0x4b: {  	[spmem:s26] =	stream.linear.scatter [tilespmem:s9], [sflag:$0x1], $0x1000, $0x38;
	[tilespmem:$0x1F800] =	vst v63  }
0x4c: {  	_ = 	snop  }
0x4d: {  	[spmem:s28] =	stream.linear.scatter [tilespmem:s9], [sflag:$0x1], $0x1000, $0x38;
	[tilespmem:$0x1F800] =	vst v63  }
0x4e: {  	_ = 	snop  }
0x4f: {  	[spmem:s29] =	stream.linear.scatter [tilespmem:s9], [sflag:$0x1], $0x1000, $0x38;
	[tilespmem:$0x1F800] =	vst v63  }
0x50: {  	_ = 	snop  }
0x51: {  	[spmem:s30] =	stream.linear.scatter [tilespmem:s9], [sflag:$0x1], $0x1000, $0x38;
	[tilespmem:$0x1F800] =	vst v63  }
0x52: {  	_ = 	snop  }
0x53: {  	[spmem:s31] =	stream.linear.scatter [tilespmem:s9], [sflag:$0x1], $0x1000, $0x38;
	[tilespmem:$0x1F800] =	vst v63  }
0x54: {  	_ = 	snop  }
0x55: {  	[spmem:s0] =	stream.linear.scatter [tilespmem:s9], [sflag:$0x1], $0x1000, $0x38;
	[tilespmem:$0x1F800] =	vst v63  }
0x56: {  	_ = 	snop  }
0x57: {  	[spmem:s2] =	stream.linear.scatter [tilespmem:s9], [sflag:$0x1], $0x1000, $0x38;
	[tilespmem:$0x1F800] =	vst v63  }
0x58: {  	_ = 	snop  }
0x59: {  	[spmem:s3] =	stream.linear.scatter [tilespmem:s9], [sflag:$0x1], $0x1000, $0x38;
	[tilespmem:$0x1F800] =	vst v63  }
0x5a: {  	_ = 	snop  }
0x5b: {  	[spmem:s5] =	stream.linear.scatter [tilespmem:s9], [sflag:$0x1], $0x1000, $0x38;
	[tilespmem:$0x1F800] =	vst v63  }
0x5c: {  	_ =	swait.ge [sflag:s10], $0x1000  }
0x5d: {  	[sflag:s10] =	ssyncset.done $0x0  }
0x5e: {  	[sflag:s10] =	ssyncadd.s32 $0xFFFFF000  }
0x5f: {  	_ =	swait.ge [sflag:s10], $0x1000  }
0x60: {  	[sflag:s10] =	ssyncset.done $0x0  }
0x61: {  	[sflag:s10] =	ssyncadd.s32 $0xFFFFF000  }
0x62: {  	_ =	swait.ge [sflag:s10], $0x1000  }
0x63: {  	[sflag:s10] =	ssyncset.done $0x0  }
0x64: {  	[sflag:s10] =	ssyncadd.s32 $0xFFFFF000  }
0x65: {  	_ =	swait.ge [sflag:s10], $0x1000  }
0x66: {  	[sflag:s10] =	ssyncset.done $0x0  }
0x67: {  	[sflag:s10] =	ssyncadd.s32 $0xFFFFF000  }
0x68: {  	_ =	swait.ge [sflag:s10], $0x1000  }
0x69: {  	[sflag:s10] =	ssyncset.done $0x0  }
0x6a: {  	[sflag:s10] =	ssyncadd.s32 $0xFFFFF000  }
0x6b: {  	_ =	swait.ge [sflag:s10], $0x1000  }
0x6c: {  	[sflag:s10] =	ssyncset.done $0x0  }
0x6d: {  	[sflag:s10] =	ssyncadd.s32 $0xFFFFF000  }
0x6e: {  	_ =	swait.ge [sflag:s10], $0x1000  }
0x6f: {  	[sflag:s10] =	ssyncset.done $0x0  }
0x70: {  	[sflag:s10] =	ssyncadd.s32 $0xFFFFF000  }
0x71: {  	_ =	swait.ge [sflag:s10], $0x1000  }
0x72: {  	[sflag:s10] =	ssyncset.done $0x0  }
0x73: {  	[sflag:s10] =	ssyncadd.s32 $0xFFFFF000  }
0x74: {  	_ =	swait.ge [sflag:s10], $0x1000  }
0x75: {  	[sflag:s10] =	ssyncset.done $0x0  }
0x76: {  	[sflag:s10] =	ssyncadd.s32 $0xFFFFF000  }
0x77: {  	_ =	swait.ge [sflag:s10], $0x1000  }
0x78: {  	[sflag:s10] =	ssyncset.done $0x0  }
0x79: {  	[sflag:s10] =	ssyncadd.s32 $0xFFFFF000  }
0x7a: {  	_ =	swait.ge [sflag:s10], $0x1000  }
0x7b: {  	[sflag:s10] =	ssyncset.done $0x0  }
0x7c: {  	[sflag:s10] =	ssyncadd.s32 $0xFFFFF000  }
0x7d: {  	_ =	swait.ge [sflag:s10], $0x1000  }
0x7e: {  	[sflag:s10] =	ssyncset.done $0x0  }
0x7f: {  	[sflag:s10] =	ssyncadd.s32 $0xFFFFF000  }
0x80: {  	_ =	swait.ge [sflag:s10], $0x1000  }
0x81: {  	[sflag:s10] =	ssyncset.done $0x0  }
0x82: {  	[sflag:s10] =	ssyncadd.s32 $0xFFFFF000  }
0x83: {  	_ =	swait.ge [sflag:s10], $0x1000  }
0x84: {  	[sflag:s10] =	ssyncset.done $0x0  }
0x85: {  	[sflag:s10] =	ssyncadd.s32 $0xFFFFF000  }
0x86: {  	_ =	swait.ge [sflag:s10], $0x1000  }
0x87: {  	[sflag:s10] =	ssyncset.done $0x0  }
0x88: {  	[sflag:s10] =	ssyncadd.s32 $0xFFFFF000  }
0x89: {  	_ =	swait.ge [sflag:s10], $0x1000  }
0x8a: {  	[sflag:s10] =	ssyncset.done $0x0  }
0x8b: {  	[sflag:s10] =	ssyncadd.s32 $0xFFFFF000  }
0x8c: {  	_ =	swait.ge [sflag:s10], $0x1000  }
0x8d: {  	[sflag:s10] =	ssyncset.done $0x0  }
0x8e: {  	[sflag:s10] =	ssyncadd.s32 $0xFFFFF000  }
0x8f: {  	_ =	swait.ge [sflag:s10], $0x1000  }
0x90: {  	[sflag:s10] =	ssyncset.done $0x0  }
0x91: {  	[sflag:s10] =	ssyncadd.s32 $0xFFFFF000  }
0x92: {  	_ =	swait.ge [sflag:s10], $0x1000  }
0x93: {  	[sflag:s10] =	ssyncset.done $0x0  }
0x94: {  	[sflag:s10] =	ssyncadd.s32 $0xFFFFF000  }
0x95: {  	_ =	swait.ge [sflag:s10], $0x1000  }
0x96: {  	[sflag:s10] =	ssyncset.done $0x0  }
0x97: {  	s16 =	simm.s32 $0x0;
	[sflag:s10] =	ssyncadd.s32 $0xFFFFF000  }
0x98: {  	[tilespmem:s12], [sflag:$0x1] =	stream.indirect.gather [hbm4b:s4+s11], $0x80, s16, s11, $0xb8;
	[tilespmem:$0x1F800] =	vst v63  }
0x99: {  	_ = 	snop  }
0x9a: {  	[tilespmem:s13], [sflag:$0x2] =	stream.indirect.gather [hbm4b:s4+s11], $0x80, s11, s11, $0xb8;
	[tilespmem:$0x1F800] =	vst v63  }
0x9b: {  	[bflag:$0x0] =	sbarrier.arrive $0xFFFF  }
0x9c: {  	_ =	swait.ge [sflag:s10], $0x4000  }
0x9d: {  	[sflag:s10] =	ssyncset.done $0x0  }
0x9e: {  	s17 =	simm.s32 $0x1400;
	[sflag:s10] =	ssyncadd.s32 $0xFFFFC000  }
0x9f: {  	[spmem:s1] =	stream.indirect.scatter.add.f32 [tilespmem:s12], [sflag:$0x3], $0x80, s17, s11, $0xb8;
	[tilespmem:$0x1F800] =	vst v63  }
0xa0: {  	_ =	swait.ge [sflag:s6], $0x4000  }
0xa1: {  	[sflag:s6] =	ssyncset.done $0x0  }
0xa2: {  	s18 =	simm.s32 $0x100;
	[sflag:s6] =	ssyncadd.s32 $0xFFFFC000  }
0xa3: {  	[tilespmem:s12], [sflag:$0x1] =	stream.indirect.gather [hbm4b:s4+s11], $0x80, s18, s11, $0xb8;
	[tilespmem:$0x1F800] =	vst v63  }
0xa4: {  	_ =	swait.ge [sflag:s14], $0x4000  }
0xa5: {  	[sflag:s14] =	ssyncset.done $0x0  }
0xa6: {  	s19 =	simm.s32 $0x1480;
	[sflag:s14] =	ssyncadd.s32 $0xFFFFC000  }
0xa7: {  	[spmem:s1] =	stream.indirect.scatter.add.f32 [tilespmem:s13], [sflag:$0x3], $0x80, s19, s11, $0xb8;
	[tilespmem:$0x1F800] =	vst v63  }
0xa8: {  	_ =	swait.ge [sflag:s6], $0x4000  }
0xa9: {  	[sflag:s6] =	ssyncset.done $0x0  }
0xaa: {  	s8 =	simm.s32 $0x400;
	s16 =	simm.s32 $0x180;
	[sflag:s6] =	ssyncadd.s32 $0xFFFFC000  }
.LBB2_4:
0xab: {  	[tilespmem:s13], [sflag:$0x2] =	stream.indirect.gather [hbm4b:s4+s11], $0x80, s16, s11, $0xb8;
	[tilespmem:$0x1F800] =	vst v63  }
0xac: {  	s16 =	smov.u32 s8  }
0xad: {  	p0 =	sne.s32 s8, $0x4800;
	s8 =	sadd.s32 $0x400, s8;
	_ =	swait.ge [sflag:s10], $0x4000  }
0xae: {  	s16 =	sshra.s32 s16, $0x2;
	[sflag:s10] =	ssyncset.done $0x0  }
0xaf: {  	s17 =	sadd.s32 $0x1400, s16;
	[sflag:s10] =	ssyncadd.s32 $0xFFFFC000  }
0xb0: {  	[spmem:s1] =	stream.indirect.scatter.add.f32 [tilespmem:s12], [sflag:$0x3], $0x80, s17, s11, $0xb8;
	[tilespmem:$0x1F800] =	vst v63  }
0xb1: {  	_ =	swait.ge [sflag:s6], $0x4000  }
0xb2: {  	[sflag:s6] =	ssyncset.done $0x0  }
0xb3: {  	s17 =	sadd.s32 $0x100, s16;
	[sflag:s6] =	ssyncadd.s32 $0xFFFFC000  }
0xb4: {  	[tilespmem:s12], [sflag:$0x1] =	stream.indirect.gather [hbm4b:s4+s11], $0x80, s17, s11, $0xb8;
	[tilespmem:$0x1F800] =	vst v63  }
0xb5: {  	_ =	swait.ge [sflag:s14], $0x4000  }
0xb6: {  	[sflag:s14] =	ssyncset.done $0x0  }
.Ltmp1:
0xb7: {  	s17 =	sadd.s32 $0x1480, s16;
	[sflag:s14] =	ssyncadd.s32 $0xFFFFC000;
	(pc) =	sbr.rel @p0 .LBB2_4-.Ltmp1, $4  }
0xb8: {  	[spmem:s1] =	stream.indirect.scatter.add.f32 [tilespmem:s13], [sflag:$0x3], $0x80, s17, s11, $0xb8;
	[tilespmem:$0x1F800] =	vst v63  }
0xb9: {  	_ =	swait.ge [sflag:s6], $0x4000  }
0xba: {  	[sflag:s6] =	ssyncset.done $0x0  }
0xbb: {  	s16 =	sadd.s32 $0x180, s16;
	[sflag:s6] =	ssyncadd.s32 $0xFFFFC000  }
0xbc: {  	[tilespmem:s13], [sflag:$0x2] =	stream.indirect.gather [hbm4b:s4+s11], $0x80, s16, s11, $0xb8;
	[tilespmem:$0x1F800] =	vst v63  }
0xbd: {  	_ =	swait.ge [sflag:s10], $0x4000  }
0xbe: {  	[sflag:s10] =	ssyncset.done $0x0  }
0xbf: {  	s8 =	simm.s32 $0x2700;
	[sflag:s10] =	ssyncadd.s32 $0xFFFFC000  }
0xc0: {  	[spmem:s1] =	stream.indirect.scatter.add.f32 [tilespmem:s12], [sflag:$0x3], $0x80, s8, s11, $0xb8;
	[tilespmem:$0x1F800] =	vst v63  }
0xc1: {  	_ =	swait.ge [sflag:s6], $0x4000  }
0xc2: {  	[sflag:s6] =	ssyncset.done $0x0  }
0xc3: {  	[sflag:s6] =	ssyncadd.s32 $0xFFFFC000  }
0xc4: {  	_ =	swait.ge [sflag:s14], $0x4000  }
0xc5: {  	[sflag:s14] =	ssyncset.done $0x0  }
0xc6: {  	s18 =	simm.s32 $0x2780;
	[sflag:s14] =	ssyncadd.s32 $0xFFFFC000  }
0xc7: {  	[spmem:s1] =	stream.indirect.scatter.add.f32 [tilespmem:s13], [sflag:$0x3], $0x80, s18, s11, $0xb8;
	[tilespmem:$0x1F800] =	vst v63  }
0xc8: {  	_ =	swait.ge [sflag:s6], $0x4000  }
0xc9: {  	[sflag:s6] =	ssyncset.done $0x0  }
0xca: {  	s19 =	stileid.u32;
	[sflag:s6] =	ssyncadd.s32 $0xFFFFC000  }
0xcb: {  	s8 =	sshll.u32 s19, $0x6;
	[bflag:$0x0] =	sbarrier.arrive $0xFFFF  }
0xcc: {  	s16 =	sshrl.u32 s7, $0x3;
	s8 =	sor.u32 $0x1C03, s8;
	s17 =	rddreg [dreg:$0x6]  }
0xcd: {  	[hbm:s17], [sflag:s8] =	dma.local [spmem:s16], $0x2800  }
0xce: {  	_ =	swait.ge [sflag:s6], $0x2800  }
0xcf: {  	[sflag:s6] =	ssyncset.done $0x0  }
0xd0: {  	s17 =	simm.s32 $0x0;
	s18 =	rddreg [dreg:$0x7];
	[sflag:s6] =	ssyncadd.s32 $0xFFFFD800  }
0xd1: {  	[tilespmem:s17], [sflag:$0x3] =	stream.linear.gather [hbm4b:s18+s17], $0x1400, $0x38;
	[tilespmem:$0x1F800] =	vst v63  }
0xd2: {  	_ =	swait.ge [sflag:s6], $0x1400  }
0xd3: {  	[sflag:s6] =	ssyncset.done $0x0  }
0xd4: {  	s19 =	simm.s32 $0x1400;
	s18 =	rddreg [dreg:$0x8];
	[sflag:s6] =	ssyncadd.s32 $0xFFFFEC00  }
0xd5: {  	[tilespmem:s19], [sflag:$0x3] =	stream.linear.gather [hbm4b:s18+s17], $0x1400, $0x38;
	[tilespmem:$0x1F800] =	vst v63  }
0xd6: {  	_ =	swait.ge [sflag:s6], $0x1400  }
0xd7: {  	[sflag:s6] =	ssyncset.done $0x0  }
0xd8: {  	s17 =	simm.s32 $0x0;
	s18 =	simm.s32 $0x200;
	[sflag:s6] =	ssyncadd.s32 $0xFFFFEC00  }
.LBB2_6:
0xd9: {  	p0 =	sne.s32 s18, $0x3E00;
	[tilespmem:s17+$0xA870] =	vst v0  }
0xda: {  	[tilespmem:s17+$0xA800] =	vst v0  }
0xdb: {  	[tilespmem:s17+$0xA810] =	vst v0  }
.Ltmp2:
0xdc: {  	[tilespmem:s17+$0xA820] =	vst v0;
	(pc) =	sbr.rel @p0 .LBB2_6-.Ltmp2, $4  }
0xdd: {  	[tilespmem:s17+$0xA830] =	vst v0  }
0xde: {  	[tilespmem:s17+$0xA840] =	vst v0  }
0xdf: {  	[tilespmem:s17+$0xA850] =	vst v0  }
0xe0: {  	[tilespmem:s17+$0xA860] =	vst v0;
	s17 =	sshra.s32 s18, $0x2;
	s18 =	sadd.s32 $0x200, s18  }
0xe1: {  	[tilespmem:s17+$0xA870] =	vst v0  }
0xe2: {  	[tilespmem:s17+$0xA800] =	vst v0  }
0xe3: {  	[tilespmem:s17+$0xA810] =	vst v0  }
0xe4: {  	[tilespmem:s17+$0xA820] =	vst v0  }
0xe5: {  	[tilespmem:s17+$0xA830] =	vst v0  }
0xe6: {  	[tilespmem:s17+$0xA840] =	vst v0  }
0xe7: {  	[tilespmem:s17+$0xA850] =	vst v0  }
0xe8: {  	[tilespmem:s17+$0xA860] =	vst v0  }
0xe9: {  	[spmem:s7] =	stream.linear.scatter [tilespmem:s9], [sflag:$0x1], $0x1000, $0x38;
	[tilespmem:$0x1F800] =	vst v63  }
0xea: {  	s18 =	rddreg [dreg:$0xe]  }
0xeb: {  	[spmem:s18] =	stream.linear.scatter [tilespmem:s9], [sflag:$0x1], $0x1000, $0x38;
	[tilespmem:$0x1F800] =	vst v63  }
0xec: {  	s19 =	rddreg [dreg:$0xf]  }
0xed: {  	[spmem:s19] =	stream.linear.scatter [tilespmem:s9], [sflag:$0x1], $0x1000, $0x38;
	[tilespmem:$0x1F800] =	vst v63  }
0xee: {  	s18 =	rddreg [dreg:$0x10]  }
0xef: {  	[spmem:s18] =	stream.linear.scatter [tilespmem:s9], [sflag:$0x1], $0x1000, $0x38;
	[tilespmem:$0x1F800] =	vst v63  }
0xf0: {  	s19 =	rddreg [dreg:$0x11]  }
0xf1: {  	[spmem:s19] =	stream.linear.scatter [tilespmem:s9], [sflag:$0x1], $0x1000, $0x38;
	[tilespmem:$0x1F800] =	vst v63  }
0xf2: {  	_ = 	snop  }
0xf3: {  	[spmem:s20] =	stream.linear.scatter [tilespmem:s9], [sflag:$0x1], $0x1000, $0x38;
	[tilespmem:$0x1F800] =	vst v63  }
0xf4: {  	_ = 	snop  }
0xf5: {  	[spmem:s21] =	stream.linear.scatter [tilespmem:s9], [sflag:$0x1], $0x1000, $0x38;
	[tilespmem:$0x1F800] =	vst v63  }
0xf6: {  	_ = 	snop  }
0xf7: {  	[spmem:s22] =	stream.linear.scatter [tilespmem:s9], [sflag:$0x1], $0x1000, $0x38;
	[tilespmem:$0x1F800] =	vst v63  }
0xf8: {  	_ = 	snop  }
0xf9: {  	[spmem:s23] =	stream.linear.scatter [tilespmem:s9], [sflag:$0x1], $0x1000, $0x38;
	[tilespmem:$0x1F800] =	vst v63  }
0xfa: {  	_ = 	snop  }
0xfb: {  	[spmem:s24] =	stream.linear.scatter [tilespmem:s9], [sflag:$0x1], $0x1000, $0x38;
	[tilespmem:$0x1F800] =	vst v63  }
0xfc: {  	_ = 	snop  }
0xfd: {  	[spmem:s25] =	stream.linear.scatter [tilespmem:s9], [sflag:$0x1], $0x1000, $0x38;
	[tilespmem:$0x1F800] =	vst v63  }
0xfe: {  	_ = 	snop  }
0xff: {  	[spmem:s26] =	stream.linear.scatter [tilespmem:s9], [sflag:$0x1], $0x1000, $0x38;
	[tilespmem:$0x1F800] =	vst v63  }
0x100: {  	_ = 	snop  }
0x101: {  	[spmem:s28] =	stream.linear.scatter [tilespmem:s9], [sflag:$0x1], $0x1000, $0x38;
	[tilespmem:$0x1F800] =	vst v63  }
0x102: {  	_ = 	snop  }
0x103: {  	[spmem:s29] =	stream.linear.scatter [tilespmem:s9], [sflag:$0x1], $0x1000, $0x38;
	[tilespmem:$0x1F800] =	vst v63  }
0x104: {  	_ = 	snop  }
0x105: {  	[spmem:s30] =	stream.linear.scatter [tilespmem:s9], [sflag:$0x1], $0x1000, $0x38;
	[tilespmem:$0x1F800] =	vst v63  }
0x106: {  	_ = 	snop  }
0x107: {  	[spmem:s31] =	stream.linear.scatter [tilespmem:s9], [sflag:$0x1], $0x1000, $0x38;
	[tilespmem:$0x1F800] =	vst v63  }
0x108: {  	_ = 	snop  }
0x109: {  	[spmem:s0] =	stream.linear.scatter [tilespmem:s9], [sflag:$0x1], $0x1000, $0x38;
	[tilespmem:$0x1F800] =	vst v63  }
0x10a: {  	_ = 	snop  }
0x10b: {  	[spmem:s2] =	stream.linear.scatter [tilespmem:s9], [sflag:$0x1], $0x1000, $0x38;
	[tilespmem:$0x1F800] =	vst v63  }
0x10c: {  	_ = 	snop  }
0x10d: {  	[spmem:s3] =	stream.linear.scatter [tilespmem:s9], [sflag:$0x1], $0x1000, $0x38;
	[tilespmem:$0x1F800] =	vst v63  }
0x10e: {  	_ = 	snop  }
0x10f: {  	[spmem:s5] =	stream.linear.scatter [tilespmem:s9], [sflag:$0x1], $0x1000, $0x38;
	[tilespmem:$0x1F800] =	vst v63  }
0x110: {  	_ =	swait.ge [sflag:s10], $0x1000  }
0x111: {  	[sflag:s10] =	ssyncset.done $0x0  }
0x112: {  	[sflag:s10] =	ssyncadd.s32 $0xFFFFF000  }
0x113: {  	_ =	swait.ge [sflag:s10], $0x1000  }
0x114: {  	[sflag:s10] =	ssyncset.done $0x0  }
0x115: {  	[sflag:s10] =	ssyncadd.s32 $0xFFFFF000  }
0x116: {  	_ =	swait.ge [sflag:s10], $0x1000  }
0x117: {  	[sflag:s10] =	ssyncset.done $0x0  }
0x118: {  	[sflag:s10] =	ssyncadd.s32 $0xFFFFF000  }
0x119: {  	_ =	swait.ge [sflag:s10], $0x1000  }
0x11a: {  	[sflag:s10] =	ssyncset.done $0x0  }
0x11b: {  	[sflag:s10] =	ssyncadd.s32 $0xFFFFF000  }
0x11c: {  	_ =	swait.ge [sflag:s10], $0x1000  }
0x11d: {  	[sflag:s10] =	ssyncset.done $0x0  }
0x11e: {  	[sflag:s10] =	ssyncadd.s32 $0xFFFFF000  }
0x11f: {  	_ =	swait.ge [sflag:s10], $0x1000  }
0x120: {  	[sflag:s10] =	ssyncset.done $0x0  }
0x121: {  	[sflag:s10] =	ssyncadd.s32 $0xFFFFF000  }
0x122: {  	_ =	swait.ge [sflag:s10], $0x1000  }
0x123: {  	[sflag:s10] =	ssyncset.done $0x0  }
0x124: {  	[sflag:s10] =	ssyncadd.s32 $0xFFFFF000  }
0x125: {  	_ =	swait.ge [sflag:s10], $0x1000  }
0x126: {  	[sflag:s10] =	ssyncset.done $0x0  }
0x127: {  	[sflag:s10] =	ssyncadd.s32 $0xFFFFF000  }
0x128: {  	_ =	swait.ge [sflag:s10], $0x1000  }
0x129: {  	[sflag:s10] =	ssyncset.done $0x0  }
0x12a: {  	[sflag:s10] =	ssyncadd.s32 $0xFFFFF000  }
0x12b: {  	_ =	swait.ge [sflag:s10], $0x1000  }
0x12c: {  	[sflag:s10] =	ssyncset.done $0x0  }
0x12d: {  	[sflag:s10] =	ssyncadd.s32 $0xFFFFF000  }
0x12e: {  	_ =	swait.ge [sflag:s10], $0x1000  }
0x12f: {  	[sflag:s10] =	ssyncset.done $0x0  }
0x130: {  	[sflag:s10] =	ssyncadd.s32 $0xFFFFF000  }
0x131: {  	_ =	swait.ge [sflag:s10], $0x1000  }
0x132: {  	[sflag:s10] =	ssyncset.done $0x0  }
0x133: {  	[sflag:s10] =	ssyncadd.s32 $0xFFFFF000  }
0x134: {  	_ =	swait.ge [sflag:s10], $0x1000  }
0x135: {  	[sflag:s10] =	ssyncset.done $0x0  }
0x136: {  	[sflag:s10] =	ssyncadd.s32 $0xFFFFF000  }
0x137: {  	_ =	swait.ge [sflag:s10], $0x1000  }
0x138: {  	[sflag:s10] =	ssyncset.done $0x0  }
0x139: {  	[sflag:s10] =	ssyncadd.s32 $0xFFFFF000  }
0x13a: {  	_ =	swait.ge [sflag:s10], $0x1000  }
0x13b: {  	[sflag:s10] =	ssyncset.done $0x0  }
0x13c: {  	[sflag:s10] =	ssyncadd.s32 $0xFFFFF000  }
0x13d: {  	_ =	swait.ge [sflag:s10], $0x1000  }
0x13e: {  	[sflag:s10] =	ssyncset.done $0x0  }
0x13f: {  	[sflag:s10] =	ssyncadd.s32 $0xFFFFF000  }
0x140: {  	_ =	swait.ge [sflag:s10], $0x1000  }
0x141: {  	[sflag:s10] =	ssyncset.done $0x0  }
0x142: {  	[sflag:s10] =	ssyncadd.s32 $0xFFFFF000  }
0x143: {  	_ =	swait.ge [sflag:s10], $0x1000  }
0x144: {  	[sflag:s10] =	ssyncset.done $0x0  }
0x145: {  	[sflag:s10] =	ssyncadd.s32 $0xFFFFF000  }
0x146: {  	_ =	swait.ge [sflag:s10], $0x1000  }
0x147: {  	[sflag:s10] =	ssyncset.done $0x0  }
0x148: {  	[sflag:s10] =	ssyncadd.s32 $0xFFFFF000  }
0x149: {  	_ =	swait.ge [sflag:s10], $0x1000  }
0x14a: {  	[sflag:s10] =	ssyncset.done $0x0  }
0x14b: {  	s18 =	simm.s32 $0x0;
	[sflag:s10] =	ssyncadd.s32 $0xFFFFF000  }
0x14c: {  	[tilespmem:s12], [sflag:$0x1] =	stream.indirect.gather [hbm4b:s4+s11], $0x80, s18, s11, $0xb8;
	[tilespmem:$0x1F800] =	vst v63  }
0x14d: {  	_ = 	snop  }
0x14e: {  	[tilespmem:s13], [sflag:$0x2] =	stream.indirect.gather [hbm4b:s4+s11], $0x80, s11, s11, $0xb8;
	[tilespmem:$0x1F800] =	vst v63  }
0x14f: {  	[bflag:$0x0] =	sbarrier.arrive $0xFFFF  }
0x150: {  	_ =	swait.ge [sflag:s10], $0x4000  }
0x151: {  	[sflag:s10] =	ssyncset.done $0x0  }
0x152: {  	s19 =	simm.s32 $0x1400;
	[sflag:s10] =	ssyncadd.s32 $0xFFFFC000  }
0x153: {  	[spmem:s1] =	stream.indirect.scatter.add.f32 [tilespmem:s12], [sflag:$0x3], $0x80, s19, s11, $0xb8;
	[tilespmem:$0x1F800] =	vst v63  }
0x154: {  	_ =	swait.ge [sflag:s6], $0x4000  }
0x155: {  	[sflag:s6] =	ssyncset.done $0x0  }
0x156: {  	s18 =	simm.s32 $0x100;
	[sflag:s6] =	ssyncadd.s32 $0xFFFFC000  }
0x157: {  	[tilespmem:s12], [sflag:$0x1] =	stream.indirect.gather [hbm4b:s4+s11], $0x80, s18, s11, $0xb8;
	[tilespmem:$0x1F800] =	vst v63  }
0x158: {  	_ =	swait.ge [sflag:s14], $0x4000  }
0x159: {  	[sflag:s14] =	ssyncset.done $0x0  }
0x15a: {  	s19 =	simm.s32 $0x1480;
	[sflag:s14] =	ssyncadd.s32 $0xFFFFC000  }
0x15b: {  	[spmem:s1] =	stream.indirect.scatter.add.f32 [tilespmem:s13], [sflag:$0x3], $0x80, s19, s11, $0xb8;
	[tilespmem:$0x1F800] =	vst v63  }
0x15c: {  	_ =	swait.ge [sflag:s6], $0x4000  }
0x15d: {  	[sflag:s6] =	ssyncset.done $0x0  }
0x15e: {  	s17 =	simm.s32 $0x400;
	s18 =	simm.s32 $0x180;
	[sflag:s6] =	ssyncadd.s32 $0xFFFFC000  }
.LBB2_8:
0x15f: {  	[tilespmem:s13], [sflag:$0x2] =	stream.indirect.gather [hbm4b:s4+s11], $0x80, s18, s11, $0xb8;
	[tilespmem:$0x1F800] =	vst v63  }
0x160: {  	s18 =	smov.u32 s17  }
0x161: {  	p0 =	sne.s32 s17, $0x4800;
	s17 =	sadd.s32 $0x400, s17;
	_ =	swait.ge [sflag:s10], $0x4000  }
0x162: {  	s18 =	sshra.s32 s18, $0x2;
	[sflag:s10] =	ssyncset.done $0x0  }
0x163: {  	s19 =	sadd.s32 $0x1400, s18;
	[sflag:s10] =	ssyncadd.s32 $0xFFFFC000  }
0x164: {  	[spmem:s1] =	stream.indirect.scatter.add.f32 [tilespmem:s12], [sflag:$0x3], $0x80, s19, s11, $0xb8;
	[tilespmem:$0x1F800] =	vst v63  }
0x165: {  	_ =	swait.ge [sflag:s6], $0x4000  }
0x166: {  	[sflag:s6] =	ssyncset.done $0x0  }
0x167: {  	s19 =	sadd.s32 $0x100, s18;
	[sflag:s6] =	ssyncadd.s32 $0xFFFFC000  }
0x168: {  	[tilespmem:s12], [sflag:$0x1] =	stream.indirect.gather [hbm4b:s4+s11], $0x80, s19, s11, $0xb8;
	[tilespmem:$0x1F800] =	vst v63  }
0x169: {  	_ =	swait.ge [sflag:s14], $0x4000  }
0x16a: {  	[sflag:s14] =	ssyncset.done $0x0  }
.Ltmp3:
0x16b: {  	s19 =	sadd.s32 $0x1480, s18;
	[sflag:s14] =	ssyncadd.s32 $0xFFFFC000;
	(pc) =	sbr.rel @p0 .LBB2_8-.Ltmp3, $4  }
0x16c: {  	[spmem:s1] =	stream.indirect.scatter.add.f32 [tilespmem:s13], [sflag:$0x3], $0x80, s19, s11, $0xb8;
	[tilespmem:$0x1F800] =	vst v63  }
0x16d: {  	_ =	swait.ge [sflag:s6], $0x4000  }
0x16e: {  	[sflag:s6] =	ssyncset.done $0x0  }
0x16f: {  	s18 =	sadd.s32 $0x180, s18;
	[sflag:s6] =	ssyncadd.s32 $0xFFFFC000  }
0x170: {  	[tilespmem:s13], [sflag:$0x2] =	stream.indirect.gather [hbm4b:s4+s11], $0x80, s18, s11, $0xb8;
	[tilespmem:$0x1F800] =	vst v63  }
0x171: {  	_ =	swait.ge [sflag:s10], $0x4000  }
0x172: {  	[sflag:s10] =	ssyncset.done $0x0  }
0x173: {  	s17 =	simm.s32 $0x2700;
	[sflag:s10] =	ssyncadd.s32 $0xFFFFC000  }
0x174: {  	[spmem:s1] =	stream.indirect.scatter.add.f32 [tilespmem:s12], [sflag:$0x3], $0x80, s17, s11, $0xb8;
	[tilespmem:$0x1F800] =	vst v63  }
0x175: {  	_ =	swait.ge [sflag:s6], $0x4000  }
0x176: {  	[sflag:s6] =	ssyncset.done $0x0  }
0x177: {  	[sflag:s6] =	ssyncadd.s32 $0xFFFFC000  }
0x178: {  	_ =	swait.ge [sflag:s14], $0x4000  }
0x179: {  	[sflag:s14] =	ssyncset.done $0x0  }
0x17a: {  	s19 =	simm.s32 $0x2780;
	[sflag:s14] =	ssyncadd.s32 $0xFFFFC000  }
0x17b: {  	[spmem:s1] =	stream.indirect.scatter.add.f32 [tilespmem:s13], [sflag:$0x3], $0x80, s19, s11, $0xb8;
	[tilespmem:$0x1F800] =	vst v63  }
0x17c: {  	_ =	swait.ge [sflag:s6], $0x4000  }
0x17d: {  	[sflag:s6] =	ssyncset.done $0x0  }
0x17e: {  	[sflag:s6] =	ssyncadd.s32 $0xFFFFC000  }
0x17f: {  	[bflag:$0x0] =	sbarrier.arrive $0xFFFF  }
0x180: {  	s18 =	rddreg [dreg:$0x9]  }
0x181: {  	[hbm:s18], [sflag:s8] =	dma.local [spmem:s16], $0x2800  }
0x182: {  	_ =	swait.ge [sflag:s6], $0x2800  }
0x183: {  	[sflag:s6] =	ssyncset.done $0x0  }
0x184: {  	s17 =	simm.s32 $0x0;
	s19 =	rddreg [dreg:$0xa];
	[sflag:s6] =	ssyncadd.s32 $0xFFFFD800  }
0x185: {  	[tilespmem:s17], [sflag:$0x3] =	stream.linear.gather [hbm4b:s19+s17], $0x1400, $0x38;
	[tilespmem:$0x1F800] =	vst v63  }
0x186: {  	_ =	swait.ge [sflag:s6], $0x1400  }
0x187: {  	[sflag:s6] =	ssyncset.done $0x0  }
0x188: {  	s19 =	simm.s32 $0x1400;
	s18 =	rddreg [dreg:$0xb];
	[sflag:s6] =	ssyncadd.s32 $0xFFFFEC00  }
0x189: {  	[tilespmem:s19], [sflag:$0x3] =	stream.linear.gather [hbm4b:s18+s17], $0x1400, $0x38;
	[tilespmem:$0x1F800] =	vst v63  }
0x18a: {  	_ =	swait.ge [sflag:s6], $0x1400  }
0x18b: {  	[sflag:s6] =	ssyncset.done $0x0  }
0x18c: {  	s17 =	simm.s32 $0x0;
	s18 =	simm.s32 $0x200;
	[sflag:s6] =	ssyncadd.s32 $0xFFFFEC00  }
.LBB2_10:
0x18d: {  	p0 =	sne.s32 s18, $0x3E00;
	[tilespmem:s17+$0xA870] =	vst v0  }
0x18e: {  	[tilespmem:s17+$0xA800] =	vst v0  }
0x18f: {  	[tilespmem:s17+$0xA810] =	vst v0  }
.Ltmp4:
0x190: {  	[tilespmem:s17+$0xA820] =	vst v0;
	(pc) =	sbr.rel @p0 .LBB2_10-.Ltmp4, $4  }
0x191: {  	[tilespmem:s17+$0xA830] =	vst v0  }
0x192: {  	[tilespmem:s17+$0xA840] =	vst v0  }
0x193: {  	[tilespmem:s17+$0xA850] =	vst v0  }
0x194: {  	[tilespmem:s17+$0xA860] =	vst v0;
	s17 =	sshra.s32 s18, $0x2;
	s18 =	sadd.s32 $0x200, s18  }
0x195: {  	[tilespmem:s17+$0xA870] =	vst v0  }
0x196: {  	[tilespmem:s17+$0xA800] =	vst v0  }
0x197: {  	[tilespmem:s17+$0xA810] =	vst v0  }
0x198: {  	[tilespmem:s17+$0xA820] =	vst v0  }
0x199: {  	[tilespmem:s17+$0xA830] =	vst v0  }
0x19a: {  	[tilespmem:s17+$0xA840] =	vst v0  }
0x19b: {  	[tilespmem:s17+$0xA850] =	vst v0  }
0x19c: {  	[tilespmem:s17+$0xA860] =	vst v0  }
0x19d: {  	[spmem:s7] =	stream.linear.scatter [tilespmem:s9], [sflag:$0x1], $0x1000, $0x38;
	[tilespmem:$0x1F800] =	vst v63  }
0x19e: {  	s18 =	rddreg [dreg:$0xe]  }
0x19f: {  	[spmem:s18] =	stream.linear.scatter [tilespmem:s9], [sflag:$0x1], $0x1000, $0x38;
	[tilespmem:$0x1F800] =	vst v63  }
0x1a0: {  	s19 =	rddreg [dreg:$0xf]  }
0x1a1: {  	[spmem:s19] =	stream.linear.scatter [tilespmem:s9], [sflag:$0x1], $0x1000, $0x38;
	[tilespmem:$0x1F800] =	vst v63  }
0x1a2: {  	s18 =	rddreg [dreg:$0x10]  }
0x1a3: {  	[spmem:s18] =	stream.linear.scatter [tilespmem:s9], [sflag:$0x1], $0x1000, $0x38;
	[tilespmem:$0x1F800] =	vst v63  }
0x1a4: {  	s19 =	rddreg [dreg:$0x11]  }
0x1a5: {  	[spmem:s19] =	stream.linear.scatter [tilespmem:s9], [sflag:$0x1], $0x1000, $0x38;
	[tilespmem:$0x1F800] =	vst v63  }
0x1a6: {  	_ = 	snop  }
0x1a7: {  	[spmem:s20] =	stream.linear.scatter [tilespmem:s9], [sflag:$0x1], $0x1000, $0x38;
	[tilespmem:$0x1F800] =	vst v63  }
0x1a8: {  	_ = 	snop  }
0x1a9: {  	[spmem:s21] =	stream.linear.scatter [tilespmem:s9], [sflag:$0x1], $0x1000, $0x38;
	[tilespmem:$0x1F800] =	vst v63  }
0x1aa: {  	_ = 	snop  }
0x1ab: {  	[spmem:s22] =	stream.linear.scatter [tilespmem:s9], [sflag:$0x1], $0x1000, $0x38;
	[tilespmem:$0x1F800] =	vst v63  }
0x1ac: {  	_ = 	snop  }
0x1ad: {  	[spmem:s23] =	stream.linear.scatter [tilespmem:s9], [sflag:$0x1], $0x1000, $0x38;
	[tilespmem:$0x1F800] =	vst v63  }
0x1ae: {  	_ = 	snop  }
0x1af: {  	[spmem:s24] =	stream.linear.scatter [tilespmem:s9], [sflag:$0x1], $0x1000, $0x38;
	[tilespmem:$0x1F800] =	vst v63  }
0x1b0: {  	_ = 	snop  }
0x1b1: {  	[spmem:s25] =	stream.linear.scatter [tilespmem:s9], [sflag:$0x1], $0x1000, $0x38;
	[tilespmem:$0x1F800] =	vst v63  }
0x1b2: {  	_ = 	snop  }
0x1b3: {  	[spmem:s26] =	stream.linear.scatter [tilespmem:s9], [sflag:$0x1], $0x1000, $0x38;
	[tilespmem:$0x1F800] =	vst v63  }
0x1b4: {  	_ = 	snop  }
0x1b5: {  	[spmem:s28] =	stream.linear.scatter [tilespmem:s9], [sflag:$0x1], $0x1000, $0x38;
	[tilespmem:$0x1F800] =	vst v63  }
0x1b6: {  	_ = 	snop  }
0x1b7: {  	[spmem:s29] =	stream.linear.scatter [tilespmem:s9], [sflag:$0x1], $0x1000, $0x38;
	[tilespmem:$0x1F800] =	vst v63  }
0x1b8: {  	_ = 	snop  }
0x1b9: {  	[spmem:s30] =	stream.linear.scatter [tilespmem:s9], [sflag:$0x1], $0x1000, $0x38;
	[tilespmem:$0x1F800] =	vst v63  }
0x1ba: {  	_ = 	snop  }
0x1bb: {  	[spmem:s31] =	stream.linear.scatter [tilespmem:s9], [sflag:$0x1], $0x1000, $0x38;
	[tilespmem:$0x1F800] =	vst v63  }
0x1bc: {  	_ = 	snop  }
0x1bd: {  	[spmem:s0] =	stream.linear.scatter [tilespmem:s9], [sflag:$0x1], $0x1000, $0x38;
	[tilespmem:$0x1F800] =	vst v63  }
0x1be: {  	_ = 	snop  }
0x1bf: {  	[spmem:s2] =	stream.linear.scatter [tilespmem:s9], [sflag:$0x1], $0x1000, $0x38;
	[tilespmem:$0x1F800] =	vst v63  }
0x1c0: {  	_ = 	snop  }
0x1c1: {  	[spmem:s3] =	stream.linear.scatter [tilespmem:s9], [sflag:$0x1], $0x1000, $0x38;
	[tilespmem:$0x1F800] =	vst v63  }
0x1c2: {  	_ = 	snop  }
0x1c3: {  	[spmem:s5] =	stream.linear.scatter [tilespmem:s9], [sflag:$0x1], $0x1000, $0x38;
	[tilespmem:$0x1F800] =	vst v63  }
0x1c4: {  	_ =	swait.ge [sflag:s10], $0x1000  }
0x1c5: {  	[sflag:s10] =	ssyncset.done $0x0  }
0x1c6: {  	[sflag:s10] =	ssyncadd.s32 $0xFFFFF000  }
0x1c7: {  	_ =	swait.ge [sflag:s10], $0x1000  }
0x1c8: {  	[sflag:s10] =	ssyncset.done $0x0  }
0x1c9: {  	[sflag:s10] =	ssyncadd.s32 $0xFFFFF000  }
0x1ca: {  	_ =	swait.ge [sflag:s10], $0x1000  }
0x1cb: {  	[sflag:s10] =	ssyncset.done $0x0  }
0x1cc: {  	[sflag:s10] =	ssyncadd.s32 $0xFFFFF000  }
0x1cd: {  	_ =	swait.ge [sflag:s10], $0x1000  }
0x1ce: {  	[sflag:s10] =	ssyncset.done $0x0  }
0x1cf: {  	[sflag:s10] =	ssyncadd.s32 $0xFFFFF000  }
0x1d0: {  	_ =	swait.ge [sflag:s10], $0x1000  }
0x1d1: {  	[sflag:s10] =	ssyncset.done $0x0  }
0x1d2: {  	[sflag:s10] =	ssyncadd.s32 $0xFFFFF000  }
0x1d3: {  	_ =	swait.ge [sflag:s10], $0x1000  }
0x1d4: {  	[sflag:s10] =	ssyncset.done $0x0  }
0x1d5: {  	[sflag:s10] =	ssyncadd.s32 $0xFFFFF000  }
0x1d6: {  	_ =	swait.ge [sflag:s10], $0x1000  }
0x1d7: {  	[sflag:s10] =	ssyncset.done $0x0  }
0x1d8: {  	[sflag:s10] =	ssyncadd.s32 $0xFFFFF000  }
0x1d9: {  	_ =	swait.ge [sflag:s10], $0x1000  }
0x1da: {  	[sflag:s10] =	ssyncset.done $0x0  }
0x1db: {  	[sflag:s10] =	ssyncadd.s32 $0xFFFFF000  }
0x1dc: {  	_ =	swait.ge [sflag:s10], $0x1000  }
0x1dd: {  	[sflag:s10] =	ssyncset.done $0x0  }
0x1de: {  	[sflag:s10] =	ssyncadd.s32 $0xFFFFF000  }
0x1df: {  	_ =	swait.ge [sflag:s10], $0x1000  }
0x1e0: {  	[sflag:s10] =	ssyncset.done $0x0  }
0x1e1: {  	[sflag:s10] =	ssyncadd.s32 $0xFFFFF000  }
0x1e2: {  	_ =	swait.ge [sflag:s10], $0x1000  }
0x1e3: {  	[sflag:s10] =	ssyncset.done $0x0  }
0x1e4: {  	[sflag:s10] =	ssyncadd.s32 $0xFFFFF000  }
0x1e5: {  	_ =	swait.ge [sflag:s10], $0x1000  }
0x1e6: {  	[sflag:s10] =	ssyncset.done $0x0  }
0x1e7: {  	[sflag:s10] =	ssyncadd.s32 $0xFFFFF000  }
0x1e8: {  	_ =	swait.ge [sflag:s10], $0x1000  }
0x1e9: {  	[sflag:s10] =	ssyncset.done $0x0  }
0x1ea: {  	[sflag:s10] =	ssyncadd.s32 $0xFFFFF000  }
0x1eb: {  	_ =	swait.ge [sflag:s10], $0x1000  }
0x1ec: {  	[sflag:s10] =	ssyncset.done $0x0  }
0x1ed: {  	[sflag:s10] =	ssyncadd.s32 $0xFFFFF000  }
0x1ee: {  	_ =	swait.ge [sflag:s10], $0x1000  }
0x1ef: {  	[sflag:s10] =	ssyncset.done $0x0  }
0x1f0: {  	[sflag:s10] =	ssyncadd.s32 $0xFFFFF000  }
0x1f1: {  	_ =	swait.ge [sflag:s10], $0x1000  }
0x1f2: {  	[sflag:s10] =	ssyncset.done $0x0  }
0x1f3: {  	[sflag:s10] =	ssyncadd.s32 $0xFFFFF000  }
0x1f4: {  	_ =	swait.ge [sflag:s10], $0x1000  }
0x1f5: {  	[sflag:s10] =	ssyncset.done $0x0  }
0x1f6: {  	[sflag:s10] =	ssyncadd.s32 $0xFFFFF000  }
0x1f7: {  	_ =	swait.ge [sflag:s10], $0x1000  }
0x1f8: {  	[sflag:s10] =	ssyncset.done $0x0  }
0x1f9: {  	[sflag:s10] =	ssyncadd.s32 $0xFFFFF000  }
0x1fa: {  	_ =	swait.ge [sflag:s10], $0x1000  }
0x1fb: {  	[sflag:s10] =	ssyncset.done $0x0  }
0x1fc: {  	[sflag:s10] =	ssyncadd.s32 $0xFFFFF000  }
0x1fd: {  	_ =	swait.ge [sflag:s10], $0x1000  }
0x1fe: {  	[sflag:s10] =	ssyncset.done $0x0  }
0x1ff: {  	s18 =	simm.s32 $0x0;
	[sflag:s10] =	ssyncadd.s32 $0xFFFFF000  }
0x200: {  	[tilespmem:s12], [sflag:$0x1] =	stream.indirect.gather [hbm4b:s4+s11], $0x80, s18, s11, $0xb8;
	[tilespmem:$0x1F800] =	vst v63  }
0x201: {  	_ = 	snop  }
0x202: {  	[tilespmem:s13], [sflag:$0x2] =	stream.indirect.gather [hbm4b:s4+s11], $0x80, s11, s11, $0xb8;
	[tilespmem:$0x1F800] =	vst v63  }
0x203: {  	[bflag:$0x0] =	sbarrier.arrive $0xFFFF  }
0x204: {  	_ =	swait.ge [sflag:s10], $0x4000  }
0x205: {  	[sflag:s10] =	ssyncset.done $0x0  }
0x206: {  	s19 =	simm.s32 $0x1400;
	[sflag:s10] =	ssyncadd.s32 $0xFFFFC000  }
0x207: {  	[spmem:s1] =	stream.indirect.scatter.add.f32 [tilespmem:s12], [sflag:$0x3], $0x80, s19, s11, $0xb8;
	[tilespmem:$0x1F800] =	vst v63  }
0x208: {  	_ =	swait.ge [sflag:s6], $0x4000  }
0x209: {  	[sflag:s6] =	ssyncset.done $0x0  }
0x20a: {  	s18 =	simm.s32 $0x100;
	[sflag:s6] =	ssyncadd.s32 $0xFFFFC000  }
0x20b: {  	[tilespmem:s12], [sflag:$0x1] =	stream.indirect.gather [hbm4b:s4+s11], $0x80, s18, s11, $0xb8;
	[tilespmem:$0x1F800] =	vst v63  }
0x20c: {  	_ =	swait.ge [sflag:s14], $0x4000  }
0x20d: {  	[sflag:s14] =	ssyncset.done $0x0  }
0x20e: {  	s19 =	simm.s32 $0x1480;
	[sflag:s14] =	ssyncadd.s32 $0xFFFFC000  }
0x20f: {  	[spmem:s1] =	stream.indirect.scatter.add.f32 [tilespmem:s13], [sflag:$0x3], $0x80, s19, s11, $0xb8;
	[tilespmem:$0x1F800] =	vst v63  }
0x210: {  	_ =	swait.ge [sflag:s6], $0x4000  }
0x211: {  	[sflag:s6] =	ssyncset.done $0x0  }
0x212: {  	s17 =	simm.s32 $0x400;
	s18 =	simm.s32 $0x180;
	[sflag:s6] =	ssyncadd.s32 $0xFFFFC000  }
.LBB2_12:
0x213: {  	[tilespmem:s13], [sflag:$0x2] =	stream.indirect.gather [hbm4b:s4+s11], $0x80, s18, s11, $0xb8;
	[tilespmem:$0x1F800] =	vst v63  }
0x214: {  	s18 =	smov.u32 s17  }
0x215: {  	p0 =	sne.s32 s17, $0x4800;
	s17 =	sadd.s32 $0x400, s17;
	_ =	swait.ge [sflag:s10], $0x4000  }
0x216: {  	s18 =	sshra.s32 s18, $0x2;
	[sflag:s10] =	ssyncset.done $0x0  }
0x217: {  	s19 =	sadd.s32 $0x1400, s18;
	[sflag:s10] =	ssyncadd.s32 $0xFFFFC000  }
0x218: {  	[spmem:s1] =	stream.indirect.scatter.add.f32 [tilespmem:s12], [sflag:$0x3], $0x80, s19, s11, $0xb8;
	[tilespmem:$0x1F800] =	vst v63  }
0x219: {  	_ =	swait.ge [sflag:s6], $0x4000  }
0x21a: {  	[sflag:s6] =	ssyncset.done $0x0  }
0x21b: {  	s19 =	sadd.s32 $0x100, s18;
	[sflag:s6] =	ssyncadd.s32 $0xFFFFC000  }
0x21c: {  	[tilespmem:s12], [sflag:$0x1] =	stream.indirect.gather [hbm4b:s4+s11], $0x80, s19, s11, $0xb8;
	[tilespmem:$0x1F800] =	vst v63  }
0x21d: {  	_ =	swait.ge [sflag:s14], $0x4000  }
0x21e: {  	[sflag:s14] =	ssyncset.done $0x0  }
.Ltmp5:
0x21f: {  	s19 =	sadd.s32 $0x1480, s18;
	[sflag:s14] =	ssyncadd.s32 $0xFFFFC000;
	(pc) =	sbr.rel @p0 .LBB2_12-.Ltmp5, $4  }
0x220: {  	[spmem:s1] =	stream.indirect.scatter.add.f32 [tilespmem:s13], [sflag:$0x3], $0x80, s19, s11, $0xb8;
	[tilespmem:$0x1F800] =	vst v63  }
0x221: {  	_ =	swait.ge [sflag:s6], $0x4000  }
0x222: {  	[sflag:s6] =	ssyncset.done $0x0  }
0x223: {  	s18 =	sadd.s32 $0x180, s18;
	[sflag:s6] =	ssyncadd.s32 $0xFFFFC000  }
0x224: {  	[tilespmem:s13], [sflag:$0x2] =	stream.indirect.gather [hbm4b:s4+s11], $0x80, s18, s11, $0xb8;
	[tilespmem:$0x1F800] =	vst v63  }
0x225: {  	_ =	swait.ge [sflag:s10], $0x4000  }
0x226: {  	[sflag:s10] =	ssyncset.done $0x0  }
0x227: {  	s17 =	simm.s32 $0x2700;
	[sflag:s10] =	ssyncadd.s32 $0xFFFFC000  }
0x228: {  	[spmem:s1] =	stream.indirect.scatter.add.f32 [tilespmem:s12], [sflag:$0x3], $0x80, s17, s11, $0xb8;
	[tilespmem:$0x1F800] =	vst v63  }
0x229: {  	_ =	swait.ge [sflag:s6], $0x4000  }
0x22a: {  	[sflag:s6] =	ssyncset.done $0x0  }
0x22b: {  	[sflag:s6] =	ssyncadd.s32 $0xFFFFC000  }
0x22c: {  	_ =	swait.ge [sflag:s14], $0x4000  }
0x22d: {  	[sflag:s14] =	ssyncset.done $0x0  }
0x22e: {  	s19 =	simm.s32 $0x2780;
	[sflag:s14] =	ssyncadd.s32 $0xFFFFC000  }
0x22f: {  	[spmem:s1] =	stream.indirect.scatter.add.f32 [tilespmem:s13], [sflag:$0x3], $0x80, s19, s11, $0xb8;
	[tilespmem:$0x1F800] =	vst v63  }
0x230: {  	_ =	swait.ge [sflag:s6], $0x4000  }
0x231: {  	[sflag:s6] =	ssyncset.done $0x0  }
0x232: {  	[sflag:s6] =	ssyncadd.s32 $0xFFFFC000  }
0x233: {  	[bflag:$0x0] =	sbarrier.arrive $0xFFFF  }
0x234: {  	s18 =	rddreg [dreg:$0xc]  }
0x235: {  	[hbm:s18], [sflag:s8] =	dma.local [spmem:s16], $0x2800  }
0x236: {  	_ =	swait.ge [sflag:s6], $0x2800  }
0x237: {  	s15 =	sadd.s32 $0x1, s15;
	s19 =	rddreg [dreg:$0xd]  }
0x238: {  	p0 =	sne.s32 s15, s19  }
.Ltmp6:
0x239: {  	_ = 	snop;
	(pc) =	sbr.rel @p0 .LBB2_1-.Ltmp6, $3  }
0x23a: {  	_ =	sdelay $0x1  }
0x23b: {  	[sflag:s6] =	ssyncset.done $0x0  }
0x23c: {  	[sflag:s6] =	ssyncadd.s32 $0xFFFFD800  }
0x23d: {  	_ =	sfence.sel $0x180000  }
0x23e: {  	[bflag:$0x0] =	sbarrier.arrive $0xFFFF  }
0x23f: {  	_ =	strace $0x9000004D  }
0x240: {  	s0 =	stileid.u32;
	[bflag:$0x2] =	sbarrier.arrive $0xFFFF  }
0x241: {  	p0 =	sne.s32 s0, $0x0;
	s0 =	rddreg [dreg:$0x3]  }
0x242: {  	s0 =	sadd.s32 @!p0 $0x100000, s0  }
0x243: {  	[sflag:s0] =	ssyncadd.tile.s32 @!p0 $0x1;
	_ =	shalt  }
.Lfunc_end2:
_tile_overlayer_lowered:
.L_overlay_start_2:
0x244: {  	(tag) =	ssettag $0x2  }
0x245: {  	s0 =	rddreg [dreg:$0x0];
	s2 =	stileid.u32  }
0x246: {  	s1 =	rddreg [dreg:$0x1];
	p0 =	sne.s32 s2, $0x0  }
0x247: {  	s3 =	rddreg [dreg:$0x2];
	[bflag:$0x3] =	sbarrier.arrive $0xFFFF;
	s2 =	simm.s32 @!p0 $0x1C03  }
0x248: {  	[timem:s3], [sflag:s2] =	dma.local @!p0 [hbm:s0], s1  }
0x249: {  	s0 =	simm.s32 @!p0 $0x3  }
0x24a: {  	_ =	swait.ge @!p0 [sflag:s0], s1  }
0x24b: {  	s1 =	ssub.s32 @!p0 $0x0, s1;
	[sflag:s0] =	ssyncset.done @!p0 $0x0  }
0x24c: {  	[sflag:s0] =	ssyncadd.s32 @!p0 s1  }
0x24d: {  	[bflag:$0x3] =	sbarrier.arrive $0xFFFF  }
0x24e: {  	_ =	shalt  }

// kernel: kernel.8.cloned.1.call-start
scs
__scs_entry_jumppad:
0x0: {  	(pc) =	sbr.rel $0x88, $3  }
0x1: {  	(tag) =	ssettag $0x0;
	lr =	simm.s32 $0x1  }
0x2: {  	[smem:$0x3F89] =	sst lr;
	_ =	strace $0xD0000000  }
0x3: {  	_ = 	snop  }
0x4: {  	_ = 	snop  }
0x5: {  	_ = 	snop  }
0x6: {  	_ = 	snop  }
0x7: {  	_ = 	snop  }
__scs_overlays_trampoline_lowered:
0x8: {  	[smem:$0x3F98] =	sst s0  }
0x9: {  	[smem:$0x3F99] =	sst s1  }
0xa: {  	[smem:$0x3F9A] =	sst s2  }
0xb: {  	[smem:$0x3F9B] =	sst s3  }
0xc: {  	[smem:$0x3F9C] =	sst s4  }
0xd: {  	[smem:$0x3F9D] =	sst s5  }
0xe: {  	[smem:$0x3F9E] =	sst s6  }
0xf: {  	[smem:$0x3F9F] =	sst s7  }
0x10: {  	[smem:$0x3FA0] =	sst s8  }
0x11: {  	[smem:$0x3FA1] =	sst s9;
	s0 =	simm.s32 @!p0 $0x0  }
0x12: {  	s1 =	sld [smem:$0x3F87];
	s0 =	simm.s32 @p0 $0x1  }
0x13: {  	[smem:$0x3FA2] =	sst s0;
	s0 =	simm.s32 @!p1 $0x0  }
0x14: {  	s2 =	sld [smem:$0x3F86];
	s0 =	simm.s32 @p1 $0x1  }
0x15: {  	[smem:$0x3FA3] =	sst s0;
	s0 =	simm.s32 @!p2 $0x0  }
0x16: {  	s3 =	sld [smem:$0x3FDB];
	s0 =	simm.s32 @p2 $0x1  }
0x17: {  	s4 =	simm.s32 $0x1BF5;
	[smem:$0x3FA5] =	sst s0  }
0x18: {  	s0 =	sld [smem:$0x3F88];
	_ =	swait.ge [sflag:s4], $0x0  }
0x19: {  	s7 =	sld [smem:$0x3F89]  }
0x1a: {  	s8 =	sadd.s32 $0xFFFFE003, lr  }
0x1b: {  	s9 =	sadd.s32 $0xFFFFFEF7, lr;
	s5 =	simm.s32 $0xFFFFFFFF;
	p2 =	slt.u32 s8, $0xFFFFF086  }
0x1c: {  	p1 =	slt.u32 s9, $0xF7A;
	s5 =	simm.s32 @!p2 $0x0  }
0x1d: {  	s5 =	simm.s32 @p1 $0x1;
	p0 =	seq.s32 s7, s2  }
0x1e: {  	s7 =	smul.u32 @!p0 $0xF7A, s2;
	p2 =	seq.s32 @!p0 s5, $0x0  }
0x1f: {  	s9 =	smul.u32 $0xF7A, s1;
	s8 =	simm.s32 @!p0 $0x1BF5;
	p2 =	por !p2, p0  }
0x20: {  	[sflag:s8] =	ssyncset.s32 @!p0 $0xFFFFF086;
	s6 =	sadd.s32 @!p0 s3, s7;
	s7 =	simm.s32 @!p0 $0x108  }
0x21: {  	s3 =	sadd.s32 s3, s9;
	s6 =	sadd.s32 @!p0 $0x88, s6;
	s7 =	simm.s32 @p2 $0x1082  }
0x22: {  	[simem:s7], [sflag:s8] =	dma.local @!p0 [hbm:s6], $0xF7A  }
0x23: {  	s9 =	sor.u32 $0xD0000000, s2;
	s6 =	simm.s32 $0x108;
	_ =	swait.ge @!p0 [sflag:s8], $0x0  }
0x24: {  	s3 =	sadd.s32 $0x88, s3;
	s6 =	simm.s32 @!p1 $0x1082;
	[sflag:s4] =	ssyncset.s32 $0xFFFFF086  }
0x25: {  	[simem:s6], [sflag:s4] =	dma.local [hbm:s3], $0xF7A  }
0x26: {  	[smem:$0x3F89] =	sst s1;
	(tag) =	ssettag s2;
	_ =	strace s9  }
0x27: {  	s1 =	sld [smem:$0x3F99]  }
0x28: {  	s2 =	sld [smem:$0x3F9A]  }
0x29: {  	s4 =	sld [smem:$0x3F9C]  }
0x2a: {  	p0 =	seq.s32 s5, $0x0;
	s5 =	sld [smem:$0x3F9D]  }
0x2b: {  	s6 =	sld [smem:$0x3F9E]  }
0x2c: {  	s7 =	sld [smem:$0x3F9F]  }
0x2d: {  	s3 =	simm.s32 $0x108;
	s8 =	sld [smem:$0x3FA0]  }
0x2e: {  	s3 =	simm.s32 @!p0 $0x1082;
	s9 =	sld [smem:$0x3FA1]  }
0x2f: {  	lr =	sadd.s32 s0, s3;
	s0 =	sld [smem:$0x3F98]  }
0x30: {  	s3 =	sld [smem:$0x3F9B]  }
0x31: {  	[smem:$0x3FA4] =	sst s10  }
0x32: {  	s10 =	sld [smem:$0x3FA2];
	_ =	sdelay $0x3  }
0x33: {  	p0 =	seq.s32 s10, $0x1;
	s10 =	sld [smem:$0x3FA4];
	_ =	sdelay $0x3  }
0x34: {  	[smem:$0x3FA4] =	sst s10  }
0x35: {  	s10 =	sld [smem:$0x3FA3];
	_ =	sdelay $0x3  }
0x36: {  	p1 =	seq.s32 s10, $0x1;
	s10 =	sld [smem:$0x3FA4];
	_ =	sdelay $0x3  }
0x37: {  	[smem:$0x3FA4] =	sst s10  }
0x38: {  	s10 =	sld [smem:$0x3FA5]  }
0x39: {  	_ = 	snop;
	(pc) =	sbr.ind lr, $3  }
0x3a: {  	_ = 	snop  }
0x3b: {  	_ = 	snop  }
0x3c: {  	p2 =	seq.s32 s10, $0x1;
	s10 =	sld [smem:$0x3FA4]  }
0x3d: {  	_ =	shalt  }
0x3e: {  	_ =	shalt  }
0x3f: {  	_ =	shalt  }
0x40: {  	_ =	shalt  }
0x41: {  	_ =	shalt  }
0x42: {  	_ =	shalt  }
0x43: {  	_ =	shalt  }
0x44: {  	_ =	shalt  }
0x45: {  	_ =	shalt  }
0x46: {  	_ =	shalt  }
0x47: {  	_ =	shalt  }
0x48: {  	_ =	shalt  }
0x49: {  	_ =	shalt  }
0x4a: {  	_ =	shalt  }
0x4b: {  	_ =	shalt  }
0x4c: {  	_ =	shalt  }
0x4d: {  	_ =	shalt  }
0x4e: {  	_ =	shalt  }
0x4f: {  	_ =	shalt  }
0x50: {  	_ =	shalt  }
0x51: {  	_ =	shalt  }
0x52: {  	_ =	shalt  }
0x53: {  	_ =	shalt  }
0x54: {  	_ =	shalt  }
0x55: {  	_ =	shalt  }
0x56: {  	_ =	shalt  }
0x57: {  	_ =	shalt  }
0x58: {  	_ =	shalt  }
0x59: {  	_ =	shalt  }
0x5a: {  	_ =	shalt  }
0x5b: {  	_ =	shalt  }
0x5c: {  	_ =	shalt  }
0x5d: {  	_ =	shalt  }
0x5e: {  	_ =	shalt  }
0x5f: {  	_ =	shalt  }
0x60: {  	_ =	shalt  }
0x61: {  	_ =	shalt  }
0x62: {  	_ =	shalt  }
0x63: {  	_ =	shalt  }
0x64: {  	_ =	shalt  }
0x65: {  	_ =	shalt  }
0x66: {  	_ =	shalt  }
0x67: {  	_ =	shalt  }
0x68: {  	_ =	shalt  }
0x69: {  	_ =	shalt  }
0x6a: {  	_ =	shalt  }
0x6b: {  	_ =	shalt  }
0x6c: {  	_ =	shalt  }
0x6d: {  	_ =	shalt  }
0x6e: {  	_ =	shalt  }
0x6f: {  	_ =	shalt  }
0x70: {  	_ =	shalt  }
0x71: {  	_ =	shalt  }
0x72: {  	_ =	shalt  }
0x73: {  	_ =	shalt  }
0x74: {  	_ =	shalt  }
0x75: {  	_ =	shalt  }
0x76: {  	_ =	shalt  }
0x77: {  	_ =	shalt  }
0x78: {  	_ =	shalt  }
0x79: {  	_ =	shalt  }
0x7a: {  	_ =	shalt  }
0x7b: {  	_ =	shalt  }
0x7c: {  	_ =	shalt  }
0x7d: {  	_ =	shalt  }
0x7e: {  	_ =	shalt  }
0x7f: {  	_ =	shalt  }
0x80: {  	_ =	shalt  }
0x81: {  	_ =	shalt  }
0x82: {  	_ =	shalt  }
0x83: {  	_ =	shalt  }
0x84: {  	_ =	shalt  }
0x85: {  	_ =	shalt  }
0x86: {  	_ =	shalt  }
0x87: {  	_ =	shalt  }
.Lfunc_end0:
.L_simem_size_0:
called_computation_lowered:
.L_overlay_start_0:
0x88: {  	s2 =	sld [smem:$0x3FD9]  }
0x89: {  	s3 =	sld [smem:$0x3FFE];
	_ =	sdelay $0x1  }
0x8a: {  	s1 =	srdreg.scid  }
0x8b: {  	s0 =	sand.u32 $0x1, s1  }
0x8c: {  	s17 =	sshll.u32 s0, $0xA;
	s2 =	sadd.s32 s3, s2  }
0x8d: {  	s2 =	sadd.s32 s2, s17  }
0x8e: {  	[smem:$0x3FB0] =	sst s2  }
0x8f: {  	_ = 	snop  }
0x90: {  	s2 =	sld [smem:$0x3FC9]  }
0x91: {  	s18 =	sld [smem:$0x3FD0];
	(tm) =	ssettm $0x1  }
0x92: {  	s4 =	sld [smem:$0x3FFB];
	_ =	sdelay $0x3  }
0x93: {  	_ =	strace s4  }
0x94: {  	s4 =	sld [smem:$0x3FFC];
	_ =	sdelay $0x3  }
0x95: {  	_ =	strace s4  }
0x96: {  	s4 =	sld [smem:$0x3FFD];
	_ =	sdelay $0x3  }
0x97: {  	_ =	strace s4  }
0x98: {  	_ =	strace $0x8FFFFFFF  }
0x99: {  	s19 =	sld [smem:$0x3FDB];
	_ =	sdelay $0x1  }
0x9a: {  	s5 =	simm.s32 $_scs_section_size  }
0x9b: {  	s6 =	simm.s32 $_size__tile_overlayer_lowered;
	s7 =	simm.s32 $_tile_overlayer_lowered  }
0x9c: {  	s22 =	simm.s32 $0x1BFF;
	s21 =	sshll.u32 s7, $0x1;
	s4 =	sadd.s32 s5, s19  }
0x9d: {  	s8 =	simm.s32 $0x0;
	s20 =	sshll.u32 s6, $0x1;
	s6 =	sadd.s32 s21, s4  }
0x9e: {  	[timem:s8], [sflag:s22] =	dma.local [hbm:s6], s20  }
0x9f: {  	_ =	swait.ge [sflag:s22], s20  }
0xa0: {  	s5 =	ssub.s32 $0x0, s20;
	[sflag:s22] =	ssyncset.done $0x0  }
0xa1: {  	[sflag:s22] =	ssyncadd.s32 s5;
	_ =	sdelay $0x1  }
0xa2: {  	s23 =	simm.s32 $0x1B8B  }
0xa3: {  	_ =	swait.ge [sflag:s23], $0x1  }
0xa4: {  	[sflag:s23] =	ssyncset.done $0x0  }
0xa5: {  	s25 =	simm.s32 $0x1B8E;
	s24 =	sld [smem:$0x3FFE];
	[sflag:s23] =	ssyncadd.s32 $0xFFFFFFFF  }
0xa6: {  	s26 =	simm.s32 $execute0_lowered;
	[smem:$0x3FD2] =	sst s25  }
0xa7: {  	s6 =	sshll.u32 s26, $0x1;
	_ =	strace $0x80000046;
	[dreg:$0x1] =	wrdreg $0xFFFFFFFF  }
0xa8: {  	s28 =	simm.s32 $_size_execute0_lowered;
	s4 =	sadd.s32 s4, s6;
	[dreg:$0x0] =	wrdreg $0x0  }
0xa9: {  	s6 =	sshll.u32 s28, $0x1;
	[dreg:$0x2] =	wrdreg s4  }
0xaa: {  	[dreg:$0x3] =	wrdreg s6  }
0xab: {  	[dreg:$0x4] =	wrdreg $0xC0  }
0xac: {  	_ =	task [dreg:s8], $0x5FFFF  }
0xad: {  	[dreg:$0x1] =	wrdreg $0xFFFFFFFF  }
0xae: {  	[dreg:$0x0] =	wrdreg $0x60  }
0xaf: {  	[dreg:$0x2] =	wrdreg s2  }
0xb0: {  	[dreg:$0x3] =	wrdreg s24  }
0xb1: {  	[dreg:$0x4] =	wrdreg s18  }
0xb2: {  	[dreg:$0x5] =	wrdreg $0xB9000  }
0xb3: {  	[dreg:$0x6] =	wrdreg $0x1F9000  }
0xb4: {  	[dreg:$0x7] =	wrdreg $0x9  }
0xb5: {  	_ =	task.clear_ibuf [dreg:s8], $0x8FFFF;
	_ =	strace $0x90000046  }
0xb6: {  	s29 =	simm.s32 $0x9;
	_ =	strace $0x80000048  }
0xb7: {  	_ =	swait.ge [sflag:s29], $0x1  }
0xb8: {  	[sflag:s29] =	ssyncadd.s32 $0xFFFFFFFF  }
0xb9: {  	_ =	strace $0x90000048  }
0xba: {  	_ =	sfence  }
0xbb: {  	s30 =	sld [smem:$0x0];
	_ =	sdelay $0x2  }
0xbc: {  	s31 =	sshll.u32 s1, $0xD;
	s1 =	sshrl.u32 s1, $0x2  }
0xbd: {  	s3 =	sand.u32 $0x4000, s31;
	s1 =	sadd.s32 s1, s30  }
0xbe: {  	s0 =	sor.u32 s3, s0;
	s1 =	sshll.u32 s1, $0x11  }
0xbf: {  	s0 =	sor.u32 s1, s0  }
0xc0: {  	s0 =	sadd.s32 $0x8F2B, s0  }
0xc1: {  	[sflag:s0] =	ssyncadd.remote.s32 $0x1  }
0xc2: {  	_ =	sfence.sel $0xFFFF  }
0xc3: {  	[dreg:$0x0] =	wrdreg $0xFFFFFFFF;
	(pc) =	sbr.abs _section_cstart, $3  }
0xc4: {  	[dreg:$0x1] =	wrdreg $0xFFFFFFFF  }
0xc5: {  	_ =	task.clear_ibuf [dreg:s8], $0x2FFFF;
	_ =	strace $0x9FFFFFFF  }
0xc6: {  	(tm) =	ssettm $0x7FFFFFFF  }
0xc7: {  	_ =	shalt  }
tec
execute0_lowered:
.L_overlay_start_1:
0x0: {  	(tag) =	ssettag $0x1  }
0x1: {  	s1 =	rddreg [dreg:$0x0]  }
0x2: {  	s5 =	rddreg [dreg:$0x1]  }
0x3: {  	s0 =	srdreg.scid;
	s6 =	rddreg [dreg:$0x2]  }
0x4: {  	s11 =	stileid.u32;
	s3 =	rddreg [dreg:$0x3]  }
0x5: {  	s4 =	rddreg [dreg:$0x4];
	s8 =	smul.u32 $0x14000, s11  }
0x6: {  	s10 =	simm.s32 $0x0;
	s0 =	sand.u32 $0x1, s0;
	s9 =	smul.u32 $0x280, s11  }
0x7: {  	[smem:$0x7FF] =	sst s10;
	s7 =	smul.u32 $0x3C0000, s0  }
0x8: {  	s2 =	sshll.u32 s0, $0x4;
	s17 =	smul.u32 $0x7800, s0;
	s0 =	ssub.s32 $0x2, s0  }
0x9: {  	_ =	strace $0x80000047;
	s2 =	sor.u32 s11, s2;
	s12 =	sshrl.u32 s0, $0x1  }
0xa: {  	s2 =	smul.u32 $0x280, s2;
	s7 =	sadd.s32 s8, s7;
	s0 =	ssub.s32 s0, s12  }
0xb: {  	s8 =	sadd.s32 s9, s17;
	s7 =	sshrl.u32 s7, $0x3;
	s0 =	smax.u32 s0, $0x1  }
0xc: {  	s18 =	sadd.s32 s2, s5;
	s2 =	sadd.s32 s6, s2;
	[dreg:$0x12] =	wrdreg s0  }
0xd: {  	s8 =	sshrl.u32 s8, $0x3;
	s20 =	sadd.s32 $0xC600, s18;
	[dreg:$0xf] =	wrdreg s2  }
0xe: {  	s7 =	sadd.s32 s7, s5;
	s21 =	sadd.s32 $0x7600, s18;
	[dreg:$0x6] =	wrdreg s20  }
0xf: {  	s5 =	sadd.s32 s8, s5;
	s22 =	sadd.s32 $0x1D400, s7;
	[dreg:$0x7] =	wrdreg s21  }
0x10: {  	s23 =	sadd.s32 $0x1B600, s5;
	[dreg:$0x8] =	wrdreg s22  }
0x11: {  	s24 =	sadd.s32 $0x11600, s18;
	[dreg:$0x9] =	wrdreg s23  }
0x12: {  	s25 =	sadd.s32 $0x2600, s18;
	[dreg:$0xa] =	wrdreg s24  }
0x13: {  	s26 =	sadd.s32 $0x45400, s7;
	[dreg:$0xb] =	wrdreg s25  }
0x14: {  	s11 =	smul.u32 $0x50000, s11;
	s31 =	sadd.s32 $0x1BB00, s5;
	[dreg:$0xc] =	wrdreg s26  }
0x15: {  	s10 =	sadd.s32 $0x16600, s18;
	[dreg:$0xd] =	wrdreg s31  }
0x16: {  	s19 =	sshrl.u32 s11, $0x2;
	s11 =	sadd.s32 $0x6D400, s7;
	[dreg:$0xe] =	wrdreg s10  }
0x17: {  	s8 =	sadd.s32 s19, s3;
	s12 =	sadd.s32 $0x1C000, s5;
	[dreg:$0x10] =	wrdreg s11  }
0x18: {  	s13 =	sadd.s32 $0x1000, s8;
	[dreg:$0x11] =	wrdreg s12  }
0x19: {  	s14 =	sadd.s32 $0x2000, s8;
	[dreg:$0x13] =	wrdreg s13  }
0x1a: {  	s15 =	sadd.s32 $0x3000, s8;
	[dreg:$0x14] =	wrdreg s14  }
0x1b: {  	s16 =	sadd.s32 $0x4000, s8;
	[dreg:$0x15] =	wrdreg s15  }
0x1c: {  	s17 =	sadd.s32 $0x5000, s8;
	[dreg:$0x16] =	wrdreg s16  }
0x1d: {  	s28 =	simm.s32 $0x2700;
	s18 =	sadd.s32 $0x6000, s8;
	[dreg:$0x17] =	wrdreg s17  }
0x1e: {  	s29 =	simm.s32 $0x2780;
	s19 =	sadd.s32 $0x7000, s8;
	[dreg:$0x18] =	wrdreg s18  }
0x1f: {  	s30 =	simm.s32 $0x0;
	s9 =	sadd.s32 s9, s4;
	[dreg:$0x19] =	wrdreg s19  }
0x20: {  	s20 =	sadd.s32 $0x8000, s8;
	s21 =	sadd.s32 $0x9000, s8;
	s22 =	sadd.s32 $0xA000, s8  }
0x21: {  	s23 =	sadd.s32 $0xB000, s8;
	s24 =	sadd.s32 $0xC000, s8;
	[dreg:$0x1a] =	wrdreg s20  }
0x22: {  	s25 =	sadd.s32 $0xD000, s8;
	s26 =	sadd.s32 $0xE000, s8;
	[dreg:$0x1b] =	wrdreg s21  }
0x23: {  	s31 =	sadd.s32 $0xF000, s8;
	s10 =	sadd.s32 $0x10000, s8;
	[dreg:$0x1c] =	wrdreg s22  }
0x24: {  	s11 =	sadd.s32 $0x11000, s8;
	s12 =	sadd.s32 $0x12000, s8;
	[dreg:$0x1d] =	wrdreg s23  }
0x25: {  	s13 =	sadd.s32 $0x13000, s8;
	s14 =	sadd.s32 $0x80, s9;
	[dreg:$0x1e] =	wrdreg s24  }
0x26: {  	s15 =	sadd.s32 $0x100, s9;
	s16 =	sadd.s32 $0x180, s9;
	[dreg:$0x1f] =	wrdreg s25  }
0x27: {  	s17 =	sadd.s32 $0x200, s9;
	s18 =	simm.s32 $0x3;
	[smem:$0x7FC] =	sst s26  }
0x28: {  	s19 =	simm.s32 $0x1;
	[smem:$0x7FD] =	sst s31;
	s20 =	simm.s32 $0xA800  }
0x29: {  	s21 =	simm.s32 $0xB800;
	s22 =	simm.s32 $0x80;
	s23 =	simm.s32 $0x2800  }
0x2a: {  	v0 =	vimm.f32 $0.0e+00;
	v1 =	vimm.f32 $1.000000000e+00;
	s24 =	simm.s32 $0x6800;
	s25 =	simm.s32 $0xB880;
	s26 =	simm.s32 $0x2  }
.LBB2_1:
0x2b: {  	[tilespmem:$0xB800] =	vst v0  }
0x2c: {  	[tilespmem:$0xB810] =	vst v0  }
0x2d: {  	[tilespmem:$0xB820] =	vst v0  }
0x2e: {  	[tilespmem:$0xB830] =	vst v0  }
0x2f: {  	[tilespmem:$0xB840] =	vst v0  }
0x30: {  	[tilespmem:$0xB850] =	vst v0  }
0x31: {  	[tilespmem:$0xB860] =	vst v0  }
0x32: {  	[tilespmem:$0xB870] =	vst v0  }
0x33: {  	[tilespmem:$0xB880] =	vst v1  }
0x34: {  	[tilespmem:$0xB890] =	vst v1  }
0x35: {  	[tilespmem:$0xB8A0] =	vst v1  }
0x36: {  	[tilespmem:$0xB8B0] =	vst v1  }
0x37: {  	[tilespmem:$0xB8C0] =	vst v1  }
0x38: {  	[tilespmem:$0xB8D0] =	vst v1  }
0x39: {  	[tilespmem:$0xB8E0] =	vst v1  }
0x3a: {  	[tilespmem:$0xB8F0] =	vst v1;
	s0 =	simm.s32 $0x0;
	s2 =	rddreg [dreg:$0x6]  }
0x3b: {  	[tilespmem:s0], [sflag:$0x3] =	stream.linear.gather [hbm4b:s2+s0], $0x1400, $0x38;
	[tilespmem:$0x1FB80] =	vst v63  }
0x3c: {  	_ =	swait.ge [sflag:s18], $0x1400  }
0x3d: {  	[sflag:s18] =	ssyncset.done $0x0  }
0x3e: {  	s5 =	simm.s32 $0x1400;
	s31 =	rddreg [dreg:$0x7];
	[sflag:s18] =	ssyncadd.s32 $0xFFFFEC00  }
0x3f: {  	[tilespmem:s5], [sflag:$0x3] =	stream.linear.gather [hbm4b:s31+s0], $0x1400, $0x38;
	[tilespmem:$0x1FB80] =	vst v63  }
0x40: {  	_ =	swait.ge [sflag:s18], $0x1400  }
0x41: {  	[sflag:s18] =	ssyncset.done $0x0  }
0x42: {  	s2 =	simm.s32 $0x200;
	s0 =	simm.s32 $0x0;
	[sflag:s18] =	ssyncadd.s32 $0xFFFFEC00  }
.LBB2_2:
0x43: {  	p0 =	sne.s32 s2, $0x3E00;
	[tilespmem:s0+$0xA870] =	vst v0  }
0x44: {  	[tilespmem:s0+$0xA800] =	vst v0  }
0x45: {  	[tilespmem:s0+$0xA810] =	vst v0  }
.Ltmp0:
0x46: {  	[tilespmem:s0+$0xA820] =	vst v0;
	(pc) =	sbr.rel @p0 .LBB2_2-.Ltmp0, $4  }
0x47: {  	[tilespmem:s0+$0xA830] =	vst v0  }
0x48: {  	[tilespmem:s0+$0xA840] =	vst v0  }
0x49: {  	[tilespmem:s0+$0xA850] =	vst v0  }
0x4a: {  	[tilespmem:s0+$0xA860] =	vst v0;
	s0 =	sshra.s32 s2, $0x2;
	s2 =	sadd.s32 $0x200, s2  }
0x4b: {  	[tilespmem:s0+$0xA870] =	vst v0  }
0x4c: {  	[tilespmem:s0+$0xA800] =	vst v0  }
0x4d: {  	[tilespmem:s0+$0xA810] =	vst v0  }
0x4e: {  	[tilespmem:s0+$0xA820] =	vst v0  }
0x4f: {  	[tilespmem:s0+$0xA830] =	vst v0  }
0x50: {  	[tilespmem:s0+$0xA840] =	vst v0  }
0x51: {  	[tilespmem:s0+$0xA850] =	vst v0  }
0x52: {  	[tilespmem:s0+$0xA860] =	vst v0;
	s5 =	rddreg [dreg:$0x13]  }
0x53: {  	[spmem:s8] =	stream.linear.scatter [tilespmem:s20], [sflag:$0x1], $0x1000, $0x38;
	[tilespmem:$0x1FB80] =	vst v63  }
0x54: {  	s6 =	rddreg [dreg:$0x14]  }
0x55: {  	[spmem:s5] =	stream.linear.scatter [tilespmem:s20], [sflag:$0x1], $0x1000, $0x38;
	[tilespmem:$0x1FB80] =	vst v63  }
0x56: {  	s7 =	rddreg [dreg:$0x15]  }
0x57: {  	[spmem:s6] =	stream.linear.scatter [tilespmem:s20], [sflag:$0x1], $0x1000, $0x38;
	[tilespmem:$0x1FB80] =	vst v63  }
0x58: {  	s31 =	rddreg [dreg:$0x16]  }
0x59: {  	[spmem:s7] =	stream.linear.scatter [tilespmem:s20], [sflag:$0x1], $0x1000, $0x38;
	[tilespmem:$0x1FB80] =	vst v63  }
0x5a: {  	s2 =	rddreg [dreg:$0x17]  }
0x5b: {  	[spmem:s31] =	stream.linear.scatter [tilespmem:s20], [sflag:$0x1], $0x1000, $0x38;
	[tilespmem:$0x1FB80] =	vst v63  }
0x5c: {  	s5 =	rddreg [dreg:$0x18]  }
0x5d: {  	[spmem:s2] =	stream.linear.scatter [tilespmem:s20], [sflag:$0x1], $0x1000, $0x38;
	[tilespmem:$0x1FB80] =	vst v63  }
0x5e: {  	s6 =	rddreg [dreg:$0x19]  }
0x5f: {  	[spmem:s5] =	stream.linear.scatter [tilespmem:s20], [sflag:$0x1], $0x1000, $0x38;
	[tilespmem:$0x1FB80] =	vst v63  }
0x60: {  	s7 =	rddreg [dreg:$0x1a]  }
0x61: {  	[spmem:s6] =	stream.linear.scatter [tilespmem:s20], [sflag:$0x1], $0x1000, $0x38;
	[tilespmem:$0x1FB80] =	vst v63  }
0x62: {  	s31 =	rddreg [dreg:$0x1b]  }
0x63: {  	[spmem:s7] =	stream.linear.scatter [tilespmem:s20], [sflag:$0x1], $0x1000, $0x38;
	[tilespmem:$0x1FB80] =	vst v63  }
0x64: {  	s2 =	rddreg [dreg:$0x1c]  }
0x65: {  	[spmem:s31] =	stream.linear.scatter [tilespmem:s20], [sflag:$0x1], $0x1000, $0x38;
	[tilespmem:$0x1FB80] =	vst v63  }
0x66: {  	s5 =	rddreg [dreg:$0x1d]  }
0x67: {  	[spmem:s2] =	stream.linear.scatter [tilespmem:s20], [sflag:$0x1], $0x1000, $0x38;
	[tilespmem:$0x1FB80] =	vst v63  }
0x68: {  	s6 =	rddreg [dreg:$0x1e]  }
0x69: {  	[spmem:s5] =	stream.linear.scatter [tilespmem:s20], [sflag:$0x1], $0x1000, $0x38;
	[tilespmem:$0x1FB80] =	vst v63  }
0x6a: {  	s7 =	rddreg [dreg:$0x1f]  }
0x6b: {  	[spmem:s6] =	stream.linear.scatter [tilespmem:s20], [sflag:$0x1], $0x1000, $0x38;
	[tilespmem:$0x1FB80] =	vst v63  }
0x6c: {  	s31 =	sld [smem:$0x7FC]  }
0x6d: {  	[spmem:s7] =	stream.linear.scatter [tilespmem:s20], [sflag:$0x1], $0x1000, $0x38;
	[tilespmem:$0x1FB80] =	vst v63  }
0x6e: {  	s2 =	sld [smem:$0x7FD]  }
0x6f: {  	[spmem:s31] =	stream.linear.scatter [tilespmem:s20], [sflag:$0x1], $0x1000, $0x38;
	[tilespmem:$0x1FB80] =	vst v63  }
0x70: {  	_ = 	snop  }
0x71: {  	[spmem:s2] =	stream.linear.scatter [tilespmem:s20], [sflag:$0x1], $0x1000, $0x38;
	[tilespmem:$0x1FB80] =	vst v63  }
0x72: {  	_ = 	snop  }
0x73: {  	[spmem:s10] =	stream.linear.scatter [tilespmem:s20], [sflag:$0x1], $0x1000, $0x38;
	[tilespmem:$0x1FB80] =	vst v63  }
0x74: {  	_ = 	snop  }
0x75: {  	[spmem:s11] =	stream.linear.scatter [tilespmem:s20], [sflag:$0x1], $0x1000, $0x38;
	[tilespmem:$0x1FB80] =	vst v63  }
0x76: {  	_ = 	snop  }
0x77: {  	[spmem:s12] =	stream.linear.scatter [tilespmem:s20], [sflag:$0x1], $0x1000, $0x38;
	[tilespmem:$0x1FB80] =	vst v63  }
0x78: {  	_ = 	snop  }
0x79: {  	[spmem:s13] =	stream.linear.scatter [tilespmem:s20], [sflag:$0x1], $0x1000, $0x38;
	[tilespmem:$0x1FB80] =	vst v63  }
0x7a: {  	_ =	swait.ge [sflag:s19], $0x1000  }
0x7b: {  	[sflag:s19] =	ssyncset.done $0x0  }
0x7c: {  	[sflag:s19] =	ssyncadd.s32 $0xFFFFF000  }
0x7d: {  	_ =	swait.ge [sflag:s19], $0x1000  }
0x7e: {  	[sflag:s19] =	ssyncset.done $0x0  }
0x7f: {  	[sflag:s19] =	ssyncadd.s32 $0xFFFFF000  }
0x80: {  	_ =	swait.ge [sflag:s19], $0x1000  }
0x81: {  	[sflag:s19] =	ssyncset.done $0x0  }
0x82: {  	[sflag:s19] =	ssyncadd.s32 $0xFFFFF000  }
0x83: {  	_ =	swait.ge [sflag:s19], $0x1000  }
0x84: {  	[sflag:s19] =	ssyncset.done $0x0  }
0x85: {  	[sflag:s19] =	ssyncadd.s32 $0xFFFFF000  }
0x86: {  	_ =	swait.ge [sflag:s19], $0x1000  }
0x87: {  	[sflag:s19] =	ssyncset.done $0x0  }
0x88: {  	[sflag:s19] =	ssyncadd.s32 $0xFFFFF000  }
0x89: {  	_ =	swait.ge [sflag:s19], $0x1000  }
0x8a: {  	[sflag:s19] =	ssyncset.done $0x0  }
0x8b: {  	[sflag:s19] =	ssyncadd.s32 $0xFFFFF000  }
0x8c: {  	_ =	swait.ge [sflag:s19], $0x1000  }
0x8d: {  	[sflag:s19] =	ssyncset.done $0x0  }
0x8e: {  	[sflag:s19] =	ssyncadd.s32 $0xFFFFF000  }
0x8f: {  	_ =	swait.ge [sflag:s19], $0x1000  }
0x90: {  	[sflag:s19] =	ssyncset.done $0x0  }
0x91: {  	[sflag:s19] =	ssyncadd.s32 $0xFFFFF000  }
0x92: {  	_ =	swait.ge [sflag:s19], $0x1000  }
0x93: {  	[sflag:s19] =	ssyncset.done $0x0  }
0x94: {  	[sflag:s19] =	ssyncadd.s32 $0xFFFFF000  }
0x95: {  	_ =	swait.ge [sflag:s19], $0x1000  }
0x96: {  	[sflag:s19] =	ssyncset.done $0x0  }
0x97: {  	[sflag:s19] =	ssyncadd.s32 $0xFFFFF000  }
0x98: {  	_ =	swait.ge [sflag:s19], $0x1000  }
0x99: {  	[sflag:s19] =	ssyncset.done $0x0  }
0x9a: {  	[sflag:s19] =	ssyncadd.s32 $0xFFFFF000  }
0x9b: {  	_ =	swait.ge [sflag:s19], $0x1000  }
0x9c: {  	[sflag:s19] =	ssyncset.done $0x0  }
0x9d: {  	[sflag:s19] =	ssyncadd.s32 $0xFFFFF000  }
0x9e: {  	_ =	swait.ge [sflag:s19], $0x1000  }
0x9f: {  	[sflag:s19] =	ssyncset.done $0x0  }
0xa0: {  	[sflag:s19] =	ssyncadd.s32 $0xFFFFF000  }
0xa1: {  	_ =	swait.ge [sflag:s19], $0x1000  }
0xa2: {  	[sflag:s19] =	ssyncset.done $0x0  }
0xa3: {  	[sflag:s19] =	ssyncadd.s32 $0xFFFFF000  }
0xa4: {  	_ =	swait.ge [sflag:s19], $0x1000  }
0xa5: {  	[sflag:s19] =	ssyncset.done $0x0  }
0xa6: {  	[sflag:s19] =	ssyncadd.s32 $0xFFFFF000  }
0xa7: {  	_ =	swait.ge [sflag:s19], $0x1000  }
0xa8: {  	[sflag:s19] =	ssyncset.done $0x0  }
0xa9: {  	[sflag:s19] =	ssyncadd.s32 $0xFFFFF000  }
0xaa: {  	_ =	swait.ge [sflag:s19], $0x1000  }
0xab: {  	[sflag:s19] =	ssyncset.done $0x0  }
0xac: {  	[sflag:s19] =	ssyncadd.s32 $0xFFFFF000  }
0xad: {  	_ =	swait.ge [sflag:s19], $0x1000  }
0xae: {  	[sflag:s19] =	ssyncset.done $0x0  }
0xaf: {  	[sflag:s19] =	ssyncadd.s32 $0xFFFFF000  }
0xb0: {  	_ =	swait.ge [sflag:s19], $0x1000  }
0xb1: {  	[sflag:s19] =	ssyncset.done $0x0  }
0xb2: {  	[sflag:s19] =	ssyncadd.s32 $0xFFFFF000  }
0xb3: {  	_ =	swait.ge [sflag:s19], $0x1000  }
0xb4: {  	[sflag:s19] =	ssyncset.done $0x0  }
0xb5: {  	[sflag:s19] =	ssyncadd.s32 $0xFFFFF000  }
0xb6: {  	[spmem:s9] =	stream.linear.scatter [tilespmem:s21], [sflag:$0x3], $0x80, $0x38;
	[tilespmem:$0x1FB80] =	vst v63  }
0xb7: {  	_ =	swait.ge [sflag:s18], $0x80  }
0xb8: {  	[sflag:s18] =	ssyncset.done $0x0  }
0xb9: {  	[sflag:s18] =	ssyncadd.s32 $0xFFFFFF80  }
0xba: {  	[spmem:s14] =	stream.linear.scatter [tilespmem:s21], [sflag:$0x3], $0x80, $0x38;
	[tilespmem:$0x1FB80] =	vst v63  }
0xbb: {  	_ =	swait.ge [sflag:s18], $0x80  }
0xbc: {  	[sflag:s18] =	ssyncset.done $0x0  }
0xbd: {  	[sflag:s18] =	ssyncadd.s32 $0xFFFFFF80  }
0xbe: {  	[spmem:s15] =	stream.linear.scatter [tilespmem:s21], [sflag:$0x3], $0x80, $0x38;
	[tilespmem:$0x1FB80] =	vst v63  }
0xbf: {  	_ =	swait.ge [sflag:s18], $0x80  }
0xc0: {  	[sflag:s18] =	ssyncset.done $0x0  }
0xc1: {  	[sflag:s18] =	ssyncadd.s32 $0xFFFFFF80  }
0xc2: {  	[spmem:s16] =	stream.linear.scatter [tilespmem:s21], [sflag:$0x3], $0x80, $0x38;
	[tilespmem:$0x1FB80] =	vst v63  }
0xc3: {  	_ =	swait.ge [sflag:s18], $0x80  }
0xc4: {  	[sflag:s18] =	ssyncset.done $0x0  }
0xc5: {  	[sflag:s18] =	ssyncadd.s32 $0xFFFFFF80  }
0xc6: {  	[spmem:s17] =	stream.linear.scatter [tilespmem:s21], [sflag:$0x3], $0x80, $0x38;
	[tilespmem:$0x1FB80] =	vst v63  }
0xc7: {  	_ =	swait.ge [sflag:s18], $0x80  }
0xc8: {  	[sflag:s18] =	ssyncset.done $0x0  }
0xc9: {  	s5 =	simm.s32 $0x0;
	[sflag:s18] =	ssyncadd.s32 $0xFFFFFF80  }
0xca: {  	[tilespmem:s23], [sflag:$0x1] =	stream.indirect.gather [hbm4b:s1+s22], $0x80, s5, s22, $0xb8;
	[tilespmem:$0x1FB80] =	vst v63  }
0xcb: {  	_ = 	snop  }
0xcc: {  	[tilespmem:s24], [sflag:$0x2] =	stream.indirect.gather [hbm4b:s1+s22], $0x80, s22, s22, $0xb8;
	[tilespmem:$0x1FB80] =	vst v63  }
0xcd: {  	[bflag:$0x0] =	sbarrier.arrive $0xFFFF  }
0xce: {  	_ =	swait.ge [sflag:s19], $0x4000  }
0xcf: {  	[sflag:s19] =	ssyncset.done $0x0  }
0xd0: {  	s6 =	simm.s32 $0x1400;
	[sflag:s19] =	ssyncadd.s32 $0xFFFFC000  }
0xd1: {  	[spmem:s3] =	stream.indirect.scatter.add.f32 [tilespmem:s23], [sflag:$0x3], $0x80, s6, s22, $0xb8;
	[tilespmem:$0x1FB80] =	vst v63  }
0xd2: {  	_ =	swait.ge [sflag:s18], $0x4000  }
0xd3: {  	[sflag:s18] =	ssyncset.done $0x0  }
0xd4: {  	[sflag:s18] =	ssyncadd.s32 $0xFFFFC000  }
0xd5: {  	[spmem:s4] =	stream.indirect.scatter.add.f32 [tilespmem:s25], [sflag:$0x3], $0x1, s6, s22, $0xb8;
	[tilespmem:$0x1FB80] =	vst v63  }
0xd6: {  	_ =	swait.ge [sflag:s18], $0x80  }
0xd7: {  	[sflag:s18] =	ssyncset.done $0x0  }
0xd8: {  	s7 =	simm.s32 $0x100;
	[sflag:s18] =	ssyncadd.s32 $0xFFFFFF80  }
0xd9: {  	[tilespmem:s23], [sflag:$0x1] =	stream.indirect.gather [hbm4b:s1+s22], $0x80, s7, s22, $0xb8;
	[tilespmem:$0x1FB80] =	vst v63  }
0xda: {  	_ =	swait.ge [sflag:s26], $0x4000  }
0xdb: {  	[sflag:s26] =	ssyncset.done $0x0  }
0xdc: {  	s31 =	simm.s32 $0x1480;
	[sflag:s26] =	ssyncadd.s32 $0xFFFFC000  }
0xdd: {  	[spmem:s3] =	stream.indirect.scatter.add.f32 [tilespmem:s24], [sflag:$0x3], $0x80, s31, s22, $0xb8;
	[tilespmem:$0x1FB80] =	vst v63  }
0xde: {  	_ =	swait.ge [sflag:s18], $0x4000  }
0xdf: {  	[sflag:s18] =	ssyncset.done $0x0  }
0xe0: {  	[sflag:s18] =	ssyncadd.s32 $0xFFFFC000  }
0xe1: {  	[spmem:s4] =	stream.indirect.scatter.add.f32 [tilespmem:s25], [sflag:$0x3], $0x1, s31, s22, $0xb8;
	[tilespmem:$0x1FB80] =	vst v63  }
0xe2: {  	_ =	swait.ge [sflag:s18], $0x80  }
0xe3: {  	[sflag:s18] =	ssyncset.done $0x0  }
0xe4: {  	s0 =	simm.s32 $0x400;
	s2 =	simm.s32 $0x180;
	[sflag:s18] =	ssyncadd.s32 $0xFFFFFF80  }
.LBB2_4:
0xe5: {  	[tilespmem:s24], [sflag:$0x2] =	stream.indirect.gather [hbm4b:s1+s22], $0x80, s2, s22, $0xb8;
	[tilespmem:$0x1FB80] =	vst v63  }
0xe6: {  	s2 =	smov.u32 s0  }
0xe7: {  	p0 =	sne.s32 s0, $0x4800;
	s0 =	sadd.s32 $0x400, s0;
	_ =	swait.ge [sflag:s19], $0x4000  }
0xe8: {  	s2 =	sshra.s32 s2, $0x2;
	[sflag:s19] =	ssyncset.done $0x0  }
0xe9: {  	s5 =	sadd.s32 $0x1400, s2;
	[sflag:s19] =	ssyncadd.s32 $0xFFFFC000  }
0xea: {  	[spmem:s3] =	stream.indirect.scatter.add.f32 [tilespmem:s23], [sflag:$0x3], $0x80, s5, s22, $0xb8;
	[tilespmem:$0x1FB80] =	vst v63  }
0xeb: {  	_ =	swait.ge [sflag:s18], $0x4000  }
0xec: {  	[sflag:s18] =	ssyncset.done $0x0  }
0xed: {  	[sflag:s18] =	ssyncadd.s32 $0xFFFFC000  }
0xee: {  	[spmem:s4] =	stream.indirect.scatter.add.f32 [tilespmem:s25], [sflag:$0x3], $0x1, s5, s22, $0xb8;
	[tilespmem:$0x1FB80] =	vst v63  }
0xef: {  	_ =	swait.ge [sflag:s18], $0x80  }
0xf0: {  	[sflag:s18] =	ssyncset.done $0x0  }
0xf1: {  	s5 =	sadd.s32 $0x100, s2;
	[sflag:s18] =	ssyncadd.s32 $0xFFFFFF80  }
0xf2: {  	[tilespmem:s23], [sflag:$0x1] =	stream.indirect.gather [hbm4b:s1+s22], $0x80, s5, s22, $0xb8;
	[tilespmem:$0x1FB80] =	vst v63  }
0xf3: {  	_ =	swait.ge [sflag:s26], $0x4000  }
0xf4: {  	[sflag:s26] =	ssyncset.done $0x0  }
0xf5: {  	s5 =	sadd.s32 $0x1480, s2;
	[sflag:s26] =	ssyncadd.s32 $0xFFFFC000  }
0xf6: {  	[spmem:s3] =	stream.indirect.scatter.add.f32 [tilespmem:s24], [sflag:$0x3], $0x80, s5, s22, $0xb8;
	[tilespmem:$0x1FB80] =	vst v63  }
0xf7: {  	_ =	swait.ge [sflag:s18], $0x4000  }
0xf8: {  	[sflag:s18] =	ssyncset.done $0x0  }
.Ltmp1:
0xf9: {  	[sflag:s18] =	ssyncadd.s32 $0xFFFFC000;
	(pc) =	sbr.rel @p0 .LBB2_4-.Ltmp1, $4  }
0xfa: {  	[spmem:s4] =	stream.indirect.scatter.add.f32 [tilespmem:s25], [sflag:$0x3], $0x1, s5, s22, $0xb8;
	[tilespmem:$0x1FB80] =	vst v63  }
0xfb: {  	_ =	swait.ge [sflag:s18], $0x80  }
0xfc: {  	[sflag:s18] =	ssyncset.done $0x0  }
0xfd: {  	s2 =	sadd.s32 $0x180, s2;
	[sflag:s18] =	ssyncadd.s32 $0xFFFFFF80  }
0xfe: {  	[tilespmem:s24], [sflag:$0x2] =	stream.indirect.gather [hbm4b:s1+s22], $0x80, s2, s22, $0xb8;
	[tilespmem:$0x1FB80] =	vst v63  }
0xff: {  	_ =	swait.ge [sflag:s19], $0x4000  }
0x100: {  	[sflag:s19] =	ssyncset.done $0x0  }
0x101: {  	[sflag:s19] =	ssyncadd.s32 $0xFFFFC000  }
0x102: {  	[spmem:s3] =	stream.indirect.scatter.add.f32 [tilespmem:s23], [sflag:$0x3], $0x80, s28, s22, $0xb8;
	[tilespmem:$0x1FB80] =	vst v63  }
0x103: {  	_ =	swait.ge [sflag:s18], $0x4000  }
0x104: {  	[sflag:s18] =	ssyncset.done $0x0  }
0x105: {  	[sflag:s18] =	ssyncadd.s32 $0xFFFFC000  }
0x106: {  	[spmem:s4] =	stream.indirect.scatter.add.f32 [tilespmem:s25], [sflag:$0x3], $0x1, s28, s22, $0xb8;
	[tilespmem:$0x1FB80] =	vst v63  }
0x107: {  	_ =	swait.ge [sflag:s18], $0x80  }
0x108: {  	[sflag:s18] =	ssyncset.done $0x0  }
0x109: {  	[sflag:s18] =	ssyncadd.s32 $0xFFFFFF80  }
0x10a: {  	_ =	swait.ge [sflag:s26], $0x4000  }
0x10b: {  	[sflag:s26] =	ssyncset.done $0x0  }
0x10c: {  	[sflag:s26] =	ssyncadd.s32 $0xFFFFC000  }
0x10d: {  	[spmem:s3] =	stream.indirect.scatter.add.f32 [tilespmem:s24], [sflag:$0x3], $0x80, s29, s22, $0xb8;
	[tilespmem:$0x1FB80] =	vst v63  }
0x10e: {  	_ =	swait.ge [sflag:s18], $0x4000  }
0x10f: {  	[sflag:s18] =	ssyncset.done $0x0  }
0x110: {  	[sflag:s18] =	ssyncadd.s32 $0xFFFFC000  }
0x111: {  	[spmem:s4] =	stream.indirect.scatter.add.f32 [tilespmem:s25], [sflag:$0x3], $0x1, s29, s22, $0xb8;
	[tilespmem:$0x1FB80] =	vst v63  }
0x112: {  	_ =	swait.ge [sflag:s18], $0x80  }
0x113: {  	[sflag:s18] =	ssyncset.done $0x0  }
0x114: {  	s0 =	stileid.u32;
	[sflag:s18] =	ssyncadd.s32 $0xFFFFFF80  }
0x115: {  	s0 =	sshll.u32 s0, $0x6;
	[bflag:$0x0] =	sbarrier.arrive $0xFFFF  }
0x116: {  	s2 =	sshrl.u32 s8, $0x3;
	s31 =	sor.u32 $0x1C03, s0;
	s7 =	rddreg [dreg:$0x8]  }
0x117: {  	[hbm:s7], [sflag:s31] =	dma.local [spmem:s2], $0x2800  }
0x118: {  	_ =	swait.ge [sflag:s18], $0x2800  }
0x119: {  	[sflag:s18] =	ssyncset.done $0x0  }
0x11a: {  	s0 =	sshrl.u32 s9, $0x3;
	s5 =	rddreg [dreg:$0x9];
	[sflag:s18] =	ssyncadd.s32 $0xFFFFD800  }
0x11b: {  	[hbm:s5], [sflag:s31] =	dma.local [spmem:s0], $0x50  }
0x11c: {  	_ =	swait.ge [sflag:s18], $0x50  }
0x11d: {  	[sflag:s18] =	ssyncset.done $0x0  }
0x11e: {  	s5 =	simm.s32 $0x0;
	s6 =	rddreg [dreg:$0xa];
	[sflag:s18] =	ssyncadd.s32 $0xFFFFFFB0  }
0x11f: {  	[tilespmem:s5], [sflag:$0x3] =	stream.linear.gather [hbm4b:s6+s5], $0x1400, $0x38;
	[tilespmem:$0x1FB80] =	vst v63  }
0x120: {  	_ =	swait.ge [sflag:s18], $0x1400  }
0x121: {  	[sflag:s18] =	ssyncset.done $0x0  }
0x122: {  	s7 =	simm.s32 $0x1400;
	s6 =	rddreg [dreg:$0xb];
	[sflag:s18] =	ssyncadd.s32 $0xFFFFEC00  }
0x123: {  	[tilespmem:s7], [sflag:$0x3] =	stream.linear.gather [hbm4b:s6+s5], $0x1400, $0x38;
	[tilespmem:$0x1FB80] =	vst v63  }
0x124: {  	_ =	swait.ge [sflag:s18], $0x1400  }
0x125: {  	[sflag:s18] =	ssyncset.done $0x0  }
0x126: {  	s5 =	simm.s32 $0x0;
	s6 =	simm.s32 $0x200;
	[sflag:s18] =	ssyncadd.s32 $0xFFFFEC00  }
.LBB2_6:
0x127: {  	p0 =	sne.s32 s6, $0x3E00;
	[tilespmem:s5+$0xA870] =	vst v0  }
0x128: {  	[tilespmem:s5+$0xA800] =	vst v0  }
0x129: {  	[tilespmem:s5+$0xA810] =	vst v0  }
.Ltmp2:
0x12a: {  	[tilespmem:s5+$0xA820] =	vst v0;
	(pc) =	sbr.rel @p0 .LBB2_6-.Ltmp2, $4  }
0x12b: {  	[tilespmem:s5+$0xA830] =	vst v0  }
0x12c: {  	[tilespmem:s5+$0xA840] =	vst v0  }
0x12d: {  	[tilespmem:s5+$0xA850] =	vst v0  }
0x12e: {  	[tilespmem:s5+$0xA860] =	vst v0;
	s5 =	sshra.s32 s6, $0x2;
	s6 =	sadd.s32 $0x200, s6  }
0x12f: {  	[tilespmem:s5+$0xA870] =	vst v0  }
0x130: {  	[tilespmem:s5+$0xA800] =	vst v0  }
0x131: {  	[tilespmem:s5+$0xA810] =	vst v0  }
0x132: {  	[tilespmem:s5+$0xA820] =	vst v0  }
0x133: {  	[tilespmem:s5+$0xA830] =	vst v0  }
0x134: {  	[tilespmem:s5+$0xA840] =	vst v0  }
0x135: {  	[tilespmem:s5+$0xA850] =	vst v0  }
0x136: {  	[tilespmem:s5+$0xA860] =	vst v0;
	s7 =	rddreg [dreg:$0x13]  }
0x137: {  	[spmem:s8] =	stream.linear.scatter [tilespmem:s20], [sflag:$0x1], $0x1000, $0x38;
	[tilespmem:$0x1FB80] =	vst v63  }
0x138: {  	s6 =	rddreg [dreg:$0x14]  }
0x139: {  	[spmem:s7] =	stream.linear.scatter [tilespmem:s20], [sflag:$0x1], $0x1000, $0x38;
	[tilespmem:$0x1FB80] =	vst v63  }
0x13a: {  	s7 =	rddreg [dreg:$0x15]  }
0x13b: {  	[spmem:s6] =	stream.linear.scatter [tilespmem:s20], [sflag:$0x1], $0x1000, $0x38;
	[tilespmem:$0x1FB80] =	vst v63  }
0x13c: {  	s6 =	rddreg [dreg:$0x16]  }
0x13d: {  	[spmem:s7] =	stream.linear.scatter [tilespmem:s20], [sflag:$0x1], $0x1000, $0x38;
	[tilespmem:$0x1FB80] =	vst v63  }
0x13e: {  	s7 =	rddreg [dreg:$0x17]  }
0x13f: {  	[spmem:s6] =	stream.linear.scatter [tilespmem:s20], [sflag:$0x1], $0x1000, $0x38;
	[tilespmem:$0x1FB80] =	vst v63  }
0x140: {  	s6 =	rddreg [dreg:$0x18]  }
0x141: {  	[spmem:s7] =	stream.linear.scatter [tilespmem:s20], [sflag:$0x1], $0x1000, $0x38;
	[tilespmem:$0x1FB80] =	vst v63  }
0x142: {  	s7 =	rddreg [dreg:$0x19]  }
0x143: {  	[spmem:s6] =	stream.linear.scatter [tilespmem:s20], [sflag:$0x1], $0x1000, $0x38;
	[tilespmem:$0x1FB80] =	vst v63  }
0x144: {  	s6 =	rddreg [dreg:$0x1a]  }
0x145: {  	[spmem:s7] =	stream.linear.scatter [tilespmem:s20], [sflag:$0x1], $0x1000, $0x38;
	[tilespmem:$0x1FB80] =	vst v63  }
0x146: {  	s7 =	rddreg [dreg:$0x1b]  }
0x147: {  	[spmem:s6] =	stream.linear.scatter [tilespmem:s20], [sflag:$0x1], $0x1000, $0x38;
	[tilespmem:$0x1FB80] =	vst v63  }
0x148: {  	s6 =	rddreg [dreg:$0x1c]  }
0x149: {  	[spmem:s7] =	stream.linear.scatter [tilespmem:s20], [sflag:$0x1], $0x1000, $0x38;
	[tilespmem:$0x1FB80] =	vst v63  }
0x14a: {  	s7 =	rddreg [dreg:$0x1d]  }
0x14b: {  	[spmem:s6] =	stream.linear.scatter [tilespmem:s20], [sflag:$0x1], $0x1000, $0x38;
	[tilespmem:$0x1FB80] =	vst v63  }
0x14c: {  	s6 =	rddreg [dreg:$0x1e]  }
0x14d: {  	[spmem:s7] =	stream.linear.scatter [tilespmem:s20], [sflag:$0x1], $0x1000, $0x38;
	[tilespmem:$0x1FB80] =	vst v63  }
0x14e: {  	s7 =	rddreg [dreg:$0x1f]  }
0x14f: {  	[spmem:s6] =	stream.linear.scatter [tilespmem:s20], [sflag:$0x1], $0x1000, $0x38;
	[tilespmem:$0x1FB80] =	vst v63  }
0x150: {  	s6 =	sld [smem:$0x7FC]  }
0x151: {  	[spmem:s7] =	stream.linear.scatter [tilespmem:s20], [sflag:$0x1], $0x1000, $0x38;
	[tilespmem:$0x1FB80] =	vst v63  }
0x152: {  	s7 =	sld [smem:$0x7FD]  }
0x153: {  	[spmem:s6] =	stream.linear.scatter [tilespmem:s20], [sflag:$0x1], $0x1000, $0x38;
	[tilespmem:$0x1FB80] =	vst v63  }
0x154: {  	_ = 	snop  }
0x155: {  	[spmem:s7] =	stream.linear.scatter [tilespmem:s20], [sflag:$0x1], $0x1000, $0x38;
	[tilespmem:$0x1FB80] =	vst v63  }
0x156: {  	_ = 	snop  }
0x157: {  	[spmem:s10] =	stream.linear.scatter [tilespmem:s20], [sflag:$0x1], $0x1000, $0x38;
	[tilespmem:$0x1FB80] =	vst v63  }
0x158: {  	_ = 	snop  }
0x159: {  	[spmem:s11] =	stream.linear.scatter [tilespmem:s20], [sflag:$0x1], $0x1000, $0x38;
	[tilespmem:$0x1FB80] =	vst v63  }
0x15a: {  	_ = 	snop  }
0x15b: {  	[spmem:s12] =	stream.linear.scatter [tilespmem:s20], [sflag:$0x1], $0x1000, $0x38;
	[tilespmem:$0x1FB80] =	vst v63  }
0x15c: {  	_ = 	snop  }
0x15d: {  	[spmem:s13] =	stream.linear.scatter [tilespmem:s20], [sflag:$0x1], $0x1000, $0x38;
	[tilespmem:$0x1FB80] =	vst v63  }
0x15e: {  	_ =	swait.ge [sflag:s19], $0x1000  }
0x15f: {  	[sflag:s19] =	ssyncset.done $0x0  }
0x160: {  	[sflag:s19] =	ssyncadd.s32 $0xFFFFF000  }
0x161: {  	_ =	swait.ge [sflag:s19], $0x1000  }
0x162: {  	[sflag:s19] =	ssyncset.done $0x0  }
0x163: {  	[sflag:s19] =	ssyncadd.s32 $0xFFFFF000  }
0x164: {  	_ =	swait.ge [sflag:s19], $0x1000  }
0x165: {  	[sflag:s19] =	ssyncset.done $0x0  }
0x166: {  	[sflag:s19] =	ssyncadd.s32 $0xFFFFF000  }
0x167: {  	_ =	swait.ge [sflag:s19], $0x1000  }
0x168: {  	[sflag:s19] =	ssyncset.done $0x0  }
0x169: {  	[sflag:s19] =	ssyncadd.s32 $0xFFFFF000  }
0x16a: {  	_ =	swait.ge [sflag:s19], $0x1000  }
0x16b: {  	[sflag:s19] =	ssyncset.done $0x0  }
0x16c: {  	[sflag:s19] =	ssyncadd.s32 $0xFFFFF000  }
0x16d: {  	_ =	swait.ge [sflag:s19], $0x1000  }
0x16e: {  	[sflag:s19] =	ssyncset.done $0x0  }
0x16f: {  	[sflag:s19] =	ssyncadd.s32 $0xFFFFF000  }
0x170: {  	_ =	swait.ge [sflag:s19], $0x1000  }
0x171: {  	[sflag:s19] =	ssyncset.done $0x0  }
0x172: {  	[sflag:s19] =	ssyncadd.s32 $0xFFFFF000  }
0x173: {  	_ =	swait.ge [sflag:s19], $0x1000  }
0x174: {  	[sflag:s19] =	ssyncset.done $0x0  }
0x175: {  	[sflag:s19] =	ssyncadd.s32 $0xFFFFF000  }
0x176: {  	_ =	swait.ge [sflag:s19], $0x1000  }
0x177: {  	[sflag:s19] =	ssyncset.done $0x0  }
0x178: {  	[sflag:s19] =	ssyncadd.s32 $0xFFFFF000  }
0x179: {  	_ =	swait.ge [sflag:s19], $0x1000  }
0x17a: {  	[sflag:s19] =	ssyncset.done $0x0  }
0x17b: {  	[sflag:s19] =	ssyncadd.s32 $0xFFFFF000  }
0x17c: {  	_ =	swait.ge [sflag:s19], $0x1000  }
0x17d: {  	[sflag:s19] =	ssyncset.done $0x0  }
0x17e: {  	[sflag:s19] =	ssyncadd.s32 $0xFFFFF000  }
0x17f: {  	_ =	swait.ge [sflag:s19], $0x1000  }
0x180: {  	[sflag:s19] =	ssyncset.done $0x0  }
0x181: {  	[sflag:s19] =	ssyncadd.s32 $0xFFFFF000  }
0x182: {  	_ =	swait.ge [sflag:s19], $0x1000  }
0x183: {  	[sflag:s19] =	ssyncset.done $0x0  }
0x184: {  	[sflag:s19] =	ssyncadd.s32 $0xFFFFF000  }
0x185: {  	_ =	swait.ge [sflag:s19], $0x1000  }
0x186: {  	[sflag:s19] =	ssyncset.done $0x0  }
0x187: {  	[sflag:s19] =	ssyncadd.s32 $0xFFFFF000  }
0x188: {  	_ =	swait.ge [sflag:s19], $0x1000  }
0x189: {  	[sflag:s19] =	ssyncset.done $0x0  }
0x18a: {  	[sflag:s19] =	ssyncadd.s32 $0xFFFFF000  }
0x18b: {  	_ =	swait.ge [sflag:s19], $0x1000  }
0x18c: {  	[sflag:s19] =	ssyncset.done $0x0  }
0x18d: {  	[sflag:s19] =	ssyncadd.s32 $0xFFFFF000  }
0x18e: {  	_ =	swait.ge [sflag:s19], $0x1000  }
0x18f: {  	[sflag:s19] =	ssyncset.done $0x0  }
0x190: {  	[sflag:s19] =	ssyncadd.s32 $0xFFFFF000  }
0x191: {  	_ =	swait.ge [sflag:s19], $0x1000  }
0x192: {  	[sflag:s19] =	ssyncset.done $0x0  }
0x193: {  	[sflag:s19] =	ssyncadd.s32 $0xFFFFF000  }
0x194: {  	_ =	swait.ge [sflag:s19], $0x1000  }
0x195: {  	[sflag:s19] =	ssyncset.done $0x0  }
0x196: {  	[sflag:s19] =	ssyncadd.s32 $0xFFFFF000  }
0x197: {  	_ =	swait.ge [sflag:s19], $0x1000  }
0x198: {  	[sflag:s19] =	ssyncset.done $0x0  }
0x199: {  	[sflag:s19] =	ssyncadd.s32 $0xFFFFF000  }
0x19a: {  	[spmem:s9] =	stream.linear.scatter [tilespmem:s21], [sflag:$0x3], $0x80, $0x38;
	[tilespmem:$0x1FB80] =	vst v63  }
0x19b: {  	_ =	swait.ge [sflag:s18], $0x80  }
0x19c: {  	[sflag:s18] =	ssyncset.done $0x0  }
0x19d: {  	[sflag:s18] =	ssyncadd.s32 $0xFFFFFF80  }
0x19e: {  	[spmem:s14] =	stream.linear.scatter [tilespmem:s21], [sflag:$0x3], $0x80, $0x38;
	[tilespmem:$0x1FB80] =	vst v63  }
0x19f: {  	_ =	swait.ge [sflag:s18], $0x80  }
0x1a0: {  	[sflag:s18] =	ssyncset.done $0x0  }
0x1a1: {  	[sflag:s18] =	ssyncadd.s32 $0xFFFFFF80  }
0x1a2: {  	[spmem:s15] =	stream.linear.scatter [tilespmem:s21], [sflag:$0x3], $0x80, $0x38;
	[tilespmem:$0x1FB80] =	vst v63  }
0x1a3: {  	_ =	swait.ge [sflag:s18], $0x80  }
0x1a4: {  	[sflag:s18] =	ssyncset.done $0x0  }
0x1a5: {  	[sflag:s18] =	ssyncadd.s32 $0xFFFFFF80  }
0x1a6: {  	[spmem:s16] =	stream.linear.scatter [tilespmem:s21], [sflag:$0x3], $0x80, $0x38;
	[tilespmem:$0x1FB80] =	vst v63  }
0x1a7: {  	_ =	swait.ge [sflag:s18], $0x80  }
0x1a8: {  	[sflag:s18] =	ssyncset.done $0x0  }
0x1a9: {  	[sflag:s18] =	ssyncadd.s32 $0xFFFFFF80  }
0x1aa: {  	[spmem:s17] =	stream.linear.scatter [tilespmem:s21], [sflag:$0x3], $0x80, $0x38;
	[tilespmem:$0x1FB80] =	vst v63  }
0x1ab: {  	_ =	swait.ge [sflag:s18], $0x80  }
0x1ac: {  	[sflag:s18] =	ssyncset.done $0x0  }
0x1ad: {  	s6 =	simm.s32 $0x0;
	[sflag:s18] =	ssyncadd.s32 $0xFFFFFF80  }
0x1ae: {  	[tilespmem:s23], [sflag:$0x1] =	stream.indirect.gather [hbm4b:s1+s22], $0x80, s6, s22, $0xb8;
	[tilespmem:$0x1FB80] =	vst v63  }
0x1af: {  	_ = 	snop  }
0x1b0: {  	[tilespmem:s24], [sflag:$0x2] =	stream.indirect.gather [hbm4b:s1+s22], $0x80, s22, s22, $0xb8;
	[tilespmem:$0x1FB80] =	vst v63  }
0x1b1: {  	[bflag:$0x0] =	sbarrier.arrive $0xFFFF  }
0x1b2: {  	_ =	swait.ge [sflag:s19], $0x4000  }
0x1b3: {  	[sflag:s19] =	ssyncset.done $0x0  }
0x1b4: {  	s7 =	simm.s32 $0x1400;
	[sflag:s19] =	ssyncadd.s32 $0xFFFFC000  }
0x1b5: {  	[spmem:s3] =	stream.indirect.scatter.add.f32 [tilespmem:s23], [sflag:$0x3], $0x80, s7, s22, $0xb8;
	[tilespmem:$0x1FB80] =	vst v63  }
0x1b6: {  	_ =	swait.ge [sflag:s18], $0x4000  }
0x1b7: {  	[sflag:s18] =	ssyncset.done $0x0  }
0x1b8: {  	[sflag:s18] =	ssyncadd.s32 $0xFFFFC000  }
0x1b9: {  	[spmem:s4] =	stream.indirect.scatter.add.f32 [tilespmem:s25], [sflag:$0x3], $0x1, s7, s22, $0xb8;
	[tilespmem:$0x1FB80] =	vst v63  }
0x1ba: {  	_ =	swait.ge [sflag:s18], $0x80  }
0x1bb: {  	[sflag:s18] =	ssyncset.done $0x0  }
0x1bc: {  	s6 =	simm.s32 $0x100;
	[sflag:s18] =	ssyncadd.s32 $0xFFFFFF80  }
0x1bd: {  	[tilespmem:s23], [sflag:$0x1] =	stream.indirect.gather [hbm4b:s1+s22], $0x80, s6, s22, $0xb8;
	[tilespmem:$0x1FB80] =	vst v63  }
0x1be: {  	_ =	swait.ge [sflag:s26], $0x4000  }
0x1bf: {  	[sflag:s26] =	ssyncset.done $0x0  }
0x1c0: {  	s7 =	simm.s32 $0x1480;
	[sflag:s26] =	ssyncadd.s32 $0xFFFFC000  }
0x1c1: {  	[spmem:s3] =	stream.indirect.scatter.add.f32 [tilespmem:s24], [sflag:$0x3], $0x80, s7, s22, $0xb8;
	[tilespmem:$0x1FB80] =	vst v63  }
0x1c2: {  	_ =	swait.ge [sflag:s18], $0x4000  }
0x1c3: {  	[sflag:s18] =	ssyncset.done $0x0  }
0x1c4: {  	[sflag:s18] =	ssyncadd.s32 $0xFFFFC000  }
0x1c5: {  	[spmem:s4] =	stream.indirect.scatter.add.f32 [tilespmem:s25], [sflag:$0x3], $0x1, s7, s22, $0xb8;
	[tilespmem:$0x1FB80] =	vst v63  }
0x1c6: {  	_ =	swait.ge [sflag:s18], $0x80  }
0x1c7: {  	[sflag:s18] =	ssyncset.done $0x0  }
0x1c8: {  	s5 =	simm.s32 $0x400;
	s6 =	simm.s32 $0x180;
	[sflag:s18] =	ssyncadd.s32 $0xFFFFFF80  }
.LBB2_8:
0x1c9: {  	[tilespmem:s24], [sflag:$0x2] =	stream.indirect.gather [hbm4b:s1+s22], $0x80, s6, s22, $0xb8;
	[tilespmem:$0x1FB80] =	vst v63  }
0x1ca: {  	s6 =	smov.u32 s5  }
0x1cb: {  	p0 =	sne.s32 s5, $0x4800;
	s5 =	sadd.s32 $0x400, s5;
	_ =	swait.ge [sflag:s19], $0x4000  }
0x1cc: {  	s6 =	sshra.s32 s6, $0x2;
	[sflag:s19] =	ssyncset.done $0x0  }
0x1cd: {  	s7 =	sadd.s32 $0x1400, s6;
	[sflag:s19] =	ssyncadd.s32 $0xFFFFC000  }
0x1ce: {  	[spmem:s3] =	stream.indirect.scatter.add.f32 [tilespmem:s23], [sflag:$0x3], $0x80, s7, s22, $0xb8;
	[tilespmem:$0x1FB80] =	vst v63  }
0x1cf: {  	_ =	swait.ge [sflag:s18], $0x4000  }
0x1d0: {  	[sflag:s18] =	ssyncset.done $0x0  }
0x1d1: {  	[sflag:s18] =	ssyncadd.s32 $0xFFFFC000  }
0x1d2: {  	[spmem:s4] =	stream.indirect.scatter.add.f32 [tilespmem:s25], [sflag:$0x3], $0x1, s7, s22, $0xb8;
	[tilespmem:$0x1FB80] =	vst v63  }
0x1d3: {  	_ =	swait.ge [sflag:s18], $0x80  }
0x1d4: {  	[sflag:s18] =	ssyncset.done $0x0  }
0x1d5: {  	s7 =	sadd.s32 $0x100, s6;
	[sflag:s18] =	ssyncadd.s32 $0xFFFFFF80  }
0x1d6: {  	[tilespmem:s23], [sflag:$0x1] =	stream.indirect.gather [hbm4b:s1+s22], $0x80, s7, s22, $0xb8;
	[tilespmem:$0x1FB80] =	vst v63  }
0x1d7: {  	_ =	swait.ge [sflag:s26], $0x4000  }
0x1d8: {  	[sflag:s26] =	ssyncset.done $0x0  }
0x1d9: {  	s7 =	sadd.s32 $0x1480, s6;
	[sflag:s26] =	ssyncadd.s32 $0xFFFFC000  }
0x1da: {  	[spmem:s3] =	stream.indirect.scatter.add.f32 [tilespmem:s24], [sflag:$0x3], $0x80, s7, s22, $0xb8;
	[tilespmem:$0x1FB80] =	vst v63  }
0x1db: {  	_ =	swait.ge [sflag:s18], $0x4000  }
0x1dc: {  	[sflag:s18] =	ssyncset.done $0x0  }
.Ltmp3:
0x1dd: {  	[sflag:s18] =	ssyncadd.s32 $0xFFFFC000;
	(pc) =	sbr.rel @p0 .LBB2_8-.Ltmp3, $4  }
0x1de: {  	[spmem:s4] =	stream.indirect.scatter.add.f32 [tilespmem:s25], [sflag:$0x3], $0x1, s7, s22, $0xb8;
	[tilespmem:$0x1FB80] =	vst v63  }
0x1df: {  	_ =	swait.ge [sflag:s18], $0x80  }
0x1e0: {  	[sflag:s18] =	ssyncset.done $0x0  }
0x1e1: {  	s6 =	sadd.s32 $0x180, s6;
	[sflag:s18] =	ssyncadd.s32 $0xFFFFFF80  }
0x1e2: {  	[tilespmem:s24], [sflag:$0x2] =	stream.indirect.gather [hbm4b:s1+s22], $0x80, s6, s22, $0xb8;
	[tilespmem:$0x1FB80] =	vst v63  }
0x1e3: {  	_ =	swait.ge [sflag:s19], $0x4000  }
0x1e4: {  	[sflag:s19] =	ssyncset.done $0x0  }
0x1e5: {  	[sflag:s19] =	ssyncadd.s32 $0xFFFFC000  }
0x1e6: {  	[spmem:s3] =	stream.indirect.scatter.add.f32 [tilespmem:s23], [sflag:$0x3], $0x80, s28, s22, $0xb8;
	[tilespmem:$0x1FB80] =	vst v63  }
0x1e7: {  	_ =	swait.ge [sflag:s18], $0x4000  }
0x1e8: {  	[sflag:s18] =	ssyncset.done $0x0  }
0x1e9: {  	[sflag:s18] =	ssyncadd.s32 $0xFFFFC000  }
0x1ea: {  	[spmem:s4] =	stream.indirect.scatter.add.f32 [tilespmem:s25], [sflag:$0x3], $0x1, s28, s22, $0xb8;
	[tilespmem:$0x1FB80] =	vst v63  }
0x1eb: {  	_ =	swait.ge [sflag:s18], $0x80  }
0x1ec: {  	[sflag:s18] =	ssyncset.done $0x0  }
0x1ed: {  	[sflag:s18] =	ssyncadd.s32 $0xFFFFFF80  }
0x1ee: {  	_ =	swait.ge [sflag:s26], $0x4000  }
0x1ef: {  	[sflag:s26] =	ssyncset.done $0x0  }
0x1f0: {  	[sflag:s26] =	ssyncadd.s32 $0xFFFFC000  }
0x1f1: {  	[spmem:s3] =	stream.indirect.scatter.add.f32 [tilespmem:s24], [sflag:$0x3], $0x80, s29, s22, $0xb8;
	[tilespmem:$0x1FB80] =	vst v63  }
0x1f2: {  	_ =	swait.ge [sflag:s18], $0x4000  }
0x1f3: {  	[sflag:s18] =	ssyncset.done $0x0  }
0x1f4: {  	[sflag:s18] =	ssyncadd.s32 $0xFFFFC000  }
0x1f5: {  	[spmem:s4] =	stream.indirect.scatter.add.f32 [tilespmem:s25], [sflag:$0x3], $0x1, s29, s22, $0xb8;
	[tilespmem:$0x1FB80] =	vst v63  }
0x1f6: {  	_ =	swait.ge [sflag:s18], $0x80  }
0x1f7: {  	[sflag:s18] =	ssyncset.done $0x0  }
0x1f8: {  	[sflag:s18] =	ssyncadd.s32 $0xFFFFFF80  }
0x1f9: {  	[bflag:$0x0] =	sbarrier.arrive $0xFFFF  }
0x1fa: {  	s5 =	rddreg [dreg:$0xc]  }
0x1fb: {  	[hbm:s5], [sflag:s31] =	dma.local [spmem:s2], $0x2800  }
0x1fc: {  	_ =	swait.ge [sflag:s18], $0x2800  }
0x1fd: {  	[sflag:s18] =	ssyncset.done $0x0  }
0x1fe: {  	s6 =	rddreg [dreg:$0xd];
	[sflag:s18] =	ssyncadd.s32 $0xFFFFD800  }
0x1ff: {  	[hbm:s6], [sflag:s31] =	dma.local [spmem:s0], $0x50  }
0x200: {  	_ =	swait.ge [sflag:s18], $0x50  }
0x201: {  	[sflag:s18] =	ssyncset.done $0x0  }
0x202: {  	s5 =	simm.s32 $0x0;
	s7 =	rddreg [dreg:$0xe];
	[sflag:s18] =	ssyncadd.s32 $0xFFFFFFB0  }
0x203: {  	[tilespmem:s5], [sflag:$0x3] =	stream.linear.gather [hbm4b:s7+s5], $0x1400, $0x38;
	[tilespmem:$0x1FB80] =	vst v63  }
0x204: {  	_ =	swait.ge [sflag:s18], $0x1400  }
0x205: {  	[sflag:s18] =	ssyncset.done $0x0  }
0x206: {  	s7 =	simm.s32 $0x1400;
	s6 =	rddreg [dreg:$0xf];
	[sflag:s18] =	ssyncadd.s32 $0xFFFFEC00  }
0x207: {  	[tilespmem:s7], [sflag:$0x3] =	stream.linear.gather [hbm4b:s6+s5], $0x1400, $0x38;
	[tilespmem:$0x1FB80] =	vst v63  }
0x208: {  	_ =	swait.ge [sflag:s18], $0x1400  }
0x209: {  	[sflag:s18] =	ssyncset.done $0x0  }
0x20a: {  	s5 =	simm.s32 $0x0;
	s6 =	simm.s32 $0x200;
	[sflag:s18] =	ssyncadd.s32 $0xFFFFEC00  }
.LBB2_10:
0x20b: {  	p0 =	sne.s32 s6, $0x3E00;
	[tilespmem:s5+$0xA870] =	vst v0  }
0x20c: {  	[tilespmem:s5+$0xA800] =	vst v0  }
0x20d: {  	[tilespmem:s5+$0xA810] =	vst v0  }
.Ltmp4:
0x20e: {  	[tilespmem:s5+$0xA820] =	vst v0;
	(pc) =	sbr.rel @p0 .LBB2_10-.Ltmp4, $4  }
0x20f: {  	[tilespmem:s5+$0xA830] =	vst v0  }
0x210: {  	[tilespmem:s5+$0xA840] =	vst v0  }
0x211: {  	[tilespmem:s5+$0xA850] =	vst v0  }
0x212: {  	[tilespmem:s5+$0xA860] =	vst v0;
	s5 =	sshra.s32 s6, $0x2;
	s6 =	sadd.s32 $0x200, s6  }
0x213: {  	[tilespmem:s5+$0xA870] =	vst v0  }
0x214: {  	[tilespmem:s5+$0xA800] =	vst v0  }
0x215: {  	[tilespmem:s5+$0xA810] =	vst v0  }
0x216: {  	[tilespmem:s5+$0xA820] =	vst v0  }
0x217: {  	[tilespmem:s5+$0xA830] =	vst v0  }
0x218: {  	[tilespmem:s5+$0xA840] =	vst v0  }
0x219: {  	[tilespmem:s5+$0xA850] =	vst v0  }
0x21a: {  	[tilespmem:s5+$0xA860] =	vst v0;
	s7 =	rddreg [dreg:$0x13]  }
0x21b: {  	[spmem:s8] =	stream.linear.scatter [tilespmem:s20], [sflag:$0x1], $0x1000, $0x38;
	[tilespmem:$0x1FB80] =	vst v63  }
0x21c: {  	s6 =	rddreg [dreg:$0x14]  }
0x21d: {  	[spmem:s7] =	stream.linear.scatter [tilespmem:s20], [sflag:$0x1], $0x1000, $0x38;
	[tilespmem:$0x1FB80] =	vst v63  }
0x21e: {  	s7 =	rddreg [dreg:$0x15]  }
0x21f: {  	[spmem:s6] =	stream.linear.scatter [tilespmem:s20], [sflag:$0x1], $0x1000, $0x38;
	[tilespmem:$0x1FB80] =	vst v63  }
0x220: {  	s6 =	rddreg [dreg:$0x16]  }
0x221: {  	[spmem:s7] =	stream.linear.scatter [tilespmem:s20], [sflag:$0x1], $0x1000, $0x38;
	[tilespmem:$0x1FB80] =	vst v63  }
0x222: {  	s7 =	rddreg [dreg:$0x17]  }
0x223: {  	[spmem:s6] =	stream.linear.scatter [tilespmem:s20], [sflag:$0x1], $0x1000, $0x38;
	[tilespmem:$0x1FB80] =	vst v63  }
0x224: {  	s6 =	rddreg [dreg:$0x18]  }
0x225: {  	[spmem:s7] =	stream.linear.scatter [tilespmem:s20], [sflag:$0x1], $0x1000, $0x38;
	[tilespmem:$0x1FB80] =	vst v63  }
0x226: {  	s7 =	rddreg [dreg:$0x19]  }
0x227: {  	[spmem:s6] =	stream.linear.scatter [tilespmem:s20], [sflag:$0x1], $0x1000, $0x38;
	[tilespmem:$0x1FB80] =	vst v63  }
0x228: {  	s6 =	rddreg [dreg:$0x1a]  }
0x229: {  	[spmem:s7] =	stream.linear.scatter [tilespmem:s20], [sflag:$0x1], $0x1000, $0x38;
	[tilespmem:$0x1FB80] =	vst v63  }
0x22a: {  	s7 =	rddreg [dreg:$0x1b]  }
0x22b: {  	[spmem:s6] =	stream.linear.scatter [tilespmem:s20], [sflag:$0x1], $0x1000, $0x38;
	[tilespmem:$0x1FB80] =	vst v63  }
0x22c: {  	s6 =	rddreg [dreg:$0x1c]  }
0x22d: {  	[spmem:s7] =	stream.linear.scatter [tilespmem:s20], [sflag:$0x1], $0x1000, $0x38;
	[tilespmem:$0x1FB80] =	vst v63  }
0x22e: {  	s7 =	rddreg [dreg:$0x1d]  }
0x22f: {  	[spmem:s6] =	stream.linear.scatter [tilespmem:s20], [sflag:$0x1], $0x1000, $0x38;
	[tilespmem:$0x1FB80] =	vst v63  }
0x230: {  	s6 =	rddreg [dreg:$0x1e]  }
0x231: {  	[spmem:s7] =	stream.linear.scatter [tilespmem:s20], [sflag:$0x1], $0x1000, $0x38;
	[tilespmem:$0x1FB80] =	vst v63  }
0x232: {  	s7 =	rddreg [dreg:$0x1f]  }
0x233: {  	[spmem:s6] =	stream.linear.scatter [tilespmem:s20], [sflag:$0x1], $0x1000, $0x38;
	[tilespmem:$0x1FB80] =	vst v63  }
0x234: {  	s6 =	sld [smem:$0x7FC]  }
0x235: {  	[spmem:s7] =	stream.linear.scatter [tilespmem:s20], [sflag:$0x1], $0x1000, $0x38;
	[tilespmem:$0x1FB80] =	vst v63  }
0x236: {  	s7 =	sld [smem:$0x7FD]  }
0x237: {  	[spmem:s6] =	stream.linear.scatter [tilespmem:s20], [sflag:$0x1], $0x1000, $0x38;
	[tilespmem:$0x1FB80] =	vst v63  }
0x238: {  	_ = 	snop  }
0x239: {  	[spmem:s7] =	stream.linear.scatter [tilespmem:s20], [sflag:$0x1], $0x1000, $0x38;
	[tilespmem:$0x1FB80] =	vst v63  }
0x23a: {  	_ = 	snop  }
0x23b: {  	[spmem:s10] =	stream.linear.scatter [tilespmem:s20], [sflag:$0x1], $0x1000, $0x38;
	[tilespmem:$0x1FB80] =	vst v63  }
0x23c: {  	_ = 	snop  }
0x23d: {  	[spmem:s11] =	stream.linear.scatter [tilespmem:s20], [sflag:$0x1], $0x1000, $0x38;
	[tilespmem:$0x1FB80] =	vst v63  }
0x23e: {  	_ = 	snop  }
0x23f: {  	[spmem:s12] =	stream.linear.scatter [tilespmem:s20], [sflag:$0x1], $0x1000, $0x38;
	[tilespmem:$0x1FB80] =	vst v63  }
0x240: {  	_ = 	snop  }
0x241: {  	[spmem:s13] =	stream.linear.scatter [tilespmem:s20], [sflag:$0x1], $0x1000, $0x38;
	[tilespmem:$0x1FB80] =	vst v63  }
0x242: {  	_ =	swait.ge [sflag:s19], $0x1000  }
0x243: {  	[sflag:s19] =	ssyncset.done $0x0  }
0x244: {  	[sflag:s19] =	ssyncadd.s32 $0xFFFFF000  }
0x245: {  	_ =	swait.ge [sflag:s19], $0x1000  }
0x246: {  	[sflag:s19] =	ssyncset.done $0x0  }
0x247: {  	[sflag:s19] =	ssyncadd.s32 $0xFFFFF000  }
0x248: {  	_ =	swait.ge [sflag:s19], $0x1000  }
0x249: {  	[sflag:s19] =	ssyncset.done $0x0  }
0x24a: {  	[sflag:s19] =	ssyncadd.s32 $0xFFFFF000  }
0x24b: {  	_ =	swait.ge [sflag:s19], $0x1000  }
0x24c: {  	[sflag:s19] =	ssyncset.done $0x0  }
0x24d: {  	[sflag:s19] =	ssyncadd.s32 $0xFFFFF000  }
0x24e: {  	_ =	swait.ge [sflag:s19], $0x1000  }
0x24f: {  	[sflag:s19] =	ssyncset.done $0x0  }
0x250: {  	[sflag:s19] =	ssyncadd.s32 $0xFFFFF000  }
0x251: {  	_ =	swait.ge [sflag:s19], $0x1000  }
0x252: {  	[sflag:s19] =	ssyncset.done $0x0  }
0x253: {  	[sflag:s19] =	ssyncadd.s32 $0xFFFFF000  }
0x254: {  	_ =	swait.ge [sflag:s19], $0x1000  }
0x255: {  	[sflag:s19] =	ssyncset.done $0x0  }
0x256: {  	[sflag:s19] =	ssyncadd.s32 $0xFFFFF000  }
0x257: {  	_ =	swait.ge [sflag:s19], $0x1000  }
0x258: {  	[sflag:s19] =	ssyncset.done $0x0  }
0x259: {  	[sflag:s19] =	ssyncadd.s32 $0xFFFFF000  }
0x25a: {  	_ =	swait.ge [sflag:s19], $0x1000  }
0x25b: {  	[sflag:s19] =	ssyncset.done $0x0  }
0x25c: {  	[sflag:s19] =	ssyncadd.s32 $0xFFFFF000  }
0x25d: {  	_ =	swait.ge [sflag:s19], $0x1000  }
0x25e: {  	[sflag:s19] =	ssyncset.done $0x0  }
0x25f: {  	[sflag:s19] =	ssyncadd.s32 $0xFFFFF000  }
0x260: {  	_ =	swait.ge [sflag:s19], $0x1000  }
0x261: {  	[sflag:s19] =	ssyncset.done $0x0  }
0x262: {  	[sflag:s19] =	ssyncadd.s32 $0xFFFFF000  }
0x263: {  	_ =	swait.ge [sflag:s19], $0x1000  }
0x264: {  	[sflag:s19] =	ssyncset.done $0x0  }
0x265: {  	[sflag:s19] =	ssyncadd.s32 $0xFFFFF000  }
0x266: {  	_ =	swait.ge [sflag:s19], $0x1000  }
0x267: {  	[sflag:s19] =	ssyncset.done $0x0  }
0x268: {  	[sflag:s19] =	ssyncadd.s32 $0xFFFFF000  }
0x269: {  	_ =	swait.ge [sflag:s19], $0x1000  }
0x26a: {  	[sflag:s19] =	ssyncset.done $0x0  }
0x26b: {  	[sflag:s19] =	ssyncadd.s32 $0xFFFFF000  }
0x26c: {  	_ =	swait.ge [sflag:s19], $0x1000  }
0x26d: {  	[sflag:s19] =	ssyncset.done $0x0  }
0x26e: {  	[sflag:s19] =	ssyncadd.s32 $0xFFFFF000  }
0x26f: {  	_ =	swait.ge [sflag:s19], $0x1000  }
0x270: {  	[sflag:s19] =	ssyncset.done $0x0  }
0x271: {  	[sflag:s19] =	ssyncadd.s32 $0xFFFFF000  }
0x272: {  	_ =	swait.ge [sflag:s19], $0x1000  }
0x273: {  	[sflag:s19] =	ssyncset.done $0x0  }
0x274: {  	[sflag:s19] =	ssyncadd.s32 $0xFFFFF000  }
0x275: {  	_ =	swait.ge [sflag:s19], $0x1000  }
0x276: {  	[sflag:s19] =	ssyncset.done $0x0  }
0x277: {  	[sflag:s19] =	ssyncadd.s32 $0xFFFFF000  }
0x278: {  	_ =	swait.ge [sflag:s19], $0x1000  }
0x279: {  	[sflag:s19] =	ssyncset.done $0x0  }
0x27a: {  	[sflag:s19] =	ssyncadd.s32 $0xFFFFF000  }
0x27b: {  	_ =	swait.ge [sflag:s19], $0x1000  }
0x27c: {  	[sflag:s19] =	ssyncset.done $0x0  }
0x27d: {  	[sflag:s19] =	ssyncadd.s32 $0xFFFFF000  }
0x27e: {  	[spmem:s9] =	stream.linear.scatter [tilespmem:s21], [sflag:$0x3], $0x80, $0x38;
	[tilespmem:$0x1FB80] =	vst v63  }
0x27f: {  	_ =	swait.ge [sflag:s18], $0x80  }
0x280: {  	[sflag:s18] =	ssyncset.done $0x0  }
0x281: {  	[sflag:s18] =	ssyncadd.s32 $0xFFFFFF80  }
0x282: {  	[spmem:s14] =	stream.linear.scatter [tilespmem:s21], [sflag:$0x3], $0x80, $0x38;
	[tilespmem:$0x1FB80] =	vst v63  }
0x283: {  	_ =	swait.ge [sflag:s18], $0x80  }
0x284: {  	[sflag:s18] =	ssyncset.done $0x0  }
0x285: {  	[sflag:s18] =	ssyncadd.s32 $0xFFFFFF80  }
0x286: {  	[spmem:s15] =	stream.linear.scatter [tilespmem:s21], [sflag:$0x3], $0x80, $0x38;
	[tilespmem:$0x1FB80] =	vst v63  }
0x287: {  	_ =	swait.ge [sflag:s18], $0x80  }
0x288: {  	[sflag:s18] =	ssyncset.done $0x0  }
0x289: {  	[sflag:s18] =	ssyncadd.s32 $0xFFFFFF80  }
0x28a: {  	[spmem:s16] =	stream.linear.scatter [tilespmem:s21], [sflag:$0x3], $0x80, $0x38;
	[tilespmem:$0x1FB80] =	vst v63  }
0x28b: {  	_ =	swait.ge [sflag:s18], $0x80  }
0x28c: {  	[sflag:s18] =	ssyncset.done $0x0  }
0x28d: {  	[sflag:s18] =	ssyncadd.s32 $0xFFFFFF80  }
0x28e: {  	[spmem:s17] =	stream.linear.scatter [tilespmem:s21], [sflag:$0x3], $0x80, $0x38;
	[tilespmem:$0x1FB80] =	vst v63  }
0x28f: {  	_ =	swait.ge [sflag:s18], $0x80  }
0x290: {  	[sflag:s18] =	ssyncset.done $0x0  }
0x291: {  	s6 =	simm.s32 $0x0;
	[sflag:s18] =	ssyncadd.s32 $0xFFFFFF80  }
0x292: {  	[tilespmem:s23], [sflag:$0x1] =	stream.indirect.gather [hbm4b:s1+s22], $0x80, s6, s22, $0xb8;
	[tilespmem:$0x1FB80] =	vst v63  }
0x293: {  	_ = 	snop  }
0x294: {  	[tilespmem:s24], [sflag:$0x2] =	stream.indirect.gather [hbm4b:s1+s22], $0x80, s22, s22, $0xb8;
	[tilespmem:$0x1FB80] =	vst v63  }
0x295: {  	[bflag:$0x0] =	sbarrier.arrive $0xFFFF  }
0x296: {  	_ =	swait.ge [sflag:s19], $0x4000  }
0x297: {  	[sflag:s19] =	ssyncset.done $0x0  }
0x298: {  	s7 =	simm.s32 $0x1400;
	[sflag:s19] =	ssyncadd.s32 $0xFFFFC000  }
0x299: {  	[spmem:s3] =	stream.indirect.scatter.add.f32 [tilespmem:s23], [sflag:$0x3], $0x80, s7, s22, $0xb8;
	[tilespmem:$0x1FB80] =	vst v63  }
0x29a: {  	_ =	swait.ge [sflag:s18], $0x4000  }
0x29b: {  	[sflag:s18] =	ssyncset.done $0x0  }
0x29c: {  	[sflag:s18] =	ssyncadd.s32 $0xFFFFC000  }
0x29d: {  	[spmem:s4] =	stream.indirect.scatter.add.f32 [tilespmem:s25], [sflag:$0x3], $0x1, s7, s22, $0xb8;
	[tilespmem:$0x1FB80] =	vst v63  }
0x29e: {  	_ =	swait.ge [sflag:s18], $0x80  }
0x29f: {  	[sflag:s18] =	ssyncset.done $0x0  }
0x2a0: {  	s6 =	simm.s32 $0x100;
	[sflag:s18] =	ssyncadd.s32 $0xFFFFFF80  }
0x2a1: {  	[tilespmem:s23], [sflag:$0x1] =	stream.indirect.gather [hbm4b:s1+s22], $0x80, s6, s22, $0xb8;
	[tilespmem:$0x1FB80] =	vst v63  }
0x2a2: {  	_ =	swait.ge [sflag:s26], $0x4000  }
0x2a3: {  	[sflag:s26] =	ssyncset.done $0x0  }
0x2a4: {  	s7 =	simm.s32 $0x1480;
	[sflag:s26] =	ssyncadd.s32 $0xFFFFC000  }
0x2a5: {  	[spmem:s3] =	stream.indirect.scatter.add.f32 [tilespmem:s24], [sflag:$0x3], $0x80, s7, s22, $0xb8;
	[tilespmem:$0x1FB80] =	vst v63  }
0x2a6: {  	_ =	swait.ge [sflag:s18], $0x4000  }
0x2a7: {  	[sflag:s18] =	ssyncset.done $0x0  }
0x2a8: {  	[sflag:s18] =	ssyncadd.s32 $0xFFFFC000  }
0x2a9: {  	[spmem:s4] =	stream.indirect.scatter.add.f32 [tilespmem:s25], [sflag:$0x3], $0x1, s7, s22, $0xb8;
	[tilespmem:$0x1FB80] =	vst v63  }
0x2aa: {  	_ =	swait.ge [sflag:s18], $0x80  }
0x2ab: {  	[sflag:s18] =	ssyncset.done $0x0  }
0x2ac: {  	s5 =	simm.s32 $0x400;
	s6 =	simm.s32 $0x180;
	[sflag:s18] =	ssyncadd.s32 $0xFFFFFF80  }
.LBB2_12:
0x2ad: {  	[tilespmem:s24], [sflag:$0x2] =	stream.indirect.gather [hbm4b:s1+s22], $0x80, s6, s22, $0xb8;
	[tilespmem:$0x1FB80] =	vst v63  }
0x2ae: {  	s6 =	smov.u32 s5  }
0x2af: {  	p0 =	sne.s32 s5, $0x4800;
	s5 =	sadd.s32 $0x400, s5;
	_ =	swait.ge [sflag:s19], $0x4000  }
0x2b0: {  	s6 =	sshra.s32 s6, $0x2;
	[sflag:s19] =	ssyncset.done $0x0  }
0x2b1: {  	s7 =	sadd.s32 $0x1400, s6;
	[sflag:s19] =	ssyncadd.s32 $0xFFFFC000  }
0x2b2: {  	[spmem:s3] =	stream.indirect.scatter.add.f32 [tilespmem:s23], [sflag:$0x3], $0x80, s7, s22, $0xb8;
	[tilespmem:$0x1FB80] =	vst v63  }
0x2b3: {  	_ =	swait.ge [sflag:s18], $0x4000  }
0x2b4: {  	[sflag:s18] =	ssyncset.done $0x0  }
0x2b5: {  	[sflag:s18] =	ssyncadd.s32 $0xFFFFC000  }
0x2b6: {  	[spmem:s4] =	stream.indirect.scatter.add.f32 [tilespmem:s25], [sflag:$0x3], $0x1, s7, s22, $0xb8;
	[tilespmem:$0x1FB80] =	vst v63  }
0x2b7: {  	_ =	swait.ge [sflag:s18], $0x80  }
0x2b8: {  	[sflag:s18] =	ssyncset.done $0x0  }
0x2b9: {  	s7 =	sadd.s32 $0x100, s6;
	[sflag:s18] =	ssyncadd.s32 $0xFFFFFF80  }
0x2ba: {  	[tilespmem:s23], [sflag:$0x1] =	stream.indirect.gather [hbm4b:s1+s22], $0x80, s7, s22, $0xb8;
	[tilespmem:$0x1FB80] =	vst v63  }
0x2bb: {  	_ =	swait.ge [sflag:s26], $0x4000  }
0x2bc: {  	[sflag:s26] =	ssyncset.done $0x0  }
0x2bd: {  	s7 =	sadd.s32 $0x1480, s6;
	[sflag:s26] =	ssyncadd.s32 $0xFFFFC000  }
0x2be: {  	[spmem:s3] =	stream.indirect.scatter.add.f32 [tilespmem:s24], [sflag:$0x3], $0x80, s7, s22, $0xb8;
	[tilespmem:$0x1FB80] =	vst v63  }
0x2bf: {  	_ =	swait.ge [sflag:s18], $0x4000  }
0x2c0: {  	[sflag:s18] =	ssyncset.done $0x0  }
.Ltmp5:
0x2c1: {  	[sflag:s18] =	ssyncadd.s32 $0xFFFFC000;
	(pc) =	sbr.rel @p0 .LBB2_12-.Ltmp5, $4  }
0x2c2: {  	[spmem:s4] =	stream.indirect.scatter.add.f32 [tilespmem:s25], [sflag:$0x3], $0x1, s7, s22, $0xb8;
	[tilespmem:$0x1FB80] =	vst v63  }
0x2c3: {  	_ =	swait.ge [sflag:s18], $0x80  }
0x2c4: {  	[sflag:s18] =	ssyncset.done $0x0  }
0x2c5: {  	s6 =	sadd.s32 $0x180, s6;
	[sflag:s18] =	ssyncadd.s32 $0xFFFFFF80  }
0x2c6: {  	[tilespmem:s24], [sflag:$0x2] =	stream.indirect.gather [hbm4b:s1+s22], $0x80, s6, s22, $0xb8;
	[tilespmem:$0x1FB80] =	vst v63  }
0x2c7: {  	_ =	swait.ge [sflag:s19], $0x4000  }
0x2c8: {  	[sflag:s19] =	ssyncset.done $0x0  }
0x2c9: {  	[sflag:s19] =	ssyncadd.s32 $0xFFFFC000  }
0x2ca: {  	[spmem:s3] =	stream.indirect.scatter.add.f32 [tilespmem:s23], [sflag:$0x3], $0x80, s28, s22, $0xb8;
	[tilespmem:$0x1FB80] =	vst v63  }
0x2cb: {  	_ =	swait.ge [sflag:s18], $0x4000  }
0x2cc: {  	[sflag:s18] =	ssyncset.done $0x0  }
0x2cd: {  	[sflag:s18] =	ssyncadd.s32 $0xFFFFC000  }
0x2ce: {  	[spmem:s4] =	stream.indirect.scatter.add.f32 [tilespmem:s25], [sflag:$0x3], $0x1, s28, s22, $0xb8;
	[tilespmem:$0x1FB80] =	vst v63  }
0x2cf: {  	_ =	swait.ge [sflag:s18], $0x80  }
0x2d0: {  	[sflag:s18] =	ssyncset.done $0x0  }
0x2d1: {  	[sflag:s18] =	ssyncadd.s32 $0xFFFFFF80  }
0x2d2: {  	_ =	swait.ge [sflag:s26], $0x4000  }
0x2d3: {  	[sflag:s26] =	ssyncset.done $0x0  }
0x2d4: {  	[sflag:s26] =	ssyncadd.s32 $0xFFFFC000  }
0x2d5: {  	[spmem:s3] =	stream.indirect.scatter.add.f32 [tilespmem:s24], [sflag:$0x3], $0x80, s29, s22, $0xb8;
	[tilespmem:$0x1FB80] =	vst v63  }
0x2d6: {  	_ =	swait.ge [sflag:s18], $0x4000  }
0x2d7: {  	[sflag:s18] =	ssyncset.done $0x0  }
0x2d8: {  	[sflag:s18] =	ssyncadd.s32 $0xFFFFC000  }
0x2d9: {  	[spmem:s4] =	stream.indirect.scatter.add.f32 [tilespmem:s25], [sflag:$0x3], $0x1, s29, s22, $0xb8;
	[tilespmem:$0x1FB80] =	vst v63  }
0x2da: {  	_ =	swait.ge [sflag:s18], $0x80  }
0x2db: {  	[sflag:s18] =	ssyncset.done $0x0  }
0x2dc: {  	[sflag:s18] =	ssyncadd.s32 $0xFFFFFF80  }
0x2dd: {  	[bflag:$0x0] =	sbarrier.arrive $0xFFFF  }
0x2de: {  	s5 =	rddreg [dreg:$0x10]  }
0x2df: {  	[hbm:s5], [sflag:s31] =	dma.local [spmem:s2], $0x2800  }
0x2e0: {  	_ =	swait.ge [sflag:s18], $0x2800  }
0x2e1: {  	[sflag:s18] =	ssyncset.done $0x0  }
0x2e2: {  	s7 =	rddreg [dreg:$0x11];
	[sflag:s18] =	ssyncadd.s32 $0xFFFFD800  }
0x2e3: {  	[hbm:s7], [sflag:s31] =	dma.local [spmem:s0], $0x50  }
0x2e4: {  	_ =	swait.ge [sflag:s18], $0x50  }
0x2e5: {  	s30 =	sadd.s32 $0x1, s30;
	s31 =	rddreg [dreg:$0x12]  }
0x2e6: {  	p0 =	sne.s32 s30, s31  }
.Ltmp6:
0x2e7: {  	_ = 	snop;
	(pc) =	sbr.rel @p0 .LBB2_1-.Ltmp6, $3  }
0x2e8: {  	_ =	sdelay $0x1  }
0x2e9: {  	[sflag:s18] =	ssyncset.done $0x0  }
0x2ea: {  	[sflag:s18] =	ssyncadd.s32 $0xFFFFFFB0  }
0x2eb: {  	_ =	sfence.sel $0x180000  }
0x2ec: {  	[bflag:$0x0] =	sbarrier.arrive $0xFFFF  }
0x2ed: {  	_ =	strace $0x90000047  }
0x2ee: {  	s0 =	stileid.u32;
	[bflag:$0x2] =	sbarrier.arrive $0xFFFF  }
0x2ef: {  	p0 =	sne.s32 s0, $0x0;
	s0 =	rddreg [dreg:$0x5]  }
0x2f0: {  	s0 =	sadd.s32 @!p0 $0x100000, s0  }
0x2f1: {  	[sflag:s0] =	ssyncadd.tile.s32 @!p0 $0x1;
	_ =	shalt  }
.Lfunc_end2:
_tile_overlayer_lowered:
.L_overlay_start_2:
0x2f2: {  	(tag) =	ssettag $0x2  }
0x2f3: {  	s0 =	rddreg [dreg:$0x0];
	s2 =	stileid.u32  }
0x2f4: {  	s1 =	rddreg [dreg:$0x1];
	p0 =	sne.s32 s2, $0x0  }
0x2f5: {  	s3 =	rddreg [dreg:$0x2];
	[bflag:$0x3] =	sbarrier.arrive $0xFFFF;
	s2 =	simm.s32 @!p0 $0x1C03  }
0x2f6: {  	[timem:s3], [sflag:s2] =	dma.local @!p0 [hbm:s0], s1  }
0x2f7: {  	s0 =	simm.s32 @!p0 $0x3  }
0x2f8: {  	_ =	swait.ge @!p0 [sflag:s0], s1  }
0x2f9: {  	s1 =	ssub.s32 @!p0 $0x0, s1;
	[sflag:s0] =	ssyncset.done @!p0 $0x0  }
0x2fa: {  	[sflag:s0] =	ssyncadd.s32 @!p0 s1  }
0x2fb: {  	[bflag:$0x3] =	sbarrier.arrive $0xFFFF  }
0x2fc: {  	_ =	shalt  }

</sc_bundles>
